<compile_context>
chip_gen: v7x
topology: tpu7x:2x2x1
jax: 0.10.2.dev20260603
libtpu: 0.0.44.dev20260713+nightly
codegen_flags: <defaults>
</compile_context>

<pallas_src>
import functools

import jax
import jax.numpy as jnp
from jax import lax
from jax.experimental import pallas as pl
from jax.experimental.pallas import tpu as pltpu
from jax.experimental.pallas import tpu_sc as plsc

N = 10000
E = 320000
D = 128
H = 1
F = 128

NC = 2
NS = 16

CH = 80
EB = E // (NC * NS)
BG = 2000
DEPTH = 5
NROW = 4
TOUT = 624
WOUT = 640

BN = 1000


def _tc_proj_body(x_ref, w_ref, al_ref, ar_ref,
                  feat_ref, el_ref, er_ref, gm_ref):
    i = pl.program_id(0)
    xb = x_ref[...]
    w = w_ref[...]
    feat = lax.dot_general(xb, w, (((1,), (1,)), ((), ())),
                           preferred_element_type=jnp.float32)
    feat_ref[...] = feat
    el = jnp.sum(feat * al_ref[...], axis=1, keepdims=True)
    el_ref[...] = el
    er_ref[...] = jnp.sum(feat * ar_ref[...], axis=1, keepdims=True)

    @pl.when(i == 0)
    def _():
        gm_ref[...] = jnp.full((1, F), -jnp.inf, jnp.float32)
    gm_ref[...] = jnp.maximum(gm_ref[...], jnp.max(el))


def _tc_proj(x, W, al, ar):
    return pl.pallas_call(
        _tc_proj_body,
        grid=(N // BN,),
        in_specs=[
            pl.BlockSpec((BN, D), lambda i: (i, 0)),
            pl.BlockSpec((D, D), lambda i: (0, 0)),
            pl.BlockSpec((1, F), lambda i: (0, 0)),
            pl.BlockSpec((1, F), lambda i: (0, 0)),
        ],
        out_specs=[
            pl.BlockSpec((BN, F), lambda i: (i, 0)),
            pl.BlockSpec((BN, 1), lambda i: (i, 0)),
            pl.BlockSpec((BN, 1), lambda i: (i, 0)),
            pl.BlockSpec((1, F), lambda i: (0, 0)),
        ],
        out_shape=[
            jax.ShapeDtypeStruct((N, F), jnp.float32),
            jax.ShapeDtypeStruct((N, 1), jnp.float32),
            jax.ShapeDtypeStruct((N, 1), jnp.float32),
            jax.ShapeDtypeStruct((1, F), jnp.float32),
        ],
    )(x, W, al, ar)


def _tc_combine_body(p_ref, d_ref, x_ref, b_ref, o_ref):
    p = p_ref[...]
    d = d_ref[...]
    den = d[0] + d[1] + jnp.float32(1e-9)
    o_ref[...] = (p[0] + p[1]) / den + x_ref[...] + b_ref[...]


def _tc_combine(parts, dens, x, bias):
    return pl.pallas_call(
        _tc_combine_body,
        grid=(N // BN,),
        in_specs=[
            pl.BlockSpec((2, BN, F), lambda i: (0, i, 0)),
            pl.BlockSpec((2, BN, 1), lambda i: (0, i, 0)),
            pl.BlockSpec((BN, D), lambda i: (i, 0)),
            pl.BlockSpec((1, F), lambda i: (0, 0)),
        ],
        out_specs=pl.BlockSpec((BN, F), lambda i: (i, 0)),
        out_shape=jax.ShapeDtypeStruct((N, F), jnp.float32),
    )(parts, dens, x, bias)


def _leaky(v):
    return jnp.where(v > 0, v, jnp.float32(0.2) * v)


def _sc_edge_body(src_hbm, dst_hbm, el_hbm, er_hbm, gmax_hbm, feat_hbm,
                  acc_hbm, den_hbm,
                  gmax_t, src_st, dst_st,
                  src_sc, dst_sc, w_buf, el_c, er_c, rows_v, den_o,
                  el_s, er_s, den_s, acc_s,
                  gsem, ssem, dsem, esem):
    t = lax.axis_index("s")
    c = lax.axis_index("c")
    wid = c * NS + t

    pltpu.sync_copy(gmax_hbm, gmax_t)

    @pl.when(t == 0)
    def _():
        pltpu.sync_copy(el_hbm, el_s)
        pltpu.sync_copy(er_hbm, er_s)

    zv = jnp.zeros((16,), jnp.float32)

    for v in range(5):
        el_c[0][pl.ds(v * 16, 16)] = zv

    @pl.when(t < 5)
    def _():
        def _zden(i, carry):
            pltpu.sync_copy(el_c[0],
                            den_s.at[pl.ds(t * 2000 + i * CH, CH)])
            return carry
        lax.fori_loop(0, 2000 // CH, _zden, 0)

    def _zrows(i, carry):
        for k in range(8):
            rows_v[0][i, pl.ds(k * 16, 16)] = zv
        return carry
    lax.fori_loop(0, CH, _zrows, 0)

    def _zacc(k, carry):
        pltpu.sync_copy(rows_v[0], acc_s.at[pl.ds(t * TOUT + k * CH, CH)])
        return carry
    lax.fori_loop(0, WOUT // CH, _zacc, 0)

    gmax = gmax_t[...]

    plsc.subcore_barrier()

    def _group(g, carry0):
        base = wid * EB + g * BG
        pltpu.sync_copy(src_hbm.at[pl.ds(base, BG)], src_st)
        pltpu.sync_copy(dst_hbm.at[pl.ds(base, BG)], dst_st)

        def _body(ib, carry):
            for k in range(DEPTH):
                i = ib * DEPTH + k
                for v in range(5):
                    src_sc[k][pl.ds(v * 16, 16)] = (
                        src_st[pl.ds(i * CH + v * 16, 16)])
                    dst_sc[k][pl.ds(v * 16, 16)] = (
                        dst_st[pl.ds(i * CH + v * 16, 16)])
            gds = [None] * DEPTH
            for k in range(NROW):
                gds[k] = pltpu.async_copy(
                    feat_hbm.at[src_sc[k]], rows_v[k], gsem[k])
            eds = []
            for k in range(DEPTH):
                eds.append((
                    pltpu.async_copy(el_s.at[src_sc[k]], el_c[k],
                                     esem[2 * k]),
                    pltpu.async_copy(er_s.at[dst_sc[k]], er_c[k],
                                     esem[2 * k + 1]),
                ))

            sds = [None] * DEPTH
            dds = []
            for k in range(DEPTH):
                eds[k][0].wait()
                eds[k][1].wait()
                for v in range(5):
                    elv = el_c[k][pl.ds(v * 16, 16)]
                    erv = er_c[k][pl.ds(v * 16, 16)]
                    e = _leaky(elv + erv)
                    cv = _leaky(gmax + erv)
                    w_buf[k][pl.ds(v * 16, 16)] = jnp.exp(e - cv)
                dds.append(pltpu.async_copy(
                    w_buf[k], den_s.at[dst_sc[k]], dsem[k], add=True))

                gds[k].wait()
                r = rows_v[k % NROW]

                def _scale(j, carry2, r=r, k=k):
                    aj = plsc.load_gather(
                        w_buf[k], [jnp.full((16,), j, jnp.int32)])
                    for f8 in range(8):
                        r[j, pl.ds(f8 * 16, 16)] = (
                            r[j, pl.ds(f8 * 16, 16)] * aj)
                    return carry2
                lax.fori_loop(0, CH, _scale, 0, unroll=4)

                sds[k] = pltpu.async_copy(
                    r, acc_s.at[dst_sc[k]], ssem[k], add=True)
                if k == DEPTH - NROW:
                    sds[0].wait()
                    gds[DEPTH - 1] = pltpu.async_copy(
                        feat_hbm.at[src_sc[DEPTH - 1]],
                        rows_v[0], gsem[0])
            for k in range(1, DEPTH):
                sds[k].wait()
            for d in dds:
                d.wait()
            return carry
        lax.fori_loop(0, BG // CH // DEPTH, _body, 0)
        return carry0
    lax.fori_loop(0, EB // BG, _group, 0)

    plsc.subcore_barrier()
    pltpu.sync_copy(acc_s.at[pl.ds(t * TOUT, WOUT)],
                    acc_hbm.at[pl.ds(c * N + t * TOUT, WOUT)])
    pltpu.sync_copy(den_s.at[pl.ds(t * TOUT, WOUT)], den_o)
    pltpu.sync_copy(den_o, den_hbm.at[pl.ds(c * N + t * TOUT, WOUT)])


def _sc_edge_wrap(src_hbm, dst_hbm, el_hbm, er_hbm, gmax_hbm, feat_hbm,
                  acc_hbm, den_hbm, gmax_t, src_st, dst_st, *rest):
    src_sc = list(rest[0:DEPTH])
    dst_sc = list(rest[DEPTH:2 * DEPTH])
    w_buf = list(rest[2 * DEPTH:3 * DEPTH])
    el_c = list(rest[3 * DEPTH:4 * DEPTH])
    er_c = list(rest[4 * DEPTH:5 * DEPTH])
    rows_v = list(rest[5 * DEPTH:5 * DEPTH + NROW])
    o = 5 * DEPTH + NROW
    den_o = rest[o]
    o += 1
    el_s, er_s, den_s, acc_s = rest[o:o + 4]
    gsem = list(rest[o + 4:o + 4 + NROW])
    ssem = list(rest[o + 4 + NROW:o + 4 + NROW + DEPTH])
    b = o + 4 + NROW + DEPTH
    dsem = list(rest[b:b + DEPTH])
    esem = list(rest[b + DEPTH:b + 3 * DEPTH])
    _sc_edge_body(src_hbm, dst_hbm, el_hbm, er_hbm, gmax_hbm, feat_hbm,
                  acc_hbm, den_hbm, gmax_t, src_st, dst_st,
                  src_sc, dst_sc, w_buf, el_c, er_c, rows_v, den_o,
                  el_s, er_s, den_s, acc_s, gsem, ssem, dsem, esem)


_sc_edge = functools.partial(
    pl.kernel,
    out_type=(
        jax.ShapeDtypeStruct((NC * N, F), jnp.float32),
        jax.ShapeDtypeStruct((NC * N,), jnp.float32),
    ),
    mesh=plsc.VectorSubcoreMesh(core_axis_name="c", subcore_axis_name="s"),
    compiler_params=pltpu.CompilerParams(needs_layout_passes=False),
    scratch_types=[
        pltpu.VMEM((16,), jnp.float32),
        pltpu.VMEM((BG,), jnp.int32),
        pltpu.VMEM((BG,), jnp.int32),
        *[pltpu.VMEM((CH,), jnp.int32) for _ in range(DEPTH)],
        *[pltpu.VMEM((CH,), jnp.int32) for _ in range(DEPTH)],
        *[pltpu.VMEM((CH,), jnp.float32) for _ in range(DEPTH)],
        *[pltpu.VMEM((CH,), jnp.float32) for _ in range(DEPTH)],
        *[pltpu.VMEM((CH,), jnp.float32) for _ in range(DEPTH)],
        *[pltpu.VMEM((CH, F), jnp.float32) for _ in range(NROW)],
        pltpu.VMEM((WOUT,), jnp.float32),
        pltpu.VMEM_SHARED((N,), jnp.float32),
        pltpu.VMEM_SHARED((N,), jnp.float32),
        pltpu.VMEM_SHARED((N,), jnp.float32),
        pltpu.VMEM_SHARED((N, F), jnp.float32),
        *[pltpu.SemaphoreType.DMA for _ in range(NROW)],
        *[pltpu.SemaphoreType.DMA for _ in range(DEPTH)],
        *[pltpu.SemaphoreType.DMA for _ in range(DEPTH)],
        *[pltpu.SemaphoreType.DMA for _ in range(2 * DEPTH)],
    ],
)(_sc_edge_wrap)


def kernel(x, edge_index, W, attn_l, attn_r, bias):
    src = edge_index[0]
    dst = edge_index[1]

    feat, el2, er2, gm = _tc_proj(x, W,
                                  attn_l.reshape(1, F), attn_r.reshape(1, F))
    el = el2.reshape(N)
    er = er2.reshape(N)
    gm16 = gm.reshape(F)[:16]

    acc, den = _sc_edge(src, dst, el, er, gm16, feat)
    parts = acc.reshape(NC, N, F)
    dens = den.reshape(NC, N, 1)

    out = _tc_combine(parts, dens, x, bias.reshape(1, F))
    return out.reshape(N, H, F)

# --- scband reference (transcript-rebuilt; emitter-appended) ---
"""Pipeline reference for scband-cagnn-26096221291186 (READ-ONLY COPY).

The authoritative reference and input builder live on the scoring server;
editing this copy changes nothing except your own understanding.
"""

import jax, jax.numpy as jnp
import numpy as np

N = 10000
E = 320000
D = 128
H = 1
F = 128

def setup_inputs(seed: int = 0) -> dict:
    key = jax.random.key(seed)
    k1, k2, k3, k4, k5 = jax.random.split(key, 5)
    x = jax.random.normal(k1, (N, D), dtype=jnp.float32)
    edge_index = jax.random.randint(k2, (2, E), 0, N)
    # learned params (GATConv): fc weight, attn_l, attn_r, bias
    W = jax.random.normal(k3, (H * F, D), dtype=jnp.float32) * (1.0 / np.sqrt(D))
    attn_l = jax.random.normal(k4, (1, H, F), dtype=jnp.float32) * 0.1
    attn_r = jax.random.normal(k5, (1, H, F), dtype=jnp.float32) * 0.1
    bias = jnp.zeros((H * F,), dtype=jnp.float32)
    return {"x": x, "edge_index": edge_index, "W": W, "attn_l": attn_l, "attn_r": attn_r, "bias": bias}

def reference(x, edge_index, W, attn_l, attn_r, bias):
    src = edge_index[0]
    dst = edge_index[1]
    # fc projection (dropout prob = 0 -> identity)
    feat = (x @ W.T).reshape(N, H, F)
    el = (feat * attn_l).sum(axis=-1)  # [N, H]
    er = (feat * attn_r).sum(axis=-1)  # [N, H]
    # e = leaky_relu(el[src] + er[dst])
    e = el[src] + er[dst]  # [E, H]
    e = jnp.where(e > 0, e, 0.2 * e)
    # edge softmax normalized over incoming edges of each dst node
    emax = jax.ops.segment_max(e, dst, num_segments=N)
    emax = jnp.where(jnp.isfinite(emax), emax, 0.0)
    ee = jnp.exp(e - emax[dst])
    denom = jax.ops.segment_sum(ee, dst, num_segments=N)
    a = ee / (denom[dst] + 1e-9)  # [E, H]
    # message passing: u_mul_e then sum over dst
    msg = feat[src] * a[:, :, None]  # [E, H, F]
    rst = jax.ops.segment_sum(msg, dst, num_segments=N)  # [N, H, F]
    # residual (in_feats == out_feats -> Identity)
    rst = rst + x.reshape(N, H, F)
    # bias
    rst = rst + bias.reshape(1, H, F)
    return rst

if __name__ == "__main__":
    import jax
    _d = setup_inputs()
    print(jax.jit(kernel)(*tuple(_d.values())))

</pallas_src>

<mosaic_0001>
#map = affine_map<(d0, d1) -> (0)>
#map1 = affine_map<(d0, d1) -> (0, 0)>
module attributes {stable_mosaic.version = 14 : i64} {
  func.func @_sc_edge_wrap(%arg0: i32, %arg1: i32, %arg2: memref<320000xi32, #tpu.memory_space<hbm>>, %arg3: memref<320000xi32, #tpu.memory_space<hbm>>, %arg4: memref<10000xf32, #tpu.memory_space<hbm>>, %arg5: memref<10000xf32, #tpu.memory_space<hbm>>, %arg6: memref<16xf32, #tpu.memory_space<hbm>>, %arg7: memref<10000x128xf32, #tpu.memory_space<hbm>>, %arg8: memref<20000x128xf32, #tpu.memory_space<hbm>>, %arg9: memref<20000xf32, #tpu.memory_space<hbm>>, %arg10: memref<16xf32, #tpu.memory_space<vmem>>, %arg11: memref<2000xi32, #tpu.memory_space<vmem>>, %arg12: memref<2000xi32, #tpu.memory_space<vmem>>, %arg13: memref<80xi32, #tpu.memory_space<vmem>>, %arg14: memref<80xi32, #tpu.memory_space<vmem>>, %arg15: memref<80xi32, #tpu.memory_space<vmem>>, %arg16: memref<80xi32, #tpu.memory_space<vmem>>, %arg17: memref<80xi32, #tpu.memory_space<vmem>>, %arg18: memref<80xi32, #tpu.memory_space<vmem>>, %arg19: memref<80xi32, #tpu.memory_space<vmem>>, %arg20: memref<80xi32, #tpu.memory_space<vmem>>, %arg21: memref<80xi32, #tpu.memory_space<vmem>>, %arg22: memref<80xi32, #tpu.memory_space<vmem>>, %arg23: memref<80xf32, #tpu.memory_space<vmem>>, %arg24: memref<80xf32, #tpu.memory_space<vmem>>, %arg25: memref<80xf32, #tpu.memory_space<vmem>>, %arg26: memref<80xf32, #tpu.memory_space<vmem>>, %arg27: memref<80xf32, #tpu.memory_space<vmem>>, %arg28: memref<80xf32, #tpu.memory_space<vmem>>, %arg29: memref<80xf32, #tpu.memory_space<vmem>>, %arg30: memref<80xf32, #tpu.memory_space<vmem>>, %arg31: memref<80xf32, #tpu.memory_space<vmem>>, %arg32: memref<80xf32, #tpu.memory_space<vmem>>, %arg33: memref<80xf32, #tpu.memory_space<vmem>>, %arg34: memref<80xf32, #tpu.memory_space<vmem>>, %arg35: memref<80xf32, #tpu.memory_space<vmem>>, %arg36: memref<80xf32, #tpu.memory_space<vmem>>, %arg37: memref<80xf32, #tpu.memory_space<vmem>>, %arg38: memref<80x128xf32, #tpu.memory_space<vmem>>, %arg39: memref<80x128xf32, #tpu.memory_space<vmem>>, %arg40: memref<80x128xf32, #tpu.memory_space<vmem>>, %arg41: memref<80x128xf32, #tpu.memory_space<vmem>>, %arg42: memref<640xf32, #tpu.memory_space<vmem>>, %arg43: memref<10000xf32, #tpu.memory_space<vmem_shared>>, %arg44: memref<10000xf32, #tpu.memory_space<vmem_shared>>, %arg45: memref<10000xf32, #tpu.memory_space<vmem_shared>>, %arg46: memref<10000x128xf32, #tpu.memory_space<vmem_shared>>, %arg47: memref<!tpu.dma_semaphore, #tpu.memory_space<semaphore_mem>>, %arg48: memref<!tpu.dma_semaphore, #tpu.memory_space<semaphore_mem>>, %arg49: memref<!tpu.dma_semaphore, #tpu.memory_space<semaphore_mem>>, %arg50: memref<!tpu.dma_semaphore, #tpu.memory_space<semaphore_mem>>, %arg51: memref<!tpu.dma_semaphore, #tpu.memory_space<semaphore_mem>>, %arg52: memref<!tpu.dma_semaphore, #tpu.memory_space<semaphore_mem>>, %arg53: memref<!tpu.dma_semaphore, #tpu.memory_space<semaphore_mem>>, %arg54: memref<!tpu.dma_semaphore, #tpu.memory_space<semaphore_mem>>, %arg55: memref<!tpu.dma_semaphore, #tpu.memory_space<semaphore_mem>>, %arg56: memref<!tpu.dma_semaphore, #tpu.memory_space<semaphore_mem>>, %arg57: memref<!tpu.dma_semaphore, #tpu.memory_space<semaphore_mem>>, %arg58: memref<!tpu.dma_semaphore, #tpu.memory_space<semaphore_mem>>, %arg59: memref<!tpu.dma_semaphore, #tpu.memory_space<semaphore_mem>>, %arg60: memref<!tpu.dma_semaphore, #tpu.memory_space<semaphore_mem>>, %arg61: memref<!tpu.dma_semaphore, #tpu.memory_space<semaphore_mem>>, %arg62: memref<!tpu.dma_semaphore, #tpu.memory_space<semaphore_mem>>, %arg63: memref<!tpu.dma_semaphore, #tpu.memory_space<semaphore_mem>>, %arg64: memref<!tpu.dma_semaphore, #tpu.memory_space<semaphore_mem>>, %arg65: memref<!tpu.dma_semaphore, #tpu.memory_space<semaphore_mem>>, %arg66: memref<!tpu.dma_semaphore, #tpu.memory_space<semaphore_mem>>, %arg67: memref<!tpu.dma_semaphore, #tpu.memory_space<semaphore_mem>>, %arg68: memref<!tpu.dma_semaphore, #tpu.memory_space<semaphore_mem>>, %arg69: memref<!tpu.dma_semaphore, #tpu.memory_space<semaphore_mem>>, %arg70: memref<!tpu.dma_semaphore, #tpu.memory_space<semaphore_mem>>) attributes {dimension_semantics = [#tpu.dimension_semantics<core_parallel>, #tpu.dimension_semantics<subcore_parallel>], iteration_bounds = array<i64: 2, 16>, scalar_prefetch = 0 : i64, scratch_operands = 61 : i64, tpu.core_type = #tpu.core_type<sc_vector_subcore>, window_params = [{transform_indices = #map}, {transform_indices = #map}, {transform_indices = #map}, {transform_indices = #map}, {transform_indices = #map}, {transform_indices = #map1}, {transform_indices = #map1}, {transform_indices = #map}]} {
    %mul3A = arith.constant 16 : i32
    %mul3A_0 = arith.muli %arg0, %mul3A : i32
    %add3A = arith.addi %mul3A_0, %arg1 : i32
    "tpu.region"() ({
      %run_scoped3A = tpu.sem_alloc : memref<!tpu.dma_semaphore, #tpu.memory_space<semaphore_mem>>
      tpu.enqueue_dma source(%arg6 : memref<16xf32, #tpu.memory_space<hbm>>) target(%arg10 : memref<16xf32, #tpu.memory_space<vmem>>) target_semaphore(%run_scoped3A : memref<!tpu.dma_semaphore, #tpu.memory_space<semaphore_mem>>)
      tpu.wait_dma2 semaphore(%run_scoped3A : memref<!tpu.dma_semaphore, #tpu.memory_space<semaphore_mem>>) src(%arg6 : memref<16xf32, #tpu.memory_space<hbm>>) dst(%arg10 : memref<16xf32, #tpu.memory_space<vmem>>)
      tpu.yield
    }) : () -> ()
    %eq3A = arith.constant 0 : i32
    %eq3A_1 = arith.cmpi eq, %arg1, %eq3A : i32
    %convert_element_type3A = arith.extui %eq3A_1 : i1 to i32
    %cond3A = arith.constant 0 : i32
    %cond3A_2 = arith.cmpi ne, %convert_element_type3A, %cond3A : i32
    scf.if %cond3A_2 {
      "tpu.region"() ({
        %run_scoped3A = tpu.sem_alloc : memref<!tpu.dma_semaphore, #tpu.memory_space<semaphore_mem>>
        tpu.enqueue_dma source(%arg4 : memref<10000xf32, #tpu.memory_space<hbm>>) target(%arg43 : memref<10000xf32, #tpu.memory_space<vmem_shared>>) target_semaphore(%run_scoped3A : memref<!tpu.dma_semaphore, #tpu.memory_space<semaphore_mem>>)
        tpu.wait_dma2 semaphore(%run_scoped3A : memref<!tpu.dma_semaphore, #tpu.memory_space<semaphore_mem>>) src(%arg4 : memref<10000xf32, #tpu.memory_space<hbm>>) dst(%arg43 : memref<10000xf32, #tpu.memory_space<vmem_shared>>)
        tpu.yield
      }) : () -> ()
      "tpu.region"() ({
        %run_scoped3A = tpu.sem_alloc : memref<!tpu.dma_semaphore, #tpu.memory_space<semaphore_mem>>
        tpu.enqueue_dma source(%arg5 : memref<10000xf32, #tpu.memory_space<hbm>>) target(%arg44 : memref<10000xf32, #tpu.memory_space<vmem_shared>>) target_semaphore(%run_scoped3A : memref<!tpu.dma_semaphore, #tpu.memory_space<semaphore_mem>>)
        tpu.wait_dma2 semaphore(%run_scoped3A : memref<!tpu.dma_semaphore, #tpu.memory_space<semaphore_mem>>) src(%arg5 : memref<10000xf32, #tpu.memory_space<hbm>>) dst(%arg44 : memref<10000xf32, #tpu.memory_space<vmem_shared>>)
        tpu.yield
      }) : () -> ()
    } else {
    }
    %broadcast_in_dim3A = arith.constant 0.000000e+00 : f32
    %broadcast_in_dim3A_3 = vector.broadcast %broadcast_in_dim3A : f32 to vector<16xf32>
    %swap3A = arith.constant 0 : index
    %swap3A_4 = tpu.vector_load %arg28[%swap3A] {strides = array<i32>} : memref<80xf32, #tpu.memory_space<vmem>>, vector<16xf32>,
    tpu.vector_store %arg28[%swap3A], %broadcast_in_dim3A_3 {strides = array<i32>} : memref<80xf32, #tpu.memory_space<vmem>>, vector<16xf32>,
    %swap3A_5 = arith.constant 16 : index
    %swap3A_6 = tpu.vector_load %arg28[%swap3A_5] {strides = array<i32>} : memref<80xf32, #tpu.memory_space<vmem>>, vector<16xf32>,
    tpu.vector_store %arg28[%swap3A_5], %broadcast_in_dim3A_3 {strides = array<i32>} : memref<80xf32, #tpu.memory_space<vmem>>, vector<16xf32>,
    %swap3A_7 = arith.constant 32 : index
    %swap3A_8 = tpu.vector_load %arg28[%swap3A_7] {strides = array<i32>} : memref<80xf32, #tpu.memory_space<vmem>>, vector<16xf32>,
    tpu.vector_store %arg28[%swap3A_7], %broadcast_in_dim3A_3 {strides = array<i32>} : memref<80xf32, #tpu.memory_space<vmem>>, vector<16xf32>,
    %swap3A_9 = arith.constant 48 : index
    %swap3A_10 = tpu.vector_load %arg28[%swap3A_9] {strides = array<i32>} : memref<80xf32, #tpu.memory_space<vmem>>, vector<16xf32>,
    tpu.vector_store %arg28[%swap3A_9], %broadcast_in_dim3A_3 {strides = array<i32>} : memref<80xf32, #tpu.memory_space<vmem>>, vector<16xf32>,
    %swap3A_11 = arith.constant 64 : index
    %swap3A_12 = tpu.vector_load %arg28[%swap3A_11] {strides = array<i32>} : memref<80xf32, #tpu.memory_space<vmem>>, vector<16xf32>,
    tpu.vector_store %arg28[%swap3A_11], %broadcast_in_dim3A_3 {strides = array<i32>} : memref<80xf32, #tpu.memory_space<vmem>>, vector<16xf32>,
    %lt3A = arith.constant 5 : i32
    %lt3A_13 = arith.cmpi slt, %arg1, %lt3A : i32
    %convert_element_type3A_14 = arith.extui %lt3A_13 : i1 to i32
    %cond3A_15 = arith.constant 0 : i32
    %cond3A_16 = arith.cmpi ne, %convert_element_type3A_14, %cond3A_15 : i32
    scf.if %cond3A_16 {
      %scan3A_50 = arith.constant 0 : i32
      %scan3A_51 = arith.constant 0 : i32
      %scan3A_52 = arith.constant 25 : i32
      %scan3A_53 = arith.addi %scan3A_51, %scan3A_52 : i32
      %scan3A_54 = arith.constant 1 : i32
      scf.for %scan3A_56 = %scan3A_51 to %scan3A_53 step %scan3A_54  : i32 {
        %mul3A_57 = arith.constant 2000 : i32
        %mul3A_58 = arith.muli %arg1, %mul3A_57 : i32
        %mul3A_59 = arith.constant 80 : i32
        %mul3A_60 = arith.muli %scan3A_56, %mul3A_59 : i32
        %add3A_61 = arith.addi %mul3A_58, %mul3A_60 : i32
        "tpu.region"() ({
          %run_scoped3A = tpu.sem_alloc : memref<!tpu.dma_semaphore, #tpu.memory_space<semaphore_mem>>
          %dma_start3A = tpu.memref_slice %arg45[%add3A_61] : memref<10000xf32, #tpu.memory_space<vmem_shared>> -> memref<80xf32, #tpu.memory_space<vmem_shared>>
          %dma_start3A_62 = tpu.memref_slice %arg45[%add3A_61] : memref<10000xf32, #tpu.memory_space<vmem_shared>> -> memref<80xf32, #tpu.memory_space<vmem_shared>>
          tpu.enqueue_dma source(%arg28 : memref<80xf32, #tpu.memory_space<vmem>>) target(%dma_start3A_62 : memref<80xf32, #tpu.memory_space<vmem_shared>>) target_semaphore(%run_scoped3A : memref<!tpu.dma_semaphore, #tpu.memory_space<semaphore_mem>>)
          %dma_wait3A = tpu.memref_slice %arg45[%add3A_61] : memref<10000xf32, #tpu.memory_space<vmem_shared>> -> memref<80xf32, #tpu.memory_space<vmem_shared>>
          %dma_wait3A_63 = tpu.memref_slice %arg45[%add3A_61] : memref<10000xf32, #tpu.memory_space<vmem_shared>> -> memref<80xf32, #tpu.memory_space<vmem_shared>>
          tpu.wait_dma2 semaphore(%run_scoped3A : memref<!tpu.dma_semaphore, #tpu.memory_space<semaphore_mem>>) src(%arg28 : memref<80xf32, #tpu.memory_space<vmem>>) dst(%dma_wait3A_63 : memref<80xf32, #tpu.memory_space<vmem_shared>>)
          tpu.yield
        }) : () -> ()
      }
      %scan3A_55 = arith.constant 25 : i32
    } else {
    }
    %scan3A = arith.constant 0 : i32
    %scan3A_17 = arith.constant 0 : i32
    %scan3A_18 = arith.constant 80 : i32
    %scan3A_19 = arith.addi %scan3A_17, %scan3A_18 : i32
    %scan3A_20 = arith.constant 1 : i32
    scf.for %scan3A_50 = %scan3A_17 to %scan3A_19 step %scan3A_20  : i32 {
      %swap3A_51 = arith.index_cast %scan3A_50 : i32 to index
      %swap3A_52 = arith.constant 0 : index
      %swap3A_53 = tpu.vector_load %arg38[%swap3A_51, %swap3A_52] {strides = array<i32>} : memref<80x128xf32, #tpu.memory_space<vmem>>, vector<16xf32>,
      tpu.vector_store %arg38[%swap3A_51, %swap3A_52], %broadcast_in_dim3A_3 {strides = array<i32>} : memref<80x128xf32, #tpu.memory_space<vmem>>, vector<16xf32>,
      %swap3A_54 = arith.index_cast %scan3A_50 : i32 to index
      %swap3A_55 = arith.constant 16 : index
      %swap3A_56 = tpu.vector_load %arg38[%swap3A_54, %swap3A_55] {strides = array<i32>} : memref<80x128xf32, #tpu.memory_space<vmem>>, vector<16xf32>,
      tpu.vector_store %arg38[%swap3A_54, %swap3A_55], %broadcast_in_dim3A_3 {strides = array<i32>} : memref<80x128xf32, #tpu.memory_space<vmem>>, vector<16xf32>,
      %swap3A_57 = arith.index_cast %scan3A_50 : i32 to index
      %swap3A_58 = arith.constant 32 : index
      %swap3A_59 = tpu.vector_load %arg38[%swap3A_57, %swap3A_58] {strides = array<i32>} : memref<80x128xf32, #tpu.memory_space<vmem>>, vector<16xf32>,
      tpu.vector_store %arg38[%swap3A_57, %swap3A_58], %broadcast_in_dim3A_3 {strides = array<i32>} : memref<80x128xf32, #tpu.memory_space<vmem>>, vector<16xf32>,
      %swap3A_60 = arith.index_cast %scan3A_50 : i32 to index
      %swap3A_61 = arith.constant 48 : index
      %swap3A_62 = tpu.vector_load %arg38[%swap3A_60, %swap3A_61] {strides = array<i32>} : memref<80x128xf32, #tpu.memory_space<vmem>>, vector<16xf32>,
      tpu.vector_store %arg38[%swap3A_60, %swap3A_61], %broadcast_in_dim3A_3 {strides = array<i32>} : memref<80x128xf32, #tpu.memory_space<vmem>>, vector<16xf32>,
      %swap3A_63 = arith.index_cast %scan3A_50 : i32 to index
      %swap3A_64 = arith.constant 64 : index
      %swap3A_65 = tpu.vector_load %arg38[%swap3A_63, %swap3A_64] {strides = array<i32>} : memref<80x128xf32, #tpu.memory_space<vmem>>, vector<16xf32>,
      tpu.vector_store %arg38[%swap3A_63, %swap3A_64], %broadcast_in_dim3A_3 {strides = array<i32>} : memref<80x128xf32, #tpu.memory_space<vmem>>, vector<16xf32>,
      %swap3A_66 = arith.index_cast %scan3A_50 : i32 to index
      %swap3A_67 = arith.constant 80 : index
      %swap3A_68 = tpu.vector_load %arg38[%swap3A_66, %swap3A_67] {strides = array<i32>} : memref<80x128xf32, #tpu.memory_space<vmem>>, vector<16xf32>,
      tpu.vector_store %arg38[%swap3A_66, %swap3A_67], %broadcast_in_dim3A_3 {strides = array<i32>} : memref<80x128xf32, #tpu.memory_space<vmem>>, vector<16xf32>,
      %swap3A_69 = arith.index_cast %scan3A_50 : i32 to index
      %swap3A_70 = arith.constant 96 : index
      %swap3A_71 = tpu.vector_load %arg38[%swap3A_69, %swap3A_70] {strides = array<i32>} : memref<80x128xf32, #tpu.memory_space<vmem>>, vector<16xf32>,
      tpu.vector_store %arg38[%swap3A_69, %swap3A_70], %broadcast_in_dim3A_3 {strides = array<i32>} : memref<80x128xf32, #tpu.memory_space<vmem>>, vector<16xf32>,
      %swap3A_72 = arith.index_cast %scan3A_50 : i32 to index
      %swap3A_73 = arith.constant 112 : index
      %swap3A_74 = tpu.vector_load %arg38[%swap3A_72, %swap3A_73] {strides = array<i32>} : memref<80x128xf32, #tpu.memory_space<vmem>>, vector<16xf32>,
      tpu.vector_store %arg38[%swap3A_72, %swap3A_73], %broadcast_in_dim3A_3 {strides = array<i32>} : memref<80x128xf32, #tpu.memory_space<vmem>>, vector<16xf32>,
    }
    %scan3A_21 = arith.constant 80 : i32
    %scan3A_22 = arith.constant 0 : i32
    %scan3A_23 = arith.constant 0 : i32
    %scan3A_24 = arith.constant 8 : i32
    %scan3A_25 = arith.addi %scan3A_23, %scan3A_24 : i32
    %scan3A_26 = arith.constant 1 : i32
    scf.for %scan3A_50 = %scan3A_23 to %scan3A_25 step %scan3A_26  : i32 {
      %mul3A_51 = arith.constant 624 : i32
      %mul3A_52 = arith.muli %arg1, %mul3A_51 : i32
      %mul3A_53 = arith.constant 80 : i32
      %mul3A_54 = arith.muli %scan3A_50, %mul3A_53 : i32
      %add3A_55 = arith.addi %mul3A_52, %mul3A_54 : i32
      "tpu.region"() ({
        %run_scoped3A = tpu.sem_alloc : memref<!tpu.dma_semaphore, #tpu.memory_space<semaphore_mem>>
        %dma_start3A = arith.constant 0 : i32
        %dma_start3A_56 = tpu.memref_slice %arg46[%add3A_55, %dma_start3A] : memref<10000x128xf32, #tpu.memory_space<vmem_shared>> -> memref<80x128xf32, #tpu.memory_space<vmem_shared>>
        %dma_start3A_57 = arith.constant 0 : i32
        %dma_start3A_58 = tpu.memref_slice %arg46[%add3A_55, %dma_start3A_57] : memref<10000x128xf32, #tpu.memory_space<vmem_shared>> -> memref<80x128xf32, #tpu.memory_space<vmem_shared>>
        tpu.enqueue_dma source(%arg38 : memref<80x128xf32, #tpu.memory_space<vmem>>) target(%dma_start3A_58 : memref<80x128xf32, #tpu.memory_space<vmem_shared>>) target_semaphore(%run_scoped3A : memref<!tpu.dma_semaphore, #tpu.memory_space<semaphore_mem>>)
        %dma_wait3A = arith.constant 0 : i32
        %dma_wait3A_59 = tpu.memref_slice %arg46[%add3A_55, %dma_wait3A] : memref<10000x128xf32, #tpu.memory_space<vmem_shared>> -> memref<80x128xf32, #tpu.memory_space<vmem_shared>>
        %dma_wait3A_60 = arith.constant 0 : i32
        %dma_wait3A_61 = tpu.memref_slice %arg46[%add3A_55, %dma_wait3A_60] : memref<10000x128xf32, #tpu.memory_space<vmem_shared>> -> memref<80x128xf32, #tpu.memory_space<vmem_shared>>
        tpu.wait_dma2 semaphore(%run_scoped3A : memref<!tpu.dma_semaphore, #tpu.memory_space<semaphore_mem>>) src(%arg38 : memref<80x128xf32, #tpu.memory_space<vmem>>) dst(%dma_wait3A_61 : memref<80x128xf32, #tpu.memory_space<vmem_shared>>)
        tpu.yield
      }) : () -> ()
    }
    %scan3A_27 = arith.constant 8 : i32
    %get3A = arith.constant 0 : index
    %get3A_28 = tpu.vector_load %arg10[%get3A] {strides = array<i32>} : memref<16xf32, #tpu.memory_space<vmem>>, vector<16xf32>,
    %barrier3A = arith.constant 0 : index
    tpu.barrier barrier_id(%barrier3A)
    %scan3A_29 = arith.constant 0 : i32
    %scan3A_30 = arith.constant 0 : i32
    %scan3A_31 = arith.constant 5 : i32
    %scan3A_32 = arith.addi %scan3A_30, %scan3A_31 : i32
    %scan3A_33 = arith.constant 1 : i32
    scf.for %scan3A_50 = %scan3A_30 to %scan3A_32 step %scan3A_33  : i32 {
      %mul3A_51 = arith.constant 10000 : i32
      %mul3A_52 = arith.muli %add3A, %mul3A_51 : i32
      %mul3A_53 = arith.constant 2000 : i32
      %mul3A_54 = arith.muli %scan3A_50, %mul3A_53 : i32
      %add3A_55 = arith.addi %mul3A_52, %mul3A_54 : i32
      "tpu.region"() ({
        %run_scoped3A = tpu.sem_alloc : memref<!tpu.dma_semaphore, #tpu.memory_space<semaphore_mem>>
        %dma_start3A = tpu.memref_slice %arg2[%add3A_55] : memref<320000xi32, #tpu.memory_space<hbm>> -> memref<2000xi32, #tpu.memory_space<hbm>>
        %dma_start3A_62 = tpu.memref_slice %arg2[%add3A_55] : memref<320000xi32, #tpu.memory_space<hbm>> -> memref<2000xi32, #tpu.memory_space<hbm>>
        tpu.enqueue_dma source(%dma_start3A_62 : memref<2000xi32, #tpu.memory_space<hbm>>) target(%arg11 : memref<2000xi32, #tpu.memory_space<vmem>>) target_semaphore(%run_scoped3A : memref<!tpu.dma_semaphore, #tpu.memory_space<semaphore_mem>>)
        %dma_wait3A = tpu.memref_slice %arg2[%add3A_55] : memref<320000xi32, #tpu.memory_space<hbm>> -> memref<2000xi32, #tpu.memory_space<hbm>>
        %dma_wait3A_63 = tpu.memref_slice %arg2[%add3A_55] : memref<320000xi32, #tpu.memory_space<hbm>> -> memref<2000xi32, #tpu.memory_space<hbm>>
        tpu.wait_dma2 semaphore(%run_scoped3A : memref<!tpu.dma_semaphore, #tpu.memory_space<semaphore_mem>>) src(%dma_wait3A_63 : memref<2000xi32, #tpu.memory_space<hbm>>) dst(%arg11 : memref<2000xi32, #tpu.memory_space<vmem>>)
        tpu.yield
      }) : () -> ()
      "tpu.region"() ({
        %run_scoped3A = tpu.sem_alloc : memref<!tpu.dma_semaphore, #tpu.memory_space<semaphore_mem>>
        %dma_start3A = tpu.memref_slice %arg3[%add3A_55] : memref<320000xi32, #tpu.memory_space<hbm>> -> memref<2000xi32, #tpu.memory_space<hbm>>
        %dma_start3A_62 = tpu.memref_slice %arg3[%add3A_55] : memref<320000xi32, #tpu.memory_space<hbm>> -> memref<2000xi32, #tpu.memory_space<hbm>>
        tpu.enqueue_dma source(%dma_start3A_62 : memref<2000xi32, #tpu.memory_space<hbm>>) target(%arg12 : memref<2000xi32, #tpu.memory_space<vmem>>) target_semaphore(%run_scoped3A : memref<!tpu.dma_semaphore, #tpu.memory_space<semaphore_mem>>)
        %dma_wait3A = tpu.memref_slice %arg3[%add3A_55] : memref<320000xi32, #tpu.memory_space<hbm>> -> memref<2000xi32, #tpu.memory_space<hbm>>
        %dma_wait3A_63 = tpu.memref_slice %arg3[%add3A_55] : memref<320000xi32, #tpu.memory_space<hbm>> -> memref<2000xi32, #tpu.memory_space<hbm>>
        tpu.wait_dma2 semaphore(%run_scoped3A : memref<!tpu.dma_semaphore, #tpu.memory_space<semaphore_mem>>) src(%dma_wait3A_63 : memref<2000xi32, #tpu.memory_space<hbm>>) dst(%arg12 : memref<2000xi32, #tpu.memory_space<vmem>>)
        tpu.yield
      }) : () -> ()
      %scan3A_56 = arith.constant 0 : i32
      %scan3A_57 = arith.constant 0 : i32
      %scan3A_58 = arith.constant 5 : i32
      %scan3A_59 = arith.addi %scan3A_57, %scan3A_58 : i32
      %scan3A_60 = arith.constant 1 : i32
      scf.for %scan3A_62 = %scan3A_57 to %scan3A_59 step %scan3A_60  : i32 {
        %mul3A_63 = arith.constant 5 : i32
        %mul3A_64 = arith.muli %scan3A_62, %mul3A_63 : i32
        %add3A_65 = arith.constant 0 : i32
        %add3A_66 = arith.addi %mul3A_64, %add3A_65 : i32
        %mul3A_67 = arith.constant 80 : i32
        %mul3A_68 = arith.muli %add3A_66, %mul3A_67 : i32
        %add3A_69 = arith.constant 0 : i32
        %add3A_70 = arith.addi %mul3A_68, %add3A_69 : i32
        %get3A_71 = arith.index_cast %add3A_70 : i32 to index
        %get3A_72 = tpu.vector_load %arg11[%get3A_71] {strides = array<i32>} : memref<2000xi32, #tpu.memory_space<vmem>>, vector<16xi32>,
        %swap3A_73 = arith.constant 0 : index
        %swap3A_74 = tpu.vector_load %arg13[%swap3A_73] {strides = array<i32>} : memref<80xi32, #tpu.memory_space<vmem>>, vector<16xi32>,
        tpu.vector_store %arg13[%swap3A_73], %get3A_72 {strides = array<i32>} : memref<80xi32, #tpu.memory_space<vmem>>, vector<16xi32>,
        %mul3A_75 = arith.constant 80 : i32
        %mul3A_76 = arith.muli %add3A_66, %mul3A_75 : i32
        %add3A_77 = arith.constant 0 : i32
        %add3A_78 = arith.addi %mul3A_76, %add3A_77 : i32
        %get3A_79 = arith.index_cast %add3A_78 : i32 to index
        %get3A_80 = tpu.vector_load %arg12[%get3A_79] {strides = array<i32>} : memref<2000xi32, #tpu.memory_space<vmem>>, vector<16xi32>,
        %swap3A_81 = arith.constant 0 : index
        %swap3A_82 = tpu.vector_load %arg18[%swap3A_81] {strides = array<i32>} : memref<80xi32, #tpu.memory_space<vmem>>, vector<16xi32>,
        tpu.vector_store %arg18[%swap3A_81], %get3A_80 {strides = array<i32>} : memref<80xi32, #tpu.memory_space<vmem>>, vector<16xi32>,
        %mul3A_83 = arith.constant 80 : i32
        %mul3A_84 = arith.muli %add3A_66, %mul3A_83 : i32
        %add3A_85 = arith.constant 16 : i32
        %add3A_86 = arith.addi %mul3A_84, %add3A_85 : i32
        %get3A_87 = arith.index_cast %add3A_86 : i32 to index
        %get3A_88 = tpu.vector_load %arg11[%get3A_87] {strides = array<i32>} : memref<2000xi32, #tpu.memory_space<vmem>>, vector<16xi32>,
        %swap3A_89 = arith.constant 16 : index
        %swap3A_90 = tpu.vector_load %arg13[%swap3A_89] {strides = array<i32>} : memref<80xi32, #tpu.memory_space<vmem>>, vector<16xi32>,
        tpu.vector_store %arg13[%swap3A_89], %get3A_88 {strides = array<i32>} : memref<80xi32, #tpu.memory_space<vmem>>, vector<16xi32>,
        %mul3A_91 = arith.constant 80 : i32
        %mul3A_92 = arith.muli %add3A_66, %mul3A_91 : i32
        %add3A_93 = arith.constant 16 : i32
        %add3A_94 = arith.addi %mul3A_92, %add3A_93 : i32
        %get3A_95 = arith.index_cast %add3A_94 : i32 to index
        %get3A_96 = tpu.vector_load %arg12[%get3A_95] {strides = array<i32>} : memref<2000xi32, #tpu.memory_space<vmem>>, vector<16xi32>,
        %swap3A_97 = arith.constant 16 : index
        %swap3A_98 = tpu.vector_load %arg18[%swap3A_97] {strides = array<i32>} : memref<80xi32, #tpu.memory_space<vmem>>, vector<16xi32>,
        tpu.vector_store %arg18[%swap3A_97], %get3A_96 {strides = array<i32>} : memref<80xi32, #tpu.memory_space<vmem>>, vector<16xi32>,
        %mul3A_99 = arith.constant 80 : i32
        %mul3A_100 = arith.muli %add3A_66, %mul3A_99 : i32
        %add3A_101 = arith.constant 32 : i32
        %add3A_102 = arith.addi %mul3A_100, %add3A_101 : i32
        %get3A_103 = arith.index_cast %add3A_102 : i32 to index
        %get3A_104 = tpu.vector_load %arg11[%get3A_103] {strides = array<i32>} : memref<2000xi32, #tpu.memory_space<vmem>>, vector<16xi32>,
        %swap3A_105 = arith.constant 32 : index
        %swap3A_106 = tpu.vector_load %arg13[%swap3A_105] {strides = array<i32>} : memref<80xi32, #tpu.memory_space<vmem>>, vector<16xi32>,
        tpu.vector_store %arg13[%swap3A_105], %get3A_104 {strides = array<i32>} : memref<80xi32, #tpu.memory_space<vmem>>, vector<16xi32>,
        %mul3A_107 = arith.constant 80 : i32
        %mul3A_108 = arith.muli %add3A_66, %mul3A_107 : i32
        %add3A_109 = arith.constant 32 : i32
        %add3A_110 = arith.addi %mul3A_108, %add3A_109 : i32
        %get3A_111 = arith.index_cast %add3A_110 : i32 to index
        %get3A_112 = tpu.vector_load %arg12[%get3A_111] {strides = array<i32>} : memref<2000xi32, #tpu.memory_space<vmem>>, vector<16xi32>,
        %swap3A_113 = arith.constant 32 : index
        %swap3A_114 = tpu.vector_load %arg18[%swap3A_113] {strides = array<i32>} : memref<80xi32, #tpu.memory_space<vmem>>, vector<16xi32>,
        tpu.vector_store %arg18[%swap3A_113], %get3A_112 {strides = array<i32>} : memref<80xi32, #tpu.memory_space<vmem>>, vector<16xi32>,
        %mul3A_115 = arith.constant 80 : i32
        %mul3A_116 = arith.muli %add3A_66, %mul3A_115 : i32
        %add3A_117 = arith.constant 48 : i32
        %add3A_118 = arith.addi %mul3A_116, %add3A_117 : i32
        %get3A_119 = arith.index_cast %add3A_118 : i32 to index
        %get3A_120 = tpu.vector_load %arg11[%get3A_119] {strides = array<i32>} : memref<2000xi32, #tpu.memory_space<vmem>>, vector<16xi32>,
        %swap3A_121 = arith.constant 48 : index
        %swap3A_122 = tpu.vector_load %arg13[%swap3A_121] {strides = array<i32>} : memref<80xi32, #tpu.memory_space<vmem>>, vector<16xi32>,
        tpu.vector_store %arg13[%swap3A_121], %get3A_120 {strides = array<i32>} : memref<80xi32, #tpu.memory_space<vmem>>, vector<16xi32>,
        %mul3A_123 = arith.constant 80 : i32
        %mul3A_124 = arith.muli %add3A_66, %mul3A_123 : i32
        %add3A_125 = arith.constant 48 : i32
        %add3A_126 = arith.addi %mul3A_124, %add3A_125 : i32
        %get3A_127 = arith.index_cast %add3A_126 : i32 to index
        %get3A_128 = tpu.vector_load %arg12[%get3A_127] {strides = array<i32>} : memref<2000xi32, #tpu.memory_space<vmem>>, vector<16xi32>,
        %swap3A_129 = arith.constant 48 : index
        %swap3A_130 = tpu.vector_load %arg18[%swap3A_129] {strides = array<i32>} : memref<80xi32, #tpu.memory_space<vmem>>, vector<16xi32>,
        tpu.vector_store %arg18[%swap3A_129], %get3A_128 {strides = array<i32>} : memref<80xi32, #tpu.memory_space<vmem>>, vector<16xi32>,
        %mul3A_131 = arith.constant 80 : i32
        %mul3A_132 = arith.muli %add3A_66, %mul3A_131 : i32
        %add3A_133 = arith.constant 64 : i32
        %add3A_134 = arith.addi %mul3A_132, %add3A_133 : i32
        %get3A_135 = arith.index_cast %add3A_134 : i32 to index
        %get3A_136 = tpu.vector_load %arg11[%get3A_135] {strides = array<i32>} : memref<2000xi32, #tpu.memory_space<vmem>>, vector<16xi32>,
        %swap3A_137 = arith.constant 64 : index
        %swap3A_138 = tpu.vector_load %arg13[%swap3A_137] {strides = array<i32>} : memref<80xi32, #tpu.memory_space<vmem>>, vector<16xi32>,
        tpu.vector_store %arg13[%swap3A_137], %get3A_136 {strides = array<i32>} : memref<80xi32, #tpu.memory_space<vmem>>, vector<16xi32>,
        %mul3A_139 = arith.constant 80 : i32
        %mul3A_140 = arith.muli %add3A_66, %mul3A_139 : i32
        %add3A_141 = arith.constant 64 : i32
        %add3A_142 = arith.addi %mul3A_140, %add3A_141 : i32
        %get3A_143 = arith.index_cast %add3A_142 : i32 to index
        %get3A_144 = tpu.vector_load %arg12[%get3A_143] {strides = array<i32>} : memref<2000xi32, #tpu.memory_space<vmem>>, vector<16xi32>,
        %swap3A_145 = arith.constant 64 : index
        %swap3A_146 = tpu.vector_load %arg18[%swap3A_145] {strides = array<i32>} : memref<80xi32, #tpu.memory_space<vmem>>, vector<16xi32>,
        tpu.vector_store %arg18[%swap3A_145], %get3A_144 {strides = array<i32>} : memref<80xi32, #tpu.memory_space<vmem>>, vector<16xi32>,
        %mul3A_147 = arith.constant 5 : i32
        %mul3A_148 = arith.muli %scan3A_62, %mul3A_147 : i32
        %add3A_149 = arith.constant 1 : i32
        %add3A_150 = arith.addi %mul3A_148, %add3A_149 : i32
        %mul3A_151 = arith.constant 80 : i32
        %mul3A_152 = arith.muli %add3A_150, %mul3A_151 : i32
        %add3A_153 = arith.constant 0 : i32
        %add3A_154 = arith.addi %mul3A_152, %add3A_153 : i32
        %get3A_155 = arith.index_cast %add3A_154 : i32 to index
        %get3A_156 = tpu.vector_load %arg11[%get3A_155] {strides = array<i32>} : memref<2000xi32, #tpu.memory_space<vmem>>, vector<16xi32>,
        %swap3A_157 = arith.constant 0 : index
        %swap3A_158 = tpu.vector_load %arg14[%swap3A_157] {strides = array<i32>} : memref<80xi32, #tpu.memory_space<vmem>>, vector<16xi32>,
        tpu.vector_store %arg14[%swap3A_157], %get3A_156 {strides = array<i32>} : memref<80xi32, #tpu.memory_space<vmem>>, vector<16xi32>,
        %mul3A_159 = arith.constant 80 : i32
        %mul3A_160 = arith.muli %add3A_150, %mul3A_159 : i32
        %add3A_161 = arith.constant 0 : i32
        %add3A_162 = arith.addi %mul3A_160, %add3A_161 : i32
        %get3A_163 = arith.index_cast %add3A_162 : i32 to index
        %get3A_164 = tpu.vector_load %arg12[%get3A_163] {strides = array<i32>} : memref<2000xi32, #tpu.memory_space<vmem>>, vector<16xi32>,
        %swap3A_165 = arith.constant 0 : index
        %swap3A_166 = tpu.vector_load %arg19[%swap3A_165] {strides = array<i32>} : memref<80xi32, #tpu.memory_space<vmem>>, vector<16xi32>,
        tpu.vector_store %arg19[%swap3A_165], %get3A_164 {strides = array<i32>} : memref<80xi32, #tpu.memory_space<vmem>>, vector<16xi32>,
        %mul3A_167 = arith.constant 80 : i32
        %mul3A_168 = arith.muli %add3A_150, %mul3A_167 : i32
        %add3A_169 = arith.constant 16 : i32
        %add3A_170 = arith.addi %mul3A_168, %add3A_169 : i32
        %get3A_171 = arith.index_cast %add3A_170 : i32 to index
        %get3A_172 = tpu.vector_load %arg11[%get3A_171] {strides = array<i32>} : memref<2000xi32, #tpu.memory_space<vmem>>, vector<16xi32>,
        %swap3A_173 = arith.constant 16 : index
        %swap3A_174 = tpu.vector_load %arg14[%swap3A_173] {strides = array<i32>} : memref<80xi32, #tpu.memory_space<vmem>>, vector<16xi32>,
        tpu.vector_store %arg14[%swap3A_173], %get3A_172 {strides = array<i32>} : memref<80xi32, #tpu.memory_space<vmem>>, vector<16xi32>,
        %mul3A_175 = arith.constant 80 : i32
        %mul3A_176 = arith.muli %add3A_150, %mul3A_175 : i32
        %add3A_177 = arith.constant 16 : i32
        %add3A_178 = arith.addi %mul3A_176, %add3A_177 : i32
        %get3A_179 = arith.index_cast %add3A_178 : i32 to index
        %get3A_180 = tpu.vector_load %arg12[%get3A_179] {strides = array<i32>} : memref<2000xi32, #tpu.memory_space<vmem>>, vector<16xi32>,
        %swap3A_181 = arith.constant 16 : index
        %swap3A_182 = tpu.vector_load %arg19[%swap3A_181] {strides = array<i32>} : memref<80xi32, #tpu.memory_space<vmem>>, vector<16xi32>,
        tpu.vector_store %arg19[%swap3A_181], %get3A_180 {strides = array<i32>} : memref<80xi32, #tpu.memory_space<vmem>>, vector<16xi32>,
        %mul3A_183 = arith.constant 80 : i32
        %mul3A_184 = arith.muli %add3A_150, %mul3A_183 : i32
        %add3A_185 = arith.constant 32 : i32
        %add3A_186 = arith.addi %mul3A_184, %add3A_185 : i32
        %get3A_187 = arith.index_cast %add3A_186 : i32 to index
        %get3A_188 = tpu.vector_load %arg11[%get3A_187] {strides = array<i32>} : memref<2000xi32, #tpu.memory_space<vmem>>, vector<16xi32>,
        %swap3A_189 = arith.constant 32 : index
        %swap3A_190 = tpu.vector_load %arg14[%swap3A_189] {strides = array<i32>} : memref<80xi32, #tpu.memory_space<vmem>>, vector<16xi32>,
        tpu.vector_store %arg14[%swap3A_189], %get3A_188 {strides = array<i32>} : memref<80xi32, #tpu.memory_space<vmem>>, vector<16xi32>,
        %mul3A_191 = arith.constant 80 : i32
        %mul3A_192 = arith.muli %add3A_150, %mul3A_191 : i32
        %add3A_193 = arith.constant 32 : i32
        %add3A_194 = arith.addi %mul3A_192, %add3A_193 : i32
        %get3A_195 = arith.index_cast %add3A_194 : i32 to index
        %get3A_196 = tpu.vector_load %arg12[%get3A_195] {strides = array<i32>} : memref<2000xi32, #tpu.memory_space<vmem>>, vector<16xi32>,
        %swap3A_197 = arith.constant 32 : index
        %swap3A_198 = tpu.vector_load %arg19[%swap3A_197] {strides = array<i32>} : memref<80xi32, #tpu.memory_space<vmem>>, vector<16xi32>,
        tpu.vector_store %arg19[%swap3A_197], %get3A_196 {strides = array<i32>} : memref<80xi32, #tpu.memory_space<vmem>>, vector<16xi32>,
        %mul3A_199 = arith.constant 80 : i32
        %mul3A_200 = arith.muli %add3A_150, %mul3A_199 : i32
        %add3A_201 = arith.constant 48 : i32
        %add3A_202 = arith.addi %mul3A_200, %add3A_201 : i32
        %get3A_203 = arith.index_cast %add3A_202 : i32 to index
        %get3A_204 = tpu.vector_load %arg11[%get3A_203] {strides = array<i32>} : memref<2000xi32, #tpu.memory_space<vmem>>, vector<16xi32>,
        %swap3A_205 = arith.constant 48 : index
        %swap3A_206 = tpu.vector_load %arg14[%swap3A_205] {strides = array<i32>} : memref<80xi32, #tpu.memory_space<vmem>>, vector<16xi32>,
        tpu.vector_store %arg14[%swap3A_205], %get3A_204 {strides = array<i32>} : memref<80xi32, #tpu.memory_space<vmem>>, vector<16xi32>,
        %mul3A_207 = arith.constant 80 : i32
        %mul3A_208 = arith.muli %add3A_150, %mul3A_207 : i32
        %add3A_209 = arith.constant 48 : i32
        %add3A_210 = arith.addi %mul3A_208, %add3A_209 : i32
        %get3A_211 = arith.index_cast %add3A_210 : i32 to index
        %get3A_212 = tpu.vector_load %arg12[%get3A_211] {strides = array<i32>} : memref<2000xi32, #tpu.memory_space<vmem>>, vector<16xi32>,
        %swap3A_213 = arith.constant 48 : index
        %swap3A_214 = tpu.vector_load %arg19[%swap3A_213] {strides = array<i32>} : memref<80xi32, #tpu.memory_space<vmem>>, vector<16xi32>,
        tpu.vector_store %arg19[%swap3A_213], %get3A_212 {strides = array<i32>} : memref<80xi32, #tpu.memory_space<vmem>>, vector<16xi32>,
        %mul3A_215 = arith.constant 80 : i32
        %mul3A_216 = arith.muli %add3A_150, %mul3A_215 : i32
        %add3A_217 = arith.constant 64 : i32
        %add3A_218 = arith.addi %mul3A_216, %add3A_217 : i32
        %get3A_219 = arith.index_cast %add3A_218 : i32 to index
        %get3A_220 = tpu.vector_load %arg11[%get3A_219] {strides = array<i32>} : memref<2000xi32, #tpu.memory_space<vmem>>, vector<16xi32>,
        %swap3A_221 = arith.constant 64 : index
        %swap3A_222 = tpu.vector_load %arg14[%swap3A_221] {strides = array<i32>} : memref<80xi32, #tpu.memory_space<vmem>>, vector<16xi32>,
        tpu.vector_store %arg14[%swap3A_221], %get3A_220 {strides = array<i32>} : memref<80xi32, #tpu.memory_space<vmem>>, vector<16xi32>,
        %mul3A_223 = arith.constant 80 : i32
        %mul3A_224 = arith.muli %add3A_150, %mul3A_223 : i32
        %add3A_225 = arith.constant 64 : i32
        %add3A_226 = arith.addi %mul3A_224, %add3A_225 : i32
        %get3A_227 = arith.index_cast %add3A_226 : i32 to index
        %get3A_228 = tpu.vector_load %arg12[%get3A_227] {strides = array<i32>} : memref<2000xi32, #tpu.memory_space<vmem>>, vector<16xi32>,
        %swap3A_229 = arith.constant 64 : index
        %swap3A_230 = tpu.vector_load %arg19[%swap3A_229] {strides = array<i32>} : memref<80xi32, #tpu.memory_space<vmem>>, vector<16xi32>,
        tpu.vector_store %arg19[%swap3A_229], %get3A_228 {strides = array<i32>} : memref<80xi32, #tpu.memory_space<vmem>>, vector<16xi32>,
        %mul3A_231 = arith.constant 5 : i32
        %mul3A_232 = arith.muli %scan3A_62, %mul3A_231 : i32
        %add3A_233 = arith.constant 2 : i32
        %add3A_234 = arith.addi %mul3A_232, %add3A_233 : i32
        %mul3A_235 = arith.constant 80 : i32
        %mul3A_236 = arith.muli %add3A_234, %mul3A_235 : i32
        %add3A_237 = arith.constant 0 : i32
        %add3A_238 = arith.addi %mul3A_236, %add3A_237 : i32
        %get3A_239 = arith.index_cast %add3A_238 : i32 to index
        %get3A_240 = tpu.vector_load %arg11[%get3A_239] {strides = array<i32>} : memref<2000xi32, #tpu.memory_space<vmem>>, vector<16xi32>,
        %swap3A_241 = arith.constant 0 : index
        %swap3A_242 = tpu.vector_load %arg15[%swap3A_241] {strides = array<i32>} : memref<80xi32, #tpu.memory_space<vmem>>, vector<16xi32>,
        tpu.vector_store %arg15[%swap3A_241], %get3A_240 {strides = array<i32>} : memref<80xi32, #tpu.memory_space<vmem>>, vector<16xi32>,
        %mul3A_243 = arith.constant 80 : i32
        %mul3A_244 = arith.muli %add3A_234, %mul3A_243 : i32
        %add3A_245 = arith.constant 0 : i32
        %add3A_246 = arith.addi %mul3A_244, %add3A_245 : i32
        %get3A_247 = arith.index_cast %add3A_246 : i32 to index
        %get3A_248 = tpu.vector_load %arg12[%get3A_247] {strides = array<i32>} : memref<2000xi32, #tpu.memory_space<vmem>>, vector<16xi32>,
        %swap3A_249 = arith.constant 0 : index
        %swap3A_250 = tpu.vector_load %arg20[%swap3A_249] {strides = array<i32>} : memref<80xi32, #tpu.memory_space<vmem>>, vector<16xi32>,
        tpu.vector_store %arg20[%swap3A_249], %get3A_248 {strides = array<i32>} : memref<80xi32, #tpu.memory_space<vmem>>, vector<16xi32>,
        %mul3A_251 = arith.constant 80 : i32
        %mul3A_252 = arith.muli %add3A_234, %mul3A_251 : i32
        %add3A_253 = arith.constant 16 : i32
        %add3A_254 = arith.addi %mul3A_252, %add3A_253 : i32
        %get3A_255 = arith.index_cast %add3A_254 : i32 to index
        %get3A_256 = tpu.vector_load %arg11[%get3A_255] {strides = array<i32>} : memref<2000xi32, #tpu.memory_space<vmem>>, vector<16xi32>,
        %swap3A_257 = arith.constant 16 : index
        %swap3A_258 = tpu.vector_load %arg15[%swap3A_257] {strides = array<i32>} : memref<80xi32, #tpu.memory_space<vmem>>, vector<16xi32>,
        tpu.vector_store %arg15[%swap3A_257], %get3A_256 {strides = array<i32>} : memref<80xi32, #tpu.memory_space<vmem>>, vector<16xi32>,
        %mul3A_259 = arith.constant 80 : i32
        %mul3A_260 = arith.muli %add3A_234, %mul3A_259 : i32
        %add3A_261 = arith.constant 16 : i32
        %add3A_262 = arith.addi %mul3A_260, %add3A_261 : i32
        %get3A_263 = arith.index_cast %add3A_262 : i32 to index
        %get3A_264 = tpu.vector_load %arg12[%get3A_263] {strides = array<i32>} : memref<2000xi32, #tpu.memory_space<vmem>>, vector<16xi32>,
        %swap3A_265 = arith.constant 16 : index
        %swap3A_266 = tpu.vector_load %arg20[%swap3A_265] {strides = array<i32>} : memref<80xi32, #tpu.memory_space<vmem>>, vector<16xi32>,
        tpu.vector_store %arg20[%swap3A_265], %get3A_264 {strides = array<i32>} : memref<80xi32, #tpu.memory_space<vmem>>, vector<16xi32>,
        %mul3A_267 = arith.constant 80 : i32
        %mul3A_268 = arith.muli %add3A_234, %mul3A_267 : i32
        %add3A_269 = arith.constant 32 : i32
        %add3A_270 = arith.addi %mul3A_268, %add3A_269 : i32
        %get3A_271 = arith.index_cast %add3A_270 : i32 to index
        %get3A_272 = tpu.vector_load %arg11[%get3A_271] {strides = array<i32>} : memref<2000xi32, #tpu.memory_space<vmem>>, vector<16xi32>,
        %swap3A_273 = arith.constant 32 : index
        %swap3A_274 = tpu.vector_load %arg15[%swap3A_273] {strides = array<i32>} : memref<80xi32, #tpu.memory_space<vmem>>, vector<16xi32>,
        tpu.vector_store %arg15[%swap3A_273], %get3A_272 {strides = array<i32>} : memref<80xi32, #tpu.memory_space<vmem>>, vector<16xi32>,
        %mul3A_275 = arith.constant 80 : i32
        %mul3A_276 = arith.muli %add3A_234, %mul3A_275 : i32
        %add3A_277 = arith.constant 32 : i32
        %add3A_278 = arith.addi %mul3A_276, %add3A_277 : i32
        %get3A_279 = arith.index_cast %add3A_278 : i32 to index
        %get3A_280 = tpu.vector_load %arg12[%get3A_279] {strides = array<i32>} : memref<2000xi32, #tpu.memory_space<vmem>>, vector<16xi32>,
        %swap3A_281 = arith.constant 32 : index
        %swap3A_282 = tpu.vector_load %arg20[%swap3A_281] {strides = array<i32>} : memref<80xi32, #tpu.memory_space<vmem>>, vector<16xi32>,
        tpu.vector_store %arg20[%swap3A_281], %get3A_280 {strides = array<i32>} : memref<80xi32, #tpu.memory_space<vmem>>, vector<16xi32>,
        %mul3A_283 = arith.constant 80 : i32
        %mul3A_284 = arith.muli %add3A_234, %mul3A_283 : i32
        %add3A_285 = arith.constant 48 : i32
        %add3A_286 = arith.addi %mul3A_284, %add3A_285 : i32
        %get3A_287 = arith.index_cast %add3A_286 : i32 to index
        %get3A_288 = tpu.vector_load %arg11[%get3A_287] {strides = array<i32>} : memref<2000xi32, #tpu.memory_space<vmem>>, vector<16xi32>,
        %swap3A_289 = arith.constant 48 : index
        %swap3A_290 = tpu.vector_load %arg15[%swap3A_289] {strides = array<i32>} : memref<80xi32, #tpu.memory_space<vmem>>, vector<16xi32>,
        tpu.vector_store %arg15[%swap3A_289], %get3A_288 {strides = array<i32>} : memref<80xi32, #tpu.memory_space<vmem>>, vector<16xi32>,
        %mul3A_291 = arith.constant 80 : i32
        %mul3A_292 = arith.muli %add3A_234, %mul3A_291 : i32
        %add3A_293 = arith.constant 48 : i32
        %add3A_294 = arith.addi %mul3A_292, %add3A_293 : i32
        %get3A_295 = arith.index_cast %add3A_294 : i32 to index
        %get3A_296 = tpu.vector_load %arg12[%get3A_295] {strides = array<i32>} : memref<2000xi32, #tpu.memory_space<vmem>>, vector<16xi32>,
        %swap3A_297 = arith.constant 48 : index
        %swap3A_298 = tpu.vector_load %arg20[%swap3A_297] {strides = array<i32>} : memref<80xi32, #tpu.memory_space<vmem>>, vector<16xi32>,
        tpu.vector_store %arg20[%swap3A_297], %get3A_296 {strides = array<i32>} : memref<80xi32, #tpu.memory_space<vmem>>, vector<16xi32>,
        %mul3A_299 = arith.constant 80 : i32
        %mul3A_300 = arith.muli %add3A_234, %mul3A_299 : i32
        %add3A_301 = arith.constant 64 : i32
        %add3A_302 = arith.addi %mul3A_300, %add3A_301 : i32
        %get3A_303 = arith.index_cast %add3A_302 : i32 to index
        %get3A_304 = tpu.vector_load %arg11[%get3A_303] {strides = array<i32>} : memref<2000xi32, #tpu.memory_space<vmem>>, vector<16xi32>,
        %swap3A_305 = arith.constant 64 : index
        %swap3A_306 = tpu.vector_load %arg15[%swap3A_305] {strides = array<i32>} : memref<80xi32, #tpu.memory_space<vmem>>, vector<16xi32>,
        tpu.vector_store %arg15[%swap3A_305], %get3A_304 {strides = array<i32>} : memref<80xi32, #tpu.memory_space<vmem>>, vector<16xi32>,
        %mul3A_307 = arith.constant 80 : i32
        %mul3A_308 = arith.muli %add3A_234, %mul3A_307 : i32
        %add3A_309 = arith.constant 64 : i32
        %add3A_310 = arith.addi %mul3A_308, %add3A_309 : i32
        %get3A_311 = arith.index_cast %add3A_310 : i32 to index
        %get3A_312 = tpu.vector_load %arg12[%get3A_311] {strides = array<i32>} : memref<2000xi32, #tpu.memory_space<vmem>>, vector<16xi32>,
        %swap3A_313 = arith.constant 64 : index
        %swap3A_314 = tpu.vector_load %arg20[%swap3A_313] {strides = array<i32>} : memref<80xi32, #tpu.memory_space<vmem>>, vector<16xi32>,
        tpu.vector_store %arg20[%swap3A_313], %get3A_312 {strides = array<i32>} : memref<80xi32, #tpu.memory_space<vmem>>, vector<16xi32>,
        %mul3A_315 = arith.constant 5 : i32
        %mul3A_316 = arith.muli %scan3A_62, %mul3A_315 : i32
        %add3A_317 = arith.constant 3 : i32
        %add3A_318 = arith.addi %mul3A_316, %add3A_317 : i32
        %mul3A_319 = arith.constant 80 : i32
        %mul3A_320 = arith.muli %add3A_318, %mul3A_319 : i32
        %add3A_321 = arith.constant 0 : i32
        %add3A_322 = arith.addi %mul3A_320, %add3A_321 : i32
        %get3A_323 = arith.index_cast %add3A_322 : i32 to index
        %get3A_324 = tpu.vector_load %arg11[%get3A_323] {strides = array<i32>} : memref<2000xi32, #tpu.memory_space<vmem>>, vector<16xi32>,
        %swap3A_325 = arith.constant 0 : index
        %swap3A_326 = tpu.vector_load %arg16[%swap3A_325] {strides = array<i32>} : memref<80xi32, #tpu.memory_space<vmem>>, vector<16xi32>,
        tpu.vector_store %arg16[%swap3A_325], %get3A_324 {strides = array<i32>} : memref<80xi32, #tpu.memory_space<vmem>>, vector<16xi32>,
        %mul3A_327 = arith.constant 80 : i32
        %mul3A_328 = arith.muli %add3A_318, %mul3A_327 : i32
        %add3A_329 = arith.constant 0 : i32
        %add3A_330 = arith.addi %mul3A_328, %add3A_329 : i32
        %get3A_331 = arith.index_cast %add3A_330 : i32 to index
        %get3A_332 = tpu.vector_load %arg12[%get3A_331] {strides = array<i32>} : memref<2000xi32, #tpu.memory_space<vmem>>, vector<16xi32>,
        %swap3A_333 = arith.constant 0 : index
        %swap3A_334 = tpu.vector_load %arg21[%swap3A_333] {strides = array<i32>} : memref<80xi32, #tpu.memory_space<vmem>>, vector<16xi32>,
        tpu.vector_store %arg21[%swap3A_333], %get3A_332 {strides = array<i32>} : memref<80xi32, #tpu.memory_space<vmem>>, vector<16xi32>,
        %mul3A_335 = arith.constant 80 : i32
        %mul3A_336 = arith.muli %add3A_318, %mul3A_335 : i32
        %add3A_337 = arith.constant 16 : i32
        %add3A_338 = arith.addi %mul3A_336, %add3A_337 : i32
        %get3A_339 = arith.index_cast %add3A_338 : i32 to index
        %get3A_340 = tpu.vector_load %arg11[%get3A_339] {strides = array<i32>} : memref<2000xi32, #tpu.memory_space<vmem>>, vector<16xi32>,
        %swap3A_341 = arith.constant 16 : index
        %swap3A_342 = tpu.vector_load %arg16[%swap3A_341] {strides = array<i32>} : memref<80xi32, #tpu.memory_space<vmem>>, vector<16xi32>,
        tpu.vector_store %arg16[%swap3A_341], %get3A_340 {strides = array<i32>} : memref<80xi32, #tpu.memory_space<vmem>>, vector<16xi32>,
        %mul3A_343 = arith.constant 80 : i32
        %mul3A_344 = arith.muli %add3A_318, %mul3A_343 : i32
        %add3A_345 = arith.constant 16 : i32
        %add3A_346 = arith.addi %mul3A_344, %add3A_345 : i32
        %get3A_347 = arith.index_cast %add3A_346 : i32 to index
        %get3A_348 = tpu.vector_load %arg12[%get3A_347] {strides = array<i32>} : memref<2000xi32, #tpu.memory_space<vmem>>, vector<16xi32>,
        %swap3A_349 = arith.constant 16 : index
        %swap3A_350 = tpu.vector_load %arg21[%swap3A_349] {strides = array<i32>} : memref<80xi32, #tpu.memory_space<vmem>>, vector<16xi32>,
        tpu.vector_store %arg21[%swap3A_349], %get3A_348 {strides = array<i32>} : memref<80xi32, #tpu.memory_space<vmem>>, vector<16xi32>,
        %mul3A_351 = arith.constant 80 : i32
        %mul3A_352 = arith.muli %add3A_318, %mul3A_351 : i32
        %add3A_353 = arith.constant 32 : i32
        %add3A_354 = arith.addi %mul3A_352, %add3A_353 : i32
        %get3A_355 = arith.index_cast %add3A_354 : i32 to index
        %get3A_356 = tpu.vector_load %arg11[%get3A_355] {strides = array<i32>} : memref<2000xi32, #tpu.memory_space<vmem>>, vector<16xi32>,
        %swap3A_357 = arith.constant 32 : index
        %swap3A_358 = tpu.vector_load %arg16[%swap3A_357] {strides = array<i32>} : memref<80xi32, #tpu.memory_space<vmem>>, vector<16xi32>,
        tpu.vector_store %arg16[%swap3A_357], %get3A_356 {strides = array<i32>} : memref<80xi32, #tpu.memory_space<vmem>>, vector<16xi32>,
        %mul3A_359 = arith.constant 80 : i32
        %mul3A_360 = arith.muli %add3A_318, %mul3A_359 : i32
        %add3A_361 = arith.constant 32 : i32
        %add3A_362 = arith.addi %mul3A_360, %add3A_361 : i32
        %get3A_363 = arith.index_cast %add3A_362 : i32 to index
        %get3A_364 = tpu.vector_load %arg12[%get3A_363] {strides = array<i32>} : memref<2000xi32, #tpu.memory_space<vmem>>, vector<16xi32>,
        %swap3A_365 = arith.constant 32 : index
        %swap3A_366 = tpu.vector_load %arg21[%swap3A_365] {strides = array<i32>} : memref<80xi32, #tpu.memory_space<vmem>>, vector<16xi32>,
        tpu.vector_store %arg21[%swap3A_365], %get3A_364 {strides = array<i32>} : memref<80xi32, #tpu.memory_space<vmem>>, vector<16xi32>,
        %mul3A_367 = arith.constant 80 : i32
        %mul3A_368 = arith.muli %add3A_318, %mul3A_367 : i32
        %add3A_369 = arith.constant 48 : i32
        %add3A_370 = arith.addi %mul3A_368, %add3A_369 : i32
        %get3A_371 = arith.index_cast %add3A_370 : i32 to index
        %get3A_372 = tpu.vector_load %arg11[%get3A_371] {strides = array<i32>} : memref<2000xi32, #tpu.memory_space<vmem>>, vector<16xi32>,
        %swap3A_373 = arith.constant 48 : index
        %swap3A_374 = tpu.vector_load %arg16[%swap3A_373] {strides = array<i32>} : memref<80xi32, #tpu.memory_space<vmem>>, vector<16xi32>,
        tpu.vector_store %arg16[%swap3A_373], %get3A_372 {strides = array<i32>} : memref<80xi32, #tpu.memory_space<vmem>>, vector<16xi32>,
        %mul3A_375 = arith.constant 80 : i32
        %mul3A_376 = arith.muli %add3A_318, %mul3A_375 : i32
        %add3A_377 = arith.constant 48 : i32
        %add3A_378 = arith.addi %mul3A_376, %add3A_377 : i32
        %get3A_379 = arith.index_cast %add3A_378 : i32 to index
        %get3A_380 = tpu.vector_load %arg12[%get3A_379] {strides = array<i32>} : memref<2000xi32, #tpu.memory_space<vmem>>, vector<16xi32>,
        %swap3A_381 = arith.constant 48 : index
        %swap3A_382 = tpu.vector_load %arg21[%swap3A_381] {strides = array<i32>} : memref<80xi32, #tpu.memory_space<vmem>>, vector<16xi32>,
        tpu.vector_store %arg21[%swap3A_381], %get3A_380 {strides = array<i32>} : memref<80xi32, #tpu.memory_space<vmem>>, vector<16xi32>,
        %mul3A_383 = arith.constant 80 : i32
        %mul3A_384 = arith.muli %add3A_318, %mul3A_383 : i32
        %add3A_385 = arith.constant 64 : i32
        %add3A_386 = arith.addi %mul3A_384, %add3A_385 : i32
        %get3A_387 = arith.index_cast %add3A_386 : i32 to index
        %get3A_388 = tpu.vector_load %arg11[%get3A_387] {strides = array<i32>} : memref<2000xi32, #tpu.memory_space<vmem>>, vector<16xi32>,
        %swap3A_389 = arith.constant 64 : index
        %swap3A_390 = tpu.vector_load %arg16[%swap3A_389] {strides = array<i32>} : memref<80xi32, #tpu.memory_space<vmem>>, vector<16xi32>,
        tpu.vector_store %arg16[%swap3A_389], %get3A_388 {strides = array<i32>} : memref<80xi32, #tpu.memory_space<vmem>>, vector<16xi32>,
        %mul3A_391 = arith.constant 80 : i32
        %mul3A_392 = arith.muli %add3A_318, %mul3A_391 : i32
        %add3A_393 = arith.constant 64 : i32
        %add3A_394 = arith.addi %mul3A_392, %add3A_393 : i32
        %get3A_395 = arith.index_cast %add3A_394 : i32 to index
        %get3A_396 = tpu.vector_load %arg12[%get3A_395] {strides = array<i32>} : memref<2000xi32, #tpu.memory_space<vmem>>, vector<16xi32>,
        %swap3A_397 = arith.constant 64 : index
        %swap3A_398 = tpu.vector_load %arg21[%swap3A_397] {strides = array<i32>} : memref<80xi32, #tpu.memory_space<vmem>>, vector<16xi32>,
        tpu.vector_store %arg21[%swap3A_397], %get3A_396 {strides = array<i32>} : memref<80xi32, #tpu.memory_space<vmem>>, vector<16xi32>,
        %mul3A_399 = arith.constant 5 : i32
        %mul3A_400 = arith.muli %scan3A_62, %mul3A_399 : i32
        %add3A_401 = arith.constant 4 : i32
        %add3A_402 = arith.addi %mul3A_400, %add3A_401 : i32
        %mul3A_403 = arith.constant 80 : i32
        %mul3A_404 = arith.muli %add3A_402, %mul3A_403 : i32
        %add3A_405 = arith.constant 0 : i32
        %add3A_406 = arith.addi %mul3A_404, %add3A_405 : i32
        %get3A_407 = arith.index_cast %add3A_406 : i32 to index
        %get3A_408 = tpu.vector_load %arg11[%get3A_407] {strides = array<i32>} : memref<2000xi32, #tpu.memory_space<vmem>>, vector<16xi32>,
        %swap3A_409 = arith.constant 0 : index
        %swap3A_410 = tpu.vector_load %arg17[%swap3A_409] {strides = array<i32>} : memref<80xi32, #tpu.memory_space<vmem>>, vector<16xi32>,
        tpu.vector_store %arg17[%swap3A_409], %get3A_408 {strides = array<i32>} : memref<80xi32, #tpu.memory_space<vmem>>, vector<16xi32>,
        %mul3A_411 = arith.constant 80 : i32
        %mul3A_412 = arith.muli %add3A_402, %mul3A_411 : i32
        %add3A_413 = arith.constant 0 : i32
        %add3A_414 = arith.addi %mul3A_412, %add3A_413 : i32
        %get3A_415 = arith.index_cast %add3A_414 : i32 to index
        %get3A_416 = tpu.vector_load %arg12[%get3A_415] {strides = array<i32>} : memref<2000xi32, #tpu.memory_space<vmem>>, vector<16xi32>,
        %swap3A_417 = arith.constant 0 : index
        %swap3A_418 = tpu.vector_load %arg22[%swap3A_417] {strides = array<i32>} : memref<80xi32, #tpu.memory_space<vmem>>, vector<16xi32>,
        tpu.vector_store %arg22[%swap3A_417], %get3A_416 {strides = array<i32>} : memref<80xi32, #tpu.memory_space<vmem>>, vector<16xi32>,
        %mul3A_419 = arith.constant 80 : i32
        %mul3A_420 = arith.muli %add3A_402, %mul3A_419 : i32
        %add3A_421 = arith.constant 16 : i32
        %add3A_422 = arith.addi %mul3A_420, %add3A_421 : i32
        %get3A_423 = arith.index_cast %add3A_422 : i32 to index
        %get3A_424 = tpu.vector_load %arg11[%get3A_423] {strides = array<i32>} : memref<2000xi32, #tpu.memory_space<vmem>>, vector<16xi32>,
        %swap3A_425 = arith.constant 16 : index
        %swap3A_426 = tpu.vector_load %arg17[%swap3A_425] {strides = array<i32>} : memref<80xi32, #tpu.memory_space<vmem>>, vector<16xi32>,
        tpu.vector_store %arg17[%swap3A_425], %get3A_424 {strides = array<i32>} : memref<80xi32, #tpu.memory_space<vmem>>, vector<16xi32>,
        %mul3A_427 = arith.constant 80 : i32
        %mul3A_428 = arith.muli %add3A_402, %mul3A_427 : i32
        %add3A_429 = arith.constant 16 : i32
        %add3A_430 = arith.addi %mul3A_428, %add3A_429 : i32
        %get3A_431 = arith.index_cast %add3A_430 : i32 to index
        %get3A_432 = tpu.vector_load %arg12[%get3A_431] {strides = array<i32>} : memref<2000xi32, #tpu.memory_space<vmem>>, vector<16xi32>,
        %swap3A_433 = arith.constant 16 : index
        %swap3A_434 = tpu.vector_load %arg22[%swap3A_433] {strides = array<i32>} : memref<80xi32, #tpu.memory_space<vmem>>, vector<16xi32>,
        tpu.vector_store %arg22[%swap3A_433], %get3A_432 {strides = array<i32>} : memref<80xi32, #tpu.memory_space<vmem>>, vector<16xi32>,
        %mul3A_435 = arith.constant 80 : i32
        %mul3A_436 = arith.muli %add3A_402, %mul3A_435 : i32
        %add3A_437 = arith.constant 32 : i32
        %add3A_438 = arith.addi %mul3A_436, %add3A_437 : i32
        %get3A_439 = arith.index_cast %add3A_438 : i32 to index
        %get3A_440 = tpu.vector_load %arg11[%get3A_439] {strides = array<i32>} : memref<2000xi32, #tpu.memory_space<vmem>>, vector<16xi32>,
        %swap3A_441 = arith.constant 32 : index
        %swap3A_442 = tpu.vector_load %arg17[%swap3A_441] {strides = array<i32>} : memref<80xi32, #tpu.memory_space<vmem>>, vector<16xi32>,
        tpu.vector_store %arg17[%swap3A_441], %get3A_440 {strides = array<i32>} : memref<80xi32, #tpu.memory_space<vmem>>, vector<16xi32>,
        %mul3A_443 = arith.constant 80 : i32
        %mul3A_444 = arith.muli %add3A_402, %mul3A_443 : i32
        %add3A_445 = arith.constant 32 : i32
        %add3A_446 = arith.addi %mul3A_444, %add3A_445 : i32
        %get3A_447 = arith.index_cast %add3A_446 : i32 to index
        %get3A_448 = tpu.vector_load %arg12[%get3A_447] {strides = array<i32>} : memref<2000xi32, #tpu.memory_space<vmem>>, vector<16xi32>,
        %swap3A_449 = arith.constant 32 : index
        %swap3A_450 = tpu.vector_load %arg22[%swap3A_449] {strides = array<i32>} : memref<80xi32, #tpu.memory_space<vmem>>, vector<16xi32>,
        tpu.vector_store %arg22[%swap3A_449], %get3A_448 {strides = array<i32>} : memref<80xi32, #tpu.memory_space<vmem>>, vector<16xi32>,
        %mul3A_451 = arith.constant 80 : i32
        %mul3A_452 = arith.muli %add3A_402, %mul3A_451 : i32
        %add3A_453 = arith.constant 48 : i32
        %add3A_454 = arith.addi %mul3A_452, %add3A_453 : i32
        %get3A_455 = arith.index_cast %add3A_454 : i32 to index
        %get3A_456 = tpu.vector_load %arg11[%get3A_455] {strides = array<i32>} : memref<2000xi32, #tpu.memory_space<vmem>>, vector<16xi32>,
        %swap3A_457 = arith.constant 48 : index
        %swap3A_458 = tpu.vector_load %arg17[%swap3A_457] {strides = array<i32>} : memref<80xi32, #tpu.memory_space<vmem>>, vector<16xi32>,
        tpu.vector_store %arg17[%swap3A_457], %get3A_456 {strides = array<i32>} : memref<80xi32, #tpu.memory_space<vmem>>, vector<16xi32>,
        %mul3A_459 = arith.constant 80 : i32
        %mul3A_460 = arith.muli %add3A_402, %mul3A_459 : i32
        %add3A_461 = arith.constant 48 : i32
        %add3A_462 = arith.addi %mul3A_460, %add3A_461 : i32
        %get3A_463 = arith.index_cast %add3A_462 : i32 to index
        %get3A_464 = tpu.vector_load %arg12[%get3A_463] {strides = array<i32>} : memref<2000xi32, #tpu.memory_space<vmem>>, vector<16xi32>,
        %swap3A_465 = arith.constant 48 : index
        %swap3A_466 = tpu.vector_load %arg22[%swap3A_465] {strides = array<i32>} : memref<80xi32, #tpu.memory_space<vmem>>, vector<16xi32>,
        tpu.vector_store %arg22[%swap3A_465], %get3A_464 {strides = array<i32>} : memref<80xi32, #tpu.memory_space<vmem>>, vector<16xi32>,
        %mul3A_467 = arith.constant 80 : i32
        %mul3A_468 = arith.muli %add3A_402, %mul3A_467 : i32
        %add3A_469 = arith.constant 64 : i32
        %add3A_470 = arith.addi %mul3A_468, %add3A_469 : i32
        %get3A_471 = arith.index_cast %add3A_470 : i32 to index
        %get3A_472 = tpu.vector_load %arg11[%get3A_471] {strides = array<i32>} : memref<2000xi32, #tpu.memory_space<vmem>>, vector<16xi32>,
        %swap3A_473 = arith.constant 64 : index
        %swap3A_474 = tpu.vector_load %arg17[%swap3A_473] {strides = array<i32>} : memref<80xi32, #tpu.memory_space<vmem>>, vector<16xi32>,
        tpu.vector_store %arg17[%swap3A_473], %get3A_472 {strides = array<i32>} : memref<80xi32, #tpu.memory_space<vmem>>, vector<16xi32>,
        %mul3A_475 = arith.constant 80 : i32
        %mul3A_476 = arith.muli %add3A_402, %mul3A_475 : i32
        %add3A_477 = arith.constant 64 : i32
        %add3A_478 = arith.addi %mul3A_476, %add3A_477 : i32
        %get3A_479 = arith.index_cast %add3A_478 : i32 to index
        %get3A_480 = tpu.vector_load %arg12[%get3A_479] {strides = array<i32>} : memref<2000xi32, #tpu.memory_space<vmem>>, vector<16xi32>,
        %swap3A_481 = arith.constant 64 : index
        %swap3A_482 = tpu.vector_load %arg22[%swap3A_481] {strides = array<i32>} : memref<80xi32, #tpu.memory_space<vmem>>, vector<16xi32>,
        tpu.vector_store %arg22[%swap3A_481], %get3A_480 {strides = array<i32>} : memref<80xi32, #tpu.memory_space<vmem>>, vector<16xi32>,
        %dma_start3A = arith.constant 0 : i32
        %dma_start3A_483 = arith.constant 0 : i32
        %dma_start3A_484 = tpu.memref_slice %arg7[%dma_start3A, %dma_start3A_483] : memref<10000x128xf32, #tpu.memory_space<hbm>> -> memref<10000x128xf32, #tpu.memory_space<hbm>>
        tpu.enqueue_indirect_dma source(%dma_start3A_484 : memref<10000x128xf32, #tpu.memory_space<hbm>>) target(%arg38 : memref<80x128xf32, #tpu.memory_space<vmem>>) offsets(%arg13 : memref<80xi32, #tpu.memory_space<vmem>>) semaphore(%arg47 : memref<!tpu.dma_semaphore, #tpu.memory_space<semaphore_mem>>)
        %dma_start3A_485 = arith.constant 0 : i32
        %dma_start3A_486 = arith.constant 0 : i32
        %dma_start3A_487 = tpu.memref_slice %arg7[%dma_start3A_485, %dma_start3A_486] : memref<10000x128xf32, #tpu.memory_space<hbm>> -> memref<10000x128xf32, #tpu.memory_space<hbm>>
        tpu.enqueue_indirect_dma source(%dma_start3A_487 : memref<10000x128xf32, #tpu.memory_space<hbm>>) target(%arg39 : memref<80x128xf32, #tpu.memory_space<vmem>>) offsets(%arg14 : memref<80xi32, #tpu.memory_space<vmem>>) semaphore(%arg48 : memref<!tpu.dma_semaphore, #tpu.memory_space<semaphore_mem>>)
        %dma_start3A_488 = arith.constant 0 : i32
        %dma_start3A_489 = arith.constant 0 : i32
        %dma_start3A_490 = tpu.memref_slice %arg7[%dma_start3A_488, %dma_start3A_489] : memref<10000x128xf32, #tpu.memory_space<hbm>> -> memref<10000x128xf32, #tpu.memory_space<hbm>>
        tpu.enqueue_indirect_dma source(%dma_start3A_490 : memref<10000x128xf32, #tpu.memory_space<hbm>>) target(%arg40 : memref<80x128xf32, #tpu.memory_space<vmem>>) offsets(%arg15 : memref<80xi32, #tpu.memory_space<vmem>>) semaphore(%arg49 : memref<!tpu.dma_semaphore, #tpu.memory_space<semaphore_mem>>)
        %dma_start3A_491 = arith.constant 0 : i32
        %dma_start3A_492 = arith.constant 0 : i32
        %dma_start3A_493 = tpu.memref_slice %arg7[%dma_start3A_491, %dma_start3A_492] : memref<10000x128xf32, #tpu.memory_space<hbm>> -> memref<10000x128xf32, #tpu.memory_space<hbm>>
        tpu.enqueue_indirect_dma source(%dma_start3A_493 : memref<10000x128xf32, #tpu.memory_space<hbm>>) target(%arg41 : memref<80x128xf32, #tpu.memory_space<vmem>>) offsets(%arg16 : memref<80xi32, #tpu.memory_space<vmem>>) semaphore(%arg50 : memref<!tpu.dma_semaphore, #tpu.memory_space<semaphore_mem>>)
        %dma_start3A_494 = arith.constant 0 : i32
        %dma_start3A_495 = tpu.memref_slice %arg43[%dma_start3A_494] : memref<10000xf32, #tpu.memory_space<vmem_shared>> -> memref<10000xf32, #tpu.memory_space<vmem_shared>>
        tpu.enqueue_indirect_dma source(%dma_start3A_495 : memref<10000xf32, #tpu.memory_space<vmem_shared>>) target(%arg28 : memref<80xf32, #tpu.memory_space<vmem>>) offsets(%arg13 : memref<80xi32, #tpu.memory_space<vmem>>) semaphore(%arg61 : memref<!tpu.dma_semaphore, #tpu.memory_space<semaphore_mem>>)
        %dma_start3A_496 = arith.constant 0 : i32
        %dma_start3A_497 = tpu.memref_slice %arg44[%dma_start3A_496] : memref<10000xf32, #tpu.memory_space<vmem_shared>> -> memref<10000xf32, #tpu.memory_space<vmem_shared>>
        tpu.enqueue_indirect_dma source(%dma_start3A_497 : memref<10000xf32, #tpu.memory_space<vmem_shared>>) target(%arg33 : memref<80xf32, #tpu.memory_space<vmem>>) offsets(%arg18 : memref<80xi32, #tpu.memory_space<vmem>>) semaphore(%arg62 : memref<!tpu.dma_semaphore, #tpu.memory_space<semaphore_mem>>)
        %dma_start3A_498 = arith.constant 0 : i32
        %dma_start3A_499 = tpu.memref_slice %arg43[%dma_start3A_498] : memref<10000xf32, #tpu.memory_space<vmem_shared>> -> memref<10000xf32, #tpu.memory_space<vmem_shared>>
        tpu.enqueue_indirect_dma source(%dma_start3A_499 : memref<10000xf32, #tpu.memory_space<vmem_shared>>) target(%arg29 : memref<80xf32, #tpu.memory_space<vmem>>) offsets(%arg14 : memref<80xi32, #tpu.memory_space<vmem>>) semaphore(%arg63 : memref<!tpu.dma_semaphore, #tpu.memory_space<semaphore_mem>>)
        %dma_start3A_500 = arith.constant 0 : i32
        %dma_start3A_501 = tpu.memref_slice %arg44[%dma_start3A_500] : memref<10000xf32, #tpu.memory_space<vmem_shared>> -> memref<10000xf32, #tpu.memory_space<vmem_shared>>
        tpu.enqueue_indirect_dma source(%dma_start3A_501 : memref<10000xf32, #tpu.memory_space<vmem_shared>>) target(%arg34 : memref<80xf32, #tpu.memory_space<vmem>>) offsets(%arg19 : memref<80xi32, #tpu.memory_space<vmem>>) semaphore(%arg64 : memref<!tpu.dma_semaphore, #tpu.memory_space<semaphore_mem>>)
        %dma_start3A_502 = arith.constant 0 : i32
        %dma_start3A_503 = tpu.memref_slice %arg43[%dma_start3A_502] : memref<10000xf32, #tpu.memory_space<vmem_shared>> -> memref<10000xf32, #tpu.memory_space<vmem_shared>>
        tpu.enqueue_indirect_dma source(%dma_start3A_503 : memref<10000xf32, #tpu.memory_space<vmem_shared>>) target(%arg30 : memref<80xf32, #tpu.memory_space<vmem>>) offsets(%arg15 : memref<80xi32, #tpu.memory_space<vmem>>) semaphore(%arg65 : memref<!tpu.dma_semaphore, #tpu.memory_space<semaphore_mem>>)
        %dma_start3A_504 = arith.constant 0 : i32
        %dma_start3A_505 = tpu.memref_slice %arg44[%dma_start3A_504] : memref<10000xf32, #tpu.memory_space<vmem_shared>> -> memref<10000xf32, #tpu.memory_space<vmem_shared>>
        tpu.enqueue_indirect_dma source(%dma_start3A_505 : memref<10000xf32, #tpu.memory_space<vmem_shared>>) target(%arg35 : memref<80xf32, #tpu.memory_space<vmem>>) offsets(%arg20 : memref<80xi32, #tpu.memory_space<vmem>>) semaphore(%arg66 : memref<!tpu.dma_semaphore, #tpu.memory_space<semaphore_mem>>)
        %dma_start3A_506 = arith.constant 0 : i32
        %dma_start3A_507 = tpu.memref_slice %arg43[%dma_start3A_506] : memref<10000xf32, #tpu.memory_space<vmem_shared>> -> memref<10000xf32, #tpu.memory_space<vmem_shared>>
        tpu.enqueue_indirect_dma source(%dma_start3A_507 : memref<10000xf32, #tpu.memory_space<vmem_shared>>) target(%arg31 : memref<80xf32, #tpu.memory_space<vmem>>) offsets(%arg16 : memref<80xi32, #tpu.memory_space<vmem>>) semaphore(%arg67 : memref<!tpu.dma_semaphore, #tpu.memory_space<semaphore_mem>>)
        %dma_start3A_508 = arith.constant 0 : i32
        %dma_start3A_509 = tpu.memref_slice %arg44[%dma_start3A_508] : memref<10000xf32, #tpu.memory_space<vmem_shared>> -> memref<10000xf32, #tpu.memory_space<vmem_shared>>
        tpu.enqueue_indirect_dma source(%dma_start3A_509 : memref<10000xf32, #tpu.memory_space<vmem_shared>>) target(%arg36 : memref<80xf32, #tpu.memory_space<vmem>>) offsets(%arg21 : memref<80xi32, #tpu.memory_space<vmem>>) semaphore(%arg68 : memref<!tpu.dma_semaphore, #tpu.memory_space<semaphore_mem>>)
        %dma_start3A_510 = arith.constant 0 : i32
        %dma_start3A_511 = tpu.memref_slice %arg43[%dma_start3A_510] : memref<10000xf32, #tpu.memory_space<vmem_shared>> -> memref<10000xf32, #tpu.memory_space<vmem_shared>>
        tpu.enqueue_indirect_dma source(%dma_start3A_511 : memref<10000xf32, #tpu.memory_space<vmem_shared>>) target(%arg32 : memref<80xf32, #tpu.memory_space<vmem>>) offsets(%arg17 : memref<80xi32, #tpu.memory_space<vmem>>) semaphore(%arg69 : memref<!tpu.dma_semaphore, #tpu.memory_space<semaphore_mem>>)
        %dma_start3A_512 = arith.constant 0 : i32
        %dma_start3A_513 = tpu.memref_slice %arg44[%dma_start3A_512] : memref<10000xf32, #tpu.memory_space<vmem_shared>> -> memref<10000xf32, #tpu.memory_space<vmem_shared>>
        tpu.enqueue_indirect_dma source(%dma_start3A_513 : memref<10000xf32, #tpu.memory_space<vmem_shared>>) target(%arg37 : memref<80xf32, #tpu.memory_space<vmem>>) offsets(%arg22 : memref<80xi32, #tpu.memory_space<vmem>>) semaphore(%arg70 : memref<!tpu.dma_semaphore, #tpu.memory_space<semaphore_mem>>)
        %dma_wait3A = arith.constant 0 : i32
        %dma_wait3A_514 = tpu.memref_slice %arg43[%dma_wait3A] : memref<10000xf32, #tpu.memory_space<vmem_shared>> -> memref<10000xf32, #tpu.memory_space<vmem_shared>>
        tpu.wait_indirect_dma semaphore(%arg61 : memref<!tpu.dma_semaphore, #tpu.memory_space<semaphore_mem>>) src(%dma_wait3A_514 : memref<10000xf32, #tpu.memory_space<vmem_shared>>) dst(%arg28 : memref<80xf32, #tpu.memory_space<vmem>>)
        %dma_wait3A_515 = arith.constant 0 : i32
        %dma_wait3A_516 = tpu.memref_slice %arg44[%dma_wait3A_515] : memref<10000xf32, #tpu.memory_space<vmem_shared>> -> memref<10000xf32, #tpu.memory_space<vmem_shared>>
        tpu.wait_indirect_dma semaphore(%arg62 : memref<!tpu.dma_semaphore, #tpu.memory_space<semaphore_mem>>) src(%dma_wait3A_516 : memref<10000xf32, #tpu.memory_space<vmem_shared>>) dst(%arg33 : memref<80xf32, #tpu.memory_space<vmem>>)
        %get3A_517 = arith.constant 0 : index
        %get3A_518 = tpu.vector_load %arg28[%get3A_517] {strides = array<i32>} : memref<80xf32, #tpu.memory_space<vmem>>, vector<16xf32>,
        %get3A_519 = arith.constant 0 : index
        %get3A_520 = tpu.vector_load %arg33[%get3A_519] {strides = array<i32>} : memref<80xf32, #tpu.memory_space<vmem>>, vector<16xf32>,
        %add3A_521 = arith.addf %get3A_518, %get3A_520 : vector<16xf32>
        %gt3A = arith.constant 0.000000e+00 : f32
        %gt3A_522 = vector.broadcast %gt3A : f32 to vector<16xf32>
        %gt3A_523 = arith.cmpf ogt, %add3A_521, %gt3A_522 : vector<16xf32>
        %mul3A_524 = arith.constant 2.000000e-01 : f32
        %mul3A_525 = vector.broadcast %mul3A_524 : f32 to vector<16xf32>
        %mul3A_526 = arith.mulf %mul3A_525, %add3A_521 : vector<16xf32>
        %select_n3A = arith.select %gt3A_523, %add3A_521, %mul3A_526 : vector<16xi1>, vector<16xf32>
        %add3A_527 = arith.addf %get3A_28, %get3A_520 : vector<16xf32>
        %gt3A_528 = arith.constant 0.000000e+00 : f32
        %gt3A_529 = vector.broadcast %gt3A_528 : f32 to vector<16xf32>
        %gt3A_530 = arith.cmpf ogt, %add3A_527, %gt3A_529 : vector<16xf32>
        %mul3A_531 = arith.constant 2.000000e-01 : f32
        %mul3A_532 = vector.broadcast %mul3A_531 : f32 to vector<16xf32>
        %mul3A_533 = arith.mulf %mul3A_532, %add3A_527 : vector<16xf32>
        %select_n3A_534 = arith.select %gt3A_530, %add3A_527, %mul3A_533 : vector<16xi1>, vector<16xf32>
        %sub3A = arith.subf %select_n3A, %select_n3A_534 : vector<16xf32>
        %exp3A = math.exp %sub3A : vector<16xf32>
        %swap3A_535 = arith.constant 0 : index
        %swap3A_536 = tpu.vector_load %arg23[%swap3A_535] {strides = array<i32>} : memref<80xf32, #tpu.memory_space<vmem>>, vector<16xf32>,
        tpu.vector_store %arg23[%swap3A_535], %exp3A {strides = array<i32>} : memref<80xf32, #tpu.memory_space<vmem>>, vector<16xf32>,
        %get3A_537 = arith.constant 16 : index
        %get3A_538 = tpu.vector_load %arg28[%get3A_537] {strides = array<i32>} : memref<80xf32, #tpu.memory_space<vmem>>, vector<16xf32>,
        %get3A_539 = arith.constant 16 : index
        %get3A_540 = tpu.vector_load %arg33[%get3A_539] {strides = array<i32>} : memref<80xf32, #tpu.memory_space<vmem>>, vector<16xf32>,
        %add3A_541 = arith.addf %get3A_538, %get3A_540 : vector<16xf32>
        %gt3A_542 = arith.constant 0.000000e+00 : f32
        %gt3A_543 = vector.broadcast %gt3A_542 : f32 to vector<16xf32>
        %gt3A_544 = arith.cmpf ogt, %add3A_541, %gt3A_543 : vector<16xf32>
        %mul3A_545 = arith.constant 2.000000e-01 : f32
        %mul3A_546 = vector.broadcast %mul3A_545 : f32 to vector<16xf32>
        %mul3A_547 = arith.mulf %mul3A_546, %add3A_541 : vector<16xf32>
        %select_n3A_548 = arith.select %gt3A_544, %add3A_541, %mul3A_547 : vector<16xi1>, vector<16xf32>
        %add3A_549 = arith.addf %get3A_28, %get3A_540 : vector<16xf32>
        %gt3A_550 = arith.constant 0.000000e+00 : f32
        %gt3A_551 = vector.broadcast %gt3A_550 : f32 to vector<16xf32>
        %gt3A_552 = arith.cmpf ogt, %add3A_549, %gt3A_551 : vector<16xf32>
        %mul3A_553 = arith.constant 2.000000e-01 : f32
        %mul3A_554 = vector.broadcast %mul3A_553 : f32 to vector<16xf32>
        %mul3A_555 = arith.mulf %mul3A_554, %add3A_549 : vector<16xf32>
        %select_n3A_556 = arith.select %gt3A_552, %add3A_549, %mul3A_555 : vector<16xi1>, vector<16xf32>
        %sub3A_557 = arith.subf %select_n3A_548, %select_n3A_556 : vector<16xf32>
        %exp3A_558 = math.exp %sub3A_557 : vector<16xf32>
        %swap3A_559 = arith.constant 16 : index
        %swap3A_560 = tpu.vector_load %arg23[%swap3A_559] {strides = array<i32>} : memref<80xf32, #tpu.memory_space<vmem>>, vector<16xf32>,
        tpu.vector_store %arg23[%swap3A_559], %exp3A_558 {strides = array<i32>} : memref<80xf32, #tpu.memory_space<vmem>>, vector<16xf32>,
        %get3A_561 = arith.constant 32 : index
        %get3A_562 = tpu.vector_load %arg28[%get3A_561] {strides = array<i32>} : memref<80xf32, #tpu.memory_space<vmem>>, vector<16xf32>,
        %get3A_563 = arith.constant 32 : index
        %get3A_564 = tpu.vector_load %arg33[%get3A_563] {strides = array<i32>} : memref<80xf32, #tpu.memory_space<vmem>>, vector<16xf32>,
        %add3A_565 = arith.addf %get3A_562, %get3A_564 : vector<16xf32>
        %gt3A_566 = arith.constant 0.000000e+00 : f32
        %gt3A_567 = vector.broadcast %gt3A_566 : f32 to vector<16xf32>
        %gt3A_568 = arith.cmpf ogt, %add3A_565, %gt3A_567 : vector<16xf32>
        %mul3A_569 = arith.constant 2.000000e-01 : f32
        %mul3A_570 = vector.broadcast %mul3A_569 : f32 to vector<16xf32>
        %mul3A_571 = arith.mulf %mul3A_570, %add3A_565 : vector<16xf32>
        %select_n3A_572 = arith.select %gt3A_568, %add3A_565, %mul3A_571 : vector<16xi1>, vector<16xf32>
        %add3A_573 = arith.addf %get3A_28, %get3A_564 : vector<16xf32>
        %gt3A_574 = arith.constant 0.000000e+00 : f32
        %gt3A_575 = vector.broadcast %gt3A_574 : f32 to vector<16xf32>
        %gt3A_576 = arith.cmpf ogt, %add3A_573, %gt3A_575 : vector<16xf32>
        %mul3A_577 = arith.constant 2.000000e-01 : f32
        %mul3A_578 = vector.broadcast %mul3A_577 : f32 to vector<16xf32>
        %mul3A_579 = arith.mulf %mul3A_578, %add3A_573 : vector<16xf32>
        %select_n3A_580 = arith.select %gt3A_576, %add3A_573, %mul3A_579 : vector<16xi1>, vector<16xf32>
        %sub3A_581 = arith.subf %select_n3A_572, %select_n3A_580 : vector<16xf32>
        %exp3A_582 = math.exp %sub3A_581 : vector<16xf32>
        %swap3A_583 = arith.constant 32 : index
        %swap3A_584 = tpu.vector_load %arg23[%swap3A_583] {strides = array<i32>} : memref<80xf32, #tpu.memory_space<vmem>>, vector<16xf32>,
        tpu.vector_store %arg23[%swap3A_583], %exp3A_582 {strides = array<i32>} : memref<80xf32, #tpu.memory_space<vmem>>, vector<16xf32>,
        %get3A_585 = arith.constant 48 : index
        %get3A_586 = tpu.vector_load %arg28[%get3A_585] {strides = array<i32>} : memref<80xf32, #tpu.memory_space<vmem>>, vector<16xf32>,
        %get3A_587 = arith.constant 48 : index
        %get3A_588 = tpu.vector_load %arg33[%get3A_587] {strides = array<i32>} : memref<80xf32, #tpu.memory_space<vmem>>, vector<16xf32>,
        %add3A_589 = arith.addf %get3A_586, %get3A_588 : vector<16xf32>
        %gt3A_590 = arith.constant 0.000000e+00 : f32
        %gt3A_591 = vector.broadcast %gt3A_590 : f32 to vector<16xf32>
        %gt3A_592 = arith.cmpf ogt, %add3A_589, %gt3A_591 : vector<16xf32>
        %mul3A_593 = arith.constant 2.000000e-01 : f32
        %mul3A_594 = vector.broadcast %mul3A_593 : f32 to vector<16xf32>
        %mul3A_595 = arith.mulf %mul3A_594, %add3A_589 : vector<16xf32>
        %select_n3A_596 = arith.select %gt3A_592, %add3A_589, %mul3A_595 : vector<16xi1>, vector<16xf32>
        %add3A_597 = arith.addf %get3A_28, %get3A_588 : vector<16xf32>
        %gt3A_598 = arith.constant 0.000000e+00 : f32
        %gt3A_599 = vector.broadcast %gt3A_598 : f32 to vector<16xf32>
        %gt3A_600 = arith.cmpf ogt, %add3A_597, %gt3A_599 : vector<16xf32>
        %mul3A_601 = arith.constant 2.000000e-01 : f32
        %mul3A_602 = vector.broadcast %mul3A_601 : f32 to vector<16xf32>
        %mul3A_603 = arith.mulf %mul3A_602, %add3A_597 : vector<16xf32>
        %select_n3A_604 = arith.select %gt3A_600, %add3A_597, %mul3A_603 : vector<16xi1>, vector<16xf32>
        %sub3A_605 = arith.subf %select_n3A_596, %select_n3A_604 : vector<16xf32>
        %exp3A_606 = math.exp %sub3A_605 : vector<16xf32>
        %swap3A_607 = arith.constant 48 : index
        %swap3A_608 = tpu.vector_load %arg23[%swap3A_607] {strides = array<i32>} : memref<80xf32, #tpu.memory_space<vmem>>, vector<16xf32>,
        tpu.vector_store %arg23[%swap3A_607], %exp3A_606 {strides = array<i32>} : memref<80xf32, #tpu.memory_space<vmem>>, vector<16xf32>,
        %get3A_609 = arith.constant 64 : index
        %get3A_610 = tpu.vector_load %arg28[%get3A_609] {strides = array<i32>} : memref<80xf32, #tpu.memory_space<vmem>>, vector<16xf32>,
        %get3A_611 = arith.constant 64 : index
        %get3A_612 = tpu.vector_load %arg33[%get3A_611] {strides = array<i32>} : memref<80xf32, #tpu.memory_space<vmem>>, vector<16xf32>,
        %add3A_613 = arith.addf %get3A_610, %get3A_612 : vector<16xf32>
        %gt3A_614 = arith.constant 0.000000e+00 : f32
        %gt3A_615 = vector.broadcast %gt3A_614 : f32 to vector<16xf32>
        %gt3A_616 = arith.cmpf ogt, %add3A_613, %gt3A_615 : vector<16xf32>
        %mul3A_617 = arith.constant 2.000000e-01 : f32
        %mul3A_618 = vector.broadcast %mul3A_617 : f32 to vector<16xf32>
        %mul3A_619 = arith.mulf %mul3A_618, %add3A_613 : vector<16xf32>
        %select_n3A_620 = arith.select %gt3A_616, %add3A_613, %mul3A_619 : vector<16xi1>, vector<16xf32>
        %add3A_621 = arith.addf %get3A_28, %get3A_612 : vector<16xf32>
        %gt3A_622 = arith.constant 0.000000e+00 : f32
        %gt3A_623 = vector.broadcast %gt3A_622 : f32 to vector<16xf32>
        %gt3A_624 = arith.cmpf ogt, %add3A_621, %gt3A_623 : vector<16xf32>
        %mul3A_625 = arith.constant 2.000000e-01 : f32
        %mul3A_626 = vector.broadcast %mul3A_625 : f32 to vector<16xf32>
        %mul3A_627 = arith.mulf %mul3A_626, %add3A_621 : vector<16xf32>
        %select_n3A_628 = arith.select %gt3A_624, %add3A_621, %mul3A_627 : vector<16xi1>, vector<16xf32>
        %sub3A_629 = arith.subf %select_n3A_620, %select_n3A_628 : vector<16xf32>
        %exp3A_630 = math.exp %sub3A_629 : vector<16xf32>
        %swap3A_631 = arith.constant 64 : index
        %swap3A_632 = tpu.vector_load %arg23[%swap3A_631] {strides = array<i32>} : memref<80xf32, #tpu.memory_space<vmem>>, vector<16xf32>,
        tpu.vector_store %arg23[%swap3A_631], %exp3A_630 {strides = array<i32>} : memref<80xf32, #tpu.memory_space<vmem>>, vector<16xf32>,
        %dma_start3A_633 = arith.constant 0 : i32
        %dma_start3A_634 = tpu.memref_slice %arg45[%dma_start3A_633] : memref<10000xf32, #tpu.memory_space<vmem_shared>> -> memref<10000xf32, #tpu.memory_space<vmem_shared>>
        tpu.enqueue_indirect_dma source(%arg23 : memref<80xf32, #tpu.memory_space<vmem>>) target(%dma_start3A_634 : memref<10000xf32, #tpu.memory_space<vmem_shared>>) offsets(%arg18 : memref<80xi32, #tpu.memory_space<vmem>>) semaphore(%arg56 : memref<!tpu.dma_semaphore, #tpu.memory_space<semaphore_mem>>) {add = true}
        %dma_wait3A_635 = arith.constant 0 : i32
        %dma_wait3A_636 = arith.constant 0 : i32
        %dma_wait3A_637 = tpu.memref_slice %arg7[%dma_wait3A_635, %dma_wait3A_636] : memref<10000x128xf32, #tpu.memory_space<hbm>> -> memref<10000x128xf32, #tpu.memory_space<hbm>>
        tpu.wait_indirect_dma semaphore(%arg47 : memref<!tpu.dma_semaphore, #tpu.memory_space<semaphore_mem>>) src(%dma_wait3A_637 : memref<10000x128xf32, #tpu.memory_space<hbm>>) dst(%arg38 : memref<80x128xf32, #tpu.memory_space<vmem>>)
        %scan3A_638 = arith.constant 0 : i32
        %scan3A_639 = arith.constant 0 : i32
        %scan3A_640 = arith.constant 80 : i32
        %scan3A_641 = arith.addi %scan3A_639, %scan3A_640 : i32
        %scan3A_642 = arith.constant 4 : i32
        scf.for %scan3A_1227 = %scan3A_639 to %scan3A_641 step %scan3A_642  : i32 {
          %broadcast_in_dim3A_1228 = vector.broadcast %scan3A_1227 : i32 to vector<16xi32>
          %gather3A = tpu.vector_load_idx %arg23[%broadcast_in_dim3A_1228] : memref<80xf32, #tpu.memory_space<vmem>>[vector<16xi32>], vector<16xf32>,
          %get3A_1229 = arith.index_cast %scan3A_1227 : i32 to index
          %get3A_1230 = arith.constant 0 : index
          %get3A_1231 = tpu.vector_load %arg38[%get3A_1229, %get3A_1230] {strides = array<i32>} : memref<80x128xf32, #tpu.memory_space<vmem>>, vector<16xf32>,
          %mul3A_1232 = arith.mulf %get3A_1231, %gather3A : vector<16xf32>
          %swap3A_1233 = arith.index_cast %scan3A_1227 : i32 to index
          %swap3A_1234 = arith.constant 0 : index
          %swap3A_1235 = tpu.vector_load %arg38[%swap3A_1233, %swap3A_1234] {strides = array<i32>} : memref<80x128xf32, #tpu.memory_space<vmem>>, vector<16xf32>,
          tpu.vector_store %arg38[%swap3A_1233, %swap3A_1234], %mul3A_1232 {strides = array<i32>} : memref<80x128xf32, #tpu.memory_space<vmem>>, vector<16xf32>,
          %get3A_1236 = arith.index_cast %scan3A_1227 : i32 to index
          %get3A_1237 = arith.constant 16 : index
          %get3A_1238 = tpu.vector_load %arg38[%get3A_1236, %get3A_1237] {strides = array<i32>} : memref<80x128xf32, #tpu.memory_space<vmem>>, vector<16xf32>,
          %mul3A_1239 = arith.mulf %get3A_1238, %gather3A : vector<16xf32>
          %swap3A_1240 = arith.index_cast %scan3A_1227 : i32 to index
          %swap3A_1241 = arith.constant 16 : index
          %swap3A_1242 = tpu.vector_load %arg38[%swap3A_1240, %swap3A_1241] {strides = array<i32>} : memref<80x128xf32, #tpu.memory_space<vmem>>, vector<16xf32>,
          tpu.vector_store %arg38[%swap3A_1240, %swap3A_1241], %mul3A_1239 {strides = array<i32>} : memref<80x128xf32, #tpu.memory_space<vmem>>, vector<16xf32>,
          %get3A_1243 = arith.index_cast %scan3A_1227 : i32 to index
          %get3A_1244 = arith.constant 32 : index
          %get3A_1245 = tpu.vector_load %arg38[%get3A_1243, %get3A_1244] {strides = array<i32>} : memref<80x128xf32, #tpu.memory_space<vmem>>, vector<16xf32>,
          %mul3A_1246 = arith.mulf %get3A_1245, %gather3A : vector<16xf32>
          %swap3A_1247 = arith.index_cast %scan3A_1227 : i32 to index
          %swap3A_1248 = arith.constant 32 : index
          %swap3A_1249 = tpu.vector_load %arg38[%swap3A_1247, %swap3A_1248] {strides = array<i32>} : memref<80x128xf32, #tpu.memory_space<vmem>>, vector<16xf32>,
          tpu.vector_store %arg38[%swap3A_1247, %swap3A_1248], %mul3A_1246 {strides = array<i32>} : memref<80x128xf32, #tpu.memory_space<vmem>>, vector<16xf32>,
          %get3A_1250 = arith.index_cast %scan3A_1227 : i32 to index
          %get3A_1251 = arith.constant 48 : index
          %get3A_1252 = tpu.vector_load %arg38[%get3A_1250, %get3A_1251] {strides = array<i32>} : memref<80x128xf32, #tpu.memory_space<vmem>>, vector<16xf32>,
          %mul3A_1253 = arith.mulf %get3A_1252, %gather3A : vector<16xf32>
          %swap3A_1254 = arith.index_cast %scan3A_1227 : i32 to index
          %swap3A_1255 = arith.constant 48 : index
          %swap3A_1256 = tpu.vector_load %arg38[%swap3A_1254, %swap3A_1255] {strides = array<i32>} : memref<80x128xf32, #tpu.memory_space<vmem>>, vector<16xf32>,
          tpu.vector_store %arg38[%swap3A_1254, %swap3A_1255], %mul3A_1253 {strides = array<i32>} : memref<80x128xf32, #tpu.memory_space<vmem>>, vector<16xf32>,
          %get3A_1257 = arith.index_cast %scan3A_1227 : i32 to index
          %get3A_1258 = arith.constant 64 : index
          %get3A_1259 = tpu.vector_load %arg38[%get3A_1257, %get3A_1258] {strides = array<i32>} : memref<80x128xf32, #tpu.memory_space<vmem>>, vector<16xf32>,
          %mul3A_1260 = arith.mulf %get3A_1259, %gather3A : vector<16xf32>
          %swap3A_1261 = arith.index_cast %scan3A_1227 : i32 to index
          %swap3A_1262 = arith.constant 64 : index
          %swap3A_1263 = tpu.vector_load %arg38[%swap3A_1261, %swap3A_1262] {strides = array<i32>} : memref<80x128xf32, #tpu.memory_space<vmem>>, vector<16xf32>,
          tpu.vector_store %arg38[%swap3A_1261, %swap3A_1262], %mul3A_1260 {strides = array<i32>} : memref<80x128xf32, #tpu.memory_space<vmem>>, vector<16xf32>,
          %get3A_1264 = arith.index_cast %scan3A_1227 : i32 to index
          %get3A_1265 = arith.constant 80 : index
          %get3A_1266 = tpu.vector_load %arg38[%get3A_1264, %get3A_1265] {strides = array<i32>} : memref<80x128xf32, #tpu.memory_space<vmem>>, vector<16xf32>,
          %mul3A_1267 = arith.mulf %get3A_1266, %gather3A : vector<16xf32>
          %swap3A_1268 = arith.index_cast %scan3A_1227 : i32 to index
          %swap3A_1269 = arith.constant 80 : index
          %swap3A_1270 = tpu.vector_load %arg38[%swap3A_1268, %swap3A_1269] {strides = array<i32>} : memref<80x128xf32, #tpu.memory_space<vmem>>, vector<16xf32>,
          tpu.vector_store %arg38[%swap3A_1268, %swap3A_1269], %mul3A_1267 {strides = array<i32>} : memref<80x128xf32, #tpu.memory_space<vmem>>, vector<16xf32>,
          %get3A_1271 = arith.index_cast %scan3A_1227 : i32 to index
          %get3A_1272 = arith.constant 96 : index
          %get3A_1273 = tpu.vector_load %arg38[%get3A_1271, %get3A_1272] {strides = array<i32>} : memref<80x128xf32, #tpu.memory_space<vmem>>, vector<16xf32>,
          %mul3A_1274 = arith.mulf %get3A_1273, %gather3A : vector<16xf32>
          %swap3A_1275 = arith.index_cast %scan3A_1227 : i32 to index
          %swap3A_1276 = arith.constant 96 : index
          %swap3A_1277 = tpu.vector_load %arg38[%swap3A_1275, %swap3A_1276] {strides = array<i32>} : memref<80x128xf32, #tpu.memory_space<vmem>>, vector<16xf32>,
          tpu.vector_store %arg38[%swap3A_1275, %swap3A_1276], %mul3A_1274 {strides = array<i32>} : memref<80x128xf32, #tpu.memory_space<vmem>>, vector<16xf32>,
          %get3A_1278 = arith.index_cast %scan3A_1227 : i32 to index
          %get3A_1279 = arith.constant 112 : index
          %get3A_1280 = tpu.vector_load %arg38[%get3A_1278, %get3A_1279] {strides = array<i32>} : memref<80x128xf32, #tpu.memory_space<vmem>>, vector<16xf32>,
          %mul3A_1281 = arith.mulf %get3A_1280, %gather3A : vector<16xf32>
          %swap3A_1282 = arith.index_cast %scan3A_1227 : i32 to index
          %swap3A_1283 = arith.constant 112 : index
          %swap3A_1284 = tpu.vector_load %arg38[%swap3A_1282, %swap3A_1283] {strides = array<i32>} : memref<80x128xf32, #tpu.memory_space<vmem>>, vector<16xf32>,
          tpu.vector_store %arg38[%swap3A_1282, %swap3A_1283], %mul3A_1281 {strides = array<i32>} : memref<80x128xf32, #tpu.memory_space<vmem>>, vector<16xf32>,
          %scan3A_1285 = arith.constant 1 : i32
          %scan3A_1286 = arith.addi %scan3A_1227, %scan3A_1285 : i32
          %broadcast_in_dim3A_1287 = vector.broadcast %scan3A_1286 : i32 to vector<16xi32>
          %gather3A_1288 = tpu.vector_load_idx %arg23[%broadcast_in_dim3A_1287] : memref<80xf32, #tpu.memory_space<vmem>>[vector<16xi32>], vector<16xf32>,
          %get3A_1289 = arith.index_cast %scan3A_1286 : i32 to index
          %get3A_1290 = arith.constant 0 : index
          %get3A_1291 = tpu.vector_load %arg38[%get3A_1289, %get3A_1290] {strides = array<i32>} : memref<80x128xf32, #tpu.memory_space<vmem>>, vector<16xf32>,
          %mul3A_1292 = arith.mulf %get3A_1291, %gather3A_1288 : vector<16xf32>
          %swap3A_1293 = arith.index_cast %scan3A_1286 : i32 to index
          %swap3A_1294 = arith.constant 0 : index
          %swap3A_1295 = tpu.vector_load %arg38[%swap3A_1293, %swap3A_1294] {strides = array<i32>} : memref<80x128xf32, #tpu.memory_space<vmem>>, vector<16xf32>,
          tpu.vector_store %arg38[%swap3A_1293, %swap3A_1294], %mul3A_1292 {strides = array<i32>} : memref<80x128xf32, #tpu.memory_space<vmem>>, vector<16xf32>,
          %get3A_1296 = arith.index_cast %scan3A_1286 : i32 to index
          %get3A_1297 = arith.constant 16 : index
          %get3A_1298 = tpu.vector_load %arg38[%get3A_1296, %get3A_1297] {strides = array<i32>} : memref<80x128xf32, #tpu.memory_space<vmem>>, vector<16xf32>,
          %mul3A_1299 = arith.mulf %get3A_1298, %gather3A_1288 : vector<16xf32>
          %swap3A_1300 = arith.index_cast %scan3A_1286 : i32 to index
          %swap3A_1301 = arith.constant 16 : index
          %swap3A_1302 = tpu.vector_load %arg38[%swap3A_1300, %swap3A_1301] {strides = array<i32>} : memref<80x128xf32, #tpu.memory_space<vmem>>, vector<16xf32>,
          tpu.vector_store %arg38[%swap3A_1300, %swap3A_1301], %mul3A_1299 {strides = array<i32>} : memref<80x128xf32, #tpu.memory_space<vmem>>, vector<16xf32>,
          %get3A_1303 = arith.index_cast %scan3A_1286 : i32 to index
          %get3A_1304 = arith.constant 32 : index
          %get3A_1305 = tpu.vector_load %arg38[%get3A_1303, %get3A_1304] {strides = array<i32>} : memref<80x128xf32, #tpu.memory_space<vmem>>, vector<16xf32>,
          %mul3A_1306 = arith.mulf %get3A_1305, %gather3A_1288 : vector<16xf32>
          %swap3A_1307 = arith.index_cast %scan3A_1286 : i32 to index
          %swap3A_1308 = arith.constant 32 : index
          %swap3A_1309 = tpu.vector_load %arg38[%swap3A_1307, %swap3A_1308] {strides = array<i32>} : memref<80x128xf32, #tpu.memory_space<vmem>>, vector<16xf32>,
          tpu.vector_store %arg38[%swap3A_1307, %swap3A_1308], %mul3A_1306 {strides = array<i32>} : memref<80x128xf32, #tpu.memory_space<vmem>>, vector<16xf32>,
          %get3A_1310 = arith.index_cast %scan3A_1286 : i32 to index
          %get3A_1311 = arith.constant 48 : index
          %get3A_1312 = tpu.vector_load %arg38[%get3A_1310, %get3A_1311] {strides = array<i32>} : memref<80x128xf32, #tpu.memory_space<vmem>>, vector<16xf32>,
          %mul3A_1313 = arith.mulf %get3A_1312, %gather3A_1288 : vector<16xf32>
          %swap3A_1314 = arith.index_cast %scan3A_1286 : i32 to index
          %swap3A_1315 = arith.constant 48 : index
          %swap3A_1316 = tpu.vector_load %arg38[%swap3A_1314, %swap3A_1315] {strides = array<i32>} : memref<80x128xf32, #tpu.memory_space<vmem>>, vector<16xf32>,
          tpu.vector_store %arg38[%swap3A_1314, %swap3A_1315], %mul3A_1313 {strides = array<i32>} : memref<80x128xf32, #tpu.memory_space<vmem>>, vector<16xf32>,
          %get3A_1317 = arith.index_cast %scan3A_1286 : i32 to index
          %get3A_1318 = arith.constant 64 : index
          %get3A_1319 = tpu.vector_load %arg38[%get3A_1317, %get3A_1318] {strides = array<i32>} : memref<80x128xf32, #tpu.memory_space<vmem>>, vector<16xf32>,
          %mul3A_1320 = arith.mulf %get3A_1319, %gather3A_1288 : vector<16xf32>
          %swap3A_1321 = arith.index_cast %scan3A_1286 : i32 to index
          %swap3A_1322 = arith.constant 64 : index
          %swap3A_1323 = tpu.vector_load %arg38[%swap3A_1321, %swap3A_1322] {strides = array<i32>} : memref<80x128xf32, #tpu.memory_space<vmem>>, vector<16xf32>,
          tpu.vector_store %arg38[%swap3A_1321, %swap3A_1322], %mul3A_1320 {strides = array<i32>} : memref<80x128xf32, #tpu.memory_space<vmem>>, vector<16xf32>,
          %get3A_1324 = arith.index_cast %scan3A_1286 : i32 to index
          %get3A_1325 = arith.constant 80 : index
          %get3A_1326 = tpu.vector_load %arg38[%get3A_1324, %get3A_1325] {strides = array<i32>} : memref<80x128xf32, #tpu.memory_space<vmem>>, vector<16xf32>,
          %mul3A_1327 = arith.mulf %get3A_1326, %gather3A_1288 : vector<16xf32>
          %swap3A_1328 = arith.index_cast %scan3A_1286 : i32 to index
          %swap3A_1329 = arith.constant 80 : index
          %swap3A_1330 = tpu.vector_load %arg38[%swap3A_1328, %swap3A_1329] {strides = array<i32>} : memref<80x128xf32, #tpu.memory_space<vmem>>, vector<16xf32>,
          tpu.vector_store %arg38[%swap3A_1328, %swap3A_1329], %mul3A_1327 {strides = array<i32>} : memref<80x128xf32, #tpu.memory_space<vmem>>, vector<16xf32>,
          %get3A_1331 = arith.index_cast %scan3A_1286 : i32 to index
          %get3A_1332 = arith.constant 96 : index
          %get3A_1333 = tpu.vector_load %arg38[%get3A_1331, %get3A_1332] {strides = array<i32>} : memref<80x128xf32, #tpu.memory_space<vmem>>, vector<16xf32>,
          %mul3A_1334 = arith.mulf %get3A_1333, %gather3A_1288 : vector<16xf32>
          %swap3A_1335 = arith.index_cast %scan3A_1286 : i32 to index
          %swap3A_1336 = arith.constant 96 : index
          %swap3A_1337 = tpu.vector_load %arg38[%swap3A_1335, %swap3A_1336] {strides = array<i32>} : memref<80x128xf32, #tpu.memory_space<vmem>>, vector<16xf32>,
          tpu.vector_store %arg38[%swap3A_1335, %swap3A_1336], %mul3A_1334 {strides = array<i32>} : memref<80x128xf32, #tpu.memory_space<vmem>>, vector<16xf32>,
          %get3A_1338 = arith.index_cast %scan3A_1286 : i32 to index
          %get3A_1339 = arith.constant 112 : index
          %get3A_1340 = tpu.vector_load %arg38[%get3A_1338, %get3A_1339] {strides = array<i32>} : memref<80x128xf32, #tpu.memory_space<vmem>>, vector<16xf32>,
          %mul3A_1341 = arith.mulf %get3A_1340, %gather3A_1288 : vector<16xf32>
          %swap3A_1342 = arith.index_cast %scan3A_1286 : i32 to index
          %swap3A_1343 = arith.constant 112 : index
          %swap3A_1344 = tpu.vector_load %arg38[%swap3A_1342, %swap3A_1343] {strides = array<i32>} : memref<80x128xf32, #tpu.memory_space<vmem>>, vector<16xf32>,
          tpu.vector_store %arg38[%swap3A_1342, %swap3A_1343], %mul3A_1341 {strides = array<i32>} : memref<80x128xf32, #tpu.memory_space<vmem>>, vector<16xf32>,
          %scan3A_1345 = arith.constant 2 : i32
          %scan3A_1346 = arith.addi %scan3A_1227, %scan3A_1345 : i32
          %broadcast_in_dim3A_1347 = vector.broadcast %scan3A_1346 : i32 to vector<16xi32>
          %gather3A_1348 = tpu.vector_load_idx %arg23[%broadcast_in_dim3A_1347] : memref<80xf32, #tpu.memory_space<vmem>>[vector<16xi32>], vector<16xf32>,
          %get3A_1349 = arith.index_cast %scan3A_1346 : i32 to index
          %get3A_1350 = arith.constant 0 : index
          %get3A_1351 = tpu.vector_load %arg38[%get3A_1349, %get3A_1350] {strides = array<i32>} : memref<80x128xf32, #tpu.memory_space<vmem>>, vector<16xf32>,
          %mul3A_1352 = arith.mulf %get3A_1351, %gather3A_1348 : vector<16xf32>
          %swap3A_1353 = arith.index_cast %scan3A_1346 : i32 to index
          %swap3A_1354 = arith.constant 0 : index
          %swap3A_1355 = tpu.vector_load %arg38[%swap3A_1353, %swap3A_1354] {strides = array<i32>} : memref<80x128xf32, #tpu.memory_space<vmem>>, vector<16xf32>,
          tpu.vector_store %arg38[%swap3A_1353, %swap3A_1354], %mul3A_1352 {strides = array<i32>} : memref<80x128xf32, #tpu.memory_space<vmem>>, vector<16xf32>,
          %get3A_1356 = arith.index_cast %scan3A_1346 : i32 to index
          %get3A_1357 = arith.constant 16 : index
          %get3A_1358 = tpu.vector_load %arg38[%get3A_1356, %get3A_1357] {strides = array<i32>} : memref<80x128xf32, #tpu.memory_space<vmem>>, vector<16xf32>,
          %mul3A_1359 = arith.mulf %get3A_1358, %gather3A_1348 : vector<16xf32>
          %swap3A_1360 = arith.index_cast %scan3A_1346 : i32 to index
          %swap3A_1361 = arith.constant 16 : index
          %swap3A_1362 = tpu.vector_load %arg38[%swap3A_1360, %swap3A_1361] {strides = array<i32>} : memref<80x128xf32, #tpu.memory_space<vmem>>, vector<16xf32>,
          tpu.vector_store %arg38[%swap3A_1360, %swap3A_1361], %mul3A_1359 {strides = array<i32>} : memref<80x128xf32, #tpu.memory_space<vmem>>, vector<16xf32>,
          %get3A_1363 = arith.index_cast %scan3A_1346 : i32 to index
          %get3A_1364 = arith.constant 32 : index
          %get3A_1365 = tpu.vector_load %arg38[%get3A_1363, %get3A_1364] {strides = array<i32>} : memref<80x128xf32, #tpu.memory_space<vmem>>, vector<16xf32>,
          %mul3A_1366 = arith.mulf %get3A_1365, %gather3A_1348 : vector<16xf32>
          %swap3A_1367 = arith.index_cast %scan3A_1346 : i32 to index
          %swap3A_1368 = arith.constant 32 : index
          %swap3A_1369 = tpu.vector_load %arg38[%swap3A_1367, %swap3A_1368] {strides = array<i32>} : memref<80x128xf32, #tpu.memory_space<vmem>>, vector<16xf32>,
          tpu.vector_store %arg38[%swap3A_1367, %swap3A_1368], %mul3A_1366 {strides = array<i32>} : memref<80x128xf32, #tpu.memory_space<vmem>>, vector<16xf32>,
          %get3A_1370 = arith.index_cast %scan3A_1346 : i32 to index
          %get3A_1371 = arith.constant 48 : index
          %get3A_1372 = tpu.vector_load %arg38[%get3A_1370, %get3A_1371] {strides = array<i32>} : memref<80x128xf32, #tpu.memory_space<vmem>>, vector<16xf32>,
          %mul3A_1373 = arith.mulf %get3A_1372, %gather3A_1348 : vector<16xf32>
          %swap3A_1374 = arith.index_cast %scan3A_1346 : i32 to index
          %swap3A_1375 = arith.constant 48 : index
          %swap3A_1376 = tpu.vector_load %arg38[%swap3A_1374, %swap3A_1375] {strides = array<i32>} : memref<80x128xf32, #tpu.memory_space<vmem>>, vector<16xf32>,
          tpu.vector_store %arg38[%swap3A_1374, %swap3A_1375], %mul3A_1373 {strides = array<i32>} : memref<80x128xf32, #tpu.memory_space<vmem>>, vector<16xf32>,
          %get3A_1377 = arith.index_cast %scan3A_1346 : i32 to index
          %get3A_1378 = arith.constant 64 : index
          %get3A_1379 = tpu.vector_load %arg38[%get3A_1377, %get3A_1378] {strides = array<i32>} : memref<80x128xf32, #tpu.memory_space<vmem>>, vector<16xf32>,
          %mul3A_1380 = arith.mulf %get3A_1379, %gather3A_1348 : vector<16xf32>
          %swap3A_1381 = arith.index_cast %scan3A_1346 : i32 to index
          %swap3A_1382 = arith.constant 64 : index
          %swap3A_1383 = tpu.vector_load %arg38[%swap3A_1381, %swap3A_1382] {strides = array<i32>} : memref<80x128xf32, #tpu.memory_space<vmem>>, vector<16xf32>,
          tpu.vector_store %arg38[%swap3A_1381, %swap3A_1382], %mul3A_1380 {strides = array<i32>} : memref<80x128xf32, #tpu.memory_space<vmem>>, vector<16xf32>,
          %get3A_1384 = arith.index_cast %scan3A_1346 : i32 to index
          %get3A_1385 = arith.constant 80 : index
          %get3A_1386 = tpu.vector_load %arg38[%get3A_1384, %get3A_1385] {strides = array<i32>} : memref<80x128xf32, #tpu.memory_space<vmem>>, vector<16xf32>,
          %mul3A_1387 = arith.mulf %get3A_1386, %gather3A_1348 : vector<16xf32>
          %swap3A_1388 = arith.index_cast %scan3A_1346 : i32 to index
          %swap3A_1389 = arith.constant 80 : index
          %swap3A_1390 = tpu.vector_load %arg38[%swap3A_1388, %swap3A_1389] {strides = array<i32>} : memref<80x128xf32, #tpu.memory_space<vmem>>, vector<16xf32>,
          tpu.vector_store %arg38[%swap3A_1388, %swap3A_1389], %mul3A_1387 {strides = array<i32>} : memref<80x128xf32, #tpu.memory_space<vmem>>, vector<16xf32>,
          %get3A_1391 = arith.index_cast %scan3A_1346 : i32 to index
          %get3A_1392 = arith.constant 96 : index
          %get3A_1393 = tpu.vector_load %arg38[%get3A_1391, %get3A_1392] {strides = array<i32>} : memref<80x128xf32, #tpu.memory_space<vmem>>, vector<16xf32>,
          %mul3A_1394 = arith.mulf %get3A_1393, %gather3A_1348 : vector<16xf32>
          %swap3A_1395 = arith.index_cast %scan3A_1346 : i32 to index
          %swap3A_1396 = arith.constant 96 : index
          %swap3A_1397 = tpu.vector_load %arg38[%swap3A_1395, %swap3A_1396] {strides = array<i32>} : memref<80x128xf32, #tpu.memory_space<vmem>>, vector<16xf32>,
          tpu.vector_store %arg38[%swap3A_1395, %swap3A_1396], %mul3A_1394 {strides = array<i32>} : memref<80x128xf32, #tpu.memory_space<vmem>>, vector<16xf32>,
          %get3A_1398 = arith.index_cast %scan3A_1346 : i32 to index
          %get3A_1399 = arith.constant 112 : index
          %get3A_1400 = tpu.vector_load %arg38[%get3A_1398, %get3A_1399] {strides = array<i32>} : memref<80x128xf32, #tpu.memory_space<vmem>>, vector<16xf32>,
          %mul3A_1401 = arith.mulf %get3A_1400, %gather3A_1348 : vector<16xf32>
          %swap3A_1402 = arith.index_cast %scan3A_1346 : i32 to index
          %swap3A_1403 = arith.constant 112 : index
          %swap3A_1404 = tpu.vector_load %arg38[%swap3A_1402, %swap3A_1403] {strides = array<i32>} : memref<80x128xf32, #tpu.memory_space<vmem>>, vector<16xf32>,
          tpu.vector_store %arg38[%swap3A_1402, %swap3A_1403], %mul3A_1401 {strides = array<i32>} : memref<80x128xf32, #tpu.memory_space<vmem>>, vector<16xf32>,
          %scan3A_1405 = arith.constant 3 : i32
          %scan3A_1406 = arith.addi %scan3A_1227, %scan3A_1405 : i32
          %broadcast_in_dim3A_1407 = vector.broadcast %scan3A_1406 : i32 to vector<16xi32>
          %gather3A_1408 = tpu.vector_load_idx %arg23[%broadcast_in_dim3A_1407] : memref<80xf32, #tpu.memory_space<vmem>>[vector<16xi32>], vector<16xf32>,
          %get3A_1409 = arith.index_cast %scan3A_1406 : i32 to index
          %get3A_1410 = arith.constant 0 : index
          %get3A_1411 = tpu.vector_load %arg38[%get3A_1409, %get3A_1410] {strides = array<i32>} : memref<80x128xf32, #tpu.memory_space<vmem>>, vector<16xf32>,
          %mul3A_1412 = arith.mulf %get3A_1411, %gather3A_1408 : vector<16xf32>
          %swap3A_1413 = arith.index_cast %scan3A_1406 : i32 to index
          %swap3A_1414 = arith.constant 0 : index
          %swap3A_1415 = tpu.vector_load %arg38[%swap3A_1413, %swap3A_1414] {strides = array<i32>} : memref<80x128xf32, #tpu.memory_space<vmem>>, vector<16xf32>,
          tpu.vector_store %arg38[%swap3A_1413, %swap3A_1414], %mul3A_1412 {strides = array<i32>} : memref<80x128xf32, #tpu.memory_space<vmem>>, vector<16xf32>,
          %get3A_1416 = arith.index_cast %scan3A_1406 : i32 to index
          %get3A_1417 = arith.constant 16 : index
          %get3A_1418 = tpu.vector_load %arg38[%get3A_1416, %get3A_1417] {strides = array<i32>} : memref<80x128xf32, #tpu.memory_space<vmem>>, vector<16xf32>,
          %mul3A_1419 = arith.mulf %get3A_1418, %gather3A_1408 : vector<16xf32>
          %swap3A_1420 = arith.index_cast %scan3A_1406 : i32 to index
          %swap3A_1421 = arith.constant 16 : index
          %swap3A_1422 = tpu.vector_load %arg38[%swap3A_1420, %swap3A_1421] {strides = array<i32>} : memref<80x128xf32, #tpu.memory_space<vmem>>, vector<16xf32>,
          tpu.vector_store %arg38[%swap3A_1420, %swap3A_1421], %mul3A_1419 {strides = array<i32>} : memref<80x128xf32, #tpu.memory_space<vmem>>, vector<16xf32>,
          %get3A_1423 = arith.index_cast %scan3A_1406 : i32 to index
          %get3A_1424 = arith.constant 32 : index
          %get3A_1425 = tpu.vector_load %arg38[%get3A_1423, %get3A_1424] {strides = array<i32>} : memref<80x128xf32, #tpu.memory_space<vmem>>, vector<16xf32>,
          %mul3A_1426 = arith.mulf %get3A_1425, %gather3A_1408 : vector<16xf32>
          %swap3A_1427 = arith.index_cast %scan3A_1406 : i32 to index
          %swap3A_1428 = arith.constant 32 : index
          %swap3A_1429 = tpu.vector_load %arg38[%swap3A_1427, %swap3A_1428] {strides = array<i32>} : memref<80x128xf32, #tpu.memory_space<vmem>>, vector<16xf32>,
          tpu.vector_store %arg38[%swap3A_1427, %swap3A_1428], %mul3A_1426 {strides = array<i32>} : memref<80x128xf32, #tpu.memory_space<vmem>>, vector<16xf32>,
          %get3A_1430 = arith.index_cast %scan3A_1406 : i32 to index
          %get3A_1431 = arith.constant 48 : index
          %get3A_1432 = tpu.vector_load %arg38[%get3A_1430, %get3A_1431] {strides = array<i32>} : memref<80x128xf32, #tpu.memory_space<vmem>>, vector<16xf32>,
          %mul3A_1433 = arith.mulf %get3A_1432, %gather3A_1408 : vector<16xf32>
          %swap3A_1434 = arith.index_cast %scan3A_1406 : i32 to index
          %swap3A_1435 = arith.constant 48 : index
          %swap3A_1436 = tpu.vector_load %arg38[%swap3A_1434, %swap3A_1435] {strides = array<i32>} : memref<80x128xf32, #tpu.memory_space<vmem>>, vector<16xf32>,
          tpu.vector_store %arg38[%swap3A_1434, %swap3A_1435], %mul3A_1433 {strides = array<i32>} : memref<80x128xf32, #tpu.memory_space<vmem>>, vector<16xf32>,
          %get3A_1437 = arith.index_cast %scan3A_1406 : i32 to index
          %get3A_1438 = arith.constant 64 : index
          %get3A_1439 = tpu.vector_load %arg38[%get3A_1437, %get3A_1438] {strides = array<i32>} : memref<80x128xf32, #tpu.memory_space<vmem>>, vector<16xf32>,
          %mul3A_1440 = arith.mulf %get3A_1439, %gather3A_1408 : vector<16xf32>
          %swap3A_1441 = arith.index_cast %scan3A_1406 : i32 to index
          %swap3A_1442 = arith.constant 64 : index
          %swap3A_1443 = tpu.vector_load %arg38[%swap3A_1441, %swap3A_1442] {strides = array<i32>} : memref<80x128xf32, #tpu.memory_space<vmem>>, vector<16xf32>,
          tpu.vector_store %arg38[%swap3A_1441, %swap3A_1442], %mul3A_1440 {strides = array<i32>} : memref<80x128xf32, #tpu.memory_space<vmem>>, vector<16xf32>,
          %get3A_1444 = arith.index_cast %scan3A_1406 : i32 to index
          %get3A_1445 = arith.constant 80 : index
          %get3A_1446 = tpu.vector_load %arg38[%get3A_1444, %get3A_1445] {strides = array<i32>} : memref<80x128xf32, #tpu.memory_space<vmem>>, vector<16xf32>,
          %mul3A_1447 = arith.mulf %get3A_1446, %gather3A_1408 : vector<16xf32>
          %swap3A_1448 = arith.index_cast %scan3A_1406 : i32 to index
          %swap3A_1449 = arith.constant 80 : index
          %swap3A_1450 = tpu.vector_load %arg38[%swap3A_1448, %swap3A_1449] {strides = array<i32>} : memref<80x128xf32, #tpu.memory_space<vmem>>, vector<16xf32>,
          tpu.vector_store %arg38[%swap3A_1448, %swap3A_1449], %mul3A_1447 {strides = array<i32>} : memref<80x128xf32, #tpu.memory_space<vmem>>, vector<16xf32>,
          %get3A_1451 = arith.index_cast %scan3A_1406 : i32 to index
          %get3A_1452 = arith.constant 96 : index
          %get3A_1453 = tpu.vector_load %arg38[%get3A_1451, %get3A_1452] {strides = array<i32>} : memref<80x128xf32, #tpu.memory_space<vmem>>, vector<16xf32>,
          %mul3A_1454 = arith.mulf %get3A_1453, %gather3A_1408 : vector<16xf32>
          %swap3A_1455 = arith.index_cast %scan3A_1406 : i32 to index
          %swap3A_1456 = arith.constant 96 : index
          %swap3A_1457 = tpu.vector_load %arg38[%swap3A_1455, %swap3A_1456] {strides = array<i32>} : memref<80x128xf32, #tpu.memory_space<vmem>>, vector<16xf32>,
          tpu.vector_store %arg38[%swap3A_1455, %swap3A_1456], %mul3A_1454 {strides = array<i32>} : memref<80x128xf32, #tpu.memory_space<vmem>>, vector<16xf32>,
          %get3A_1458 = arith.index_cast %scan3A_1406 : i32 to index
          %get3A_1459 = arith.constant 112 : index
          %get3A_1460 = tpu.vector_load %arg38[%get3A_1458, %get3A_1459] {strides = array<i32>} : memref<80x128xf32, #tpu.memory_space<vmem>>, vector<16xf32>,
          %mul3A_1461 = arith.mulf %get3A_1460, %gather3A_1408 : vector<16xf32>
          %swap3A_1462 = arith.index_cast %scan3A_1406 : i32 to index
          %swap3A_1463 = arith.constant 112 : index
          %swap3A_1464 = tpu.vector_load %arg38[%swap3A_1462, %swap3A_1463] {strides = array<i32>} : memref<80x128xf32, #tpu.memory_space<vmem>>, vector<16xf32>,
          tpu.vector_store %arg38[%swap3A_1462, %swap3A_1463], %mul3A_1461 {strides = array<i32>} : memref<80x128xf32, #tpu.memory_space<vmem>>, vector<16xf32>,
        }
        %scan3A_643 = arith.constant 80 : i32
        %dma_start3A_644 = arith.constant 0 : i32
        %dma_start3A_645 = arith.constant 0 : i32
        %dma_start3A_646 = tpu.memref_slice %arg46[%dma_start3A_644, %dma_start3A_645] : memref<10000x128xf32, #tpu.memory_space<vmem_shared>> -> memref<10000x128xf32, #tpu.memory_space<vmem_shared>>
        tpu.enqueue_indirect_dma source(%arg38 : memref<80x128xf32, #tpu.memory_space<vmem>>) target(%dma_start3A_646 : memref<10000x128xf32, #tpu.memory_space<vmem_shared>>) offsets(%arg18 : memref<80xi32, #tpu.memory_space<vmem>>) semaphore(%arg51 : memref<!tpu.dma_semaphore, #tpu.memory_space<semaphore_mem>>) {add = true}
        %dma_wait3A_647 = arith.constant 0 : i32
        %dma_wait3A_648 = tpu.memref_slice %arg43[%dma_wait3A_647] : memref<10000xf32, #tpu.memory_space<vmem_shared>> -> memref<10000xf32, #tpu.memory_space<vmem_shared>>
        tpu.wait_indirect_dma semaphore(%arg63 : memref<!tpu.dma_semaphore, #tpu.memory_space<semaphore_mem>>) src(%dma_wait3A_648 : memref<10000xf32, #tpu.memory_space<vmem_shared>>) dst(%arg29 : memref<80xf32, #tpu.memory_space<vmem>>)
        %dma_wait3A_649 = arith.constant 0 : i32
        %dma_wait3A_650 = tpu.memref_slice %arg44[%dma_wait3A_649] : memref<10000xf32, #tpu.memory_space<vmem_shared>> -> memref<10000xf32, #tpu.memory_space<vmem_shared>>
        tpu.wait_indirect_dma semaphore(%arg64 : memref<!tpu.dma_semaphore, #tpu.memory_space<semaphore_mem>>) src(%dma_wait3A_650 : memref<10000xf32, #tpu.memory_space<vmem_shared>>) dst(%arg34 : memref<80xf32, #tpu.memory_space<vmem>>)
        %get3A_651 = arith.constant 0 : index
        %get3A_652 = tpu.vector_load %arg29[%get3A_651] {strides = array<i32>} : memref<80xf32, #tpu.memory_space<vmem>>, vector<16xf32>,
        %get3A_653 = arith.constant 0 : index
        %get3A_654 = tpu.vector_load %arg34[%get3A_653] {strides = array<i32>} : memref<80xf32, #tpu.memory_space<vmem>>, vector<16xf32>,
        %add3A_655 = arith.addf %get3A_652, %get3A_654 : vector<16xf32>
        %gt3A_656 = arith.constant 0.000000e+00 : f32
        %gt3A_657 = vector.broadcast %gt3A_656 : f32 to vector<16xf32>
        %gt3A_658 = arith.cmpf ogt, %add3A_655, %gt3A_657 : vector<16xf32>
        %mul3A_659 = arith.constant 2.000000e-01 : f32
        %mul3A_660 = vector.broadcast %mul3A_659 : f32 to vector<16xf32>
        %mul3A_661 = arith.mulf %mul3A_660, %add3A_655 : vector<16xf32>
        %select_n3A_662 = arith.select %gt3A_658, %add3A_655, %mul3A_661 : vector<16xi1>, vector<16xf32>
        %add3A_663 = arith.addf %get3A_28, %get3A_654 : vector<16xf32>
        %gt3A_664 = arith.constant 0.000000e+00 : f32
        %gt3A_665 = vector.broadcast %gt3A_664 : f32 to vector<16xf32>
        %gt3A_666 = arith.cmpf ogt, %add3A_663, %gt3A_665 : vector<16xf32>
        %mul3A_667 = arith.constant 2.000000e-01 : f32
        %mul3A_668 = vector.broadcast %mul3A_667 : f32 to vector<16xf32>
        %mul3A_669 = arith.mulf %mul3A_668, %add3A_663 : vector<16xf32>
        %select_n3A_670 = arith.select %gt3A_666, %add3A_663, %mul3A_669 : vector<16xi1>, vector<16xf32>
        %sub3A_671 = arith.subf %select_n3A_662, %select_n3A_670 : vector<16xf32>
        %exp3A_672 = math.exp %sub3A_671 : vector<16xf32>
        %swap3A_673 = arith.constant 0 : index
        %swap3A_674 = tpu.vector_load %arg24[%swap3A_673] {strides = array<i32>} : memref<80xf32, #tpu.memory_space<vmem>>, vector<16xf32>,
        tpu.vector_store %arg24[%swap3A_673], %exp3A_672 {strides = array<i32>} : memref<80xf32, #tpu.memory_space<vmem>>, vector<16xf32>,
        %get3A_675 = arith.constant 16 : index
        %get3A_676 = tpu.vector_load %arg29[%get3A_675] {strides = array<i32>} : memref<80xf32, #tpu.memory_space<vmem>>, vector<16xf32>,
        %get3A_677 = arith.constant 16 : index
        %get3A_678 = tpu.vector_load %arg34[%get3A_677] {strides = array<i32>} : memref<80xf32, #tpu.memory_space<vmem>>, vector<16xf32>,
        %add3A_679 = arith.addf %get3A_676, %get3A_678 : vector<16xf32>
        %gt3A_680 = arith.constant 0.000000e+00 : f32
        %gt3A_681 = vector.broadcast %gt3A_680 : f32 to vector<16xf32>
        %gt3A_682 = arith.cmpf ogt, %add3A_679, %gt3A_681 : vector<16xf32>
        %mul3A_683 = arith.constant 2.000000e-01 : f32
        %mul3A_684 = vector.broadcast %mul3A_683 : f32 to vector<16xf32>
        %mul3A_685 = arith.mulf %mul3A_684, %add3A_679 : vector<16xf32>
        %select_n3A_686 = arith.select %gt3A_682, %add3A_679, %mul3A_685 : vector<16xi1>, vector<16xf32>
        %add3A_687 = arith.addf %get3A_28, %get3A_678 : vector<16xf32>
        %gt3A_688 = arith.constant 0.000000e+00 : f32
        %gt3A_689 = vector.broadcast %gt3A_688 : f32 to vector<16xf32>
        %gt3A_690 = arith.cmpf ogt, %add3A_687, %gt3A_689 : vector<16xf32>
        %mul3A_691 = arith.constant 2.000000e-01 : f32
        %mul3A_692 = vector.broadcast %mul3A_691 : f32 to vector<16xf32>
        %mul3A_693 = arith.mulf %mul3A_692, %add3A_687 : vector<16xf32>
        %select_n3A_694 = arith.select %gt3A_690, %add3A_687, %mul3A_693 : vector<16xi1>, vector<16xf32>
        %sub3A_695 = arith.subf %select_n3A_686, %select_n3A_694 : vector<16xf32>
        %exp3A_696 = math.exp %sub3A_695 : vector<16xf32>
        %swap3A_697 = arith.constant 16 : index
        %swap3A_698 = tpu.vector_load %arg24[%swap3A_697] {strides = array<i32>} : memref<80xf32, #tpu.memory_space<vmem>>, vector<16xf32>,
        tpu.vector_store %arg24[%swap3A_697], %exp3A_696 {strides = array<i32>} : memref<80xf32, #tpu.memory_space<vmem>>, vector<16xf32>,
        %get3A_699 = arith.constant 32 : index
        %get3A_700 = tpu.vector_load %arg29[%get3A_699] {strides = array<i32>} : memref<80xf32, #tpu.memory_space<vmem>>, vector<16xf32>,
        %get3A_701 = arith.constant 32 : index
        %get3A_702 = tpu.vector_load %arg34[%get3A_701] {strides = array<i32>} : memref<80xf32, #tpu.memory_space<vmem>>, vector<16xf32>,
        %add3A_703 = arith.addf %get3A_700, %get3A_702 : vector<16xf32>
        %gt3A_704 = arith.constant 0.000000e+00 : f32
        %gt3A_705 = vector.broadcast %gt3A_704 : f32 to vector<16xf32>
        %gt3A_706 = arith.cmpf ogt, %add3A_703, %gt3A_705 : vector<16xf32>
        %mul3A_707 = arith.constant 2.000000e-01 : f32
        %mul3A_708 = vector.broadcast %mul3A_707 : f32 to vector<16xf32>
        %mul3A_709 = arith.mulf %mul3A_708, %add3A_703 : vector<16xf32>
        %select_n3A_710 = arith.select %gt3A_706, %add3A_703, %mul3A_709 : vector<16xi1>, vector<16xf32>
        %add3A_711 = arith.addf %get3A_28, %get3A_702 : vector<16xf32>
        %gt3A_712 = arith.constant 0.000000e+00 : f32
        %gt3A_713 = vector.broadcast %gt3A_712 : f32 to vector<16xf32>
        %gt3A_714 = arith.cmpf ogt, %add3A_711, %gt3A_713 : vector<16xf32>
        %mul3A_715 = arith.constant 2.000000e-01 : f32
        %mul3A_716 = vector.broadcast %mul3A_715 : f32 to vector<16xf32>
        %mul3A_717 = arith.mulf %mul3A_716, %add3A_711 : vector<16xf32>
        %select_n3A_718 = arith.select %gt3A_714, %add3A_711, %mul3A_717 : vector<16xi1>, vector<16xf32>
        %sub3A_719 = arith.subf %select_n3A_710, %select_n3A_718 : vector<16xf32>
        %exp3A_720 = math.exp %sub3A_719 : vector<16xf32>
        %swap3A_721 = arith.constant 32 : index
        %swap3A_722 = tpu.vector_load %arg24[%swap3A_721] {strides = array<i32>} : memref<80xf32, #tpu.memory_space<vmem>>, vector<16xf32>,
        tpu.vector_store %arg24[%swap3A_721], %exp3A_720 {strides = array<i32>} : memref<80xf32, #tpu.memory_space<vmem>>, vector<16xf32>,
        %get3A_723 = arith.constant 48 : index
        %get3A_724 = tpu.vector_load %arg29[%get3A_723] {strides = array<i32>} : memref<80xf32, #tpu.memory_space<vmem>>, vector<16xf32>,
        %get3A_725 = arith.constant 48 : index
        %get3A_726 = tpu.vector_load %arg34[%get3A_725] {strides = array<i32>} : memref<80xf32, #tpu.memory_space<vmem>>, vector<16xf32>,
        %add3A_727 = arith.addf %get3A_724, %get3A_726 : vector<16xf32>
        %gt3A_728 = arith.constant 0.000000e+00 : f32
        %gt3A_729 = vector.broadcast %gt3A_728 : f32 to vector<16xf32>
        %gt3A_730 = arith.cmpf ogt, %add3A_727, %gt3A_729 : vector<16xf32>
        %mul3A_731 = arith.constant 2.000000e-01 : f32
        %mul3A_732 = vector.broadcast %mul3A_731 : f32 to vector<16xf32>
        %mul3A_733 = arith.mulf %mul3A_732, %add3A_727 : vector<16xf32>
        %select_n3A_734 = arith.select %gt3A_730, %add3A_727, %mul3A_733 : vector<16xi1>, vector<16xf32>
        %add3A_735 = arith.addf %get3A_28, %get3A_726 : vector<16xf32>
        %gt3A_736 = arith.constant 0.000000e+00 : f32
        %gt3A_737 = vector.broadcast %gt3A_736 : f32 to vector<16xf32>
        %gt3A_738 = arith.cmpf ogt, %add3A_735, %gt3A_737 : vector<16xf32>
        %mul3A_739 = arith.constant 2.000000e-01 : f32
        %mul3A_740 = vector.broadcast %mul3A_739 : f32 to vector<16xf32>
        %mul3A_741 = arith.mulf %mul3A_740, %add3A_735 : vector<16xf32>
        %select_n3A_742 = arith.select %gt3A_738, %add3A_735, %mul3A_741 : vector<16xi1>, vector<16xf32>
        %sub3A_743 = arith.subf %select_n3A_734, %select_n3A_742 : vector<16xf32>
        %exp3A_744 = math.exp %sub3A_743 : vector<16xf32>
        %swap3A_745 = arith.constant 48 : index
        %swap3A_746 = tpu.vector_load %arg24[%swap3A_745] {strides = array<i32>} : memref<80xf32, #tpu.memory_space<vmem>>, vector<16xf32>,
        tpu.vector_store %arg24[%swap3A_745], %exp3A_744 {strides = array<i32>} : memref<80xf32, #tpu.memory_space<vmem>>, vector<16xf32>,
        %get3A_747 = arith.constant 64 : index
        %get3A_748 = tpu.vector_load %arg29[%get3A_747] {strides = array<i32>} : memref<80xf32, #tpu.memory_space<vmem>>, vector<16xf32>,
        %get3A_749 = arith.constant 64 : index
        %get3A_750 = tpu.vector_load %arg34[%get3A_749] {strides = array<i32>} : memref<80xf32, #tpu.memory_space<vmem>>, vector<16xf32>,
        %add3A_751 = arith.addf %get3A_748, %get3A_750 : vector<16xf32>
        %gt3A_752 = arith.constant 0.000000e+00 : f32
        %gt3A_753 = vector.broadcast %gt3A_752 : f32 to vector<16xf32>
        %gt3A_754 = arith.cmpf ogt, %add3A_751, %gt3A_753 : vector<16xf32>
        %mul3A_755 = arith.constant 2.000000e-01 : f32
        %mul3A_756 = vector.broadcast %mul3A_755 : f32 to vector<16xf32>
        %mul3A_757 = arith.mulf %mul3A_756, %add3A_751 : vector<16xf32>
        %select_n3A_758 = arith.select %gt3A_754, %add3A_751, %mul3A_757 : vector<16xi1>, vector<16xf32>
        %add3A_759 = arith.addf %get3A_28, %get3A_750 : vector<16xf32>
        %gt3A_760 = arith.constant 0.000000e+00 : f32
        %gt3A_761 = vector.broadcast %gt3A_760 : f32 to vector<16xf32>
        %gt3A_762 = arith.cmpf ogt, %add3A_759, %gt3A_761 : vector<16xf32>
        %mul3A_763 = arith.constant 2.000000e-01 : f32
        %mul3A_764 = vector.broadcast %mul3A_763 : f32 to vector<16xf32>
        %mul3A_765 = arith.mulf %mul3A_764, %add3A_759 : vector<16xf32>
        %select_n3A_766 = arith.select %gt3A_762, %add3A_759, %mul3A_765 : vector<16xi1>, vector<16xf32>
        %sub3A_767 = arith.subf %select_n3A_758, %select_n3A_766 : vector<16xf32>
        %exp3A_768 = math.exp %sub3A_767 : vector<16xf32>
        %swap3A_769 = arith.constant 64 : index
        %swap3A_770 = tpu.vector_load %arg24[%swap3A_769] {strides = array<i32>} : memref<80xf32, #tpu.memory_space<vmem>>, vector<16xf32>,
        tpu.vector_store %arg24[%swap3A_769], %exp3A_768 {strides = array<i32>} : memref<80xf32, #tpu.memory_space<vmem>>, vector<16xf32>,
        %dma_start3A_771 = arith.constant 0 : i32
        %dma_start3A_772 = tpu.memref_slice %arg45[%dma_start3A_771] : memref<10000xf32, #tpu.memory_space<vmem_shared>> -> memref<10000xf32, #tpu.memory_space<vmem_shared>>
        tpu.enqueue_indirect_dma source(%arg24 : memref<80xf32, #tpu.memory_space<vmem>>) target(%dma_start3A_772 : memref<10000xf32, #tpu.memory_space<vmem_shared>>) offsets(%arg19 : memref<80xi32, #tpu.memory_space<vmem>>) semaphore(%arg57 : memref<!tpu.dma_semaphore, #tpu.memory_space<semaphore_mem>>) {add = true}
        %dma_wait3A_773 = arith.constant 0 : i32
        %dma_wait3A_774 = arith.constant 0 : i32
        %dma_wait3A_775 = tpu.memref_slice %arg7[%dma_wait3A_773, %dma_wait3A_774] : memref<10000x128xf32, #tpu.memory_space<hbm>> -> memref<10000x128xf32, #tpu.memory_space<hbm>>
        tpu.wait_indirect_dma semaphore(%arg48 : memref<!tpu.dma_semaphore, #tpu.memory_space<semaphore_mem>>) src(%dma_wait3A_775 : memref<10000x128xf32, #tpu.memory_space<hbm>>) dst(%arg39 : memref<80x128xf32, #tpu.memory_space<vmem>>)
        %scan3A_776 = arith.constant 0 : i32
        %scan3A_777 = arith.constant 0 : i32
        %scan3A_778 = arith.constant 80 : i32
        %scan3A_779 = arith.addi %scan3A_777, %scan3A_778 : i32
        %scan3A_780 = arith.constant 4 : i32
        scf.for %scan3A_1227 = %scan3A_777 to %scan3A_779 step %scan3A_780  : i32 {
          %broadcast_in_dim3A_1228 = vector.broadcast %scan3A_1227 : i32 to vector<16xi32>
          %gather3A = tpu.vector_load_idx %arg24[%broadcast_in_dim3A_1228] : memref<80xf32, #tpu.memory_space<vmem>>[vector<16xi32>], vector<16xf32>,
          %get3A_1229 = arith.index_cast %scan3A_1227 : i32 to index
          %get3A_1230 = arith.constant 0 : index
          %get3A_1231 = tpu.vector_load %arg39[%get3A_1229, %get3A_1230] {strides = array<i32>} : memref<80x128xf32, #tpu.memory_space<vmem>>, vector<16xf32>,
          %mul3A_1232 = arith.mulf %get3A_1231, %gather3A : vector<16xf32>
          %swap3A_1233 = arith.index_cast %scan3A_1227 : i32 to index
          %swap3A_1234 = arith.constant 0 : index
          %swap3A_1235 = tpu.vector_load %arg39[%swap3A_1233, %swap3A_1234] {strides = array<i32>} : memref<80x128xf32, #tpu.memory_space<vmem>>, vector<16xf32>,
          tpu.vector_store %arg39[%swap3A_1233, %swap3A_1234], %mul3A_1232 {strides = array<i32>} : memref<80x128xf32, #tpu.memory_space<vmem>>, vector<16xf32>,
          %get3A_1236 = arith.index_cast %scan3A_1227 : i32 to index
          %get3A_1237 = arith.constant 16 : index
          %get3A_1238 = tpu.vector_load %arg39[%get3A_1236, %get3A_1237] {strides = array<i32>} : memref<80x128xf32, #tpu.memory_space<vmem>>, vector<16xf32>,
          %mul3A_1239 = arith.mulf %get3A_1238, %gather3A : vector<16xf32>
          %swap3A_1240 = arith.index_cast %scan3A_1227 : i32 to index
          %swap3A_1241 = arith.constant 16 : index
          %swap3A_1242 = tpu.vector_load %arg39[%swap3A_1240, %swap3A_1241] {strides = array<i32>} : memref<80x128xf32, #tpu.memory_space<vmem>>, vector<16xf32>,
          tpu.vector_store %arg39[%swap3A_1240, %swap3A_1241], %mul3A_1239 {strides = array<i32>} : memref<80x128xf32, #tpu.memory_space<vmem>>, vector<16xf32>,
          %get3A_1243 = arith.index_cast %scan3A_1227 : i32 to index
          %get3A_1244 = arith.constant 32 : index
          %get3A_1245 = tpu.vector_load %arg39[%get3A_1243, %get3A_1244] {strides = array<i32>} : memref<80x128xf32, #tpu.memory_space<vmem>>, vector<16xf32>,
          %mul3A_1246 = arith.mulf %get3A_1245, %gather3A : vector<16xf32>
          %swap3A_1247 = arith.index_cast %scan3A_1227 : i32 to index
          %swap3A_1248 = arith.constant 32 : index
          %swap3A_1249 = tpu.vector_load %arg39[%swap3A_1247, %swap3A_1248] {strides = array<i32>} : memref<80x128xf32, #tpu.memory_space<vmem>>, vector<16xf32>,
          tpu.vector_store %arg39[%swap3A_1247, %swap3A_1248], %mul3A_1246 {strides = array<i32>} : memref<80x128xf32, #tpu.memory_space<vmem>>, vector<16xf32>,
          %get3A_1250 = arith.index_cast %scan3A_1227 : i32 to index
          %get3A_1251 = arith.constant 48 : index
          %get3A_1252 = tpu.vector_load %arg39[%get3A_1250, %get3A_1251] {strides = array<i32>} : memref<80x128xf32, #tpu.memory_space<vmem>>, vector<16xf32>,
          %mul3A_1253 = arith.mulf %get3A_1252, %gather3A : vector<16xf32>
          %swap3A_1254 = arith.index_cast %scan3A_1227 : i32 to index
          %swap3A_1255 = arith.constant 48 : index
          %swap3A_1256 = tpu.vector_load %arg39[%swap3A_1254, %swap3A_1255] {strides = array<i32>} : memref<80x128xf32, #tpu.memory_space<vmem>>, vector<16xf32>,
          tpu.vector_store %arg39[%swap3A_1254, %swap3A_1255], %mul3A_1253 {strides = array<i32>} : memref<80x128xf32, #tpu.memory_space<vmem>>, vector<16xf32>,
          %get3A_1257 = arith.index_cast %scan3A_1227 : i32 to index
          %get3A_1258 = arith.constant 64 : index
          %get3A_1259 = tpu.vector_load %arg39[%get3A_1257, %get3A_1258] {strides = array<i32>} : memref<80x128xf32, #tpu.memory_space<vmem>>, vector<16xf32>,
          %mul3A_1260 = arith.mulf %get3A_1259, %gather3A : vector<16xf32>
          %swap3A_1261 = arith.index_cast %scan3A_1227 : i32 to index
          %swap3A_1262 = arith.constant 64 : index
          %swap3A_1263 = tpu.vector_load %arg39[%swap3A_1261, %swap3A_1262] {strides = array<i32>} : memref<80x128xf32, #tpu.memory_space<vmem>>, vector<16xf32>,
          tpu.vector_store %arg39[%swap3A_1261, %swap3A_1262], %mul3A_1260 {strides = array<i32>} : memref<80x128xf32, #tpu.memory_space<vmem>>, vector<16xf32>,
          %get3A_1264 = arith.index_cast %scan3A_1227 : i32 to index
          %get3A_1265 = arith.constant 80 : index
          %get3A_1266 = tpu.vector_load %arg39[%get3A_1264, %get3A_1265] {strides = array<i32>} : memref<80x128xf32, #tpu.memory_space<vmem>>, vector<16xf32>,
          %mul3A_1267 = arith.mulf %get3A_1266, %gather3A : vector<16xf32>
          %swap3A_1268 = arith.index_cast %scan3A_1227 : i32 to index
          %swap3A_1269 = arith.constant 80 : index
          %swap3A_1270 = tpu.vector_load %arg39[%swap3A_1268, %swap3A_1269] {strides = array<i32>} : memref<80x128xf32, #tpu.memory_space<vmem>>, vector<16xf32>,
          tpu.vector_store %arg39[%swap3A_1268, %swap3A_1269], %mul3A_1267 {strides = array<i32>} : memref<80x128xf32, #tpu.memory_space<vmem>>, vector<16xf32>,
          %get3A_1271 = arith.index_cast %scan3A_1227 : i32 to index
          %get3A_1272 = arith.constant 96 : index
          %get3A_1273 = tpu.vector_load %arg39[%get3A_1271, %get3A_1272] {strides = array<i32>} : memref<80x128xf32, #tpu.memory_space<vmem>>, vector<16xf32>,
          %mul3A_1274 = arith.mulf %get3A_1273, %gather3A : vector<16xf32>
          %swap3A_1275 = arith.index_cast %scan3A_1227 : i32 to index
          %swap3A_1276 = arith.constant 96 : index
          %swap3A_1277 = tpu.vector_load %arg39[%swap3A_1275, %swap3A_1276] {strides = array<i32>} : memref<80x128xf32, #tpu.memory_space<vmem>>, vector<16xf32>,
          tpu.vector_store %arg39[%swap3A_1275, %swap3A_1276], %mul3A_1274 {strides = array<i32>} : memref<80x128xf32, #tpu.memory_space<vmem>>, vector<16xf32>,
          %get3A_1278 = arith.index_cast %scan3A_1227 : i32 to index
          %get3A_1279 = arith.constant 112 : index
          %get3A_1280 = tpu.vector_load %arg39[%get3A_1278, %get3A_1279] {strides = array<i32>} : memref<80x128xf32, #tpu.memory_space<vmem>>, vector<16xf32>,
          %mul3A_1281 = arith.mulf %get3A_1280, %gather3A : vector<16xf32>
          %swap3A_1282 = arith.index_cast %scan3A_1227 : i32 to index
          %swap3A_1283 = arith.constant 112 : index
          %swap3A_1284 = tpu.vector_load %arg39[%swap3A_1282, %swap3A_1283] {strides = array<i32>} : memref<80x128xf32, #tpu.memory_space<vmem>>, vector<16xf32>,
          tpu.vector_store %arg39[%swap3A_1282, %swap3A_1283], %mul3A_1281 {strides = array<i32>} : memref<80x128xf32, #tpu.memory_space<vmem>>, vector<16xf32>,
          %scan3A_1285 = arith.constant 1 : i32
          %scan3A_1286 = arith.addi %scan3A_1227, %scan3A_1285 : i32
          %broadcast_in_dim3A_1287 = vector.broadcast %scan3A_1286 : i32 to vector<16xi32>
          %gather3A_1288 = tpu.vector_load_idx %arg24[%broadcast_in_dim3A_1287] : memref<80xf32, #tpu.memory_space<vmem>>[vector<16xi32>], vector<16xf32>,
          %get3A_1289 = arith.index_cast %scan3A_1286 : i32 to index
          %get3A_1290 = arith.constant 0 : index
          %get3A_1291 = tpu.vector_load %arg39[%get3A_1289, %get3A_1290] {strides = array<i32>} : memref<80x128xf32, #tpu.memory_space<vmem>>, vector<16xf32>,
          %mul3A_1292 = arith.mulf %get3A_1291, %gather3A_1288 : vector<16xf32>
          %swap3A_1293 = arith.index_cast %scan3A_1286 : i32 to index
          %swap3A_1294 = arith.constant 0 : index
          %swap3A_1295 = tpu.vector_load %arg39[%swap3A_1293, %swap3A_1294] {strides = array<i32>} : memref<80x128xf32, #tpu.memory_space<vmem>>, vector<16xf32>,
          tpu.vector_store %arg39[%swap3A_1293, %swap3A_1294], %mul3A_1292 {strides = array<i32>} : memref<80x128xf32, #tpu.memory_space<vmem>>, vector<16xf32>,
          %get3A_1296 = arith.index_cast %scan3A_1286 : i32 to index
          %get3A_1297 = arith.constant 16 : index
          %get3A_1298 = tpu.vector_load %arg39[%get3A_1296, %get3A_1297] {strides = array<i32>} : memref<80x128xf32, #tpu.memory_space<vmem>>, vector<16xf32>,
          %mul3A_1299 = arith.mulf %get3A_1298, %gather3A_1288 : vector<16xf32>
          %swap3A_1300 = arith.index_cast %scan3A_1286 : i32 to index
          %swap3A_1301 = arith.constant 16 : index
          %swap3A_1302 = tpu.vector_load %arg39[%swap3A_1300, %swap3A_1301] {strides = array<i32>} : memref<80x128xf32, #tpu.memory_space<vmem>>, vector<16xf32>,
          tpu.vector_store %arg39[%swap3A_1300, %swap3A_1301], %mul3A_1299 {strides = array<i32>} : memref<80x128xf32, #tpu.memory_space<vmem>>, vector<16xf32>,
          %get3A_1303 = arith.index_cast %scan3A_1286 : i32 to index
          %get3A_1304 = arith.constant 32 : index
          %get3A_1305 = tpu.vector_load %arg39[%get3A_1303, %get3A_1304] {strides = array<i32>} : memref<80x128xf32, #tpu.memory_space<vmem>>, vector<16xf32>,
          %mul3A_1306 = arith.mulf %get3A_1305, %gather3A_1288 : vector<16xf32>
          %swap3A_1307 = arith.index_cast %scan3A_1286 : i32 to index
          %swap3A_1308 = arith.constant 32 : index
          %swap3A_1309 = tpu.vector_load %arg39[%swap3A_1307, %swap3A_1308] {strides = array<i32>} : memref<80x128xf32, #tpu.memory_space<vmem>>, vector<16xf32>,
          tpu.vector_store %arg39[%swap3A_1307, %swap3A_1308], %mul3A_1306 {strides = array<i32>} : memref<80x128xf32, #tpu.memory_space<vmem>>, vector<16xf32>,
          %get3A_1310 = arith.index_cast %scan3A_1286 : i32 to index
          %get3A_1311 = arith.constant 48 : index
          %get3A_1312 = tpu.vector_load %arg39[%get3A_1310, %get3A_1311] {strides = array<i32>} : memref<80x128xf32, #tpu.memory_space<vmem>>, vector<16xf32>,
          %mul3A_1313 = arith.mulf %get3A_1312, %gather3A_1288 : vector<16xf32>
          %swap3A_1314 = arith.index_cast %scan3A_1286 : i32 to index
          %swap3A_1315 = arith.constant 48 : index
          %swap3A_1316 = tpu.vector_load %arg39[%swap3A_1314, %swap3A_1315] {strides = array<i32>} : memref<80x128xf32, #tpu.memory_space<vmem>>, vector<16xf32>,
          tpu.vector_store %arg39[%swap3A_1314, %swap3A_1315], %mul3A_1313 {strides = array<i32>} : memref<80x128xf32, #tpu.memory_space<vmem>>, vector<16xf32>,
          %get3A_1317 = arith.index_cast %scan3A_1286 : i32 to index
          %get3A_1318 = arith.constant 64 : index
          %get3A_1319 = tpu.vector_load %arg39[%get3A_1317, %get3A_1318] {strides = array<i32>} : memref<80x128xf32, #tpu.memory_space<vmem>>, vector<16xf32>,
          %mul3A_1320 = arith.mulf %get3A_1319, %gather3A_1288 : vector<16xf32>
          %swap3A_1321 = arith.index_cast %scan3A_1286 : i32 to index
          %swap3A_1322 = arith.constant 64 : index
          %swap3A_1323 = tpu.vector_load %arg39[%swap3A_1321, %swap3A_1322] {strides = array<i32>} : memref<80x128xf32, #tpu.memory_space<vmem>>, vector<16xf32>,
          tpu.vector_store %arg39[%swap3A_1321, %swap3A_1322], %mul3A_1320 {strides = array<i32>} : memref<80x128xf32, #tpu.memory_space<vmem>>, vector<16xf32>,
          %get3A_1324 = arith.index_cast %scan3A_1286 : i32 to index
          %get3A_1325 = arith.constant 80 : index
          %get3A_1326 = tpu.vector_load %arg39[%get3A_1324, %get3A_1325] {strides = array<i32>} : memref<80x128xf32, #tpu.memory_space<vmem>>, vector<16xf32>,
          %mul3A_1327 = arith.mulf %get3A_1326, %gather3A_1288 : vector<16xf32>
          %swap3A_1328 = arith.index_cast %scan3A_1286 : i32 to index
          %swap3A_1329 = arith.constant 80 : index
          %swap3A_1330 = tpu.vector_load %arg39[%swap3A_1328, %swap3A_1329] {strides = array<i32>} : memref<80x128xf32, #tpu.memory_space<vmem>>, vector<16xf32>,
          tpu.vector_store %arg39[%swap3A_1328, %swap3A_1329], %mul3A_1327 {strides = array<i32>} : memref<80x128xf32, #tpu.memory_space<vmem>>, vector<16xf32>,
          %get3A_1331 = arith.index_cast %scan3A_1286 : i32 to index
          %get3A_1332 = arith.constant 96 : index
          %get3A_1333 = tpu.vector_load %arg39[%get3A_1331, %get3A_1332] {strides = array<i32>} : memref<80x128xf32, #tpu.memory_space<vmem>>, vector<16xf32>,
          %mul3A_1334 = arith.mulf %get3A_1333, %gather3A_1288 : vector<16xf32>
          %swap3A_1335 = arith.index_cast %scan3A_1286 : i32 to index
          %swap3A_1336 = arith.constant 96 : index
          %swap3A_1337 = tpu.vector_load %arg39[%swap3A_1335, %swap3A_1336] {strides = array<i32>} : memref<80x128xf32, #tpu.memory_space<vmem>>, vector<16xf32>,
          tpu.vector_store %arg39[%swap3A_1335, %swap3A_1336], %mul3A_1334 {strides = array<i32>} : memref<80x128xf32, #tpu.memory_space<vmem>>, vector<16xf32>,
          %get3A_1338 = arith.index_cast %scan3A_1286 : i32 to index
          %get3A_1339 = arith.constant 112 : index
          %get3A_1340 = tpu.vector_load %arg39[%get3A_1338, %get3A_1339] {strides = array<i32>} : memref<80x128xf32, #tpu.memory_space<vmem>>, vector<16xf32>,
          %mul3A_1341 = arith.mulf %get3A_1340, %gather3A_1288 : vector<16xf32>
          %swap3A_1342 = arith.index_cast %scan3A_1286 : i32 to index
          %swap3A_1343 = arith.constant 112 : index
          %swap3A_1344 = tpu.vector_load %arg39[%swap3A_1342, %swap3A_1343] {strides = array<i32>} : memref<80x128xf32, #tpu.memory_space<vmem>>, vector<16xf32>,
          tpu.vector_store %arg39[%swap3A_1342, %swap3A_1343], %mul3A_1341 {strides = array<i32>} : memref<80x128xf32, #tpu.memory_space<vmem>>, vector<16xf32>,
          %scan3A_1345 = arith.constant 2 : i32
          %scan3A_1346 = arith.addi %scan3A_1227, %scan3A_1345 : i32
          %broadcast_in_dim3A_1347 = vector.broadcast %scan3A_1346 : i32 to vector<16xi32>
          %gather3A_1348 = tpu.vector_load_idx %arg24[%broadcast_in_dim3A_1347] : memref<80xf32, #tpu.memory_space<vmem>>[vector<16xi32>], vector<16xf32>,
          %get3A_1349 = arith.index_cast %scan3A_1346 : i32 to index
          %get3A_1350 = arith.constant 0 : index
          %get3A_1351 = tpu.vector_load %arg39[%get3A_1349, %get3A_1350] {strides = array<i32>} : memref<80x128xf32, #tpu.memory_space<vmem>>, vector<16xf32>,
          %mul3A_1352 = arith.mulf %get3A_1351, %gather3A_1348 : vector<16xf32>
          %swap3A_1353 = arith.index_cast %scan3A_1346 : i32 to index
          %swap3A_1354 = arith.constant 0 : index
          %swap3A_1355 = tpu.vector_load %arg39[%swap3A_1353, %swap3A_1354] {strides = array<i32>} : memref<80x128xf32, #tpu.memory_space<vmem>>, vector<16xf32>,
          tpu.vector_store %arg39[%swap3A_1353, %swap3A_1354], %mul3A_1352 {strides = array<i32>} : memref<80x128xf32, #tpu.memory_space<vmem>>, vector<16xf32>,
          %get3A_1356 = arith.index_cast %scan3A_1346 : i32 to index
          %get3A_1357 = arith.constant 16 : index
          %get3A_1358 = tpu.vector_load %arg39[%get3A_1356, %get3A_1357] {strides = array<i32>} : memref<80x128xf32, #tpu.memory_space<vmem>>, vector<16xf32>,
          %mul3A_1359 = arith.mulf %get3A_1358, %gather3A_1348 : vector<16xf32>
          %swap3A_1360 = arith.index_cast %scan3A_1346 : i32 to index
          %swap3A_1361 = arith.constant 16 : index
          %swap3A_1362 = tpu.vector_load %arg39[%swap3A_1360, %swap3A_1361] {strides = array<i32>} : memref<80x128xf32, #tpu.memory_space<vmem>>, vector<16xf32>,
          tpu.vector_store %arg39[%swap3A_1360, %swap3A_1361], %mul3A_1359 {strides = array<i32>} : memref<80x128xf32, #tpu.memory_space<vmem>>, vector<16xf32>,
          %get3A_1363 = arith.index_cast %scan3A_1346 : i32 to index
          %get3A_1364 = arith.constant 32 : index
          %get3A_1365 = tpu.vector_load %arg39[%get3A_1363, %get3A_1364] {strides = array<i32>} : memref<80x128xf32, #tpu.memory_space<vmem>>, vector<16xf32>,
          %mul3A_1366 = arith.mulf %get3A_1365, %gather3A_1348 : vector<16xf32>
          %swap3A_1367 = arith.index_cast %scan3A_1346 : i32 to index
          %swap3A_1368 = arith.constant 32 : index
          %swap3A_1369 = tpu.vector_load %arg39[%swap3A_1367, %swap3A_1368] {strides = array<i32>} : memref<80x128xf32, #tpu.memory_space<vmem>>, vector<16xf32>,
          tpu.vector_store %arg39[%swap3A_1367, %swap3A_1368], %mul3A_1366 {strides = array<i32>} : memref<80x128xf32, #tpu.memory_space<vmem>>, vector<16xf32>,
          %get3A_1370 = arith.index_cast %scan3A_1346 : i32 to index
          %get3A_1371 = arith.constant 48 : index
          %get3A_1372 = tpu.vector_load %arg39[%get3A_1370, %get3A_1371] {strides = array<i32>} : memref<80x128xf32, #tpu.memory_space<vmem>>, vector<16xf32>,
          %mul3A_1373 = arith.mulf %get3A_1372, %gather3A_1348 : vector<16xf32>
          %swap3A_1374 = arith.index_cast %scan3A_1346 : i32 to index
          %swap3A_1375 = arith.constant 48 : index
          %swap3A_1376 = tpu.vector_load %arg39[%swap3A_1374, %swap3A_1375] {strides = array<i32>} : memref<80x128xf32, #tpu.memory_space<vmem>>, vector<16xf32>,
          tpu.vector_store %arg39[%swap3A_1374, %swap3A_1375], %mul3A_1373 {strides = array<i32>} : memref<80x128xf32, #tpu.memory_space<vmem>>, vector<16xf32>,
          %get3A_1377 = arith.index_cast %scan3A_1346 : i32 to index
          %get3A_1378 = arith.constant 64 : index
          %get3A_1379 = tpu.vector_load %arg39[%get3A_1377, %get3A_1378] {strides = array<i32>} : memref<80x128xf32, #tpu.memory_space<vmem>>, vector<16xf32>,
          %mul3A_1380 = arith.mulf %get3A_1379, %gather3A_1348 : vector<16xf32>
          %swap3A_1381 = arith.index_cast %scan3A_1346 : i32 to index
          %swap3A_1382 = arith.constant 64 : index
          %swap3A_1383 = tpu.vector_load %arg39[%swap3A_1381, %swap3A_1382] {strides = array<i32>} : memref<80x128xf32, #tpu.memory_space<vmem>>, vector<16xf32>,
          tpu.vector_store %arg39[%swap3A_1381, %swap3A_1382], %mul3A_1380 {strides = array<i32>} : memref<80x128xf32, #tpu.memory_space<vmem>>, vector<16xf32>,
          %get3A_1384 = arith.index_cast %scan3A_1346 : i32 to index
          %get3A_1385 = arith.constant 80 : index
          %get3A_1386 = tpu.vector_load %arg39[%get3A_1384, %get3A_1385] {strides = array<i32>} : memref<80x128xf32, #tpu.memory_space<vmem>>, vector<16xf32>,
          %mul3A_1387 = arith.mulf %get3A_1386, %gather3A_1348 : vector<16xf32>
          %swap3A_1388 = arith.index_cast %scan3A_1346 : i32 to index
          %swap3A_1389 = arith.constant 80 : index
          %swap3A_1390 = tpu.vector_load %arg39[%swap3A_1388, %swap3A_1389] {strides = array<i32>} : memref<80x128xf32, #tpu.memory_space<vmem>>, vector<16xf32>,
          tpu.vector_store %arg39[%swap3A_1388, %swap3A_1389], %mul3A_1387 {strides = array<i32>} : memref<80x128xf32, #tpu.memory_space<vmem>>, vector<16xf32>,
          %get3A_1391 = arith.index_cast %scan3A_1346 : i32 to index
          %get3A_1392 = arith.constant 96 : index
          %get3A_1393 = tpu.vector_load %arg39[%get3A_1391, %get3A_1392] {strides = array<i32>} : memref<80x128xf32, #tpu.memory_space<vmem>>, vector<16xf32>,
          %mul3A_1394 = arith.mulf %get3A_1393, %gather3A_1348 : vector<16xf32>
          %swap3A_1395 = arith.index_cast %scan3A_1346 : i32 to index
          %swap3A_1396 = arith.constant 96 : index
          %swap3A_1397 = tpu.vector_load %arg39[%swap3A_1395, %swap3A_1396] {strides = array<i32>} : memref<80x128xf32, #tpu.memory_space<vmem>>, vector<16xf32>,
          tpu.vector_store %arg39[%swap3A_1395, %swap3A_1396], %mul3A_1394 {strides = array<i32>} : memref<80x128xf32, #tpu.memory_space<vmem>>, vector<16xf32>,
          %get3A_1398 = arith.index_cast %scan3A_1346 : i32 to index
          %get3A_1399 = arith.constant 112 : index
          %get3A_1400 = tpu.vector_load %arg39[%get3A_1398, %get3A_1399] {strides = array<i32>} : memref<80x128xf32, #tpu.memory_space<vmem>>, vector<16xf32>,
          %mul3A_1401 = arith.mulf %get3A_1400, %gather3A_1348 : vector<16xf32>
          %swap3A_1402 = arith.index_cast %scan3A_1346 : i32 to index
          %swap3A_1403 = arith.constant 112 : index
          %swap3A_1404 = tpu.vector_load %arg39[%swap3A_1402, %swap3A_1403] {strides = array<i32>} : memref<80x128xf32, #tpu.memory_space<vmem>>, vector<16xf32>,
          tpu.vector_store %arg39[%swap3A_1402, %swap3A_1403], %mul3A_1401 {strides = array<i32>} : memref<80x128xf32, #tpu.memory_space<vmem>>, vector<16xf32>,
          %scan3A_1405 = arith.constant 3 : i32
          %scan3A_1406 = arith.addi %scan3A_1227, %scan3A_1405 : i32
          %broadcast_in_dim3A_1407 = vector.broadcast %scan3A_1406 : i32 to vector<16xi32>
          %gather3A_1408 = tpu.vector_load_idx %arg24[%broadcast_in_dim3A_1407] : memref<80xf32, #tpu.memory_space<vmem>>[vector<16xi32>], vector<16xf32>,
          %get3A_1409 = arith.index_cast %scan3A_1406 : i32 to index
          %get3A_1410 = arith.constant 0 : index
          %get3A_1411 = tpu.vector_load %arg39[%get3A_1409, %get3A_1410] {strides = array<i32>} : memref<80x128xf32, #tpu.memory_space<vmem>>, vector<16xf32>,
          %mul3A_1412 = arith.mulf %get3A_1411, %gather3A_1408 : vector<16xf32>
          %swap3A_1413 = arith.index_cast %scan3A_1406 : i32 to index
          %swap3A_1414 = arith.constant 0 : index
          %swap3A_1415 = tpu.vector_load %arg39[%swap3A_1413, %swap3A_1414] {strides = array<i32>} : memref<80x128xf32, #tpu.memory_space<vmem>>, vector<16xf32>,
          tpu.vector_store %arg39[%swap3A_1413, %swap3A_1414], %mul3A_1412 {strides = array<i32>} : memref<80x128xf32, #tpu.memory_space<vmem>>, vector<16xf32>,
          %get3A_1416 = arith.index_cast %scan3A_1406 : i32 to index
          %get3A_1417 = arith.constant 16 : index
          %get3A_1418 = tpu.vector_load %arg39[%get3A_1416, %get3A_1417] {strides = array<i32>} : memref<80x128xf32, #tpu.memory_space<vmem>>, vector<16xf32>,
          %mul3A_1419 = arith.mulf %get3A_1418, %gather3A_1408 : vector<16xf32>
          %swap3A_1420 = arith.index_cast %scan3A_1406 : i32 to index
          %swap3A_1421 = arith.constant 16 : index
          %swap3A_1422 = tpu.vector_load %arg39[%swap3A_1420, %swap3A_1421] {strides = array<i32>} : memref<80x128xf32, #tpu.memory_space<vmem>>, vector<16xf32>,
          tpu.vector_store %arg39[%swap3A_1420, %swap3A_1421], %mul3A_1419 {strides = array<i32>} : memref<80x128xf32, #tpu.memory_space<vmem>>, vector<16xf32>,
          %get3A_1423 = arith.index_cast %scan3A_1406 : i32 to index
          %get3A_1424 = arith.constant 32 : index
          %get3A_1425 = tpu.vector_load %arg39[%get3A_1423, %get3A_1424] {strides = array<i32>} : memref<80x128xf32, #tpu.memory_space<vmem>>, vector<16xf32>,
          %mul3A_1426 = arith.mulf %get3A_1425, %gather3A_1408 : vector<16xf32>
          %swap3A_1427 = arith.index_cast %scan3A_1406 : i32 to index
          %swap3A_1428 = arith.constant 32 : index
          %swap3A_1429 = tpu.vector_load %arg39[%swap3A_1427, %swap3A_1428] {strides = array<i32>} : memref<80x128xf32, #tpu.memory_space<vmem>>, vector<16xf32>,
          tpu.vector_store %arg39[%swap3A_1427, %swap3A_1428], %mul3A_1426 {strides = array<i32>} : memref<80x128xf32, #tpu.memory_space<vmem>>, vector<16xf32>,
          %get3A_1430 = arith.index_cast %scan3A_1406 : i32 to index
          %get3A_1431 = arith.constant 48 : index
          %get3A_1432 = tpu.vector_load %arg39[%get3A_1430, %get3A_1431] {strides = array<i32>} : memref<80x128xf32, #tpu.memory_space<vmem>>, vector<16xf32>,
          %mul3A_1433 = arith.mulf %get3A_1432, %gather3A_1408 : vector<16xf32>
          %swap3A_1434 = arith.index_cast %scan3A_1406 : i32 to index
          %swap3A_1435 = arith.constant 48 : index
          %swap3A_1436 = tpu.vector_load %arg39[%swap3A_1434, %swap3A_1435] {strides = array<i32>} : memref<80x128xf32, #tpu.memory_space<vmem>>, vector<16xf32>,
          tpu.vector_store %arg39[%swap3A_1434, %swap3A_1435], %mul3A_1433 {strides = array<i32>} : memref<80x128xf32, #tpu.memory_space<vmem>>, vector<16xf32>,
          %get3A_1437 = arith.index_cast %scan3A_1406 : i32 to index
          %get3A_1438 = arith.constant 64 : index
          %get3A_1439 = tpu.vector_load %arg39[%get3A_1437, %get3A_1438] {strides = array<i32>} : memref<80x128xf32, #tpu.memory_space<vmem>>, vector<16xf32>,
          %mul3A_1440 = arith.mulf %get3A_1439, %gather3A_1408 : vector<16xf32>
          %swap3A_1441 = arith.index_cast %scan3A_1406 : i32 to index
          %swap3A_1442 = arith.constant 64 : index
          %swap3A_1443 = tpu.vector_load %arg39[%swap3A_1441, %swap3A_1442] {strides = array<i32>} : memref<80x128xf32, #tpu.memory_space<vmem>>, vector<16xf32>,
          tpu.vector_store %arg39[%swap3A_1441, %swap3A_1442], %mul3A_1440 {strides = array<i32>} : memref<80x128xf32, #tpu.memory_space<vmem>>, vector<16xf32>,
          %get3A_1444 = arith.index_cast %scan3A_1406 : i32 to index
          %get3A_1445 = arith.constant 80 : index
          %get3A_1446 = tpu.vector_load %arg39[%get3A_1444, %get3A_1445] {strides = array<i32>} : memref<80x128xf32, #tpu.memory_space<vmem>>, vector<16xf32>,
          %mul3A_1447 = arith.mulf %get3A_1446, %gather3A_1408 : vector<16xf32>
          %swap3A_1448 = arith.index_cast %scan3A_1406 : i32 to index
          %swap3A_1449 = arith.constant 80 : index
          %swap3A_1450 = tpu.vector_load %arg39[%swap3A_1448, %swap3A_1449] {strides = array<i32>} : memref<80x128xf32, #tpu.memory_space<vmem>>, vector<16xf32>,
          tpu.vector_store %arg39[%swap3A_1448, %swap3A_1449], %mul3A_1447 {strides = array<i32>} : memref<80x128xf32, #tpu.memory_space<vmem>>, vector<16xf32>,
          %get3A_1451 = arith.index_cast %scan3A_1406 : i32 to index
          %get3A_1452 = arith.constant 96 : index
          %get3A_1453 = tpu.vector_load %arg39[%get3A_1451, %get3A_1452] {strides = array<i32>} : memref<80x128xf32, #tpu.memory_space<vmem>>, vector<16xf32>,
          %mul3A_1454 = arith.mulf %get3A_1453, %gather3A_1408 : vector<16xf32>
          %swap3A_1455 = arith.index_cast %scan3A_1406 : i32 to index
          %swap3A_1456 = arith.constant 96 : index
          %swap3A_1457 = tpu.vector_load %arg39[%swap3A_1455, %swap3A_1456] {strides = array<i32>} : memref<80x128xf32, #tpu.memory_space<vmem>>, vector<16xf32>,
          tpu.vector_store %arg39[%swap3A_1455, %swap3A_1456], %mul3A_1454 {strides = array<i32>} : memref<80x128xf32, #tpu.memory_space<vmem>>, vector<16xf32>,
          %get3A_1458 = arith.index_cast %scan3A_1406 : i32 to index
          %get3A_1459 = arith.constant 112 : index
          %get3A_1460 = tpu.vector_load %arg39[%get3A_1458, %get3A_1459] {strides = array<i32>} : memref<80x128xf32, #tpu.memory_space<vmem>>, vector<16xf32>,
          %mul3A_1461 = arith.mulf %get3A_1460, %gather3A_1408 : vector<16xf32>
          %swap3A_1462 = arith.index_cast %scan3A_1406 : i32 to index
          %swap3A_1463 = arith.constant 112 : index
          %swap3A_1464 = tpu.vector_load %arg39[%swap3A_1462, %swap3A_1463] {strides = array<i32>} : memref<80x128xf32, #tpu.memory_space<vmem>>, vector<16xf32>,
          tpu.vector_store %arg39[%swap3A_1462, %swap3A_1463], %mul3A_1461 {strides = array<i32>} : memref<80x128xf32, #tpu.memory_space<vmem>>, vector<16xf32>,
        }
        %scan3A_781 = arith.constant 80 : i32
        %dma_start3A_782 = arith.constant 0 : i32
        %dma_start3A_783 = arith.constant 0 : i32
        %dma_start3A_784 = tpu.memref_slice %arg46[%dma_start3A_782, %dma_start3A_783] : memref<10000x128xf32, #tpu.memory_space<vmem_shared>> -> memref<10000x128xf32, #tpu.memory_space<vmem_shared>>
        tpu.enqueue_indirect_dma source(%arg39 : memref<80x128xf32, #tpu.memory_space<vmem>>) target(%dma_start3A_784 : memref<10000x128xf32, #tpu.memory_space<vmem_shared>>) offsets(%arg19 : memref<80xi32, #tpu.memory_space<vmem>>) semaphore(%arg52 : memref<!tpu.dma_semaphore, #tpu.memory_space<semaphore_mem>>) {add = true}
        %dma_wait3A_785 = arith.constant 0 : i32
        %dma_wait3A_786 = arith.constant 0 : i32
        %dma_wait3A_787 = tpu.memref_slice %arg46[%dma_wait3A_785, %dma_wait3A_786] : memref<10000x128xf32, #tpu.memory_space<vmem_shared>> -> memref<10000x128xf32, #tpu.memory_space<vmem_shared>>
        tpu.wait_indirect_dma semaphore(%arg51 : memref<!tpu.dma_semaphore, #tpu.memory_space<semaphore_mem>>) src(%arg38 : memref<80x128xf32, #tpu.memory_space<vmem>>) dst(%dma_wait3A_787 : memref<10000x128xf32, #tpu.memory_space<vmem_shared>>)
        %dma_start3A_788 = arith.constant 0 : i32
        %dma_start3A_789 = arith.constant 0 : i32
        %dma_start3A_790 = tpu.memref_slice %arg7[%dma_start3A_788, %dma_start3A_789] : memref<10000x128xf32, #tpu.memory_space<hbm>> -> memref<10000x128xf32, #tpu.memory_space<hbm>>
        tpu.enqueue_indirect_dma source(%dma_start3A_790 : memref<10000x128xf32, #tpu.memory_space<hbm>>) target(%arg38 : memref<80x128xf32, #tpu.memory_space<vmem>>) offsets(%arg17 : memref<80xi32, #tpu.memory_space<vmem>>) semaphore(%arg47 : memref<!tpu.dma_semaphore, #tpu.memory_space<semaphore_mem>>)
        %dma_wait3A_791 = arith.constant 0 : i32
        %dma_wait3A_792 = tpu.memref_slice %arg43[%dma_wait3A_791] : memref<10000xf32, #tpu.memory_space<vmem_shared>> -> memref<10000xf32, #tpu.memory_space<vmem_shared>>
        tpu.wait_indirect_dma semaphore(%arg65 : memref<!tpu.dma_semaphore, #tpu.memory_space<semaphore_mem>>) src(%dma_wait3A_792 : memref<10000xf32, #tpu.memory_space<vmem_shared>>) dst(%arg30 : memref<80xf32, #tpu.memory_space<vmem>>)
        %dma_wait3A_793 = arith.constant 0 : i32
        %dma_wait3A_794 = tpu.memref_slice %arg44[%dma_wait3A_793] : memref<10000xf32, #tpu.memory_space<vmem_shared>> -> memref<10000xf32, #tpu.memory_space<vmem_shared>>
        tpu.wait_indirect_dma semaphore(%arg66 : memref<!tpu.dma_semaphore, #tpu.memory_space<semaphore_mem>>) src(%dma_wait3A_794 : memref<10000xf32, #tpu.memory_space<vmem_shared>>) dst(%arg35 : memref<80xf32, #tpu.memory_space<vmem>>)
        %get3A_795 = arith.constant 0 : index
        %get3A_796 = tpu.vector_load %arg30[%get3A_795] {strides = array<i32>} : memref<80xf32, #tpu.memory_space<vmem>>, vector<16xf32>,
        %get3A_797 = arith.constant 0 : index
        %get3A_798 = tpu.vector_load %arg35[%get3A_797] {strides = array<i32>} : memref<80xf32, #tpu.memory_space<vmem>>, vector<16xf32>,
        %add3A_799 = arith.addf %get3A_796, %get3A_798 : vector<16xf32>
        %gt3A_800 = arith.constant 0.000000e+00 : f32
        %gt3A_801 = vector.broadcast %gt3A_800 : f32 to vector<16xf32>
        %gt3A_802 = arith.cmpf ogt, %add3A_799, %gt3A_801 : vector<16xf32>
        %mul3A_803 = arith.constant 2.000000e-01 : f32
        %mul3A_804 = vector.broadcast %mul3A_803 : f32 to vector<16xf32>
        %mul3A_805 = arith.mulf %mul3A_804, %add3A_799 : vector<16xf32>
        %select_n3A_806 = arith.select %gt3A_802, %add3A_799, %mul3A_805 : vector<16xi1>, vector<16xf32>
        %add3A_807 = arith.addf %get3A_28, %get3A_798 : vector<16xf32>
        %gt3A_808 = arith.constant 0.000000e+00 : f32
        %gt3A_809 = vector.broadcast %gt3A_808 : f32 to vector<16xf32>
        %gt3A_810 = arith.cmpf ogt, %add3A_807, %gt3A_809 : vector<16xf32>
        %mul3A_811 = arith.constant 2.000000e-01 : f32
        %mul3A_812 = vector.broadcast %mul3A_811 : f32 to vector<16xf32>
        %mul3A_813 = arith.mulf %mul3A_812, %add3A_807 : vector<16xf32>
        %select_n3A_814 = arith.select %gt3A_810, %add3A_807, %mul3A_813 : vector<16xi1>, vector<16xf32>
        %sub3A_815 = arith.subf %select_n3A_806, %select_n3A_814 : vector<16xf32>
        %exp3A_816 = math.exp %sub3A_815 : vector<16xf32>
        %swap3A_817 = arith.constant 0 : index
        %swap3A_818 = tpu.vector_load %arg25[%swap3A_817] {strides = array<i32>} : memref<80xf32, #tpu.memory_space<vmem>>, vector<16xf32>,
        tpu.vector_store %arg25[%swap3A_817], %exp3A_816 {strides = array<i32>} : memref<80xf32, #tpu.memory_space<vmem>>, vector<16xf32>,
        %get3A_819 = arith.constant 16 : index
        %get3A_820 = tpu.vector_load %arg30[%get3A_819] {strides = array<i32>} : memref<80xf32, #tpu.memory_space<vmem>>, vector<16xf32>,
        %get3A_821 = arith.constant 16 : index
        %get3A_822 = tpu.vector_load %arg35[%get3A_821] {strides = array<i32>} : memref<80xf32, #tpu.memory_space<vmem>>, vector<16xf32>,
        %add3A_823 = arith.addf %get3A_820, %get3A_822 : vector<16xf32>
        %gt3A_824 = arith.constant 0.000000e+00 : f32
        %gt3A_825 = vector.broadcast %gt3A_824 : f32 to vector<16xf32>
        %gt3A_826 = arith.cmpf ogt, %add3A_823, %gt3A_825 : vector<16xf32>
        %mul3A_827 = arith.constant 2.000000e-01 : f32
        %mul3A_828 = vector.broadcast %mul3A_827 : f32 to vector<16xf32>
        %mul3A_829 = arith.mulf %mul3A_828, %add3A_823 : vector<16xf32>
        %select_n3A_830 = arith.select %gt3A_826, %add3A_823, %mul3A_829 : vector<16xi1>, vector<16xf32>
        %add3A_831 = arith.addf %get3A_28, %get3A_822 : vector<16xf32>
        %gt3A_832 = arith.constant 0.000000e+00 : f32
        %gt3A_833 = vector.broadcast %gt3A_832 : f32 to vector<16xf32>
        %gt3A_834 = arith.cmpf ogt, %add3A_831, %gt3A_833 : vector<16xf32>
        %mul3A_835 = arith.constant 2.000000e-01 : f32
        %mul3A_836 = vector.broadcast %mul3A_835 : f32 to vector<16xf32>
        %mul3A_837 = arith.mulf %mul3A_836, %add3A_831 : vector<16xf32>
        %select_n3A_838 = arith.select %gt3A_834, %add3A_831, %mul3A_837 : vector<16xi1>, vector<16xf32>
        %sub3A_839 = arith.subf %select_n3A_830, %select_n3A_838 : vector<16xf32>
        %exp3A_840 = math.exp %sub3A_839 : vector<16xf32>
        %swap3A_841 = arith.constant 16 : index
        %swap3A_842 = tpu.vector_load %arg25[%swap3A_841] {strides = array<i32>} : memref<80xf32, #tpu.memory_space<vmem>>, vector<16xf32>,
        tpu.vector_store %arg25[%swap3A_841], %exp3A_840 {strides = array<i32>} : memref<80xf32, #tpu.memory_space<vmem>>, vector<16xf32>,
        %get3A_843 = arith.constant 32 : index
        %get3A_844 = tpu.vector_load %arg30[%get3A_843] {strides = array<i32>} : memref<80xf32, #tpu.memory_space<vmem>>, vector<16xf32>,
        %get3A_845 = arith.constant 32 : index
        %get3A_846 = tpu.vector_load %arg35[%get3A_845] {strides = array<i32>} : memref<80xf32, #tpu.memory_space<vmem>>, vector<16xf32>,
        %add3A_847 = arith.addf %get3A_844, %get3A_846 : vector<16xf32>
        %gt3A_848 = arith.constant 0.000000e+00 : f32
        %gt3A_849 = vector.broadcast %gt3A_848 : f32 to vector<16xf32>
        %gt3A_850 = arith.cmpf ogt, %add3A_847, %gt3A_849 : vector<16xf32>
        %mul3A_851 = arith.constant 2.000000e-01 : f32
        %mul3A_852 = vector.broadcast %mul3A_851 : f32 to vector<16xf32>
        %mul3A_853 = arith.mulf %mul3A_852, %add3A_847 : vector<16xf32>
        %select_n3A_854 = arith.select %gt3A_850, %add3A_847, %mul3A_853 : vector<16xi1>, vector<16xf32>
        %add3A_855 = arith.addf %get3A_28, %get3A_846 : vector<16xf32>
        %gt3A_856 = arith.constant 0.000000e+00 : f32
        %gt3A_857 = vector.broadcast %gt3A_856 : f32 to vector<16xf32>
        %gt3A_858 = arith.cmpf ogt, %add3A_855, %gt3A_857 : vector<16xf32>
        %mul3A_859 = arith.constant 2.000000e-01 : f32
        %mul3A_860 = vector.broadcast %mul3A_859 : f32 to vector<16xf32>
        %mul3A_861 = arith.mulf %mul3A_860, %add3A_855 : vector<16xf32>
        %select_n3A_862 = arith.select %gt3A_858, %add3A_855, %mul3A_861 : vector<16xi1>, vector<16xf32>
        %sub3A_863 = arith.subf %select_n3A_854, %select_n3A_862 : vector<16xf32>
        %exp3A_864 = math.exp %sub3A_863 : vector<16xf32>
        %swap3A_865 = arith.constant 32 : index
        %swap3A_866 = tpu.vector_load %arg25[%swap3A_865] {strides = array<i32>} : memref<80xf32, #tpu.memory_space<vmem>>, vector<16xf32>,
        tpu.vector_store %arg25[%swap3A_865], %exp3A_864 {strides = array<i32>} : memref<80xf32, #tpu.memory_space<vmem>>, vector<16xf32>,
        %get3A_867 = arith.constant 48 : index
        %get3A_868 = tpu.vector_load %arg30[%get3A_867] {strides = array<i32>} : memref<80xf32, #tpu.memory_space<vmem>>, vector<16xf32>,
        %get3A_869 = arith.constant 48 : index
        %get3A_870 = tpu.vector_load %arg35[%get3A_869] {strides = array<i32>} : memref<80xf32, #tpu.memory_space<vmem>>, vector<16xf32>,
        %add3A_871 = arith.addf %get3A_868, %get3A_870 : vector<16xf32>
        %gt3A_872 = arith.constant 0.000000e+00 : f32
        %gt3A_873 = vector.broadcast %gt3A_872 : f32 to vector<16xf32>
        %gt3A_874 = arith.cmpf ogt, %add3A_871, %gt3A_873 : vector<16xf32>
        %mul3A_875 = arith.constant 2.000000e-01 : f32
        %mul3A_876 = vector.broadcast %mul3A_875 : f32 to vector<16xf32>
        %mul3A_877 = arith.mulf %mul3A_876, %add3A_871 : vector<16xf32>
        %select_n3A_878 = arith.select %gt3A_874, %add3A_871, %mul3A_877 : vector<16xi1>, vector<16xf32>
        %add3A_879 = arith.addf %get3A_28, %get3A_870 : vector<16xf32>
        %gt3A_880 = arith.constant 0.000000e+00 : f32
        %gt3A_881 = vector.broadcast %gt3A_880 : f32 to vector<16xf32>
        %gt3A_882 = arith.cmpf ogt, %add3A_879, %gt3A_881 : vector<16xf32>
        %mul3A_883 = arith.constant 2.000000e-01 : f32
        %mul3A_884 = vector.broadcast %mul3A_883 : f32 to vector<16xf32>
        %mul3A_885 = arith.mulf %mul3A_884, %add3A_879 : vector<16xf32>
        %select_n3A_886 = arith.select %gt3A_882, %add3A_879, %mul3A_885 : vector<16xi1>, vector<16xf32>
        %sub3A_887 = arith.subf %select_n3A_878, %select_n3A_886 : vector<16xf32>
        %exp3A_888 = math.exp %sub3A_887 : vector<16xf32>
        %swap3A_889 = arith.constant 48 : index
        %swap3A_890 = tpu.vector_load %arg25[%swap3A_889] {strides = array<i32>} : memref<80xf32, #tpu.memory_space<vmem>>, vector<16xf32>,
        tpu.vector_store %arg25[%swap3A_889], %exp3A_888 {strides = array<i32>} : memref<80xf32, #tpu.memory_space<vmem>>, vector<16xf32>,
        %get3A_891 = arith.constant 64 : index
        %get3A_892 = tpu.vector_load %arg30[%get3A_891] {strides = array<i32>} : memref<80xf32, #tpu.memory_space<vmem>>, vector<16xf32>,
        %get3A_893 = arith.constant 64 : index
        %get3A_894 = tpu.vector_load %arg35[%get3A_893] {strides = array<i32>} : memref<80xf32, #tpu.memory_space<vmem>>, vector<16xf32>,
        %add3A_895 = arith.addf %get3A_892, %get3A_894 : vector<16xf32>
        %gt3A_896 = arith.constant 0.000000e+00 : f32
        %gt3A_897 = vector.broadcast %gt3A_896 : f32 to vector<16xf32>
        %gt3A_898 = arith.cmpf ogt, %add3A_895, %gt3A_897 : vector<16xf32>
        %mul3A_899 = arith.constant 2.000000e-01 : f32
        %mul3A_900 = vector.broadcast %mul3A_899 : f32 to vector<16xf32>
        %mul3A_901 = arith.mulf %mul3A_900, %add3A_895 : vector<16xf32>
        %select_n3A_902 = arith.select %gt3A_898, %add3A_895, %mul3A_901 : vector<16xi1>, vector<16xf32>
        %add3A_903 = arith.addf %get3A_28, %get3A_894 : vector<16xf32>
        %gt3A_904 = arith.constant 0.000000e+00 : f32
        %gt3A_905 = vector.broadcast %gt3A_904 : f32 to vector<16xf32>
        %gt3A_906 = arith.cmpf ogt, %add3A_903, %gt3A_905 : vector<16xf32>
        %mul3A_907 = arith.constant 2.000000e-01 : f32
        %mul3A_908 = vector.broadcast %mul3A_907 : f32 to vector<16xf32>
        %mul3A_909 = arith.mulf %mul3A_908, %add3A_903 : vector<16xf32>
        %select_n3A_910 = arith.select %gt3A_906, %add3A_903, %mul3A_909 : vector<16xi1>, vector<16xf32>
        %sub3A_911 = arith.subf %select_n3A_902, %select_n3A_910 : vector<16xf32>
        %exp3A_912 = math.exp %sub3A_911 : vector<16xf32>
        %swap3A_913 = arith.constant 64 : index
        %swap3A_914 = tpu.vector_load %arg25[%swap3A_913] {strides = array<i32>} : memref<80xf32, #tpu.memory_space<vmem>>, vector<16xf32>,
        tpu.vector_store %arg25[%swap3A_913], %exp3A_912 {strides = array<i32>} : memref<80xf32, #tpu.memory_space<vmem>>, vector<16xf32>,
        %dma_start3A_915 = arith.constant 0 : i32
        %dma_start3A_916 = tpu.memref_slice %arg45[%dma_start3A_915] : memref<10000xf32, #tpu.memory_space<vmem_shared>> -> memref<10000xf32, #tpu.memory_space<vmem_shared>>
        tpu.enqueue_indirect_dma source(%arg25 : memref<80xf32, #tpu.memory_space<vmem>>) target(%dma_start3A_916 : memref<10000xf32, #tpu.memory_space<vmem_shared>>) offsets(%arg20 : memref<80xi32, #tpu.memory_space<vmem>>) semaphore(%arg58 : memref<!tpu.dma_semaphore, #tpu.memory_space<semaphore_mem>>) {add = true}
        %dma_wait3A_917 = arith.constant 0 : i32
        %dma_wait3A_918 = arith.constant 0 : i32
        %dma_wait3A_919 = tpu.memref_slice %arg7[%dma_wait3A_917, %dma_wait3A_918] : memref<10000x128xf32, #tpu.memory_space<hbm>> -> memref<10000x128xf32, #tpu.memory_space<hbm>>
        tpu.wait_indirect_dma semaphore(%arg49 : memref<!tpu.dma_semaphore, #tpu.memory_space<semaphore_mem>>) src(%dma_wait3A_919 : memref<10000x128xf32, #tpu.memory_space<hbm>>) dst(%arg40 : memref<80x128xf32, #tpu.memory_space<vmem>>)
        %scan3A_920 = arith.constant 0 : i32
        %scan3A_921 = arith.constant 0 : i32
        %scan3A_922 = arith.constant 80 : i32
        %scan3A_923 = arith.addi %scan3A_921, %scan3A_922 : i32
        %scan3A_924 = arith.constant 4 : i32
        scf.for %scan3A_1227 = %scan3A_921 to %scan3A_923 step %scan3A_924  : i32 {
          %broadcast_in_dim3A_1228 = vector.broadcast %scan3A_1227 : i32 to vector<16xi32>
          %gather3A = tpu.vector_load_idx %arg25[%broadcast_in_dim3A_1228] : memref<80xf32, #tpu.memory_space<vmem>>[vector<16xi32>], vector<16xf32>,
          %get3A_1229 = arith.index_cast %scan3A_1227 : i32 to index
          %get3A_1230 = arith.constant 0 : index
          %get3A_1231 = tpu.vector_load %arg40[%get3A_1229, %get3A_1230] {strides = array<i32>} : memref<80x128xf32, #tpu.memory_space<vmem>>, vector<16xf32>,
          %mul3A_1232 = arith.mulf %get3A_1231, %gather3A : vector<16xf32>
          %swap3A_1233 = arith.index_cast %scan3A_1227 : i32 to index
          %swap3A_1234 = arith.constant 0 : index
          %swap3A_1235 = tpu.vector_load %arg40[%swap3A_1233, %swap3A_1234] {strides = array<i32>} : memref<80x128xf32, #tpu.memory_space<vmem>>, vector<16xf32>,
          tpu.vector_store %arg40[%swap3A_1233, %swap3A_1234], %mul3A_1232 {strides = array<i32>} : memref<80x128xf32, #tpu.memory_space<vmem>>, vector<16xf32>,
          %get3A_1236 = arith.index_cast %scan3A_1227 : i32 to index
          %get3A_1237 = arith.constant 16 : index
          %get3A_1238 = tpu.vector_load %arg40[%get3A_1236, %get3A_1237] {strides = array<i32>} : memref<80x128xf32, #tpu.memory_space<vmem>>, vector<16xf32>,
          %mul3A_1239 = arith.mulf %get3A_1238, %gather3A : vector<16xf32>
          %swap3A_1240 = arith.index_cast %scan3A_1227 : i32 to index
          %swap3A_1241 = arith.constant 16 : index
          %swap3A_1242 = tpu.vector_load %arg40[%swap3A_1240, %swap3A_1241] {strides = array<i32>} : memref<80x128xf32, #tpu.memory_space<vmem>>, vector<16xf32>,
          tpu.vector_store %arg40[%swap3A_1240, %swap3A_1241], %mul3A_1239 {strides = array<i32>} : memref<80x128xf32, #tpu.memory_space<vmem>>, vector<16xf32>,
          %get3A_1243 = arith.index_cast %scan3A_1227 : i32 to index
          %get3A_1244 = arith.constant 32 : index
          %get3A_1245 = tpu.vector_load %arg40[%get3A_1243, %get3A_1244] {strides = array<i32>} : memref<80x128xf32, #tpu.memory_space<vmem>>, vector<16xf32>,
          %mul3A_1246 = arith.mulf %get3A_1245, %gather3A : vector<16xf32>
          %swap3A_1247 = arith.index_cast %scan3A_1227 : i32 to index
          %swap3A_1248 = arith.constant 32 : index
          %swap3A_1249 = tpu.vector_load %arg40[%swap3A_1247, %swap3A_1248] {strides = array<i32>} : memref<80x128xf32, #tpu.memory_space<vmem>>, vector<16xf32>,
          tpu.vector_store %arg40[%swap3A_1247, %swap3A_1248], %mul3A_1246 {strides = array<i32>} : memref<80x128xf32, #tpu.memory_space<vmem>>, vector<16xf32>,
          %get3A_1250 = arith.index_cast %scan3A_1227 : i32 to index
          %get3A_1251 = arith.constant 48 : index
          %get3A_1252 = tpu.vector_load %arg40[%get3A_1250, %get3A_1251] {strides = array<i32>} : memref<80x128xf32, #tpu.memory_space<vmem>>, vector<16xf32>,
          %mul3A_1253 = arith.mulf %get3A_1252, %gather3A : vector<16xf32>
          %swap3A_1254 = arith.index_cast %scan3A_1227 : i32 to index
          %swap3A_1255 = arith.constant 48 : index
          %swap3A_1256 = tpu.vector_load %arg40[%swap3A_1254, %swap3A_1255] {strides = array<i32>} : memref<80x128xf32, #tpu.memory_space<vmem>>, vector<16xf32>,
          tpu.vector_store %arg40[%swap3A_1254, %swap3A_1255], %mul3A_1253 {strides = array<i32>} : memref<80x128xf32, #tpu.memory_space<vmem>>, vector<16xf32>,
          %get3A_1257 = arith.index_cast %scan3A_1227 : i32 to index
          %get3A_1258 = arith.constant 64 : index
          %get3A_1259 = tpu.vector_load %arg40[%get3A_1257, %get3A_1258] {strides = array<i32>} : memref<80x128xf32, #tpu.memory_space<vmem>>, vector<16xf32>,
          %mul3A_1260 = arith.mulf %get3A_1259, %gather3A : vector<16xf32>
          %swap3A_1261 = arith.index_cast %scan3A_1227 : i32 to index
          %swap3A_1262 = arith.constant 64 : index
          %swap3A_1263 = tpu.vector_load %arg40[%swap3A_1261, %swap3A_1262] {strides = array<i32>} : memref<80x128xf32, #tpu.memory_space<vmem>>, vector<16xf32>,
          tpu.vector_store %arg40[%swap3A_1261, %swap3A_1262], %mul3A_1260 {strides = array<i32>} : memref<80x128xf32, #tpu.memory_space<vmem>>, vector<16xf32>,
          %get3A_1264 = arith.index_cast %scan3A_1227 : i32 to index
          %get3A_1265 = arith.constant 80 : index
          %get3A_1266 = tpu.vector_load %arg40[%get3A_1264, %get3A_1265] {strides = array<i32>} : memref<80x128xf32, #tpu.memory_space<vmem>>, vector<16xf32>,
          %mul3A_1267 = arith.mulf %get3A_1266, %gather3A : vector<16xf32>
          %swap3A_1268 = arith.index_cast %scan3A_1227 : i32 to index
          %swap3A_1269 = arith.constant 80 : index
          %swap3A_1270 = tpu.vector_load %arg40[%swap3A_1268, %swap3A_1269] {strides = array<i32>} : memref<80x128xf32, #tpu.memory_space<vmem>>, vector<16xf32>,
          tpu.vector_store %arg40[%swap3A_1268, %swap3A_1269], %mul3A_1267 {strides = array<i32>} : memref<80x128xf32, #tpu.memory_space<vmem>>, vector<16xf32>,
          %get3A_1271 = arith.index_cast %scan3A_1227 : i32 to index
          %get3A_1272 = arith.constant 96 : index
          %get3A_1273 = tpu.vector_load %arg40[%get3A_1271, %get3A_1272] {strides = array<i32>} : memref<80x128xf32, #tpu.memory_space<vmem>>, vector<16xf32>,
          %mul3A_1274 = arith.mulf %get3A_1273, %gather3A : vector<16xf32>
          %swap3A_1275 = arith.index_cast %scan3A_1227 : i32 to index
          %swap3A_1276 = arith.constant 96 : index
          %swap3A_1277 = tpu.vector_load %arg40[%swap3A_1275, %swap3A_1276] {strides = array<i32>} : memref<80x128xf32, #tpu.memory_space<vmem>>, vector<16xf32>,
          tpu.vector_store %arg40[%swap3A_1275, %swap3A_1276], %mul3A_1274 {strides = array<i32>} : memref<80x128xf32, #tpu.memory_space<vmem>>, vector<16xf32>,
          %get3A_1278 = arith.index_cast %scan3A_1227 : i32 to index
          %get3A_1279 = arith.constant 112 : index
          %get3A_1280 = tpu.vector_load %arg40[%get3A_1278, %get3A_1279] {strides = array<i32>} : memref<80x128xf32, #tpu.memory_space<vmem>>, vector<16xf32>,
          %mul3A_1281 = arith.mulf %get3A_1280, %gather3A : vector<16xf32>
          %swap3A_1282 = arith.index_cast %scan3A_1227 : i32 to index
          %swap3A_1283 = arith.constant 112 : index
          %swap3A_1284 = tpu.vector_load %arg40[%swap3A_1282, %swap3A_1283] {strides = array<i32>} : memref<80x128xf32, #tpu.memory_space<vmem>>, vector<16xf32>,
          tpu.vector_store %arg40[%swap3A_1282, %swap3A_1283], %mul3A_1281 {strides = array<i32>} : memref<80x128xf32, #tpu.memory_space<vmem>>, vector<16xf32>,
          %scan3A_1285 = arith.constant 1 : i32
          %scan3A_1286 = arith.addi %scan3A_1227, %scan3A_1285 : i32
          %broadcast_in_dim3A_1287 = vector.broadcast %scan3A_1286 : i32 to vector<16xi32>
          %gather3A_1288 = tpu.vector_load_idx %arg25[%broadcast_in_dim3A_1287] : memref<80xf32, #tpu.memory_space<vmem>>[vector<16xi32>], vector<16xf32>,
          %get3A_1289 = arith.index_cast %scan3A_1286 : i32 to index
          %get3A_1290 = arith.constant 0 : index
          %get3A_1291 = tpu.vector_load %arg40[%get3A_1289, %get3A_1290] {strides = array<i32>} : memref<80x128xf32, #tpu.memory_space<vmem>>, vector<16xf32>,
          %mul3A_1292 = arith.mulf %get3A_1291, %gather3A_1288 : vector<16xf32>
          %swap3A_1293 = arith.index_cast %scan3A_1286 : i32 to index
          %swap3A_1294 = arith.constant 0 : index
          %swap3A_1295 = tpu.vector_load %arg40[%swap3A_1293, %swap3A_1294] {strides = array<i32>} : memref<80x128xf32, #tpu.memory_space<vmem>>, vector<16xf32>,
          tpu.vector_store %arg40[%swap3A_1293, %swap3A_1294], %mul3A_1292 {strides = array<i32>} : memref<80x128xf32, #tpu.memory_space<vmem>>, vector<16xf32>,
          %get3A_1296 = arith.index_cast %scan3A_1286 : i32 to index
          %get3A_1297 = arith.constant 16 : index
          %get3A_1298 = tpu.vector_load %arg40[%get3A_1296, %get3A_1297] {strides = array<i32>} : memref<80x128xf32, #tpu.memory_space<vmem>>, vector<16xf32>,
          %mul3A_1299 = arith.mulf %get3A_1298, %gather3A_1288 : vector<16xf32>
          %swap3A_1300 = arith.index_cast %scan3A_1286 : i32 to index
          %swap3A_1301 = arith.constant 16 : index
          %swap3A_1302 = tpu.vector_load %arg40[%swap3A_1300, %swap3A_1301] {strides = array<i32>} : memref<80x128xf32, #tpu.memory_space<vmem>>, vector<16xf32>,
          tpu.vector_store %arg40[%swap3A_1300, %swap3A_1301], %mul3A_1299 {strides = array<i32>} : memref<80x128xf32, #tpu.memory_space<vmem>>, vector<16xf32>,
          %get3A_1303 = arith.index_cast %scan3A_1286 : i32 to index
          %get3A_1304 = arith.constant 32 : index
          %get3A_1305 = tpu.vector_load %arg40[%get3A_1303, %get3A_1304] {strides = array<i32>} : memref<80x128xf32, #tpu.memory_space<vmem>>, vector<16xf32>,
          %mul3A_1306 = arith.mulf %get3A_1305, %gather3A_1288 : vector<16xf32>
          %swap3A_1307 = arith.index_cast %scan3A_1286 : i32 to index
          %swap3A_1308 = arith.constant 32 : index
          %swap3A_1309 = tpu.vector_load %arg40[%swap3A_1307, %swap3A_1308] {strides = array<i32>} : memref<80x128xf32, #tpu.memory_space<vmem>>, vector<16xf32>,
          tpu.vector_store %arg40[%swap3A_1307, %swap3A_1308], %mul3A_1306 {strides = array<i32>} : memref<80x128xf32, #tpu.memory_space<vmem>>, vector<16xf32>,
          %get3A_1310 = arith.index_cast %scan3A_1286 : i32 to index
          %get3A_1311 = arith.constant 48 : index
          %get3A_1312 = tpu.vector_load %arg40[%get3A_1310, %get3A_1311] {strides = array<i32>} : memref<80x128xf32, #tpu.memory_space<vmem>>, vector<16xf32>,
          %mul3A_1313 = arith.mulf %get3A_1312, %gather3A_1288 : vector<16xf32>
          %swap3A_1314 = arith.index_cast %scan3A_1286 : i32 to index
          %swap3A_1315 = arith.constant 48 : index
          %swap3A_1316 = tpu.vector_load %arg40[%swap3A_1314, %swap3A_1315] {strides = array<i32>} : memref<80x128xf32, #tpu.memory_space<vmem>>, vector<16xf32>,
          tpu.vector_store %arg40[%swap3A_1314, %swap3A_1315], %mul3A_1313 {strides = array<i32>} : memref<80x128xf32, #tpu.memory_space<vmem>>, vector<16xf32>,
          %get3A_1317 = arith.index_cast %scan3A_1286 : i32 to index
          %get3A_1318 = arith.constant 64 : index
          %get3A_1319 = tpu.vector_load %arg40[%get3A_1317, %get3A_1318] {strides = array<i32>} : memref<80x128xf32, #tpu.memory_space<vmem>>, vector<16xf32>,
          %mul3A_1320 = arith.mulf %get3A_1319, %gather3A_1288 : vector<16xf32>
          %swap3A_1321 = arith.index_cast %scan3A_1286 : i32 to index
          %swap3A_1322 = arith.constant 64 : index
          %swap3A_1323 = tpu.vector_load %arg40[%swap3A_1321, %swap3A_1322] {strides = array<i32>} : memref<80x128xf32, #tpu.memory_space<vmem>>, vector<16xf32>,
          tpu.vector_store %arg40[%swap3A_1321, %swap3A_1322], %mul3A_1320 {strides = array<i32>} : memref<80x128xf32, #tpu.memory_space<vmem>>, vector<16xf32>,
          %get3A_1324 = arith.index_cast %scan3A_1286 : i32 to index
          %get3A_1325 = arith.constant 80 : index
          %get3A_1326 = tpu.vector_load %arg40[%get3A_1324, %get3A_1325] {strides = array<i32>} : memref<80x128xf32, #tpu.memory_space<vmem>>, vector<16xf32>,
          %mul3A_1327 = arith.mulf %get3A_1326, %gather3A_1288 : vector<16xf32>
          %swap3A_1328 = arith.index_cast %scan3A_1286 : i32 to index
          %swap3A_1329 = arith.constant 80 : index
          %swap3A_1330 = tpu.vector_load %arg40[%swap3A_1328, %swap3A_1329] {strides = array<i32>} : memref<80x128xf32, #tpu.memory_space<vmem>>, vector<16xf32>,
          tpu.vector_store %arg40[%swap3A_1328, %swap3A_1329], %mul3A_1327 {strides = array<i32>} : memref<80x128xf32, #tpu.memory_space<vmem>>, vector<16xf32>,
          %get3A_1331 = arith.index_cast %scan3A_1286 : i32 to index
          %get3A_1332 = arith.constant 96 : index
          %get3A_1333 = tpu.vector_load %arg40[%get3A_1331, %get3A_1332] {strides = array<i32>} : memref<80x128xf32, #tpu.memory_space<vmem>>, vector<16xf32>,
          %mul3A_1334 = arith.mulf %get3A_1333, %gather3A_1288 : vector<16xf32>
          %swap3A_1335 = arith.index_cast %scan3A_1286 : i32 to index
          %swap3A_1336 = arith.constant 96 : index
          %swap3A_1337 = tpu.vector_load %arg40[%swap3A_1335, %swap3A_1336] {strides = array<i32>} : memref<80x128xf32, #tpu.memory_space<vmem>>, vector<16xf32>,
          tpu.vector_store %arg40[%swap3A_1335, %swap3A_1336], %mul3A_1334 {strides = array<i32>} : memref<80x128xf32, #tpu.memory_space<vmem>>, vector<16xf32>,
          %get3A_1338 = arith.index_cast %scan3A_1286 : i32 to index
          %get3A_1339 = arith.constant 112 : index
          %get3A_1340 = tpu.vector_load %arg40[%get3A_1338, %get3A_1339] {strides = array<i32>} : memref<80x128xf32, #tpu.memory_space<vmem>>, vector<16xf32>,
          %mul3A_1341 = arith.mulf %get3A_1340, %gather3A_1288 : vector<16xf32>
          %swap3A_1342 = arith.index_cast %scan3A_1286 : i32 to index
          %swap3A_1343 = arith.constant 112 : index
          %swap3A_1344 = tpu.vector_load %arg40[%swap3A_1342, %swap3A_1343] {strides = array<i32>} : memref<80x128xf32, #tpu.memory_space<vmem>>, vector<16xf32>,
          tpu.vector_store %arg40[%swap3A_1342, %swap3A_1343], %mul3A_1341 {strides = array<i32>} : memref<80x128xf32, #tpu.memory_space<vmem>>, vector<16xf32>,
          %scan3A_1345 = arith.constant 2 : i32
          %scan3A_1346 = arith.addi %scan3A_1227, %scan3A_1345 : i32
          %broadcast_in_dim3A_1347 = vector.broadcast %scan3A_1346 : i32 to vector<16xi32>
          %gather3A_1348 = tpu.vector_load_idx %arg25[%broadcast_in_dim3A_1347] : memref<80xf32, #tpu.memory_space<vmem>>[vector<16xi32>], vector<16xf32>,
          %get3A_1349 = arith.index_cast %scan3A_1346 : i32 to index
          %get3A_1350 = arith.constant 0 : index
          %get3A_1351 = tpu.vector_load %arg40[%get3A_1349, %get3A_1350] {strides = array<i32>} : memref<80x128xf32, #tpu.memory_space<vmem>>, vector<16xf32>,
          %mul3A_1352 = arith.mulf %get3A_1351, %gather3A_1348 : vector<16xf32>
          %swap3A_1353 = arith.index_cast %scan3A_1346 : i32 to index
          %swap3A_1354 = arith.constant 0 : index
          %swap3A_1355 = tpu.vector_load %arg40[%swap3A_1353, %swap3A_1354] {strides = array<i32>} : memref<80x128xf32, #tpu.memory_space<vmem>>, vector<16xf32>,
          tpu.vector_store %arg40[%swap3A_1353, %swap3A_1354], %mul3A_1352 {strides = array<i32>} : memref<80x128xf32, #tpu.memory_space<vmem>>, vector<16xf32>,
          %get3A_1356 = arith.index_cast %scan3A_1346 : i32 to index
          %get3A_1357 = arith.constant 16 : index
          %get3A_1358 = tpu.vector_load %arg40[%get3A_1356, %get3A_1357] {strides = array<i32>} : memref<80x128xf32, #tpu.memory_space<vmem>>, vector<16xf32>,
          %mul3A_1359 = arith.mulf %get3A_1358, %gather3A_1348 : vector<16xf32>
          %swap3A_1360 = arith.index_cast %scan3A_1346 : i32 to index
          %swap3A_1361 = arith.constant 16 : index
          %swap3A_1362 = tpu.vector_load %arg40[%swap3A_1360, %swap3A_1361] {strides = array<i32>} : memref<80x128xf32, #tpu.memory_space<vmem>>, vector<16xf32>,
          tpu.vector_store %arg40[%swap3A_1360, %swap3A_1361], %mul3A_1359 {strides = array<i32>} : memref<80x128xf32, #tpu.memory_space<vmem>>, vector<16xf32>,
          %get3A_1363 = arith.index_cast %scan3A_1346 : i32 to index
          %get3A_1364 = arith.constant 32 : index
          %get3A_1365 = tpu.vector_load %arg40[%get3A_1363, %get3A_1364] {strides = array<i32>} : memref<80x128xf32, #tpu.memory_space<vmem>>, vector<16xf32>,
          %mul3A_1366 = arith.mulf %get3A_1365, %gather3A_1348 : vector<16xf32>
          %swap3A_1367 = arith.index_cast %scan3A_1346 : i32 to index
          %swap3A_1368 = arith.constant 32 : index
          %swap3A_1369 = tpu.vector_load %arg40[%swap3A_1367, %swap3A_1368] {strides = array<i32>} : memref<80x128xf32, #tpu.memory_space<vmem>>, vector<16xf32>,
          tpu.vector_store %arg40[%swap3A_1367, %swap3A_1368], %mul3A_1366 {strides = array<i32>} : memref<80x128xf32, #tpu.memory_space<vmem>>, vector<16xf32>,
          %get3A_1370 = arith.index_cast %scan3A_1346 : i32 to index
          %get3A_1371 = arith.constant 48 : index
          %get3A_1372 = tpu.vector_load %arg40[%get3A_1370, %get3A_1371] {strides = array<i32>} : memref<80x128xf32, #tpu.memory_space<vmem>>, vector<16xf32>,
          %mul3A_1373 = arith.mulf %get3A_1372, %gather3A_1348 : vector<16xf32>
          %swap3A_1374 = arith.index_cast %scan3A_1346 : i32 to index
          %swap3A_1375 = arith.constant 48 : index
          %swap3A_1376 = tpu.vector_load %arg40[%swap3A_1374, %swap3A_1375] {strides = array<i32>} : memref<80x128xf32, #tpu.memory_space<vmem>>, vector<16xf32>,
          tpu.vector_store %arg40[%swap3A_1374, %swap3A_1375], %mul3A_1373 {strides = array<i32>} : memref<80x128xf32, #tpu.memory_space<vmem>>, vector<16xf32>,
          %get3A_1377 = arith.index_cast %scan3A_1346 : i32 to index
          %get3A_1378 = arith.constant 64 : index
          %get3A_1379 = tpu.vector_load %arg40[%get3A_1377, %get3A_1378] {strides = array<i32>} : memref<80x128xf32, #tpu.memory_space<vmem>>, vector<16xf32>,
          %mul3A_1380 = arith.mulf %get3A_1379, %gather3A_1348 : vector<16xf32>
          %swap3A_1381 = arith.index_cast %scan3A_1346 : i32 to index
          %swap3A_1382 = arith.constant 64 : index
          %swap3A_1383 = tpu.vector_load %arg40[%swap3A_1381, %swap3A_1382] {strides = array<i32>} : memref<80x128xf32, #tpu.memory_space<vmem>>, vector<16xf32>,
          tpu.vector_store %arg40[%swap3A_1381, %swap3A_1382], %mul3A_1380 {strides = array<i32>} : memref<80x128xf32, #tpu.memory_space<vmem>>, vector<16xf32>,
          %get3A_1384 = arith.index_cast %scan3A_1346 : i32 to index
          %get3A_1385 = arith.constant 80 : index
          %get3A_1386 = tpu.vector_load %arg40[%get3A_1384, %get3A_1385] {strides = array<i32>} : memref<80x128xf32, #tpu.memory_space<vmem>>, vector<16xf32>,
          %mul3A_1387 = arith.mulf %get3A_1386, %gather3A_1348 : vector<16xf32>
          %swap3A_1388 = arith.index_cast %scan3A_1346 : i32 to index
          %swap3A_1389 = arith.constant 80 : index
          %swap3A_1390 = tpu.vector_load %arg40[%swap3A_1388, %swap3A_1389] {strides = array<i32>} : memref<80x128xf32, #tpu.memory_space<vmem>>, vector<16xf32>,
          tpu.vector_store %arg40[%swap3A_1388, %swap3A_1389], %mul3A_1387 {strides = array<i32>} : memref<80x128xf32, #tpu.memory_space<vmem>>, vector<16xf32>,
          %get3A_1391 = arith.index_cast %scan3A_1346 : i32 to index
          %get3A_1392 = arith.constant 96 : index
          %get3A_1393 = tpu.vector_load %arg40[%get3A_1391, %get3A_1392] {strides = array<i32>} : memref<80x128xf32, #tpu.memory_space<vmem>>, vector<16xf32>,
          %mul3A_1394 = arith.mulf %get3A_1393, %gather3A_1348 : vector<16xf32>
          %swap3A_1395 = arith.index_cast %scan3A_1346 : i32 to index
          %swap3A_1396 = arith.constant 96 : index
          %swap3A_1397 = tpu.vector_load %arg40[%swap3A_1395, %swap3A_1396] {strides = array<i32>} : memref<80x128xf32, #tpu.memory_space<vmem>>, vector<16xf32>,
          tpu.vector_store %arg40[%swap3A_1395, %swap3A_1396], %mul3A_1394 {strides = array<i32>} : memref<80x128xf32, #tpu.memory_space<vmem>>, vector<16xf32>,
          %get3A_1398 = arith.index_cast %scan3A_1346 : i32 to index
          %get3A_1399 = arith.constant 112 : index
          %get3A_1400 = tpu.vector_load %arg40[%get3A_1398, %get3A_1399] {strides = array<i32>} : memref<80x128xf32, #tpu.memory_space<vmem>>, vector<16xf32>,
          %mul3A_1401 = arith.mulf %get3A_1400, %gather3A_1348 : vector<16xf32>
          %swap3A_1402 = arith.index_cast %scan3A_1346 : i32 to index
          %swap3A_1403 = arith.constant 112 : index
          %swap3A_1404 = tpu.vector_load %arg40[%swap3A_1402, %swap3A_1403] {strides = array<i32>} : memref<80x128xf32, #tpu.memory_space<vmem>>, vector<16xf32>,
          tpu.vector_store %arg40[%swap3A_1402, %swap3A_1403], %mul3A_1401 {strides = array<i32>} : memref<80x128xf32, #tpu.memory_space<vmem>>, vector<16xf32>,
          %scan3A_1405 = arith.constant 3 : i32
          %scan3A_1406 = arith.addi %scan3A_1227, %scan3A_1405 : i32
          %broadcast_in_dim3A_1407 = vector.broadcast %scan3A_1406 : i32 to vector<16xi32>
          %gather3A_1408 = tpu.vector_load_idx %arg25[%broadcast_in_dim3A_1407] : memref<80xf32, #tpu.memory_space<vmem>>[vector<16xi32>], vector<16xf32>,
          %get3A_1409 = arith.index_cast %scan3A_1406 : i32 to index
          %get3A_1410 = arith.constant 0 : index
          %get3A_1411 = tpu.vector_load %arg40[%get3A_1409, %get3A_1410] {strides = array<i32>} : memref<80x128xf32, #tpu.memory_space<vmem>>, vector<16xf32>,
          %mul3A_1412 = arith.mulf %get3A_1411, %gather3A_1408 : vector<16xf32>
          %swap3A_1413 = arith.index_cast %scan3A_1406 : i32 to index
          %swap3A_1414 = arith.constant 0 : index
          %swap3A_1415 = tpu.vector_load %arg40[%swap3A_1413, %swap3A_1414] {strides = array<i32>} : memref<80x128xf32, #tpu.memory_space<vmem>>, vector<16xf32>,
          tpu.vector_store %arg40[%swap3A_1413, %swap3A_1414], %mul3A_1412 {strides = array<i32>} : memref<80x128xf32, #tpu.memory_space<vmem>>, vector<16xf32>,
          %get3A_1416 = arith.index_cast %scan3A_1406 : i32 to index
          %get3A_1417 = arith.constant 16 : index
          %get3A_1418 = tpu.vector_load %arg40[%get3A_1416, %get3A_1417] {strides = array<i32>} : memref<80x128xf32, #tpu.memory_space<vmem>>, vector<16xf32>,
          %mul3A_1419 = arith.mulf %get3A_1418, %gather3A_1408 : vector<16xf32>
          %swap3A_1420 = arith.index_cast %scan3A_1406 : i32 to index
          %swap3A_1421 = arith.constant 16 : index
          %swap3A_1422 = tpu.vector_load %arg40[%swap3A_1420, %swap3A_1421] {strides = array<i32>} : memref<80x128xf32, #tpu.memory_space<vmem>>, vector<16xf32>,
          tpu.vector_store %arg40[%swap3A_1420, %swap3A_1421], %mul3A_1419 {strides = array<i32>} : memref<80x128xf32, #tpu.memory_space<vmem>>, vector<16xf32>,
          %get3A_1423 = arith.index_cast %scan3A_1406 : i32 to index
          %get3A_1424 = arith.constant 32 : index
          %get3A_1425 = tpu.vector_load %arg40[%get3A_1423, %get3A_1424] {strides = array<i32>} : memref<80x128xf32, #tpu.memory_space<vmem>>, vector<16xf32>,
          %mul3A_1426 = arith.mulf %get3A_1425, %gather3A_1408 : vector<16xf32>
          %swap3A_1427 = arith.index_cast %scan3A_1406 : i32 to index
          %swap3A_1428 = arith.constant 32 : index
          %swap3A_1429 = tpu.vector_load %arg40[%swap3A_1427, %swap3A_1428] {strides = array<i32>} : memref<80x128xf32, #tpu.memory_space<vmem>>, vector<16xf32>,
          tpu.vector_store %arg40[%swap3A_1427, %swap3A_1428], %mul3A_1426 {strides = array<i32>} : memref<80x128xf32, #tpu.memory_space<vmem>>, vector<16xf32>,
          %get3A_1430 = arith.index_cast %scan3A_1406 : i32 to index
          %get3A_1431 = arith.constant 48 : index
          %get3A_1432 = tpu.vector_load %arg40[%get3A_1430, %get3A_1431] {strides = array<i32>} : memref<80x128xf32, #tpu.memory_space<vmem>>, vector<16xf32>,
          %mul3A_1433 = arith.mulf %get3A_1432, %gather3A_1408 : vector<16xf32>
          %swap3A_1434 = arith.index_cast %scan3A_1406 : i32 to index
          %swap3A_1435 = arith.constant 48 : index
          %swap3A_1436 = tpu.vector_load %arg40[%swap3A_1434, %swap3A_1435] {strides = array<i32>} : memref<80x128xf32, #tpu.memory_space<vmem>>, vector<16xf32>,
          tpu.vector_store %arg40[%swap3A_1434, %swap3A_1435], %mul3A_1433 {strides = array<i32>} : memref<80x128xf32, #tpu.memory_space<vmem>>, vector<16xf32>,
          %get3A_1437 = arith.index_cast %scan3A_1406 : i32 to index
          %get3A_1438 = arith.constant 64 : index
          %get3A_1439 = tpu.vector_load %arg40[%get3A_1437, %get3A_1438] {strides = array<i32>} : memref<80x128xf32, #tpu.memory_space<vmem>>, vector<16xf32>,
          %mul3A_1440 = arith.mulf %get3A_1439, %gather3A_1408 : vector<16xf32>
          %swap3A_1441 = arith.index_cast %scan3A_1406 : i32 to index
          %swap3A_1442 = arith.constant 64 : index
          %swap3A_1443 = tpu.vector_load %arg40[%swap3A_1441, %swap3A_1442] {strides = array<i32>} : memref<80x128xf32, #tpu.memory_space<vmem>>, vector<16xf32>,
          tpu.vector_store %arg40[%swap3A_1441, %swap3A_1442], %mul3A_1440 {strides = array<i32>} : memref<80x128xf32, #tpu.memory_space<vmem>>, vector<16xf32>,
          %get3A_1444 = arith.index_cast %scan3A_1406 : i32 to index
          %get3A_1445 = arith.constant 80 : index
          %get3A_1446 = tpu.vector_load %arg40[%get3A_1444, %get3A_1445] {strides = array<i32>} : memref<80x128xf32, #tpu.memory_space<vmem>>, vector<16xf32>,
          %mul3A_1447 = arith.mulf %get3A_1446, %gather3A_1408 : vector<16xf32>
          %swap3A_1448 = arith.index_cast %scan3A_1406 : i32 to index
          %swap3A_1449 = arith.constant 80 : index
          %swap3A_1450 = tpu.vector_load %arg40[%swap3A_1448, %swap3A_1449] {strides = array<i32>} : memref<80x128xf32, #tpu.memory_space<vmem>>, vector<16xf32>,
          tpu.vector_store %arg40[%swap3A_1448, %swap3A_1449], %mul3A_1447 {strides = array<i32>} : memref<80x128xf32, #tpu.memory_space<vmem>>, vector<16xf32>,
          %get3A_1451 = arith.index_cast %scan3A_1406 : i32 to index
          %get3A_1452 = arith.constant 96 : index
          %get3A_1453 = tpu.vector_load %arg40[%get3A_1451, %get3A_1452] {strides = array<i32>} : memref<80x128xf32, #tpu.memory_space<vmem>>, vector<16xf32>,
          %mul3A_1454 = arith.mulf %get3A_1453, %gather3A_1408 : vector<16xf32>
          %swap3A_1455 = arith.index_cast %scan3A_1406 : i32 to index
          %swap3A_1456 = arith.constant 96 : index
          %swap3A_1457 = tpu.vector_load %arg40[%swap3A_1455, %swap3A_1456] {strides = array<i32>} : memref<80x128xf32, #tpu.memory_space<vmem>>, vector<16xf32>,
          tpu.vector_store %arg40[%swap3A_1455, %swap3A_1456], %mul3A_1454 {strides = array<i32>} : memref<80x128xf32, #tpu.memory_space<vmem>>, vector<16xf32>,
          %get3A_1458 = arith.index_cast %scan3A_1406 : i32 to index
          %get3A_1459 = arith.constant 112 : index
          %get3A_1460 = tpu.vector_load %arg40[%get3A_1458, %get3A_1459] {strides = array<i32>} : memref<80x128xf32, #tpu.memory_space<vmem>>, vector<16xf32>,
          %mul3A_1461 = arith.mulf %get3A_1460, %gather3A_1408 : vector<16xf32>
          %swap3A_1462 = arith.index_cast %scan3A_1406 : i32 to index
          %swap3A_1463 = arith.constant 112 : index
          %swap3A_1464 = tpu.vector_load %arg40[%swap3A_1462, %swap3A_1463] {strides = array<i32>} : memref<80x128xf32, #tpu.memory_space<vmem>>, vector<16xf32>,
          tpu.vector_store %arg40[%swap3A_1462, %swap3A_1463], %mul3A_1461 {strides = array<i32>} : memref<80x128xf32, #tpu.memory_space<vmem>>, vector<16xf32>,
        }
        %scan3A_925 = arith.constant 80 : i32
        %dma_start3A_926 = arith.constant 0 : i32
        %dma_start3A_927 = arith.constant 0 : i32
        %dma_start3A_928 = tpu.memref_slice %arg46[%dma_start3A_926, %dma_start3A_927] : memref<10000x128xf32, #tpu.memory_space<vmem_shared>> -> memref<10000x128xf32, #tpu.memory_space<vmem_shared>>
        tpu.enqueue_indirect_dma source(%arg40 : memref<80x128xf32, #tpu.memory_space<vmem>>) target(%dma_start3A_928 : memref<10000x128xf32, #tpu.memory_space<vmem_shared>>) offsets(%arg20 : memref<80xi32, #tpu.memory_space<vmem>>) semaphore(%arg53 : memref<!tpu.dma_semaphore, #tpu.memory_space<semaphore_mem>>) {add = true}
        %dma_wait3A_929 = arith.constant 0 : i32
        %dma_wait3A_930 = tpu.memref_slice %arg43[%dma_wait3A_929] : memref<10000xf32, #tpu.memory_space<vmem_shared>> -> memref<10000xf32, #tpu.memory_space<vmem_shared>>
        tpu.wait_indirect_dma semaphore(%arg67 : memref<!tpu.dma_semaphore, #tpu.memory_space<semaphore_mem>>) src(%dma_wait3A_930 : memref<10000xf32, #tpu.memory_space<vmem_shared>>) dst(%arg31 : memref<80xf32, #tpu.memory_space<vmem>>)
        %dma_wait3A_931 = arith.constant 0 : i32
        %dma_wait3A_932 = tpu.memref_slice %arg44[%dma_wait3A_931] : memref<10000xf32, #tpu.memory_space<vmem_shared>> -> memref<10000xf32, #tpu.memory_space<vmem_shared>>
        tpu.wait_indirect_dma semaphore(%arg68 : memref<!tpu.dma_semaphore, #tpu.memory_space<semaphore_mem>>) src(%dma_wait3A_932 : memref<10000xf32, #tpu.memory_space<vmem_shared>>) dst(%arg36 : memref<80xf32, #tpu.memory_space<vmem>>)
        %get3A_933 = arith.constant 0 : index
        %get3A_934 = tpu.vector_load %arg31[%get3A_933] {strides = array<i32>} : memref<80xf32, #tpu.memory_space<vmem>>, vector<16xf32>,
        %get3A_935 = arith.constant 0 : index
        %get3A_936 = tpu.vector_load %arg36[%get3A_935] {strides = array<i32>} : memref<80xf32, #tpu.memory_space<vmem>>, vector<16xf32>,
        %add3A_937 = arith.addf %get3A_934, %get3A_936 : vector<16xf32>
        %gt3A_938 = arith.constant 0.000000e+00 : f32
        %gt3A_939 = vector.broadcast %gt3A_938 : f32 to vector<16xf32>
        %gt3A_940 = arith.cmpf ogt, %add3A_937, %gt3A_939 : vector<16xf32>
        %mul3A_941 = arith.constant 2.000000e-01 : f32
        %mul3A_942 = vector.broadcast %mul3A_941 : f32 to vector<16xf32>
        %mul3A_943 = arith.mulf %mul3A_942, %add3A_937 : vector<16xf32>
        %select_n3A_944 = arith.select %gt3A_940, %add3A_937, %mul3A_943 : vector<16xi1>, vector<16xf32>
        %add3A_945 = arith.addf %get3A_28, %get3A_936 : vector<16xf32>
        %gt3A_946 = arith.constant 0.000000e+00 : f32
        %gt3A_947 = vector.broadcast %gt3A_946 : f32 to vector<16xf32>
        %gt3A_948 = arith.cmpf ogt, %add3A_945, %gt3A_947 : vector<16xf32>
        %mul3A_949 = arith.constant 2.000000e-01 : f32
        %mul3A_950 = vector.broadcast %mul3A_949 : f32 to vector<16xf32>
        %mul3A_951 = arith.mulf %mul3A_950, %add3A_945 : vector<16xf32>
        %select_n3A_952 = arith.select %gt3A_948, %add3A_945, %mul3A_951 : vector<16xi1>, vector<16xf32>
        %sub3A_953 = arith.subf %select_n3A_944, %select_n3A_952 : vector<16xf32>
        %exp3A_954 = math.exp %sub3A_953 : vector<16xf32>
        %swap3A_955 = arith.constant 0 : index
        %swap3A_956 = tpu.vector_load %arg26[%swap3A_955] {strides = array<i32>} : memref<80xf32, #tpu.memory_space<vmem>>, vector<16xf32>,
        tpu.vector_store %arg26[%swap3A_955], %exp3A_954 {strides = array<i32>} : memref<80xf32, #tpu.memory_space<vmem>>, vector<16xf32>,
        %get3A_957 = arith.constant 16 : index
        %get3A_958 = tpu.vector_load %arg31[%get3A_957] {strides = array<i32>} : memref<80xf32, #tpu.memory_space<vmem>>, vector<16xf32>,
        %get3A_959 = arith.constant 16 : index
        %get3A_960 = tpu.vector_load %arg36[%get3A_959] {strides = array<i32>} : memref<80xf32, #tpu.memory_space<vmem>>, vector<16xf32>,
        %add3A_961 = arith.addf %get3A_958, %get3A_960 : vector<16xf32>
        %gt3A_962 = arith.constant 0.000000e+00 : f32
        %gt3A_963 = vector.broadcast %gt3A_962 : f32 to vector<16xf32>
        %gt3A_964 = arith.cmpf ogt, %add3A_961, %gt3A_963 : vector<16xf32>
        %mul3A_965 = arith.constant 2.000000e-01 : f32
        %mul3A_966 = vector.broadcast %mul3A_965 : f32 to vector<16xf32>
        %mul3A_967 = arith.mulf %mul3A_966, %add3A_961 : vector<16xf32>
        %select_n3A_968 = arith.select %gt3A_964, %add3A_961, %mul3A_967 : vector<16xi1>, vector<16xf32>
        %add3A_969 = arith.addf %get3A_28, %get3A_960 : vector<16xf32>
        %gt3A_970 = arith.constant 0.000000e+00 : f32
        %gt3A_971 = vector.broadcast %gt3A_970 : f32 to vector<16xf32>
        %gt3A_972 = arith.cmpf ogt, %add3A_969, %gt3A_971 : vector<16xf32>
        %mul3A_973 = arith.constant 2.000000e-01 : f32
        %mul3A_974 = vector.broadcast %mul3A_973 : f32 to vector<16xf32>
        %mul3A_975 = arith.mulf %mul3A_974, %add3A_969 : vector<16xf32>
        %select_n3A_976 = arith.select %gt3A_972, %add3A_969, %mul3A_975 : vector<16xi1>, vector<16xf32>
        %sub3A_977 = arith.subf %select_n3A_968, %select_n3A_976 : vector<16xf32>
        %exp3A_978 = math.exp %sub3A_977 : vector<16xf32>
        %swap3A_979 = arith.constant 16 : index
        %swap3A_980 = tpu.vector_load %arg26[%swap3A_979] {strides = array<i32>} : memref<80xf32, #tpu.memory_space<vmem>>, vector<16xf32>,
        tpu.vector_store %arg26[%swap3A_979], %exp3A_978 {strides = array<i32>} : memref<80xf32, #tpu.memory_space<vmem>>, vector<16xf32>,
        %get3A_981 = arith.constant 32 : index
        %get3A_982 = tpu.vector_load %arg31[%get3A_981] {strides = array<i32>} : memref<80xf32, #tpu.memory_space<vmem>>, vector<16xf32>,
        %get3A_983 = arith.constant 32 : index
        %get3A_984 = tpu.vector_load %arg36[%get3A_983] {strides = array<i32>} : memref<80xf32, #tpu.memory_space<vmem>>, vector<16xf32>,
        %add3A_985 = arith.addf %get3A_982, %get3A_984 : vector<16xf32>
        %gt3A_986 = arith.constant 0.000000e+00 : f32
        %gt3A_987 = vector.broadcast %gt3A_986 : f32 to vector<16xf32>
        %gt3A_988 = arith.cmpf ogt, %add3A_985, %gt3A_987 : vector<16xf32>
        %mul3A_989 = arith.constant 2.000000e-01 : f32
        %mul3A_990 = vector.broadcast %mul3A_989 : f32 to vector<16xf32>
        %mul3A_991 = arith.mulf %mul3A_990, %add3A_985 : vector<16xf32>
        %select_n3A_992 = arith.select %gt3A_988, %add3A_985, %mul3A_991 : vector<16xi1>, vector<16xf32>
        %add3A_993 = arith.addf %get3A_28, %get3A_984 : vector<16xf32>
        %gt3A_994 = arith.constant 0.000000e+00 : f32
        %gt3A_995 = vector.broadcast %gt3A_994 : f32 to vector<16xf32>
        %gt3A_996 = arith.cmpf ogt, %add3A_993, %gt3A_995 : vector<16xf32>
        %mul3A_997 = arith.constant 2.000000e-01 : f32
        %mul3A_998 = vector.broadcast %mul3A_997 : f32 to vector<16xf32>
        %mul3A_999 = arith.mulf %mul3A_998, %add3A_993 : vector<16xf32>
        %select_n3A_1000 = arith.select %gt3A_996, %add3A_993, %mul3A_999 : vector<16xi1>, vector<16xf32>
        %sub3A_1001 = arith.subf %select_n3A_992, %select_n3A_1000 : vector<16xf32>
        %exp3A_1002 = math.exp %sub3A_1001 : vector<16xf32>
        %swap3A_1003 = arith.constant 32 : index
        %swap3A_1004 = tpu.vector_load %arg26[%swap3A_1003] {strides = array<i32>} : memref<80xf32, #tpu.memory_space<vmem>>, vector<16xf32>,
        tpu.vector_store %arg26[%swap3A_1003], %exp3A_1002 {strides = array<i32>} : memref<80xf32, #tpu.memory_space<vmem>>, vector<16xf32>,
        %get3A_1005 = arith.constant 48 : index
        %get3A_1006 = tpu.vector_load %arg31[%get3A_1005] {strides = array<i32>} : memref<80xf32, #tpu.memory_space<vmem>>, vector<16xf32>,
        %get3A_1007 = arith.constant 48 : index
        %get3A_1008 = tpu.vector_load %arg36[%get3A_1007] {strides = array<i32>} : memref<80xf32, #tpu.memory_space<vmem>>, vector<16xf32>,
        %add3A_1009 = arith.addf %get3A_1006, %get3A_1008 : vector<16xf32>
        %gt3A_1010 = arith.constant 0.000000e+00 : f32
        %gt3A_1011 = vector.broadcast %gt3A_1010 : f32 to vector<16xf32>
        %gt3A_1012 = arith.cmpf ogt, %add3A_1009, %gt3A_1011 : vector<16xf32>
        %mul3A_1013 = arith.constant 2.000000e-01 : f32
        %mul3A_1014 = vector.broadcast %mul3A_1013 : f32 to vector<16xf32>
        %mul3A_1015 = arith.mulf %mul3A_1014, %add3A_1009 : vector<16xf32>
        %select_n3A_1016 = arith.select %gt3A_1012, %add3A_1009, %mul3A_1015 : vector<16xi1>, vector<16xf32>
        %add3A_1017 = arith.addf %get3A_28, %get3A_1008 : vector<16xf32>
        %gt3A_1018 = arith.constant 0.000000e+00 : f32
        %gt3A_1019 = vector.broadcast %gt3A_1018 : f32 to vector<16xf32>
        %gt3A_1020 = arith.cmpf ogt, %add3A_1017, %gt3A_1019 : vector<16xf32>
        %mul3A_1021 = arith.constant 2.000000e-01 : f32
        %mul3A_1022 = vector.broadcast %mul3A_1021 : f32 to vector<16xf32>
        %mul3A_1023 = arith.mulf %mul3A_1022, %add3A_1017 : vector<16xf32>
        %select_n3A_1024 = arith.select %gt3A_1020, %add3A_1017, %mul3A_1023 : vector<16xi1>, vector<16xf32>
        %sub3A_1025 = arith.subf %select_n3A_1016, %select_n3A_1024 : vector<16xf32>
        %exp3A_1026 = math.exp %sub3A_1025 : vector<16xf32>
        %swap3A_1027 = arith.constant 48 : index
        %swap3A_1028 = tpu.vector_load %arg26[%swap3A_1027] {strides = array<i32>} : memref<80xf32, #tpu.memory_space<vmem>>, vector<16xf32>,
        tpu.vector_store %arg26[%swap3A_1027], %exp3A_1026 {strides = array<i32>} : memref<80xf32, #tpu.memory_space<vmem>>, vector<16xf32>,
        %get3A_1029 = arith.constant 64 : index
        %get3A_1030 = tpu.vector_load %arg31[%get3A_1029] {strides = array<i32>} : memref<80xf32, #tpu.memory_space<vmem>>, vector<16xf32>,
        %get3A_1031 = arith.constant 64 : index
        %get3A_1032 = tpu.vector_load %arg36[%get3A_1031] {strides = array<i32>} : memref<80xf32, #tpu.memory_space<vmem>>, vector<16xf32>,
        %add3A_1033 = arith.addf %get3A_1030, %get3A_1032 : vector<16xf32>
        %gt3A_1034 = arith.constant 0.000000e+00 : f32
        %gt3A_1035 = vector.broadcast %gt3A_1034 : f32 to vector<16xf32>
        %gt3A_1036 = arith.cmpf ogt, %add3A_1033, %gt3A_1035 : vector<16xf32>
        %mul3A_1037 = arith.constant 2.000000e-01 : f32
        %mul3A_1038 = vector.broadcast %mul3A_1037 : f32 to vector<16xf32>
        %mul3A_1039 = arith.mulf %mul3A_1038, %add3A_1033 : vector<16xf32>
        %select_n3A_1040 = arith.select %gt3A_1036, %add3A_1033, %mul3A_1039 : vector<16xi1>, vector<16xf32>
        %add3A_1041 = arith.addf %get3A_28, %get3A_1032 : vector<16xf32>
        %gt3A_1042 = arith.constant 0.000000e+00 : f32
        %gt3A_1043 = vector.broadcast %gt3A_1042 : f32 to vector<16xf32>
        %gt3A_1044 = arith.cmpf ogt, %add3A_1041, %gt3A_1043 : vector<16xf32>
        %mul3A_1045 = arith.constant 2.000000e-01 : f32
        %mul3A_1046 = vector.broadcast %mul3A_1045 : f32 to vector<16xf32>
        %mul3A_1047 = arith.mulf %mul3A_1046, %add3A_1041 : vector<16xf32>
        %select_n3A_1048 = arith.select %gt3A_1044, %add3A_1041, %mul3A_1047 : vector<16xi1>, vector<16xf32>
        %sub3A_1049 = arith.subf %select_n3A_1040, %select_n3A_1048 : vector<16xf32>
        %exp3A_1050 = math.exp %sub3A_1049 : vector<16xf32>
        %swap3A_1051 = arith.constant 64 : index
        %swap3A_1052 = tpu.vector_load %arg26[%swap3A_1051] {strides = array<i32>} : memref<80xf32, #tpu.memory_space<vmem>>, vector<16xf32>,
        tpu.vector_store %arg26[%swap3A_1051], %exp3A_1050 {strides = array<i32>} : memref<80xf32, #tpu.memory_space<vmem>>, vector<16xf32>,
        %dma_start3A_1053 = arith.constant 0 : i32
        %dma_start3A_1054 = tpu.memref_slice %arg45[%dma_start3A_1053] : memref<10000xf32, #tpu.memory_space<vmem_shared>> -> memref<10000xf32, #tpu.memory_space<vmem_shared>>
        tpu.enqueue_indirect_dma source(%arg26 : memref<80xf32, #tpu.memory_space<vmem>>) target(%dma_start3A_1054 : memref<10000xf32, #tpu.memory_space<vmem_shared>>) offsets(%arg21 : memref<80xi32, #tpu.memory_space<vmem>>) semaphore(%arg59 : memref<!tpu.dma_semaphore, #tpu.memory_space<semaphore_mem>>) {add = true}
        %dma_wait3A_1055 = arith.constant 0 : i32
        %dma_wait3A_1056 = arith.constant 0 : i32
        %dma_wait3A_1057 = tpu.memref_slice %arg7[%dma_wait3A_1055, %dma_wait3A_1056] : memref<10000x128xf32, #tpu.memory_space<hbm>> -> memref<10000x128xf32, #tpu.memory_space<hbm>>
        tpu.wait_indirect_dma semaphore(%arg50 : memref<!tpu.dma_semaphore, #tpu.memory_space<semaphore_mem>>) src(%dma_wait3A_1057 : memref<10000x128xf32, #tpu.memory_space<hbm>>) dst(%arg41 : memref<80x128xf32, #tpu.memory_space<vmem>>)
        %scan3A_1058 = arith.constant 0 : i32
        %scan3A_1059 = arith.constant 0 : i32
        %scan3A_1060 = arith.constant 80 : i32
        %scan3A_1061 = arith.addi %scan3A_1059, %scan3A_1060 : i32
        %scan3A_1062 = arith.constant 4 : i32
        scf.for %scan3A_1227 = %scan3A_1059 to %scan3A_1061 step %scan3A_1062  : i32 {
          %broadcast_in_dim3A_1228 = vector.broadcast %scan3A_1227 : i32 to vector<16xi32>
          %gather3A = tpu.vector_load_idx %arg26[%broadcast_in_dim3A_1228] : memref<80xf32, #tpu.memory_space<vmem>>[vector<16xi32>], vector<16xf32>,
          %get3A_1229 = arith.index_cast %scan3A_1227 : i32 to index
          %get3A_1230 = arith.constant 0 : index
          %get3A_1231 = tpu.vector_load %arg41[%get3A_1229, %get3A_1230] {strides = array<i32>} : memref<80x128xf32, #tpu.memory_space<vmem>>, vector<16xf32>,
          %mul3A_1232 = arith.mulf %get3A_1231, %gather3A : vector<16xf32>
          %swap3A_1233 = arith.index_cast %scan3A_1227 : i32 to index
          %swap3A_1234 = arith.constant 0 : index
          %swap3A_1235 = tpu.vector_load %arg41[%swap3A_1233, %swap3A_1234] {strides = array<i32>} : memref<80x128xf32, #tpu.memory_space<vmem>>, vector<16xf32>,
          tpu.vector_store %arg41[%swap3A_1233, %swap3A_1234], %mul3A_1232 {strides = array<i32>} : memref<80x128xf32, #tpu.memory_space<vmem>>, vector<16xf32>,
          %get3A_1236 = arith.index_cast %scan3A_1227 : i32 to index
          %get3A_1237 = arith.constant 16 : index
          %get3A_1238 = tpu.vector_load %arg41[%get3A_1236, %get3A_1237] {strides = array<i32>} : memref<80x128xf32, #tpu.memory_space<vmem>>, vector<16xf32>,
          %mul3A_1239 = arith.mulf %get3A_1238, %gather3A : vector<16xf32>
          %swap3A_1240 = arith.index_cast %scan3A_1227 : i32 to index
          %swap3A_1241 = arith.constant 16 : index
          %swap3A_1242 = tpu.vector_load %arg41[%swap3A_1240, %swap3A_1241] {strides = array<i32>} : memref<80x128xf32, #tpu.memory_space<vmem>>, vector<16xf32>,
          tpu.vector_store %arg41[%swap3A_1240, %swap3A_1241], %mul3A_1239 {strides = array<i32>} : memref<80x128xf32, #tpu.memory_space<vmem>>, vector<16xf32>,
          %get3A_1243 = arith.index_cast %scan3A_1227 : i32 to index
          %get3A_1244 = arith.constant 32 : index
          %get3A_1245 = tpu.vector_load %arg41[%get3A_1243, %get3A_1244] {strides = array<i32>} : memref<80x128xf32, #tpu.memory_space<vmem>>, vector<16xf32>,
          %mul3A_1246 = arith.mulf %get3A_1245, %gather3A : vector<16xf32>
          %swap3A_1247 = arith.index_cast %scan3A_1227 : i32 to index
          %swap3A_1248 = arith.constant 32 : index
          %swap3A_1249 = tpu.vector_load %arg41[%swap3A_1247, %swap3A_1248] {strides = array<i32>} : memref<80x128xf32, #tpu.memory_space<vmem>>, vector<16xf32>,
          tpu.vector_store %arg41[%swap3A_1247, %swap3A_1248], %mul3A_1246 {strides = array<i32>} : memref<80x128xf32, #tpu.memory_space<vmem>>, vector<16xf32>,
          %get3A_1250 = arith.index_cast %scan3A_1227 : i32 to index
          %get3A_1251 = arith.constant 48 : index
          %get3A_1252 = tpu.vector_load %arg41[%get3A_1250, %get3A_1251] {strides = array<i32>} : memref<80x128xf32, #tpu.memory_space<vmem>>, vector<16xf32>,
          %mul3A_1253 = arith.mulf %get3A_1252, %gather3A : vector<16xf32>
          %swap3A_1254 = arith.index_cast %scan3A_1227 : i32 to index
          %swap3A_1255 = arith.constant 48 : index
          %swap3A_1256 = tpu.vector_load %arg41[%swap3A_1254, %swap3A_1255] {strides = array<i32>} : memref<80x128xf32, #tpu.memory_space<vmem>>, vector<16xf32>,
          tpu.vector_store %arg41[%swap3A_1254, %swap3A_1255], %mul3A_1253 {strides = array<i32>} : memref<80x128xf32, #tpu.memory_space<vmem>>, vector<16xf32>,
          %get3A_1257 = arith.index_cast %scan3A_1227 : i32 to index
          %get3A_1258 = arith.constant 64 : index
          %get3A_1259 = tpu.vector_load %arg41[%get3A_1257, %get3A_1258] {strides = array<i32>} : memref<80x128xf32, #tpu.memory_space<vmem>>, vector<16xf32>,
          %mul3A_1260 = arith.mulf %get3A_1259, %gather3A : vector<16xf32>
          %swap3A_1261 = arith.index_cast %scan3A_1227 : i32 to index
          %swap3A_1262 = arith.constant 64 : index
          %swap3A_1263 = tpu.vector_load %arg41[%swap3A_1261, %swap3A_1262] {strides = array<i32>} : memref<80x128xf32, #tpu.memory_space<vmem>>, vector<16xf32>,
          tpu.vector_store %arg41[%swap3A_1261, %swap3A_1262], %mul3A_1260 {strides = array<i32>} : memref<80x128xf32, #tpu.memory_space<vmem>>, vector<16xf32>,
          %get3A_1264 = arith.index_cast %scan3A_1227 : i32 to index
          %get3A_1265 = arith.constant 80 : index
          %get3A_1266 = tpu.vector_load %arg41[%get3A_1264, %get3A_1265] {strides = array<i32>} : memref<80x128xf32, #tpu.memory_space<vmem>>, vector<16xf32>,
          %mul3A_1267 = arith.mulf %get3A_1266, %gather3A : vector<16xf32>
          %swap3A_1268 = arith.index_cast %scan3A_1227 : i32 to index
          %swap3A_1269 = arith.constant 80 : index
          %swap3A_1270 = tpu.vector_load %arg41[%swap3A_1268, %swap3A_1269] {strides = array<i32>} : memref<80x128xf32, #tpu.memory_space<vmem>>, vector<16xf32>,
          tpu.vector_store %arg41[%swap3A_1268, %swap3A_1269], %mul3A_1267 {strides = array<i32>} : memref<80x128xf32, #tpu.memory_space<vmem>>, vector<16xf32>,
          %get3A_1271 = arith.index_cast %scan3A_1227 : i32 to index
          %get3A_1272 = arith.constant 96 : index
          %get3A_1273 = tpu.vector_load %arg41[%get3A_1271, %get3A_1272] {strides = array<i32>} : memref<80x128xf32, #tpu.memory_space<vmem>>, vector<16xf32>,
          %mul3A_1274 = arith.mulf %get3A_1273, %gather3A : vector<16xf32>
          %swap3A_1275 = arith.index_cast %scan3A_1227 : i32 to index
          %swap3A_1276 = arith.constant 96 : index
          %swap3A_1277 = tpu.vector_load %arg41[%swap3A_1275, %swap3A_1276] {strides = array<i32>} : memref<80x128xf32, #tpu.memory_space<vmem>>, vector<16xf32>,
          tpu.vector_store %arg41[%swap3A_1275, %swap3A_1276], %mul3A_1274 {strides = array<i32>} : memref<80x128xf32, #tpu.memory_space<vmem>>, vector<16xf32>,
          %get3A_1278 = arith.index_cast %scan3A_1227 : i32 to index
          %get3A_1279 = arith.constant 112 : index
          %get3A_1280 = tpu.vector_load %arg41[%get3A_1278, %get3A_1279] {strides = array<i32>} : memref<80x128xf32, #tpu.memory_space<vmem>>, vector<16xf32>,
          %mul3A_1281 = arith.mulf %get3A_1280, %gather3A : vector<16xf32>
          %swap3A_1282 = arith.index_cast %scan3A_1227 : i32 to index
          %swap3A_1283 = arith.constant 112 : index
          %swap3A_1284 = tpu.vector_load %arg41[%swap3A_1282, %swap3A_1283] {strides = array<i32>} : memref<80x128xf32, #tpu.memory_space<vmem>>, vector<16xf32>,
          tpu.vector_store %arg41[%swap3A_1282, %swap3A_1283], %mul3A_1281 {strides = array<i32>} : memref<80x128xf32, #tpu.memory_space<vmem>>, vector<16xf32>,
          %scan3A_1285 = arith.constant 1 : i32
          %scan3A_1286 = arith.addi %scan3A_1227, %scan3A_1285 : i32
          %broadcast_in_dim3A_1287 = vector.broadcast %scan3A_1286 : i32 to vector<16xi32>
          %gather3A_1288 = tpu.vector_load_idx %arg26[%broadcast_in_dim3A_1287] : memref<80xf32, #tpu.memory_space<vmem>>[vector<16xi32>], vector<16xf32>,
          %get3A_1289 = arith.index_cast %scan3A_1286 : i32 to index
          %get3A_1290 = arith.constant 0 : index
          %get3A_1291 = tpu.vector_load %arg41[%get3A_1289, %get3A_1290] {strides = array<i32>} : memref<80x128xf32, #tpu.memory_space<vmem>>, vector<16xf32>,
          %mul3A_1292 = arith.mulf %get3A_1291, %gather3A_1288 : vector<16xf32>
          %swap3A_1293 = arith.index_cast %scan3A_1286 : i32 to index
          %swap3A_1294 = arith.constant 0 : index
          %swap3A_1295 = tpu.vector_load %arg41[%swap3A_1293, %swap3A_1294] {strides = array<i32>} : memref<80x128xf32, #tpu.memory_space<vmem>>, vector<16xf32>,
          tpu.vector_store %arg41[%swap3A_1293, %swap3A_1294], %mul3A_1292 {strides = array<i32>} : memref<80x128xf32, #tpu.memory_space<vmem>>, vector<16xf32>,
          %get3A_1296 = arith.index_cast %scan3A_1286 : i32 to index
          %get3A_1297 = arith.constant 16 : index
          %get3A_1298 = tpu.vector_load %arg41[%get3A_1296, %get3A_1297] {strides = array<i32>} : memref<80x128xf32, #tpu.memory_space<vmem>>, vector<16xf32>,
          %mul3A_1299 = arith.mulf %get3A_1298, %gather3A_1288 : vector<16xf32>
          %swap3A_1300 = arith.index_cast %scan3A_1286 : i32 to index
          %swap3A_1301 = arith.constant 16 : index
          %swap3A_1302 = tpu.vector_load %arg41[%swap3A_1300, %swap3A_1301] {strides = array<i32>} : memref<80x128xf32, #tpu.memory_space<vmem>>, vector<16xf32>,
          tpu.vector_store %arg41[%swap3A_1300, %swap3A_1301], %mul3A_1299 {strides = array<i32>} : memref<80x128xf32, #tpu.memory_space<vmem>>, vector<16xf32>,
          %get3A_1303 = arith.index_cast %scan3A_1286 : i32 to index
          %get3A_1304 = arith.constant 32 : index
          %get3A_1305 = tpu.vector_load %arg41[%get3A_1303, %get3A_1304] {strides = array<i32>} : memref<80x128xf32, #tpu.memory_space<vmem>>, vector<16xf32>,
          %mul3A_1306 = arith.mulf %get3A_1305, %gather3A_1288 : vector<16xf32>
          %swap3A_1307 = arith.index_cast %scan3A_1286 : i32 to index
          %swap3A_1308 = arith.constant 32 : index
          %swap3A_1309 = tpu.vector_load %arg41[%swap3A_1307, %swap3A_1308] {strides = array<i32>} : memref<80x128xf32, #tpu.memory_space<vmem>>, vector<16xf32>,
          tpu.vector_store %arg41[%swap3A_1307, %swap3A_1308], %mul3A_1306 {strides = array<i32>} : memref<80x128xf32, #tpu.memory_space<vmem>>, vector<16xf32>,
          %get3A_1310 = arith.index_cast %scan3A_1286 : i32 to index
          %get3A_1311 = arith.constant 48 : index
          %get3A_1312 = tpu.vector_load %arg41[%get3A_1310, %get3A_1311] {strides = array<i32>} : memref<80x128xf32, #tpu.memory_space<vmem>>, vector<16xf32>,
          %mul3A_1313 = arith.mulf %get3A_1312, %gather3A_1288 : vector<16xf32>
          %swap3A_1314 = arith.index_cast %scan3A_1286 : i32 to index
          %swap3A_1315 = arith.constant 48 : index
          %swap3A_1316 = tpu.vector_load %arg41[%swap3A_1314, %swap3A_1315] {strides = array<i32>} : memref<80x128xf32, #tpu.memory_space<vmem>>, vector<16xf32>,
          tpu.vector_store %arg41[%swap3A_1314, %swap3A_1315], %mul3A_1313 {strides = array<i32>} : memref<80x128xf32, #tpu.memory_space<vmem>>, vector<16xf32>,
          %get3A_1317 = arith.index_cast %scan3A_1286 : i32 to index
          %get3A_1318 = arith.constant 64 : index
          %get3A_1319 = tpu.vector_load %arg41[%get3A_1317, %get3A_1318] {strides = array<i32>} : memref<80x128xf32, #tpu.memory_space<vmem>>, vector<16xf32>,
          %mul3A_1320 = arith.mulf %get3A_1319, %gather3A_1288 : vector<16xf32>
          %swap3A_1321 = arith.index_cast %scan3A_1286 : i32 to index
          %swap3A_1322 = arith.constant 64 : index
          %swap3A_1323 = tpu.vector_load %arg41[%swap3A_1321, %swap3A_1322] {strides = array<i32>} : memref<80x128xf32, #tpu.memory_space<vmem>>, vector<16xf32>,
          tpu.vector_store %arg41[%swap3A_1321, %swap3A_1322], %mul3A_1320 {strides = array<i32>} : memref<80x128xf32, #tpu.memory_space<vmem>>, vector<16xf32>,
          %get3A_1324 = arith.index_cast %scan3A_1286 : i32 to index
          %get3A_1325 = arith.constant 80 : index
          %get3A_1326 = tpu.vector_load %arg41[%get3A_1324, %get3A_1325] {strides = array<i32>} : memref<80x128xf32, #tpu.memory_space<vmem>>, vector<16xf32>,
          %mul3A_1327 = arith.mulf %get3A_1326, %gather3A_1288 : vector<16xf32>
          %swap3A_1328 = arith.index_cast %scan3A_1286 : i32 to index
          %swap3A_1329 = arith.constant 80 : index
          %swap3A_1330 = tpu.vector_load %arg41[%swap3A_1328, %swap3A_1329] {strides = array<i32>} : memref<80x128xf32, #tpu.memory_space<vmem>>, vector<16xf32>,
          tpu.vector_store %arg41[%swap3A_1328, %swap3A_1329], %mul3A_1327 {strides = array<i32>} : memref<80x128xf32, #tpu.memory_space<vmem>>, vector<16xf32>,
          %get3A_1331 = arith.index_cast %scan3A_1286 : i32 to index
          %get3A_1332 = arith.constant 96 : index
          %get3A_1333 = tpu.vector_load %arg41[%get3A_1331, %get3A_1332] {strides = array<i32>} : memref<80x128xf32, #tpu.memory_space<vmem>>, vector<16xf32>,
          %mul3A_1334 = arith.mulf %get3A_1333, %gather3A_1288 : vector<16xf32>
          %swap3A_1335 = arith.index_cast %scan3A_1286 : i32 to index
          %swap3A_1336 = arith.constant 96 : index
          %swap3A_1337 = tpu.vector_load %arg41[%swap3A_1335, %swap3A_1336] {strides = array<i32>} : memref<80x128xf32, #tpu.memory_space<vmem>>, vector<16xf32>,
          tpu.vector_store %arg41[%swap3A_1335, %swap3A_1336], %mul3A_1334 {strides = array<i32>} : memref<80x128xf32, #tpu.memory_space<vmem>>, vector<16xf32>,
          %get3A_1338 = arith.index_cast %scan3A_1286 : i32 to index
          %get3A_1339 = arith.constant 112 : index
          %get3A_1340 = tpu.vector_load %arg41[%get3A_1338, %get3A_1339] {strides = array<i32>} : memref<80x128xf32, #tpu.memory_space<vmem>>, vector<16xf32>,
          %mul3A_1341 = arith.mulf %get3A_1340, %gather3A_1288 : vector<16xf32>
          %swap3A_1342 = arith.index_cast %scan3A_1286 : i32 to index
          %swap3A_1343 = arith.constant 112 : index
          %swap3A_1344 = tpu.vector_load %arg41[%swap3A_1342, %swap3A_1343] {strides = array<i32>} : memref<80x128xf32, #tpu.memory_space<vmem>>, vector<16xf32>,
          tpu.vector_store %arg41[%swap3A_1342, %swap3A_1343], %mul3A_1341 {strides = array<i32>} : memref<80x128xf32, #tpu.memory_space<vmem>>, vector<16xf32>,
          %scan3A_1345 = arith.constant 2 : i32
          %scan3A_1346 = arith.addi %scan3A_1227, %scan3A_1345 : i32
          %broadcast_in_dim3A_1347 = vector.broadcast %scan3A_1346 : i32 to vector<16xi32>
          %gather3A_1348 = tpu.vector_load_idx %arg26[%broadcast_in_dim3A_1347] : memref<80xf32, #tpu.memory_space<vmem>>[vector<16xi32>], vector<16xf32>,
          %get3A_1349 = arith.index_cast %scan3A_1346 : i32 to index
          %get3A_1350 = arith.constant 0 : index
          %get3A_1351 = tpu.vector_load %arg41[%get3A_1349, %get3A_1350] {strides = array<i32>} : memref<80x128xf32, #tpu.memory_space<vmem>>, vector<16xf32>,
          %mul3A_1352 = arith.mulf %get3A_1351, %gather3A_1348 : vector<16xf32>
          %swap3A_1353 = arith.index_cast %scan3A_1346 : i32 to index
          %swap3A_1354 = arith.constant 0 : index
          %swap3A_1355 = tpu.vector_load %arg41[%swap3A_1353, %swap3A_1354] {strides = array<i32>} : memref<80x128xf32, #tpu.memory_space<vmem>>, vector<16xf32>,
          tpu.vector_store %arg41[%swap3A_1353, %swap3A_1354], %mul3A_1352 {strides = array<i32>} : memref<80x128xf32, #tpu.memory_space<vmem>>, vector<16xf32>,
          %get3A_1356 = arith.index_cast %scan3A_1346 : i32 to index
          %get3A_1357 = arith.constant 16 : index
          %get3A_1358 = tpu.vector_load %arg41[%get3A_1356, %get3A_1357] {strides = array<i32>} : memref<80x128xf32, #tpu.memory_space<vmem>>, vector<16xf32>,
          %mul3A_1359 = arith.mulf %get3A_1358, %gather3A_1348 : vector<16xf32>
          %swap3A_1360 = arith.index_cast %scan3A_1346 : i32 to index
          %swap3A_1361 = arith.constant 16 : index
          %swap3A_1362 = tpu.vector_load %arg41[%swap3A_1360, %swap3A_1361] {strides = array<i32>} : memref<80x128xf32, #tpu.memory_space<vmem>>, vector<16xf32>,
          tpu.vector_store %arg41[%swap3A_1360, %swap3A_1361], %mul3A_1359 {strides = array<i32>} : memref<80x128xf32, #tpu.memory_space<vmem>>, vector<16xf32>,
          %get3A_1363 = arith.index_cast %scan3A_1346 : i32 to index
          %get3A_1364 = arith.constant 32 : index
          %get3A_1365 = tpu.vector_load %arg41[%get3A_1363, %get3A_1364] {strides = array<i32>} : memref<80x128xf32, #tpu.memory_space<vmem>>, vector<16xf32>,
          %mul3A_1366 = arith.mulf %get3A_1365, %gather3A_1348 : vector<16xf32>
          %swap3A_1367 = arith.index_cast %scan3A_1346 : i32 to index
          %swap3A_1368 = arith.constant 32 : index
          %swap3A_1369 = tpu.vector_load %arg41[%swap3A_1367, %swap3A_1368] {strides = array<i32>} : memref<80x128xf32, #tpu.memory_space<vmem>>, vector<16xf32>,
          tpu.vector_store %arg41[%swap3A_1367, %swap3A_1368], %mul3A_1366 {strides = array<i32>} : memref<80x128xf32, #tpu.memory_space<vmem>>, vector<16xf32>,
          %get3A_1370 = arith.index_cast %scan3A_1346 : i32 to index
          %get3A_1371 = arith.constant 48 : index
          %get3A_1372 = tpu.vector_load %arg41[%get3A_1370, %get3A_1371] {strides = array<i32>} : memref<80x128xf32, #tpu.memory_space<vmem>>, vector<16xf32>,
          %mul3A_1373 = arith.mulf %get3A_1372, %gather3A_1348 : vector<16xf32>
          %swap3A_1374 = arith.index_cast %scan3A_1346 : i32 to index
          %swap3A_1375 = arith.constant 48 : index
          %swap3A_1376 = tpu.vector_load %arg41[%swap3A_1374, %swap3A_1375] {strides = array<i32>} : memref<80x128xf32, #tpu.memory_space<vmem>>, vector<16xf32>,
          tpu.vector_store %arg41[%swap3A_1374, %swap3A_1375], %mul3A_1373 {strides = array<i32>} : memref<80x128xf32, #tpu.memory_space<vmem>>, vector<16xf32>,
          %get3A_1377 = arith.index_cast %scan3A_1346 : i32 to index
          %get3A_1378 = arith.constant 64 : index
          %get3A_1379 = tpu.vector_load %arg41[%get3A_1377, %get3A_1378] {strides = array<i32>} : memref<80x128xf32, #tpu.memory_space<vmem>>, vector<16xf32>,
          %mul3A_1380 = arith.mulf %get3A_1379, %gather3A_1348 : vector<16xf32>
          %swap3A_1381 = arith.index_cast %scan3A_1346 : i32 to index
          %swap3A_1382 = arith.constant 64 : index
          %swap3A_1383 = tpu.vector_load %arg41[%swap3A_1381, %swap3A_1382] {strides = array<i32>} : memref<80x128xf32, #tpu.memory_space<vmem>>, vector<16xf32>,
          tpu.vector_store %arg41[%swap3A_1381, %swap3A_1382], %mul3A_1380 {strides = array<i32>} : memref<80x128xf32, #tpu.memory_space<vmem>>, vector<16xf32>,
          %get3A_1384 = arith.index_cast %scan3A_1346 : i32 to index
          %get3A_1385 = arith.constant 80 : index
          %get3A_1386 = tpu.vector_load %arg41[%get3A_1384, %get3A_1385] {strides = array<i32>} : memref<80x128xf32, #tpu.memory_space<vmem>>, vector<16xf32>,
          %mul3A_1387 = arith.mulf %get3A_1386, %gather3A_1348 : vector<16xf32>
          %swap3A_1388 = arith.index_cast %scan3A_1346 : i32 to index
          %swap3A_1389 = arith.constant 80 : index
          %swap3A_1390 = tpu.vector_load %arg41[%swap3A_1388, %swap3A_1389] {strides = array<i32>} : memref<80x128xf32, #tpu.memory_space<vmem>>, vector<16xf32>,
          tpu.vector_store %arg41[%swap3A_1388, %swap3A_1389], %mul3A_1387 {strides = array<i32>} : memref<80x128xf32, #tpu.memory_space<vmem>>, vector<16xf32>,
          %get3A_1391 = arith.index_cast %scan3A_1346 : i32 to index
          %get3A_1392 = arith.constant 96 : index
          %get3A_1393 = tpu.vector_load %arg41[%get3A_1391, %get3A_1392] {strides = array<i32>} : memref<80x128xf32, #tpu.memory_space<vmem>>, vector<16xf32>,
          %mul3A_1394 = arith.mulf %get3A_1393, %gather3A_1348 : vector<16xf32>
          %swap3A_1395 = arith.index_cast %scan3A_1346 : i32 to index
          %swap3A_1396 = arith.constant 96 : index
          %swap3A_1397 = tpu.vector_load %arg41[%swap3A_1395, %swap3A_1396] {strides = array<i32>} : memref<80x128xf32, #tpu.memory_space<vmem>>, vector<16xf32>,
          tpu.vector_store %arg41[%swap3A_1395, %swap3A_1396], %mul3A_1394 {strides = array<i32>} : memref<80x128xf32, #tpu.memory_space<vmem>>, vector<16xf32>,
          %get3A_1398 = arith.index_cast %scan3A_1346 : i32 to index
          %get3A_1399 = arith.constant 112 : index
          %get3A_1400 = tpu.vector_load %arg41[%get3A_1398, %get3A_1399] {strides = array<i32>} : memref<80x128xf32, #tpu.memory_space<vmem>>, vector<16xf32>,
          %mul3A_1401 = arith.mulf %get3A_1400, %gather3A_1348 : vector<16xf32>
          %swap3A_1402 = arith.index_cast %scan3A_1346 : i32 to index
          %swap3A_1403 = arith.constant 112 : index
          %swap3A_1404 = tpu.vector_load %arg41[%swap3A_1402, %swap3A_1403] {strides = array<i32>} : memref<80x128xf32, #tpu.memory_space<vmem>>, vector<16xf32>,
          tpu.vector_store %arg41[%swap3A_1402, %swap3A_1403], %mul3A_1401 {strides = array<i32>} : memref<80x128xf32, #tpu.memory_space<vmem>>, vector<16xf32>,
          %scan3A_1405 = arith.constant 3 : i32
          %scan3A_1406 = arith.addi %scan3A_1227, %scan3A_1405 : i32
          %broadcast_in_dim3A_1407 = vector.broadcast %scan3A_1406 : i32 to vector<16xi32>
          %gather3A_1408 = tpu.vector_load_idx %arg26[%broadcast_in_dim3A_1407] : memref<80xf32, #tpu.memory_space<vmem>>[vector<16xi32>], vector<16xf32>,
          %get3A_1409 = arith.index_cast %scan3A_1406 : i32 to index
          %get3A_1410 = arith.constant 0 : index
          %get3A_1411 = tpu.vector_load %arg41[%get3A_1409, %get3A_1410] {strides = array<i32>} : memref<80x128xf32, #tpu.memory_space<vmem>>, vector<16xf32>,
          %mul3A_1412 = arith.mulf %get3A_1411, %gather3A_1408 : vector<16xf32>
          %swap3A_1413 = arith.index_cast %scan3A_1406 : i32 to index
          %swap3A_1414 = arith.constant 0 : index
          %swap3A_1415 = tpu.vector_load %arg41[%swap3A_1413, %swap3A_1414] {strides = array<i32>} : memref<80x128xf32, #tpu.memory_space<vmem>>, vector<16xf32>,
          tpu.vector_store %arg41[%swap3A_1413, %swap3A_1414], %mul3A_1412 {strides = array<i32>} : memref<80x128xf32, #tpu.memory_space<vmem>>, vector<16xf32>,
          %get3A_1416 = arith.index_cast %scan3A_1406 : i32 to index
          %get3A_1417 = arith.constant 16 : index
          %get3A_1418 = tpu.vector_load %arg41[%get3A_1416, %get3A_1417] {strides = array<i32>} : memref<80x128xf32, #tpu.memory_space<vmem>>, vector<16xf32>,
          %mul3A_1419 = arith.mulf %get3A_1418, %gather3A_1408 : vector<16xf32>
          %swap3A_1420 = arith.index_cast %scan3A_1406 : i32 to index
          %swap3A_1421 = arith.constant 16 : index
          %swap3A_1422 = tpu.vector_load %arg41[%swap3A_1420, %swap3A_1421] {strides = array<i32>} : memref<80x128xf32, #tpu.memory_space<vmem>>, vector<16xf32>,
          tpu.vector_store %arg41[%swap3A_1420, %swap3A_1421], %mul3A_1419 {strides = array<i32>} : memref<80x128xf32, #tpu.memory_space<vmem>>, vector<16xf32>,
          %get3A_1423 = arith.index_cast %scan3A_1406 : i32 to index
          %get3A_1424 = arith.constant 32 : index
          %get3A_1425 = tpu.vector_load %arg41[%get3A_1423, %get3A_1424] {strides = array<i32>} : memref<80x128xf32, #tpu.memory_space<vmem>>, vector<16xf32>,
          %mul3A_1426 = arith.mulf %get3A_1425, %gather3A_1408 : vector<16xf32>
          %swap3A_1427 = arith.index_cast %scan3A_1406 : i32 to index
          %swap3A_1428 = arith.constant 32 : index
          %swap3A_1429 = tpu.vector_load %arg41[%swap3A_1427, %swap3A_1428] {strides = array<i32>} : memref<80x128xf32, #tpu.memory_space<vmem>>, vector<16xf32>,
          tpu.vector_store %arg41[%swap3A_1427, %swap3A_1428], %mul3A_1426 {strides = array<i32>} : memref<80x128xf32, #tpu.memory_space<vmem>>, vector<16xf32>,
          %get3A_1430 = arith.index_cast %scan3A_1406 : i32 to index
          %get3A_1431 = arith.constant 48 : index
          %get3A_1432 = tpu.vector_load %arg41[%get3A_1430, %get3A_1431] {strides = array<i32>} : memref<80x128xf32, #tpu.memory_space<vmem>>, vector<16xf32>,
          %mul3A_1433 = arith.mulf %get3A_1432, %gather3A_1408 : vector<16xf32>
          %swap3A_1434 = arith.index_cast %scan3A_1406 : i32 to index
          %swap3A_1435 = arith.constant 48 : index
          %swap3A_1436 = tpu.vector_load %arg41[%swap3A_1434, %swap3A_1435] {strides = array<i32>} : memref<80x128xf32, #tpu.memory_space<vmem>>, vector<16xf32>,
          tpu.vector_store %arg41[%swap3A_1434, %swap3A_1435], %mul3A_1433 {strides = array<i32>} : memref<80x128xf32, #tpu.memory_space<vmem>>, vector<16xf32>,
          %get3A_1437 = arith.index_cast %scan3A_1406 : i32 to index
          %get3A_1438 = arith.constant 64 : index
          %get3A_1439 = tpu.vector_load %arg41[%get3A_1437, %get3A_1438] {strides = array<i32>} : memref<80x128xf32, #tpu.memory_space<vmem>>, vector<16xf32>,
          %mul3A_1440 = arith.mulf %get3A_1439, %gather3A_1408 : vector<16xf32>
          %swap3A_1441 = arith.index_cast %scan3A_1406 : i32 to index
          %swap3A_1442 = arith.constant 64 : index
          %swap3A_1443 = tpu.vector_load %arg41[%swap3A_1441, %swap3A_1442] {strides = array<i32>} : memref<80x128xf32, #tpu.memory_space<vmem>>, vector<16xf32>,
          tpu.vector_store %arg41[%swap3A_1441, %swap3A_1442], %mul3A_1440 {strides = array<i32>} : memref<80x128xf32, #tpu.memory_space<vmem>>, vector<16xf32>,
          %get3A_1444 = arith.index_cast %scan3A_1406 : i32 to index
          %get3A_1445 = arith.constant 80 : index
          %get3A_1446 = tpu.vector_load %arg41[%get3A_1444, %get3A_1445] {strides = array<i32>} : memref<80x128xf32, #tpu.memory_space<vmem>>, vector<16xf32>,
          %mul3A_1447 = arith.mulf %get3A_1446, %gather3A_1408 : vector<16xf32>
          %swap3A_1448 = arith.index_cast %scan3A_1406 : i32 to index
          %swap3A_1449 = arith.constant 80 : index
          %swap3A_1450 = tpu.vector_load %arg41[%swap3A_1448, %swap3A_1449] {strides = array<i32>} : memref<80x128xf32, #tpu.memory_space<vmem>>, vector<16xf32>,
          tpu.vector_store %arg41[%swap3A_1448, %swap3A_1449], %mul3A_1447 {strides = array<i32>} : memref<80x128xf32, #tpu.memory_space<vmem>>, vector<16xf32>,
          %get3A_1451 = arith.index_cast %scan3A_1406 : i32 to index
          %get3A_1452 = arith.constant 96 : index
          %get3A_1453 = tpu.vector_load %arg41[%get3A_1451, %get3A_1452] {strides = array<i32>} : memref<80x128xf32, #tpu.memory_space<vmem>>, vector<16xf32>,
          %mul3A_1454 = arith.mulf %get3A_1453, %gather3A_1408 : vector<16xf32>
          %swap3A_1455 = arith.index_cast %scan3A_1406 : i32 to index
          %swap3A_1456 = arith.constant 96 : index
          %swap3A_1457 = tpu.vector_load %arg41[%swap3A_1455, %swap3A_1456] {strides = array<i32>} : memref<80x128xf32, #tpu.memory_space<vmem>>, vector<16xf32>,
          tpu.vector_store %arg41[%swap3A_1455, %swap3A_1456], %mul3A_1454 {strides = array<i32>} : memref<80x128xf32, #tpu.memory_space<vmem>>, vector<16xf32>,
          %get3A_1458 = arith.index_cast %scan3A_1406 : i32 to index
          %get3A_1459 = arith.constant 112 : index
          %get3A_1460 = tpu.vector_load %arg41[%get3A_1458, %get3A_1459] {strides = array<i32>} : memref<80x128xf32, #tpu.memory_space<vmem>>, vector<16xf32>,
          %mul3A_1461 = arith.mulf %get3A_1460, %gather3A_1408 : vector<16xf32>
          %swap3A_1462 = arith.index_cast %scan3A_1406 : i32 to index
          %swap3A_1463 = arith.constant 112 : index
          %swap3A_1464 = tpu.vector_load %arg41[%swap3A_1462, %swap3A_1463] {strides = array<i32>} : memref<80x128xf32, #tpu.memory_space<vmem>>, vector<16xf32>,
          tpu.vector_store %arg41[%swap3A_1462, %swap3A_1463], %mul3A_1461 {strides = array<i32>} : memref<80x128xf32, #tpu.memory_space<vmem>>, vector<16xf32>,
        }
        %scan3A_1063 = arith.constant 80 : i32
        %dma_start3A_1064 = arith.constant 0 : i32
        %dma_start3A_1065 = arith.constant 0 : i32
        %dma_start3A_1066 = tpu.memref_slice %arg46[%dma_start3A_1064, %dma_start3A_1065] : memref<10000x128xf32, #tpu.memory_space<vmem_shared>> -> memref<10000x128xf32, #tpu.memory_space<vmem_shared>>
        tpu.enqueue_indirect_dma source(%arg41 : memref<80x128xf32, #tpu.memory_space<vmem>>) target(%dma_start3A_1066 : memref<10000x128xf32, #tpu.memory_space<vmem_shared>>) offsets(%arg21 : memref<80xi32, #tpu.memory_space<vmem>>) semaphore(%arg54 : memref<!tpu.dma_semaphore, #tpu.memory_space<semaphore_mem>>) {add = true}
        %dma_wait3A_1067 = arith.constant 0 : i32
        %dma_wait3A_1068 = tpu.memref_slice %arg43[%dma_wait3A_1067] : memref<10000xf32, #tpu.memory_space<vmem_shared>> -> memref<10000xf32, #tpu.memory_space<vmem_shared>>
        tpu.wait_indirect_dma semaphore(%arg69 : memref<!tpu.dma_semaphore, #tpu.memory_space<semaphore_mem>>) src(%dma_wait3A_1068 : memref<10000xf32, #tpu.memory_space<vmem_shared>>) dst(%arg32 : memref<80xf32, #tpu.memory_space<vmem>>)
        %dma_wait3A_1069 = arith.constant 0 : i32
        %dma_wait3A_1070 = tpu.memref_slice %arg44[%dma_wait3A_1069] : memref<10000xf32, #tpu.memory_space<vmem_shared>> -> memref<10000xf32, #tpu.memory_space<vmem_shared>>
        tpu.wait_indirect_dma semaphore(%arg70 : memref<!tpu.dma_semaphore, #tpu.memory_space<semaphore_mem>>) src(%dma_wait3A_1070 : memref<10000xf32, #tpu.memory_space<vmem_shared>>) dst(%arg37 : memref<80xf32, #tpu.memory_space<vmem>>)
        %get3A_1071 = arith.constant 0 : index
        %get3A_1072 = tpu.vector_load %arg32[%get3A_1071] {strides = array<i32>} : memref<80xf32, #tpu.memory_space<vmem>>, vector<16xf32>,
        %get3A_1073 = arith.constant 0 : index
        %get3A_1074 = tpu.vector_load %arg37[%get3A_1073] {strides = array<i32>} : memref<80xf32, #tpu.memory_space<vmem>>, vector<16xf32>,
        %add3A_1075 = arith.addf %get3A_1072, %get3A_1074 : vector<16xf32>
        %gt3A_1076 = arith.constant 0.000000e+00 : f32
        %gt3A_1077 = vector.broadcast %gt3A_1076 : f32 to vector<16xf32>
        %gt3A_1078 = arith.cmpf ogt, %add3A_1075, %gt3A_1077 : vector<16xf32>
        %mul3A_1079 = arith.constant 2.000000e-01 : f32
        %mul3A_1080 = vector.broadcast %mul3A_1079 : f32 to vector<16xf32>
        %mul3A_1081 = arith.mulf %mul3A_1080, %add3A_1075 : vector<16xf32>
        %select_n3A_1082 = arith.select %gt3A_1078, %add3A_1075, %mul3A_1081 : vector<16xi1>, vector<16xf32>
        %add3A_1083 = arith.addf %get3A_28, %get3A_1074 : vector<16xf32>
        %gt3A_1084 = arith.constant 0.000000e+00 : f32
        %gt3A_1085 = vector.broadcast %gt3A_1084 : f32 to vector<16xf32>
        %gt3A_1086 = arith.cmpf ogt, %add3A_1083, %gt3A_1085 : vector<16xf32>
        %mul3A_1087 = arith.constant 2.000000e-01 : f32
        %mul3A_1088 = vector.broadcast %mul3A_1087 : f32 to vector<16xf32>
        %mul3A_1089 = arith.mulf %mul3A_1088, %add3A_1083 : vector<16xf32>
        %select_n3A_1090 = arith.select %gt3A_1086, %add3A_1083, %mul3A_1089 : vector<16xi1>, vector<16xf32>
        %sub3A_1091 = arith.subf %select_n3A_1082, %select_n3A_1090 : vector<16xf32>
        %exp3A_1092 = math.exp %sub3A_1091 : vector<16xf32>
        %swap3A_1093 = arith.constant 0 : index
        %swap3A_1094 = tpu.vector_load %arg27[%swap3A_1093] {strides = array<i32>} : memref<80xf32, #tpu.memory_space<vmem>>, vector<16xf32>,
        tpu.vector_store %arg27[%swap3A_1093], %exp3A_1092 {strides = array<i32>} : memref<80xf32, #tpu.memory_space<vmem>>, vector<16xf32>,
        %get3A_1095 = arith.constant 16 : index
        %get3A_1096 = tpu.vector_load %arg32[%get3A_1095] {strides = array<i32>} : memref<80xf32, #tpu.memory_space<vmem>>, vector<16xf32>,
        %get3A_1097 = arith.constant 16 : index
        %get3A_1098 = tpu.vector_load %arg37[%get3A_1097] {strides = array<i32>} : memref<80xf32, #tpu.memory_space<vmem>>, vector<16xf32>,
        %add3A_1099 = arith.addf %get3A_1096, %get3A_1098 : vector<16xf32>
        %gt3A_1100 = arith.constant 0.000000e+00 : f32
        %gt3A_1101 = vector.broadcast %gt3A_1100 : f32 to vector<16xf32>
        %gt3A_1102 = arith.cmpf ogt, %add3A_1099, %gt3A_1101 : vector<16xf32>
        %mul3A_1103 = arith.constant 2.000000e-01 : f32
        %mul3A_1104 = vector.broadcast %mul3A_1103 : f32 to vector<16xf32>
        %mul3A_1105 = arith.mulf %mul3A_1104, %add3A_1099 : vector<16xf32>
        %select_n3A_1106 = arith.select %gt3A_1102, %add3A_1099, %mul3A_1105 : vector<16xi1>, vector<16xf32>
        %add3A_1107 = arith.addf %get3A_28, %get3A_1098 : vector<16xf32>
        %gt3A_1108 = arith.constant 0.000000e+00 : f32
        %gt3A_1109 = vector.broadcast %gt3A_1108 : f32 to vector<16xf32>
        %gt3A_1110 = arith.cmpf ogt, %add3A_1107, %gt3A_1109 : vector<16xf32>
        %mul3A_1111 = arith.constant 2.000000e-01 : f32
        %mul3A_1112 = vector.broadcast %mul3A_1111 : f32 to vector<16xf32>
        %mul3A_1113 = arith.mulf %mul3A_1112, %add3A_1107 : vector<16xf32>
        %select_n3A_1114 = arith.select %gt3A_1110, %add3A_1107, %mul3A_1113 : vector<16xi1>, vector<16xf32>
        %sub3A_1115 = arith.subf %select_n3A_1106, %select_n3A_1114 : vector<16xf32>
        %exp3A_1116 = math.exp %sub3A_1115 : vector<16xf32>
        %swap3A_1117 = arith.constant 16 : index
        %swap3A_1118 = tpu.vector_load %arg27[%swap3A_1117] {strides = array<i32>} : memref<80xf32, #tpu.memory_space<vmem>>, vector<16xf32>,
        tpu.vector_store %arg27[%swap3A_1117], %exp3A_1116 {strides = array<i32>} : memref<80xf32, #tpu.memory_space<vmem>>, vector<16xf32>,
        %get3A_1119 = arith.constant 32 : index
        %get3A_1120 = tpu.vector_load %arg32[%get3A_1119] {strides = array<i32>} : memref<80xf32, #tpu.memory_space<vmem>>, vector<16xf32>,
        %get3A_1121 = arith.constant 32 : index
        %get3A_1122 = tpu.vector_load %arg37[%get3A_1121] {strides = array<i32>} : memref<80xf32, #tpu.memory_space<vmem>>, vector<16xf32>,
        %add3A_1123 = arith.addf %get3A_1120, %get3A_1122 : vector<16xf32>
        %gt3A_1124 = arith.constant 0.000000e+00 : f32
        %gt3A_1125 = vector.broadcast %gt3A_1124 : f32 to vector<16xf32>
        %gt3A_1126 = arith.cmpf ogt, %add3A_1123, %gt3A_1125 : vector<16xf32>
        %mul3A_1127 = arith.constant 2.000000e-01 : f32
        %mul3A_1128 = vector.broadcast %mul3A_1127 : f32 to vector<16xf32>
        %mul3A_1129 = arith.mulf %mul3A_1128, %add3A_1123 : vector<16xf32>
        %select_n3A_1130 = arith.select %gt3A_1126, %add3A_1123, %mul3A_1129 : vector<16xi1>, vector<16xf32>
        %add3A_1131 = arith.addf %get3A_28, %get3A_1122 : vector<16xf32>
        %gt3A_1132 = arith.constant 0.000000e+00 : f32
        %gt3A_1133 = vector.broadcast %gt3A_1132 : f32 to vector<16xf32>
        %gt3A_1134 = arith.cmpf ogt, %add3A_1131, %gt3A_1133 : vector<16xf32>
        %mul3A_1135 = arith.constant 2.000000e-01 : f32
        %mul3A_1136 = vector.broadcast %mul3A_1135 : f32 to vector<16xf32>
        %mul3A_1137 = arith.mulf %mul3A_1136, %add3A_1131 : vector<16xf32>
        %select_n3A_1138 = arith.select %gt3A_1134, %add3A_1131, %mul3A_1137 : vector<16xi1>, vector<16xf32>
        %sub3A_1139 = arith.subf %select_n3A_1130, %select_n3A_1138 : vector<16xf32>
        %exp3A_1140 = math.exp %sub3A_1139 : vector<16xf32>
        %swap3A_1141 = arith.constant 32 : index
        %swap3A_1142 = tpu.vector_load %arg27[%swap3A_1141] {strides = array<i32>} : memref<80xf32, #tpu.memory_space<vmem>>, vector<16xf32>,
        tpu.vector_store %arg27[%swap3A_1141], %exp3A_1140 {strides = array<i32>} : memref<80xf32, #tpu.memory_space<vmem>>, vector<16xf32>,
        %get3A_1143 = arith.constant 48 : index
        %get3A_1144 = tpu.vector_load %arg32[%get3A_1143] {strides = array<i32>} : memref<80xf32, #tpu.memory_space<vmem>>, vector<16xf32>,
        %get3A_1145 = arith.constant 48 : index
        %get3A_1146 = tpu.vector_load %arg37[%get3A_1145] {strides = array<i32>} : memref<80xf32, #tpu.memory_space<vmem>>, vector<16xf32>,
        %add3A_1147 = arith.addf %get3A_1144, %get3A_1146 : vector<16xf32>
        %gt3A_1148 = arith.constant 0.000000e+00 : f32
        %gt3A_1149 = vector.broadcast %gt3A_1148 : f32 to vector<16xf32>
        %gt3A_1150 = arith.cmpf ogt, %add3A_1147, %gt3A_1149 : vector<16xf32>
        %mul3A_1151 = arith.constant 2.000000e-01 : f32
        %mul3A_1152 = vector.broadcast %mul3A_1151 : f32 to vector<16xf32>
        %mul3A_1153 = arith.mulf %mul3A_1152, %add3A_1147 : vector<16xf32>
        %select_n3A_1154 = arith.select %gt3A_1150, %add3A_1147, %mul3A_1153 : vector<16xi1>, vector<16xf32>
        %add3A_1155 = arith.addf %get3A_28, %get3A_1146 : vector<16xf32>
        %gt3A_1156 = arith.constant 0.000000e+00 : f32
        %gt3A_1157 = vector.broadcast %gt3A_1156 : f32 to vector<16xf32>
        %gt3A_1158 = arith.cmpf ogt, %add3A_1155, %gt3A_1157 : vector<16xf32>
        %mul3A_1159 = arith.constant 2.000000e-01 : f32
        %mul3A_1160 = vector.broadcast %mul3A_1159 : f32 to vector<16xf32>
        %mul3A_1161 = arith.mulf %mul3A_1160, %add3A_1155 : vector<16xf32>
        %select_n3A_1162 = arith.select %gt3A_1158, %add3A_1155, %mul3A_1161 : vector<16xi1>, vector<16xf32>
        %sub3A_1163 = arith.subf %select_n3A_1154, %select_n3A_1162 : vector<16xf32>
        %exp3A_1164 = math.exp %sub3A_1163 : vector<16xf32>
        %swap3A_1165 = arith.constant 48 : index
        %swap3A_1166 = tpu.vector_load %arg27[%swap3A_1165] {strides = array<i32>} : memref<80xf32, #tpu.memory_space<vmem>>, vector<16xf32>,
        tpu.vector_store %arg27[%swap3A_1165], %exp3A_1164 {strides = array<i32>} : memref<80xf32, #tpu.memory_space<vmem>>, vector<16xf32>,
        %get3A_1167 = arith.constant 64 : index
        %get3A_1168 = tpu.vector_load %arg32[%get3A_1167] {strides = array<i32>} : memref<80xf32, #tpu.memory_space<vmem>>, vector<16xf32>,
        %get3A_1169 = arith.constant 64 : index
        %get3A_1170 = tpu.vector_load %arg37[%get3A_1169] {strides = array<i32>} : memref<80xf32, #tpu.memory_space<vmem>>, vector<16xf32>,
        %add3A_1171 = arith.addf %get3A_1168, %get3A_1170 : vector<16xf32>
        %gt3A_1172 = arith.constant 0.000000e+00 : f32
        %gt3A_1173 = vector.broadcast %gt3A_1172 : f32 to vector<16xf32>
        %gt3A_1174 = arith.cmpf ogt, %add3A_1171, %gt3A_1173 : vector<16xf32>
        %mul3A_1175 = arith.constant 2.000000e-01 : f32
        %mul3A_1176 = vector.broadcast %mul3A_1175 : f32 to vector<16xf32>
        %mul3A_1177 = arith.mulf %mul3A_1176, %add3A_1171 : vector<16xf32>
        %select_n3A_1178 = arith.select %gt3A_1174, %add3A_1171, %mul3A_1177 : vector<16xi1>, vector<16xf32>
        %add3A_1179 = arith.addf %get3A_28, %get3A_1170 : vector<16xf32>
        %gt3A_1180 = arith.constant 0.000000e+00 : f32
        %gt3A_1181 = vector.broadcast %gt3A_1180 : f32 to vector<16xf32>
        %gt3A_1182 = arith.cmpf ogt, %add3A_1179, %gt3A_1181 : vector<16xf32>
        %mul3A_1183 = arith.constant 2.000000e-01 : f32
        %mul3A_1184 = vector.broadcast %mul3A_1183 : f32 to vector<16xf32>
        %mul3A_1185 = arith.mulf %mul3A_1184, %add3A_1179 : vector<16xf32>
        %select_n3A_1186 = arith.select %gt3A_1182, %add3A_1179, %mul3A_1185 : vector<16xi1>, vector<16xf32>
        %sub3A_1187 = arith.subf %select_n3A_1178, %select_n3A_1186 : vector<16xf32>
        %exp3A_1188 = math.exp %sub3A_1187 : vector<16xf32>
        %swap3A_1189 = arith.constant 64 : index
        %swap3A_1190 = tpu.vector_load %arg27[%swap3A_1189] {strides = array<i32>} : memref<80xf32, #tpu.memory_space<vmem>>, vector<16xf32>,
        tpu.vector_store %arg27[%swap3A_1189], %exp3A_1188 {strides = array<i32>} : memref<80xf32, #tpu.memory_space<vmem>>, vector<16xf32>,
        %dma_start3A_1191 = arith.constant 0 : i32
        %dma_start3A_1192 = tpu.memref_slice %arg45[%dma_start3A_1191] : memref<10000xf32, #tpu.memory_space<vmem_shared>> -> memref<10000xf32, #tpu.memory_space<vmem_shared>>
        tpu.enqueue_indirect_dma source(%arg27 : memref<80xf32, #tpu.memory_space<vmem>>) target(%dma_start3A_1192 : memref<10000xf32, #tpu.memory_space<vmem_shared>>) offsets(%arg22 : memref<80xi32, #tpu.memory_space<vmem>>) semaphore(%arg60 : memref<!tpu.dma_semaphore, #tpu.memory_space<semaphore_mem>>) {add = true}
        %dma_wait3A_1193 = arith.constant 0 : i32
        %dma_wait3A_1194 = arith.constant 0 : i32
        %dma_wait3A_1195 = tpu.memref_slice %arg7[%dma_wait3A_1193, %dma_wait3A_1194] : memref<10000x128xf32, #tpu.memory_space<hbm>> -> memref<10000x128xf32, #tpu.memory_space<hbm>>
        tpu.wait_indirect_dma semaphore(%arg47 : memref<!tpu.dma_semaphore, #tpu.memory_space<semaphore_mem>>) src(%dma_wait3A_1195 : memref<10000x128xf32, #tpu.memory_space<hbm>>) dst(%arg38 : memref<80x128xf32, #tpu.memory_space<vmem>>)
        %scan3A_1196 = arith.constant 0 : i32
        %scan3A_1197 = arith.constant 0 : i32
        %scan3A_1198 = arith.constant 80 : i32
        %scan3A_1199 = arith.addi %scan3A_1197, %scan3A_1198 : i32
        %scan3A_1200 = arith.constant 4 : i32
        scf.for %scan3A_1227 = %scan3A_1197 to %scan3A_1199 step %scan3A_1200  : i32 {
          %broadcast_in_dim3A_1228 = vector.broadcast %scan3A_1227 : i32 to vector<16xi32>
          %gather3A = tpu.vector_load_idx %arg27[%broadcast_in_dim3A_1228] : memref<80xf32, #tpu.memory_space<vmem>>[vector<16xi32>], vector<16xf32>,
          %get3A_1229 = arith.index_cast %scan3A_1227 : i32 to index
          %get3A_1230 = arith.constant 0 : index
          %get3A_1231 = tpu.vector_load %arg38[%get3A_1229, %get3A_1230] {strides = array<i32>} : memref<80x128xf32, #tpu.memory_space<vmem>>, vector<16xf32>,
          %mul3A_1232 = arith.mulf %get3A_1231, %gather3A : vector<16xf32>
          %swap3A_1233 = arith.index_cast %scan3A_1227 : i32 to index
          %swap3A_1234 = arith.constant 0 : index
          %swap3A_1235 = tpu.vector_load %arg38[%swap3A_1233, %swap3A_1234] {strides = array<i32>} : memref<80x128xf32, #tpu.memory_space<vmem>>, vector<16xf32>,
          tpu.vector_store %arg38[%swap3A_1233, %swap3A_1234], %mul3A_1232 {strides = array<i32>} : memref<80x128xf32, #tpu.memory_space<vmem>>, vector<16xf32>,
          %get3A_1236 = arith.index_cast %scan3A_1227 : i32 to index
          %get3A_1237 = arith.constant 16 : index
          %get3A_1238 = tpu.vector_load %arg38[%get3A_1236, %get3A_1237] {strides = array<i32>} : memref<80x128xf32, #tpu.memory_space<vmem>>, vector<16xf32>,
          %mul3A_1239 = arith.mulf %get3A_1238, %gather3A : vector<16xf32>
          %swap3A_1240 = arith.index_cast %scan3A_1227 : i32 to index
          %swap3A_1241 = arith.constant 16 : index
          %swap3A_1242 = tpu.vector_load %arg38[%swap3A_1240, %swap3A_1241] {strides = array<i32>} : memref<80x128xf32, #tpu.memory_space<vmem>>, vector<16xf32>,
          tpu.vector_store %arg38[%swap3A_1240, %swap3A_1241], %mul3A_1239 {strides = array<i32>} : memref<80x128xf32, #tpu.memory_space<vmem>>, vector<16xf32>,
          %get3A_1243 = arith.index_cast %scan3A_1227 : i32 to index
          %get3A_1244 = arith.constant 32 : index
          %get3A_1245 = tpu.vector_load %arg38[%get3A_1243, %get3A_1244] {strides = array<i32>} : memref<80x128xf32, #tpu.memory_space<vmem>>, vector<16xf32>,
          %mul3A_1246 = arith.mulf %get3A_1245, %gather3A : vector<16xf32>
          %swap3A_1247 = arith.index_cast %scan3A_1227 : i32 to index
          %swap3A_1248 = arith.constant 32 : index
          %swap3A_1249 = tpu.vector_load %arg38[%swap3A_1247, %swap3A_1248] {strides = array<i32>} : memref<80x128xf32, #tpu.memory_space<vmem>>, vector<16xf32>,
          tpu.vector_store %arg38[%swap3A_1247, %swap3A_1248], %mul3A_1246 {strides = array<i32>} : memref<80x128xf32, #tpu.memory_space<vmem>>, vector<16xf32>,
          %get3A_1250 = arith.index_cast %scan3A_1227 : i32 to index
          %get3A_1251 = arith.constant 48 : index
          %get3A_1252 = tpu.vector_load %arg38[%get3A_1250, %get3A_1251] {strides = array<i32>} : memref<80x128xf32, #tpu.memory_space<vmem>>, vector<16xf32>,
          %mul3A_1253 = arith.mulf %get3A_1252, %gather3A : vector<16xf32>
          %swap3A_1254 = arith.index_cast %scan3A_1227 : i32 to index
          %swap3A_1255 = arith.constant 48 : index
          %swap3A_1256 = tpu.vector_load %arg38[%swap3A_1254, %swap3A_1255] {strides = array<i32>} : memref<80x128xf32, #tpu.memory_space<vmem>>, vector<16xf32>,
          tpu.vector_store %arg38[%swap3A_1254, %swap3A_1255], %mul3A_1253 {strides = array<i32>} : memref<80x128xf32, #tpu.memory_space<vmem>>, vector<16xf32>,
          %get3A_1257 = arith.index_cast %scan3A_1227 : i32 to index
          %get3A_1258 = arith.constant 64 : index
          %get3A_1259 = tpu.vector_load %arg38[%get3A_1257, %get3A_1258] {strides = array<i32>} : memref<80x128xf32, #tpu.memory_space<vmem>>, vector<16xf32>,
          %mul3A_1260 = arith.mulf %get3A_1259, %gather3A : vector<16xf32>
          %swap3A_1261 = arith.index_cast %scan3A_1227 : i32 to index
          %swap3A_1262 = arith.constant 64 : index
          %swap3A_1263 = tpu.vector_load %arg38[%swap3A_1261, %swap3A_1262] {strides = array<i32>} : memref<80x128xf32, #tpu.memory_space<vmem>>, vector<16xf32>,
          tpu.vector_store %arg38[%swap3A_1261, %swap3A_1262], %mul3A_1260 {strides = array<i32>} : memref<80x128xf32, #tpu.memory_space<vmem>>, vector<16xf32>,
          %get3A_1264 = arith.index_cast %scan3A_1227 : i32 to index
          %get3A_1265 = arith.constant 80 : index
          %get3A_1266 = tpu.vector_load %arg38[%get3A_1264, %get3A_1265] {strides = array<i32>} : memref<80x128xf32, #tpu.memory_space<vmem>>, vector<16xf32>,
          %mul3A_1267 = arith.mulf %get3A_1266, %gather3A : vector<16xf32>
          %swap3A_1268 = arith.index_cast %scan3A_1227 : i32 to index
          %swap3A_1269 = arith.constant 80 : index
          %swap3A_1270 = tpu.vector_load %arg38[%swap3A_1268, %swap3A_1269] {strides = array<i32>} : memref<80x128xf32, #tpu.memory_space<vmem>>, vector<16xf32>,
          tpu.vector_store %arg38[%swap3A_1268, %swap3A_1269], %mul3A_1267 {strides = array<i32>} : memref<80x128xf32, #tpu.memory_space<vmem>>, vector<16xf32>,
          %get3A_1271 = arith.index_cast %scan3A_1227 : i32 to index
          %get3A_1272 = arith.constant 96 : index
          %get3A_1273 = tpu.vector_load %arg38[%get3A_1271, %get3A_1272] {strides = array<i32>} : memref<80x128xf32, #tpu.memory_space<vmem>>, vector<16xf32>,
          %mul3A_1274 = arith.mulf %get3A_1273, %gather3A : vector<16xf32>
          %swap3A_1275 = arith.index_cast %scan3A_1227 : i32 to index
          %swap3A_1276 = arith.constant 96 : index
          %swap3A_1277 = tpu.vector_load %arg38[%swap3A_1275, %swap3A_1276] {strides = array<i32>} : memref<80x128xf32, #tpu.memory_space<vmem>>, vector<16xf32>,
          tpu.vector_store %arg38[%swap3A_1275, %swap3A_1276], %mul3A_1274 {strides = array<i32>} : memref<80x128xf32, #tpu.memory_space<vmem>>, vector<16xf32>,
          %get3A_1278 = arith.index_cast %scan3A_1227 : i32 to index
          %get3A_1279 = arith.constant 112 : index
          %get3A_1280 = tpu.vector_load %arg38[%get3A_1278, %get3A_1279] {strides = array<i32>} : memref<80x128xf32, #tpu.memory_space<vmem>>, vector<16xf32>,
          %mul3A_1281 = arith.mulf %get3A_1280, %gather3A : vector<16xf32>
          %swap3A_1282 = arith.index_cast %scan3A_1227 : i32 to index
          %swap3A_1283 = arith.constant 112 : index
          %swap3A_1284 = tpu.vector_load %arg38[%swap3A_1282, %swap3A_1283] {strides = array<i32>} : memref<80x128xf32, #tpu.memory_space<vmem>>, vector<16xf32>,
          tpu.vector_store %arg38[%swap3A_1282, %swap3A_1283], %mul3A_1281 {strides = array<i32>} : memref<80x128xf32, #tpu.memory_space<vmem>>, vector<16xf32>,
          %scan3A_1285 = arith.constant 1 : i32
          %scan3A_1286 = arith.addi %scan3A_1227, %scan3A_1285 : i32
          %broadcast_in_dim3A_1287 = vector.broadcast %scan3A_1286 : i32 to vector<16xi32>
          %gather3A_1288 = tpu.vector_load_idx %arg27[%broadcast_in_dim3A_1287] : memref<80xf32, #tpu.memory_space<vmem>>[vector<16xi32>], vector<16xf32>,
          %get3A_1289 = arith.index_cast %scan3A_1286 : i32 to index
          %get3A_1290 = arith.constant 0 : index
          %get3A_1291 = tpu.vector_load %arg38[%get3A_1289, %get3A_1290] {strides = array<i32>} : memref<80x128xf32, #tpu.memory_space<vmem>>, vector<16xf32>,
          %mul3A_1292 = arith.mulf %get3A_1291, %gather3A_1288 : vector<16xf32>
          %swap3A_1293 = arith.index_cast %scan3A_1286 : i32 to index
          %swap3A_1294 = arith.constant 0 : index
          %swap3A_1295 = tpu.vector_load %arg38[%swap3A_1293, %swap3A_1294] {strides = array<i32>} : memref<80x128xf32, #tpu.memory_space<vmem>>, vector<16xf32>,
          tpu.vector_store %arg38[%swap3A_1293, %swap3A_1294], %mul3A_1292 {strides = array<i32>} : memref<80x128xf32, #tpu.memory_space<vmem>>, vector<16xf32>,
          %get3A_1296 = arith.index_cast %scan3A_1286 : i32 to index
          %get3A_1297 = arith.constant 16 : index
          %get3A_1298 = tpu.vector_load %arg38[%get3A_1296, %get3A_1297] {strides = array<i32>} : memref<80x128xf32, #tpu.memory_space<vmem>>, vector<16xf32>,
          %mul3A_1299 = arith.mulf %get3A_1298, %gather3A_1288 : vector<16xf32>
          %swap3A_1300 = arith.index_cast %scan3A_1286 : i32 to index
          %swap3A_1301 = arith.constant 16 : index
          %swap3A_1302 = tpu.vector_load %arg38[%swap3A_1300, %swap3A_1301] {strides = array<i32>} : memref<80x128xf32, #tpu.memory_space<vmem>>, vector<16xf32>,
          tpu.vector_store %arg38[%swap3A_1300, %swap3A_1301], %mul3A_1299 {strides = array<i32>} : memref<80x128xf32, #tpu.memory_space<vmem>>, vector<16xf32>,
          %get3A_1303 = arith.index_cast %scan3A_1286 : i32 to index
          %get3A_1304 = arith.constant 32 : index
          %get3A_1305 = tpu.vector_load %arg38[%get3A_1303, %get3A_1304] {strides = array<i32>} : memref<80x128xf32, #tpu.memory_space<vmem>>, vector<16xf32>,
          %mul3A_1306 = arith.mulf %get3A_1305, %gather3A_1288 : vector<16xf32>
          %swap3A_1307 = arith.index_cast %scan3A_1286 : i32 to index
          %swap3A_1308 = arith.constant 32 : index
          %swap3A_1309 = tpu.vector_load %arg38[%swap3A_1307, %swap3A_1308] {strides = array<i32>} : memref<80x128xf32, #tpu.memory_space<vmem>>, vector<16xf32>,
          tpu.vector_store %arg38[%swap3A_1307, %swap3A_1308], %mul3A_1306 {strides = array<i32>} : memref<80x128xf32, #tpu.memory_space<vmem>>, vector<16xf32>,
          %get3A_1310 = arith.index_cast %scan3A_1286 : i32 to index
          %get3A_1311 = arith.constant 48 : index
          %get3A_1312 = tpu.vector_load %arg38[%get3A_1310, %get3A_1311] {strides = array<i32>} : memref<80x128xf32, #tpu.memory_space<vmem>>, vector<16xf32>,
          %mul3A_1313 = arith.mulf %get3A_1312, %gather3A_1288 : vector<16xf32>
          %swap3A_1314 = arith.index_cast %scan3A_1286 : i32 to index
          %swap3A_1315 = arith.constant 48 : index
          %swap3A_1316 = tpu.vector_load %arg38[%swap3A_1314, %swap3A_1315] {strides = array<i32>} : memref<80x128xf32, #tpu.memory_space<vmem>>, vector<16xf32>,
          tpu.vector_store %arg38[%swap3A_1314, %swap3A_1315], %mul3A_1313 {strides = array<i32>} : memref<80x128xf32, #tpu.memory_space<vmem>>, vector<16xf32>,
          %get3A_1317 = arith.index_cast %scan3A_1286 : i32 to index
          %get3A_1318 = arith.constant 64 : index
          %get3A_1319 = tpu.vector_load %arg38[%get3A_1317, %get3A_1318] {strides = array<i32>} : memref<80x128xf32, #tpu.memory_space<vmem>>, vector<16xf32>,
          %mul3A_1320 = arith.mulf %get3A_1319, %gather3A_1288 : vector<16xf32>
          %swap3A_1321 = arith.index_cast %scan3A_1286 : i32 to index
          %swap3A_1322 = arith.constant 64 : index
          %swap3A_1323 = tpu.vector_load %arg38[%swap3A_1321, %swap3A_1322] {strides = array<i32>} : memref<80x128xf32, #tpu.memory_space<vmem>>, vector<16xf32>,
          tpu.vector_store %arg38[%swap3A_1321, %swap3A_1322], %mul3A_1320 {strides = array<i32>} : memref<80x128xf32, #tpu.memory_space<vmem>>, vector<16xf32>,
          %get3A_1324 = arith.index_cast %scan3A_1286 : i32 to index
          %get3A_1325 = arith.constant 80 : index
          %get3A_1326 = tpu.vector_load %arg38[%get3A_1324, %get3A_1325] {strides = array<i32>} : memref<80x128xf32, #tpu.memory_space<vmem>>, vector<16xf32>,
          %mul3A_1327 = arith.mulf %get3A_1326, %gather3A_1288 : vector<16xf32>
          %swap3A_1328 = arith.index_cast %scan3A_1286 : i32 to index
          %swap3A_1329 = arith.constant 80 : index
          %swap3A_1330 = tpu.vector_load %arg38[%swap3A_1328, %swap3A_1329] {strides = array<i32>} : memref<80x128xf32, #tpu.memory_space<vmem>>, vector<16xf32>,
          tpu.vector_store %arg38[%swap3A_1328, %swap3A_1329], %mul3A_1327 {strides = array<i32>} : memref<80x128xf32, #tpu.memory_space<vmem>>, vector<16xf32>,
          %get3A_1331 = arith.index_cast %scan3A_1286 : i32 to index
          %get3A_1332 = arith.constant 96 : index
          %get3A_1333 = tpu.vector_load %arg38[%get3A_1331, %get3A_1332] {strides = array<i32>} : memref<80x128xf32, #tpu.memory_space<vmem>>, vector<16xf32>,
          %mul3A_1334 = arith.mulf %get3A_1333, %gather3A_1288 : vector<16xf32>
          %swap3A_1335 = arith.index_cast %scan3A_1286 : i32 to index
          %swap3A_1336 = arith.constant 96 : index
          %swap3A_1337 = tpu.vector_load %arg38[%swap3A_1335, %swap3A_1336] {strides = array<i32>} : memref<80x128xf32, #tpu.memory_space<vmem>>, vector<16xf32>,
          tpu.vector_store %arg38[%swap3A_1335, %swap3A_1336], %mul3A_1334 {strides = array<i32>} : memref<80x128xf32, #tpu.memory_space<vmem>>, vector<16xf32>,
          %get3A_1338 = arith.index_cast %scan3A_1286 : i32 to index
          %get3A_1339 = arith.constant 112 : index
          %get3A_1340 = tpu.vector_load %arg38[%get3A_1338, %get3A_1339] {strides = array<i32>} : memref<80x128xf32, #tpu.memory_space<vmem>>, vector<16xf32>,
          %mul3A_1341 = arith.mulf %get3A_1340, %gather3A_1288 : vector<16xf32>
          %swap3A_1342 = arith.index_cast %scan3A_1286 : i32 to index
          %swap3A_1343 = arith.constant 112 : index
          %swap3A_1344 = tpu.vector_load %arg38[%swap3A_1342, %swap3A_1343] {strides = array<i32>} : memref<80x128xf32, #tpu.memory_space<vmem>>, vector<16xf32>,
          tpu.vector_store %arg38[%swap3A_1342, %swap3A_1343], %mul3A_1341 {strides = array<i32>} : memref<80x128xf32, #tpu.memory_space<vmem>>, vector<16xf32>,
          %scan3A_1345 = arith.constant 2 : i32
          %scan3A_1346 = arith.addi %scan3A_1227, %scan3A_1345 : i32
          %broadcast_in_dim3A_1347 = vector.broadcast %scan3A_1346 : i32 to vector<16xi32>
          %gather3A_1348 = tpu.vector_load_idx %arg27[%broadcast_in_dim3A_1347] : memref<80xf32, #tpu.memory_space<vmem>>[vector<16xi32>], vector<16xf32>,
          %get3A_1349 = arith.index_cast %scan3A_1346 : i32 to index
          %get3A_1350 = arith.constant 0 : index
          %get3A_1351 = tpu.vector_load %arg38[%get3A_1349, %get3A_1350] {strides = array<i32>} : memref<80x128xf32, #tpu.memory_space<vmem>>, vector<16xf32>,
          %mul3A_1352 = arith.mulf %get3A_1351, %gather3A_1348 : vector<16xf32>
          %swap3A_1353 = arith.index_cast %scan3A_1346 : i32 to index
          %swap3A_1354 = arith.constant 0 : index
          %swap3A_1355 = tpu.vector_load %arg38[%swap3A_1353, %swap3A_1354] {strides = array<i32>} : memref<80x128xf32, #tpu.memory_space<vmem>>, vector<16xf32>,
          tpu.vector_store %arg38[%swap3A_1353, %swap3A_1354], %mul3A_1352 {strides = array<i32>} : memref<80x128xf32, #tpu.memory_space<vmem>>, vector<16xf32>,
          %get3A_1356 = arith.index_cast %scan3A_1346 : i32 to index
          %get3A_1357 = arith.constant 16 : index
          %get3A_1358 = tpu.vector_load %arg38[%get3A_1356, %get3A_1357] {strides = array<i32>} : memref<80x128xf32, #tpu.memory_space<vmem>>, vector<16xf32>,
          %mul3A_1359 = arith.mulf %get3A_1358, %gather3A_1348 : vector<16xf32>
          %swap3A_1360 = arith.index_cast %scan3A_1346 : i32 to index
          %swap3A_1361 = arith.constant 16 : index
          %swap3A_1362 = tpu.vector_load %arg38[%swap3A_1360, %swap3A_1361] {strides = array<i32>} : memref<80x128xf32, #tpu.memory_space<vmem>>, vector<16xf32>,
          tpu.vector_store %arg38[%swap3A_1360, %swap3A_1361], %mul3A_1359 {strides = array<i32>} : memref<80x128xf32, #tpu.memory_space<vmem>>, vector<16xf32>,
          %get3A_1363 = arith.index_cast %scan3A_1346 : i32 to index
          %get3A_1364 = arith.constant 32 : index
          %get3A_1365 = tpu.vector_load %arg38[%get3A_1363, %get3A_1364] {strides = array<i32>} : memref<80x128xf32, #tpu.memory_space<vmem>>, vector<16xf32>,
          %mul3A_1366 = arith.mulf %get3A_1365, %gather3A_1348 : vector<16xf32>
          %swap3A_1367 = arith.index_cast %scan3A_1346 : i32 to index
          %swap3A_1368 = arith.constant 32 : index
          %swap3A_1369 = tpu.vector_load %arg38[%swap3A_1367, %swap3A_1368] {strides = array<i32>} : memref<80x128xf32, #tpu.memory_space<vmem>>, vector<16xf32>,
          tpu.vector_store %arg38[%swap3A_1367, %swap3A_1368], %mul3A_1366 {strides = array<i32>} : memref<80x128xf32, #tpu.memory_space<vmem>>, vector<16xf32>,
          %get3A_1370 = arith.index_cast %scan3A_1346 : i32 to index
          %get3A_1371 = arith.constant 48 : index
          %get3A_1372 = tpu.vector_load %arg38[%get3A_1370, %get3A_1371] {strides = array<i32>} : memref<80x128xf32, #tpu.memory_space<vmem>>, vector<16xf32>,
          %mul3A_1373 = arith.mulf %get3A_1372, %gather3A_1348 : vector<16xf32>
          %swap3A_1374 = arith.index_cast %scan3A_1346 : i32 to index
          %swap3A_1375 = arith.constant 48 : index
          %swap3A_1376 = tpu.vector_load %arg38[%swap3A_1374, %swap3A_1375] {strides = array<i32>} : memref<80x128xf32, #tpu.memory_space<vmem>>, vector<16xf32>,
          tpu.vector_store %arg38[%swap3A_1374, %swap3A_1375], %mul3A_1373 {strides = array<i32>} : memref<80x128xf32, #tpu.memory_space<vmem>>, vector<16xf32>,
          %get3A_1377 = arith.index_cast %scan3A_1346 : i32 to index
          %get3A_1378 = arith.constant 64 : index
          %get3A_1379 = tpu.vector_load %arg38[%get3A_1377, %get3A_1378] {strides = array<i32>} : memref<80x128xf32, #tpu.memory_space<vmem>>, vector<16xf32>,
          %mul3A_1380 = arith.mulf %get3A_1379, %gather3A_1348 : vector<16xf32>
          %swap3A_1381 = arith.index_cast %scan3A_1346 : i32 to index
          %swap3A_1382 = arith.constant 64 : index
          %swap3A_1383 = tpu.vector_load %arg38[%swap3A_1381, %swap3A_1382] {strides = array<i32>} : memref<80x128xf32, #tpu.memory_space<vmem>>, vector<16xf32>,
          tpu.vector_store %arg38[%swap3A_1381, %swap3A_1382], %mul3A_1380 {strides = array<i32>} : memref<80x128xf32, #tpu.memory_space<vmem>>, vector<16xf32>,
          %get3A_1384 = arith.index_cast %scan3A_1346 : i32 to index
          %get3A_1385 = arith.constant 80 : index
          %get3A_1386 = tpu.vector_load %arg38[%get3A_1384, %get3A_1385] {strides = array<i32>} : memref<80x128xf32, #tpu.memory_space<vmem>>, vector<16xf32>,
          %mul3A_1387 = arith.mulf %get3A_1386, %gather3A_1348 : vector<16xf32>
          %swap3A_1388 = arith.index_cast %scan3A_1346 : i32 to index
          %swap3A_1389 = arith.constant 80 : index
          %swap3A_1390 = tpu.vector_load %arg38[%swap3A_1388, %swap3A_1389] {strides = array<i32>} : memref<80x128xf32, #tpu.memory_space<vmem>>, vector<16xf32>,
          tpu.vector_store %arg38[%swap3A_1388, %swap3A_1389], %mul3A_1387 {strides = array<i32>} : memref<80x128xf32, #tpu.memory_space<vmem>>, vector<16xf32>,
          %get3A_1391 = arith.index_cast %scan3A_1346 : i32 to index
          %get3A_1392 = arith.constant 96 : index
          %get3A_1393 = tpu.vector_load %arg38[%get3A_1391, %get3A_1392] {strides = array<i32>} : memref<80x128xf32, #tpu.memory_space<vmem>>, vector<16xf32>,
          %mul3A_1394 = arith.mulf %get3A_1393, %gather3A_1348 : vector<16xf32>
          %swap3A_1395 = arith.index_cast %scan3A_1346 : i32 to index
          %swap3A_1396 = arith.constant 96 : index
          %swap3A_1397 = tpu.vector_load %arg38[%swap3A_1395, %swap3A_1396] {strides = array<i32>} : memref<80x128xf32, #tpu.memory_space<vmem>>, vector<16xf32>,
          tpu.vector_store %arg38[%swap3A_1395, %swap3A_1396], %mul3A_1394 {strides = array<i32>} : memref<80x128xf32, #tpu.memory_space<vmem>>, vector<16xf32>,
          %get3A_1398 = arith.index_cast %scan3A_1346 : i32 to index
          %get3A_1399 = arith.constant 112 : index
          %get3A_1400 = tpu.vector_load %arg38[%get3A_1398, %get3A_1399] {strides = array<i32>} : memref<80x128xf32, #tpu.memory_space<vmem>>, vector<16xf32>,
          %mul3A_1401 = arith.mulf %get3A_1400, %gather3A_1348 : vector<16xf32>
          %swap3A_1402 = arith.index_cast %scan3A_1346 : i32 to index
          %swap3A_1403 = arith.constant 112 : index
          %swap3A_1404 = tpu.vector_load %arg38[%swap3A_1402, %swap3A_1403] {strides = array<i32>} : memref<80x128xf32, #tpu.memory_space<vmem>>, vector<16xf32>,
          tpu.vector_store %arg38[%swap3A_1402, %swap3A_1403], %mul3A_1401 {strides = array<i32>} : memref<80x128xf32, #tpu.memory_space<vmem>>, vector<16xf32>,
          %scan3A_1405 = arith.constant 3 : i32
          %scan3A_1406 = arith.addi %scan3A_1227, %scan3A_1405 : i32
          %broadcast_in_dim3A_1407 = vector.broadcast %scan3A_1406 : i32 to vector<16xi32>
          %gather3A_1408 = tpu.vector_load_idx %arg27[%broadcast_in_dim3A_1407] : memref<80xf32, #tpu.memory_space<vmem>>[vector<16xi32>], vector<16xf32>,
          %get3A_1409 = arith.index_cast %scan3A_1406 : i32 to index
          %get3A_1410 = arith.constant 0 : index
          %get3A_1411 = tpu.vector_load %arg38[%get3A_1409, %get3A_1410] {strides = array<i32>} : memref<80x128xf32, #tpu.memory_space<vmem>>, vector<16xf32>,
          %mul3A_1412 = arith.mulf %get3A_1411, %gather3A_1408 : vector<16xf32>
          %swap3A_1413 = arith.index_cast %scan3A_1406 : i32 to index
          %swap3A_1414 = arith.constant 0 : index
          %swap3A_1415 = tpu.vector_load %arg38[%swap3A_1413, %swap3A_1414] {strides = array<i32>} : memref<80x128xf32, #tpu.memory_space<vmem>>, vector<16xf32>,
          tpu.vector_store %arg38[%swap3A_1413, %swap3A_1414], %mul3A_1412 {strides = array<i32>} : memref<80x128xf32, #tpu.memory_space<vmem>>, vector<16xf32>,
          %get3A_1416 = arith.index_cast %scan3A_1406 : i32 to index
          %get3A_1417 = arith.constant 16 : index
          %get3A_1418 = tpu.vector_load %arg38[%get3A_1416, %get3A_1417] {strides = array<i32>} : memref<80x128xf32, #tpu.memory_space<vmem>>, vector<16xf32>,
          %mul3A_1419 = arith.mulf %get3A_1418, %gather3A_1408 : vector<16xf32>
          %swap3A_1420 = arith.index_cast %scan3A_1406 : i32 to index
          %swap3A_1421 = arith.constant 16 : index
          %swap3A_1422 = tpu.vector_load %arg38[%swap3A_1420, %swap3A_1421] {strides = array<i32>} : memref<80x128xf32, #tpu.memory_space<vmem>>, vector<16xf32>,
          tpu.vector_store %arg38[%swap3A_1420, %swap3A_1421], %mul3A_1419 {strides = array<i32>} : memref<80x128xf32, #tpu.memory_space<vmem>>, vector<16xf32>,
          %get3A_1423 = arith.index_cast %scan3A_1406 : i32 to index
          %get3A_1424 = arith.constant 32 : index
          %get3A_1425 = tpu.vector_load %arg38[%get3A_1423, %get3A_1424] {strides = array<i32>} : memref<80x128xf32, #tpu.memory_space<vmem>>, vector<16xf32>,
          %mul3A_1426 = arith.mulf %get3A_1425, %gather3A_1408 : vector<16xf32>
          %swap3A_1427 = arith.index_cast %scan3A_1406 : i32 to index
          %swap3A_1428 = arith.constant 32 : index
          %swap3A_1429 = tpu.vector_load %arg38[%swap3A_1427, %swap3A_1428] {strides = array<i32>} : memref<80x128xf32, #tpu.memory_space<vmem>>, vector<16xf32>,
          tpu.vector_store %arg38[%swap3A_1427, %swap3A_1428], %mul3A_1426 {strides = array<i32>} : memref<80x128xf32, #tpu.memory_space<vmem>>, vector<16xf32>,
          %get3A_1430 = arith.index_cast %scan3A_1406 : i32 to index
          %get3A_1431 = arith.constant 48 : index
          %get3A_1432 = tpu.vector_load %arg38[%get3A_1430, %get3A_1431] {strides = array<i32>} : memref<80x128xf32, #tpu.memory_space<vmem>>, vector<16xf32>,
          %mul3A_1433 = arith.mulf %get3A_1432, %gather3A_1408 : vector<16xf32>
          %swap3A_1434 = arith.index_cast %scan3A_1406 : i32 to index
          %swap3A_1435 = arith.constant 48 : index
          %swap3A_1436 = tpu.vector_load %arg38[%swap3A_1434, %swap3A_1435] {strides = array<i32>} : memref<80x128xf32, #tpu.memory_space<vmem>>, vector<16xf32>,
          tpu.vector_store %arg38[%swap3A_1434, %swap3A_1435], %mul3A_1433 {strides = array<i32>} : memref<80x128xf32, #tpu.memory_space<vmem>>, vector<16xf32>,
          %get3A_1437 = arith.index_cast %scan3A_1406 : i32 to index
          %get3A_1438 = arith.constant 64 : index
          %get3A_1439 = tpu.vector_load %arg38[%get3A_1437, %get3A_1438] {strides = array<i32>} : memref<80x128xf32, #tpu.memory_space<vmem>>, vector<16xf32>,
          %mul3A_1440 = arith.mulf %get3A_1439, %gather3A_1408 : vector<16xf32>
          %swap3A_1441 = arith.index_cast %scan3A_1406 : i32 to index
          %swap3A_1442 = arith.constant 64 : index
          %swap3A_1443 = tpu.vector_load %arg38[%swap3A_1441, %swap3A_1442] {strides = array<i32>} : memref<80x128xf32, #tpu.memory_space<vmem>>, vector<16xf32>,
          tpu.vector_store %arg38[%swap3A_1441, %swap3A_1442], %mul3A_1440 {strides = array<i32>} : memref<80x128xf32, #tpu.memory_space<vmem>>, vector<16xf32>,
          %get3A_1444 = arith.index_cast %scan3A_1406 : i32 to index
          %get3A_1445 = arith.constant 80 : index
          %get3A_1446 = tpu.vector_load %arg38[%get3A_1444, %get3A_1445] {strides = array<i32>} : memref<80x128xf32, #tpu.memory_space<vmem>>, vector<16xf32>,
          %mul3A_1447 = arith.mulf %get3A_1446, %gather3A_1408 : vector<16xf32>
          %swap3A_1448 = arith.index_cast %scan3A_1406 : i32 to index
          %swap3A_1449 = arith.constant 80 : index
          %swap3A_1450 = tpu.vector_load %arg38[%swap3A_1448, %swap3A_1449] {strides = array<i32>} : memref<80x128xf32, #tpu.memory_space<vmem>>, vector<16xf32>,
          tpu.vector_store %arg38[%swap3A_1448, %swap3A_1449], %mul3A_1447 {strides = array<i32>} : memref<80x128xf32, #tpu.memory_space<vmem>>, vector<16xf32>,
          %get3A_1451 = arith.index_cast %scan3A_1406 : i32 to index
          %get3A_1452 = arith.constant 96 : index
          %get3A_1453 = tpu.vector_load %arg38[%get3A_1451, %get3A_1452] {strides = array<i32>} : memref<80x128xf32, #tpu.memory_space<vmem>>, vector<16xf32>,
          %mul3A_1454 = arith.mulf %get3A_1453, %gather3A_1408 : vector<16xf32>
          %swap3A_1455 = arith.index_cast %scan3A_1406 : i32 to index
          %swap3A_1456 = arith.constant 96 : index
          %swap3A_1457 = tpu.vector_load %arg38[%swap3A_1455, %swap3A_1456] {strides = array<i32>} : memref<80x128xf32, #tpu.memory_space<vmem>>, vector<16xf32>,
          tpu.vector_store %arg38[%swap3A_1455, %swap3A_1456], %mul3A_1454 {strides = array<i32>} : memref<80x128xf32, #tpu.memory_space<vmem>>, vector<16xf32>,
          %get3A_1458 = arith.index_cast %scan3A_1406 : i32 to index
          %get3A_1459 = arith.constant 112 : index
          %get3A_1460 = tpu.vector_load %arg38[%get3A_1458, %get3A_1459] {strides = array<i32>} : memref<80x128xf32, #tpu.memory_space<vmem>>, vector<16xf32>,
          %mul3A_1461 = arith.mulf %get3A_1460, %gather3A_1408 : vector<16xf32>
          %swap3A_1462 = arith.index_cast %scan3A_1406 : i32 to index
          %swap3A_1463 = arith.constant 112 : index
          %swap3A_1464 = tpu.vector_load %arg38[%swap3A_1462, %swap3A_1463] {strides = array<i32>} : memref<80x128xf32, #tpu.memory_space<vmem>>, vector<16xf32>,
          tpu.vector_store %arg38[%swap3A_1462, %swap3A_1463], %mul3A_1461 {strides = array<i32>} : memref<80x128xf32, #tpu.memory_space<vmem>>, vector<16xf32>,
        }
        %scan3A_1201 = arith.constant 80 : i32
        %dma_start3A_1202 = arith.constant 0 : i32
        %dma_start3A_1203 = arith.constant 0 : i32
        %dma_start3A_1204 = tpu.memref_slice %arg46[%dma_start3A_1202, %dma_start3A_1203] : memref<10000x128xf32, #tpu.memory_space<vmem_shared>> -> memref<10000x128xf32, #tpu.memory_space<vmem_shared>>
        tpu.enqueue_indirect_dma source(%arg38 : memref<80x128xf32, #tpu.memory_space<vmem>>) target(%dma_start3A_1204 : memref<10000x128xf32, #tpu.memory_space<vmem_shared>>) offsets(%arg22 : memref<80xi32, #tpu.memory_space<vmem>>) semaphore(%arg55 : memref<!tpu.dma_semaphore, #tpu.memory_space<semaphore_mem>>) {add = true}
        %dma_wait3A_1205 = arith.constant 0 : i32
        %dma_wait3A_1206 = arith.constant 0 : i32
        %dma_wait3A_1207 = tpu.memref_slice %arg46[%dma_wait3A_1205, %dma_wait3A_1206] : memref<10000x128xf32, #tpu.memory_space<vmem_shared>> -> memref<10000x128xf32, #tpu.memory_space<vmem_shared>>
        tpu.wait_indirect_dma semaphore(%arg52 : memref<!tpu.dma_semaphore, #tpu.memory_space<semaphore_mem>>) src(%arg39 : memref<80x128xf32, #tpu.memory_space<vmem>>) dst(%dma_wait3A_1207 : memref<10000x128xf32, #tpu.memory_space<vmem_shared>>)
        %dma_wait3A_1208 = arith.constant 0 : i32
        %dma_wait3A_1209 = arith.constant 0 : i32
        %dma_wait3A_1210 = tpu.memref_slice %arg46[%dma_wait3A_1208, %dma_wait3A_1209] : memref<10000x128xf32, #tpu.memory_space<vmem_shared>> -> memref<10000x128xf32, #tpu.memory_space<vmem_shared>>
        tpu.wait_indirect_dma semaphore(%arg53 : memref<!tpu.dma_semaphore, #tpu.memory_space<semaphore_mem>>) src(%arg40 : memref<80x128xf32, #tpu.memory_space<vmem>>) dst(%dma_wait3A_1210 : memref<10000x128xf32, #tpu.memory_space<vmem_shared>>)
        %dma_wait3A_1211 = arith.constant 0 : i32
        %dma_wait3A_1212 = arith.constant 0 : i32
        %dma_wait3A_1213 = tpu.memref_slice %arg46[%dma_wait3A_1211, %dma_wait3A_1212] : memref<10000x128xf32, #tpu.memory_space<vmem_shared>> -> memref<10000x128xf32, #tpu.memory_space<vmem_shared>>
        tpu.wait_indirect_dma semaphore(%arg54 : memref<!tpu.dma_semaphore, #tpu.memory_space<semaphore_mem>>) src(%arg41 : memref<80x128xf32, #tpu.memory_space<vmem>>) dst(%dma_wait3A_1213 : memref<10000x128xf32, #tpu.memory_space<vmem_shared>>)
        %dma_wait3A_1214 = arith.constant 0 : i32
        %dma_wait3A_1215 = arith.constant 0 : i32
        %dma_wait3A_1216 = tpu.memref_slice %arg46[%dma_wait3A_1214, %dma_wait3A_1215] : memref<10000x128xf32, #tpu.memory_space<vmem_shared>> -> memref<10000x128xf32, #tpu.memory_space<vmem_shared>>
        tpu.wait_indirect_dma semaphore(%arg55 : memref<!tpu.dma_semaphore, #tpu.memory_space<semaphore_mem>>) src(%arg38 : memref<80x128xf32, #tpu.memory_space<vmem>>) dst(%dma_wait3A_1216 : memref<10000x128xf32, #tpu.memory_space<vmem_shared>>)
        %dma_wait3A_1217 = arith.constant 0 : i32
        %dma_wait3A_1218 = tpu.memref_slice %arg45[%dma_wait3A_1217] : memref<10000xf32, #tpu.memory_space<vmem_shared>> -> memref<10000xf32, #tpu.memory_space<vmem_shared>>
        tpu.wait_indirect_dma semaphore(%arg56 : memref<!tpu.dma_semaphore, #tpu.memory_space<semaphore_mem>>) src(%arg23 : memref<80xf32, #tpu.memory_space<vmem>>) dst(%dma_wait3A_1218 : memref<10000xf32, #tpu.memory_space<vmem_shared>>)
        %dma_wait3A_1219 = arith.constant 0 : i32
        %dma_wait3A_1220 = tpu.memref_slice %arg45[%dma_wait3A_1219] : memref<10000xf32, #tpu.memory_space<vmem_shared>> -> memref<10000xf32, #tpu.memory_space<vmem_shared>>
        tpu.wait_indirect_dma semaphore(%arg57 : memref<!tpu.dma_semaphore, #tpu.memory_space<semaphore_mem>>) src(%arg24 : memref<80xf32, #tpu.memory_space<vmem>>) dst(%dma_wait3A_1220 : memref<10000xf32, #tpu.memory_space<vmem_shared>>)
        %dma_wait3A_1221 = arith.constant 0 : i32
        %dma_wait3A_1222 = tpu.memref_slice %arg45[%dma_wait3A_1221] : memref<10000xf32, #tpu.memory_space<vmem_shared>> -> memref<10000xf32, #tpu.memory_space<vmem_shared>>
        tpu.wait_indirect_dma semaphore(%arg58 : memref<!tpu.dma_semaphore, #tpu.memory_space<semaphore_mem>>) src(%arg25 : memref<80xf32, #tpu.memory_space<vmem>>) dst(%dma_wait3A_1222 : memref<10000xf32, #tpu.memory_space<vmem_shared>>)
        %dma_wait3A_1223 = arith.constant 0 : i32
        %dma_wait3A_1224 = tpu.memref_slice %arg45[%dma_wait3A_1223] : memref<10000xf32, #tpu.memory_space<vmem_shared>> -> memref<10000xf32, #tpu.memory_space<vmem_shared>>
        tpu.wait_indirect_dma semaphore(%arg59 : memref<!tpu.dma_semaphore, #tpu.memory_space<semaphore_mem>>) src(%arg26 : memref<80xf32, #tpu.memory_space<vmem>>) dst(%dma_wait3A_1224 : memref<10000xf32, #tpu.memory_space<vmem_shared>>)
        %dma_wait3A_1225 = arith.constant 0 : i32
        %dma_wait3A_1226 = tpu.memref_slice %arg45[%dma_wait3A_1225] : memref<10000xf32, #tpu.memory_space<vmem_shared>> -> memref<10000xf32, #tpu.memory_space<vmem_shared>>
        tpu.wait_indirect_dma semaphore(%arg60 : memref<!tpu.dma_semaphore, #tpu.memory_space<semaphore_mem>>) src(%arg27 : memref<80xf32, #tpu.memory_space<vmem>>) dst(%dma_wait3A_1226 : memref<10000xf32, #tpu.memory_space<vmem_shared>>)
      }
      %scan3A_61 = arith.constant 5 : i32
    }
    %scan3A_34 = arith.constant 5 : i32
    %barrier3A_35 = arith.constant 0 : index
    tpu.barrier barrier_id(%barrier3A_35)
    %mul3A_36 = arith.constant 624 : i32
    %mul3A_37 = arith.muli %arg1, %mul3A_36 : i32
    %mul3A_38 = arith.constant 10000 : i32
    %mul3A_39 = arith.muli %arg0, %mul3A_38 : i32
    %mul3A_40 = arith.constant 624 : i32
    %mul3A_41 = arith.muli %arg1, %mul3A_40 : i32
    %add3A_42 = arith.addi %mul3A_39, %mul3A_41 : i32
    "tpu.region"() ({
      %run_scoped3A = tpu.sem_alloc : memref<!tpu.dma_semaphore, #tpu.memory_space<semaphore_mem>>
      %dma_start3A = arith.constant 0 : i32
      %dma_start3A_50 = tpu.memref_slice %arg8[%add3A_42, %dma_start3A] : memref<20000x128xf32, #tpu.memory_space<hbm>> -> memref<640x128xf32, #tpu.memory_space<hbm>>
      %dma_start3A_51 = arith.constant 0 : i32
      %dma_start3A_52 = tpu.memref_slice %arg46[%mul3A_37, %dma_start3A_51] : memref<10000x128xf32, #tpu.memory_space<vmem_shared>> -> memref<640x128xf32, #tpu.memory_space<vmem_shared>>
      tpu.enqueue_dma source(%dma_start3A_52 : memref<640x128xf32, #tpu.memory_space<vmem_shared>>) target(%dma_start3A_50 : memref<640x128xf32, #tpu.memory_space<hbm>>) target_semaphore(%run_scoped3A : memref<!tpu.dma_semaphore, #tpu.memory_space<semaphore_mem>>)
      %dma_wait3A = arith.constant 0 : i32
      %dma_wait3A_53 = tpu.memref_slice %arg8[%add3A_42, %dma_wait3A] : memref<20000x128xf32, #tpu.memory_space<hbm>> -> memref<640x128xf32, #tpu.memory_space<hbm>>
      %dma_wait3A_54 = arith.constant 0 : i32
      %dma_wait3A_55 = tpu.memref_slice %arg46[%mul3A_37, %dma_wait3A_54] : memref<10000x128xf32, #tpu.memory_space<vmem_shared>> -> memref<640x128xf32, #tpu.memory_space<vmem_shared>>
      tpu.wait_dma2 semaphore(%run_scoped3A : memref<!tpu.dma_semaphore, #tpu.memory_space<semaphore_mem>>) src(%dma_wait3A_55 : memref<640x128xf32, #tpu.memory_space<vmem_shared>>) dst(%dma_wait3A_53 : memref<640x128xf32, #tpu.memory_space<hbm>>)
      tpu.yield
    }) : () -> ()
    %mul3A_43 = arith.constant 624 : i32
    %mul3A_44 = arith.muli %arg1, %mul3A_43 : i32
    "tpu.region"() ({
      %run_scoped3A = tpu.sem_alloc : memref<!tpu.dma_semaphore, #tpu.memory_space<semaphore_mem>>
      %dma_start3A = tpu.memref_slice %arg45[%mul3A_44] : memref<10000xf32, #tpu.memory_space<vmem_shared>> -> memref<640xf32, #tpu.memory_space<vmem_shared>>
      %dma_start3A_50 = tpu.memref_slice %arg45[%mul3A_44] : memref<10000xf32, #tpu.memory_space<vmem_shared>> -> memref<640xf32, #tpu.memory_space<vmem_shared>>
      tpu.enqueue_dma source(%dma_start3A_50 : memref<640xf32, #tpu.memory_space<vmem_shared>>) target(%arg42 : memref<640xf32, #tpu.memory_space<vmem>>) target_semaphore(%run_scoped3A : memref<!tpu.dma_semaphore, #tpu.memory_space<semaphore_mem>>)
      %dma_wait3A = tpu.memref_slice %arg45[%mul3A_44] : memref<10000xf32, #tpu.memory_space<vmem_shared>> -> memref<640xf32, #tpu.memory_space<vmem_shared>>
      %dma_wait3A_51 = tpu.memref_slice %arg45[%mul3A_44] : memref<10000xf32, #tpu.memory_space<vmem_shared>> -> memref<640xf32, #tpu.memory_space<vmem_shared>>
      tpu.wait_dma2 semaphore(%run_scoped3A : memref<!tpu.dma_semaphore, #tpu.memory_space<semaphore_mem>>) src(%dma_wait3A_51 : memref<640xf32, #tpu.memory_space<vmem_shared>>) dst(%arg42 : memref<640xf32, #tpu.memory_space<vmem>>)
      tpu.yield
    }) : () -> ()
    %mul3A_45 = arith.constant 10000 : i32
    %mul3A_46 = arith.muli %arg0, %mul3A_45 : i32
    %mul3A_47 = arith.constant 624 : i32
    %mul3A_48 = arith.muli %arg1, %mul3A_47 : i32
    %add3A_49 = arith.addi %mul3A_46, %mul3A_48 : i32
    "tpu.region"() ({
      %run_scoped3A = tpu.sem_alloc : memref<!tpu.dma_semaphore, #tpu.memory_space<semaphore_mem>>
      %dma_start3A = tpu.memref_slice %arg9[%add3A_49] : memref<20000xf32, #tpu.memory_space<hbm>> -> memref<640xf32, #tpu.memory_space<hbm>>
      %dma_start3A_50 = tpu.memref_slice %arg9[%add3A_49] : memref<20000xf32, #tpu.memory_space<hbm>> -> memref<640xf32, #tpu.memory_space<hbm>>
      tpu.enqueue_dma source(%arg42 : memref<640xf32, #tpu.memory_space<vmem>>) target(%dma_start3A_50 : memref<640xf32, #tpu.memory_space<hbm>>) target_semaphore(%run_scoped3A : memref<!tpu.dma_semaphore, #tpu.memory_space<semaphore_mem>>)
      %dma_wait3A = tpu.memref_slice %arg9[%add3A_49] : memref<20000xf32, #tpu.memory_space<hbm>> -> memref<640xf32, #tpu.memory_space<hbm>>
      %dma_wait3A_51 = tpu.memref_slice %arg9[%add3A_49] : memref<20000xf32, #tpu.memory_space<hbm>> -> memref<640xf32, #tpu.memory_space<hbm>>
      tpu.wait_dma2 semaphore(%run_scoped3A : memref<!tpu.dma_semaphore, #tpu.memory_space<semaphore_mem>>) src(%arg42 : memref<640xf32, #tpu.memory_space<vmem>>) dst(%dma_wait3A_51 : memref<640xf32, #tpu.memory_space<hbm>>)
      tpu.yield
    }) : () -> ()
    return
  }
}

module attributes {stable_mosaic.version = 14 : i64} {
  func.func @_tc_proj_body(%arg0: i32, %arg1: memref<1000x128xf32, #tpu.memory_space<vmem>>, %arg2: memref<128x128xf32, #tpu.memory_space<vmem>>, %arg3: memref<1x128xf32, #tpu.memory_space<vmem>>, %arg4: memref<1x128xf32, #tpu.memory_space<vmem>>, %arg5: memref<1000x128xf32, #tpu.memory_space<vmem>>, %arg6: memref<1000x1xf32, #tpu.memory_space<vmem>>, %arg7: memref<1000x1xf32, #tpu.memory_space<vmem>>, %arg8: memref<1x128xf32, #tpu.memory_space<vmem>>) attributes {dimension_semantics = [#tpu.dimension_semantics<arbitrary>], iteration_bounds = array<i64: 10>, scalar_prefetch = 0 : i64, scratch_operands = 0 : i64, tpu.core_type = #tpu.core_type<tc>, window_params = [{transform_indices = @transform_0, window_bounds = array<i64: 1000, 128>}, {pipeline_mode = #tpu.pipeline_mode<synchronous>, transform_indices = @transform_1, window_bounds = array<i64: 128, 128>}, {pipeline_mode = #tpu.pipeline_mode<synchronous>, transform_indices = @transform_2, window_bounds = array<i64: 1, 128>}, {pipeline_mode = #tpu.pipeline_mode<synchronous>, transform_indices = @transform_3, window_bounds = array<i64: 1, 128>}, {transform_indices = @transform_4, window_bounds = array<i64: 1000, 128>}, {transform_indices = @transform_5, window_bounds = array<i64: 1000, 1>}, {transform_indices = @transform_6, window_bounds = array<i64: 1000, 1>}, {pipeline_mode = #tpu.pipeline_mode<synchronous>, transform_indices = @transform_7, window_bounds = array<i64: 1, 128>}]} {
    %get3A = arith.constant 0 : index
    %get3A_0 = arith.constant 0 : index
    %get3A_1 = vector.load %arg1[%get3A, %get3A_0] : memref<1000x128xf32, #tpu.memory_space<vmem>>, vector<1000x128xf32>
    %get3A_2 = arith.constant 0 : index
    %get3A_3 = arith.constant 0 : index
    %get3A_4 = vector.load %arg2[%get3A_2, %get3A_3] : memref<128x128xf32, #tpu.memory_space<vmem>>, vector<128x128xf32>
    %dot_general3A = arith.constant dense<0.000000e+00> : vector<1000x128xf32>
    %dot_general3A_5 = tpu.matmul %get3A_1, %get3A_4, %dot_general3A {dimension_numbers = #tpu.dot_dimension_numbers<[1], [1], [0], [0], [0, 0, 1, 0], [], []>, transpose_lhs_hint = false} : vector<1000x128xf32>, vector<128x128xf32>, vector<1000x128xf32> -> vector<1000x128xf32>
    %swap3A = arith.constant 0 : index
    %swap3A_6 = arith.constant 0 : index
    %swap3A_7 = vector.load %arg5[%swap3A, %swap3A_6] : memref<1000x128xf32, #tpu.memory_space<vmem>>, vector<1000x128xf32>
    tpu.vector_store %arg5[%swap3A, %swap3A_6], %dot_general3A_5 {strides = array<i32>} : memref<1000x128xf32, #tpu.memory_space<vmem>>, vector<1000x128xf32>,
    %get3A_8 = arith.constant 0 : index
    %get3A_9 = arith.constant 0 : index
    %get3A_10 = vector.load %arg3[%get3A_8, %get3A_9] : memref<1x128xf32, #tpu.memory_space<vmem>>, vector<1x128xf32>
    %mul3A = vector.broadcast %get3A_10 : vector<1x128xf32> to vector<1000x128xf32>
    %mul3A_11 = arith.mulf %dot_general3A_5, %mul3A : vector<1000x128xf32>
    %reduce_sum3A = arith.constant dense<0.000000e+00> : vector<1000xf32>
    %reduce_sum3A_12 = vector.multi_reduction <add>, %mul3A_11, %reduce_sum3A [1] : vector<1000x128xf32> to vector<1000xf32>
    %broadcast_in_dim3A = vector.shape_cast %reduce_sum3A_12 : vector<1000xf32> to vector<1000x1xf32>
    %swap3A_13 = arith.constant 0 : index
    %swap3A_14 = arith.constant 0 : index
    %swap3A_15 = vector.load %arg6[%swap3A_13, %swap3A_14] : memref<1000x1xf32, #tpu.memory_space<vmem>>, vector<1000x1xf32>
    tpu.vector_store %arg6[%swap3A_13, %swap3A_14], %broadcast_in_dim3A {strides = array<i32>} : memref<1000x1xf32, #tpu.memory_space<vmem>>, vector<1000x1xf32>,
    %get3A_16 = arith.constant 0 : index
    %get3A_17 = arith.constant 0 : index
    %get3A_18 = vector.load %arg4[%get3A_16, %get3A_17] : memref<1x128xf32, #tpu.memory_space<vmem>>, vector<1x128xf32>
    %mul3A_19 = vector.broadcast %get3A_18 : vector<1x128xf32> to vector<1000x128xf32>
    %mul3A_20 = arith.mulf %dot_general3A_5, %mul3A_19 : vector<1000x128xf32>
    %reduce_sum3A_21 = arith.constant dense<0.000000e+00> : vector<1000xf32>
    %reduce_sum3A_22 = vector.multi_reduction <add>, %mul3A_20, %reduce_sum3A_21 [1] : vector<1000x128xf32> to vector<1000xf32>
    %broadcast_in_dim3A_23 = vector.shape_cast %reduce_sum3A_22 : vector<1000xf32> to vector<1000x1xf32>
    %swap3A_24 = arith.constant 0 : index
    %swap3A_25 = arith.constant 0 : index
    %swap3A_26 = vector.load %arg7[%swap3A_24, %swap3A_25] : memref<1000x1xf32, #tpu.memory_space<vmem>>, vector<1000x1xf32>
    tpu.vector_store %arg7[%swap3A_24, %swap3A_25], %broadcast_in_dim3A_23 {strides = array<i32>} : memref<1000x1xf32, #tpu.memory_space<vmem>>, vector<1000x1xf32>,
    %eq3A = arith.constant 0 : i32
    %eq3A_27 = arith.cmpi eq, %arg0, %eq3A : i32
    %convert_element_type3A = arith.extui %eq3A_27 : i1 to i32
    %cond3A = arith.constant 0 : i32
    %cond3A_28 = arith.cmpi ne, %convert_element_type3A, %cond3A : i32
    scf.if %cond3A_28 {
      %broadcast_in_dim3A_40 = arith.constant 0xFF800000 : f32
      %broadcast_in_dim3A_41 = vector.broadcast %broadcast_in_dim3A_40 : f32 to vector<1x128xf32>
      %swap3A_42 = arith.constant 0 : index
      %swap3A_43 = arith.constant 0 : index
      %swap3A_44 = vector.load %arg8[%swap3A_42, %swap3A_43] : memref<1x128xf32, #tpu.memory_space<vmem>>, vector<1x128xf32>
      tpu.vector_store %arg8[%swap3A_42, %swap3A_43], %broadcast_in_dim3A_41 {strides = array<i32>} : memref<1x128xf32, #tpu.memory_space<vmem>>, vector<1x128xf32>,
    } else {
    }
    %get3A_29 = arith.constant 0 : index
    %get3A_30 = arith.constant 0 : index
    %get3A_31 = vector.load %arg8[%get3A_29, %get3A_30] : memref<1x128xf32, #tpu.memory_space<vmem>>, vector<1x128xf32>
    %reduce_max3A = vector.shape_cast %broadcast_in_dim3A : vector<1000x1xf32> to vector<1x1000x1xf32>
    %reduce_max3A_32 = arith.constant dense<0xFF800000> : vector<1xf32>
    %reduce_max3A_33 = vector.multi_reduction <maximumf>, %reduce_max3A, %reduce_max3A_32 [1, 2] : vector<1x1000x1xf32> to vector<1xf32>
    %reduce_max3A_34 = vector.shape_cast %reduce_max3A_33 : vector<1xf32> to vector<1x1x1xf32>
    %reduce_max3A_35 = vector.extract %reduce_max3A_34[0, 0, 0] : f32 from vector<1x1x1xf32>
    %max3A = vector.broadcast %reduce_max3A_35 : f32 to vector<1x128xf32>
    %max3A_36 = arith.maximumf %get3A_31, %max3A : vector<1x128xf32>
    %swap3A_37 = arith.constant 0 : index
    %swap3A_38 = arith.constant 0 : index
    %swap3A_39 = vector.load %arg8[%swap3A_37, %swap3A_38] : memref<1x128xf32, #tpu.memory_space<vmem>>, vector<1x128xf32>
    tpu.vector_store %arg8[%swap3A_37, %swap3A_38], %max3A_36 {strides = array<i32>} : memref<1x128xf32, #tpu.memory_space<vmem>>, vector<1x128xf32>,
    return
  }
  func.func @transform_0(%arg0: i32) -> (i32, i32) {
    %c0_i32 = arith.constant 0 : i32
    %c0_i32_0 = arith.constant 0 : i32
    return %arg0, %c0_i32 : i32, i32
  }
  func.func @transform_1(%arg0: i32) -> (i32, i32) {
    %c0_i32 = arith.constant 0 : i32
    %c0_i32_0 = arith.constant 0 : i32
    %c0_i32_1 = arith.constant 0 : i32
    return %c0_i32, %c0_i32_0 : i32, i32
  }
  func.func @transform_2(%arg0: i32) -> (i32, i32) {
    %c0_i32 = arith.constant 0 : i32
    %c0_i32_0 = arith.constant 0 : i32
    %c0_i32_1 = arith.constant 0 : i32
    return %c0_i32, %c0_i32_0 : i32, i32
  }
  func.func @transform_3(%arg0: i32) -> (i32, i32) {
    %c0_i32 = arith.constant 0 : i32
    %c0_i32_0 = arith.constant 0 : i32
    %c0_i32_1 = arith.constant 0 : i32
    return %c0_i32, %c0_i32_0 : i32, i32
  }
  func.func @transform_4(%arg0: i32) -> (i32, i32) {
    %c0_i32 = arith.constant 0 : i32
    %c0_i32_0 = arith.constant 0 : i32
    return %arg0, %c0_i32 : i32, i32
  }
  func.func @transform_5(%arg0: i32) -> (i32, i32) {
    %c0_i32 = arith.constant 0 : i32
    %c0_i32_0 = arith.constant 0 : i32
    return %arg0, %c0_i32 : i32, i32
  }
  func.func @transform_6(%arg0: i32) -> (i32, i32) {
    %c0_i32 = arith.constant 0 : i32
    %c0_i32_0 = arith.constant 0 : i32
    return %arg0, %c0_i32 : i32, i32
  }
  func.func @transform_7(%arg0: i32) -> (i32, i32) {
    %c0_i32 = arith.constant 0 : i32
    %c0_i32_0 = arith.constant 0 : i32
    %c0_i32_1 = arith.constant 0 : i32
    return %c0_i32, %c0_i32_0 : i32, i32
  }
}

module attributes {stable_mosaic.version = 14 : i64} {
  func.func @_tc_combine_body(%arg0: i32, %arg1: memref<2x1000x128xf32, #tpu.memory_space<vmem>>, %arg2: memref<2x1000x1xf32, #tpu.memory_space<vmem>>, %arg3: memref<1000x128xf32, #tpu.memory_space<vmem>>, %arg4: memref<1x128xf32, #tpu.memory_space<vmem>>, %arg5: memref<1000x128xf32, #tpu.memory_space<vmem>>) attributes {dimension_semantics = [#tpu.dimension_semantics<arbitrary>], iteration_bounds = array<i64: 10>, scalar_prefetch = 0 : i64, scratch_operands = 0 : i64, tpu.core_type = #tpu.core_type<tc>, window_params = [{transform_indices = @transform_0, window_bounds = array<i64: 2, 1000, 128>}, {transform_indices = @transform_1, window_bounds = array<i64: 2, 1000, 1>}, {transform_indices = @transform_2, window_bounds = array<i64: 1000, 128>}, {pipeline_mode = #tpu.pipeline_mode<synchronous>, transform_indices = @transform_3, window_bounds = array<i64: 1, 128>}, {transform_indices = @transform_4, window_bounds = array<i64: 1000, 128>}]} {
    %get3A = arith.constant 0 : index
    %get3A_0 = arith.constant 0 : index
    %get3A_1 = arith.constant 0 : index
    %get3A_2 = vector.load %arg1[%get3A, %get3A_0, %get3A_1] : memref<2x1000x128xf32, #tpu.memory_space<vmem>>, vector<2x1000x128xf32>
    %get3A_3 = arith.constant 0 : index
    %get3A_4 = arith.constant 0 : index
    %get3A_5 = arith.constant 0 : index
    %get3A_6 = vector.load %arg2[%get3A_3, %get3A_4, %get3A_5] : memref<2x1000x1xf32, #tpu.memory_space<vmem>>, vector<2x1000x1xf32>
    %slice3A = vector.extract_strided_slice %get3A_6 {offsets = [0, 0, 0], sizes = [1, 1000, 1], strides = [1, 1, 1]} : vector<2x1000x1xf32> to vector<1x1000x1xf32>
    %squeeze3A = vector.shape_cast %slice3A : vector<1x1000x1xf32> to vector<1000x1xf32>
    %slice3A_7 = vector.extract_strided_slice %get3A_6 {offsets = [1, 0, 0], sizes = [1, 1000, 1], strides = [1, 1, 1]} : vector<2x1000x1xf32> to vector<1x1000x1xf32>
    %squeeze3A_8 = vector.shape_cast %slice3A_7 : vector<1x1000x1xf32> to vector<1000x1xf32>
    %add3A = arith.addf %squeeze3A, %squeeze3A_8 : vector<1000x1xf32>
    %add3A_9 = arith.constant 9.99999971E-10 : f32
    %add3A_10 = vector.broadcast %add3A_9 : f32 to vector<1000x1xf32>
    %add3A_11 = arith.addf %add3A, %add3A_10 : vector<1000x1xf32>
    %slice3A_12 = vector.extract_strided_slice %get3A_2 {offsets = [0, 0, 0], sizes = [1, 1000, 128], strides = [1, 1, 1]} : vector<2x1000x128xf32> to vector<1x1000x128xf32>
    %squeeze3A_13 = vector.shape_cast %slice3A_12 : vector<1x1000x128xf32> to vector<1000x128xf32>
    %slice3A_14 = vector.extract_strided_slice %get3A_2 {offsets = [1, 0, 0], sizes = [1, 1000, 128], strides = [1, 1, 1]} : vector<2x1000x128xf32> to vector<1x1000x128xf32>
    %squeeze3A_15 = vector.shape_cast %slice3A_14 : vector<1x1000x128xf32> to vector<1000x128xf32>
    %add3A_16 = arith.addf %squeeze3A_13, %squeeze3A_15 : vector<1000x128xf32>
    %div3A = vector.broadcast %add3A_11 : vector<1000x1xf32> to vector<1000x128xf32>
    %div3A_17 = arith.divf %add3A_16, %div3A : vector<1000x128xf32>
    %get3A_18 = arith.constant 0 : index
    %get3A_19 = arith.constant 0 : index
    %get3A_20 = vector.load %arg3[%get3A_18, %get3A_19] : memref<1000x128xf32, #tpu.memory_space<vmem>>, vector<1000x128xf32>
    %add3A_21 = arith.addf %div3A_17, %get3A_20 : vector<1000x128xf32>
    %get3A_22 = arith.constant 0 : index
    %get3A_23 = arith.constant 0 : index
    %get3A_24 = vector.load %arg4[%get3A_22, %get3A_23] : memref<1x128xf32, #tpu.memory_space<vmem>>, vector<1x128xf32>
    %add3A_25 = vector.broadcast %get3A_24 : vector<1x128xf32> to vector<1000x128xf32>
    %add3A_26 = arith.addf %add3A_21, %add3A_25 : vector<1000x128xf32>
    %swap3A = arith.constant 0 : index
    %swap3A_27 = arith.constant 0 : index
    %swap3A_28 = vector.load %arg5[%swap3A, %swap3A_27] : memref<1000x128xf32, #tpu.memory_space<vmem>>, vector<1000x128xf32>
    tpu.vector_store %arg5[%swap3A, %swap3A_27], %add3A_26 {strides = array<i32>} : memref<1000x128xf32, #tpu.memory_space<vmem>>, vector<1000x128xf32>,
    return
  }
  func.func @transform_0(%arg0: i32) -> (i32, i32, i32) {
    %c0_i32 = arith.constant 0 : i32
    %c0_i32_0 = arith.constant 0 : i32
    %c0_i32_1 = arith.constant 0 : i32
    return %c0_i32, %arg0, %c0_i32_0 : i32, i32, i32
  }
  func.func @transform_1(%arg0: i32) -> (i32, i32, i32) {
    %c0_i32 = arith.constant 0 : i32
    %c0_i32_0 = arith.constant 0 : i32
    %c0_i32_1 = arith.constant 0 : i32
    return %c0_i32, %arg0, %c0_i32_0 : i32, i32, i32
  }
  func.func @transform_2(%arg0: i32) -> (i32, i32) {
    %c0_i32 = arith.constant 0 : i32
    %c0_i32_0 = arith.constant 0 : i32
    return %arg0, %c0_i32 : i32, i32
  }
  func.func @transform_3(%arg0: i32) -> (i32, i32) {
    %c0_i32 = arith.constant 0 : i32
    %c0_i32_0 = arith.constant 0 : i32
    %c0_i32_1 = arith.constant 0 : i32
    return %c0_i32, %c0_i32_0 : i32, i32
  }
  func.func @transform_4(%arg0: i32) -> (i32, i32) {
    %c0_i32 = arith.constant 0 : i32
    %c0_i32_0 = arith.constant 0 : i32
    return %arg0, %c0_i32 : i32, i32
  }
}

</mosaic_0001>

<sc_bundles>
// kernel: kernel.5.cloned.1.call-start
scs
__scs_entry_jumppad:
0x0: {  	(pc) =	sbr.rel $0x88, $3  }
0x1: {  	(tag) =	ssettag $0x0;
	lr =	simm.s32 $0x1  }
0x2: {  	[smem:$0x3F9B] =	sst lr;
	_ =	strace $0xD0000000  }
0x3: {  	_ = 	snop  }
0x4: {  	_ = 	snop  }
0x5: {  	_ = 	snop  }
0x6: {  	_ = 	snop  }
0x7: {  	_ = 	snop  }
__scs_overlays_trampoline_lowered:
0x8: {  	[smem:$0x3FAA] =	sst s0  }
0x9: {  	[smem:$0x3FAB] =	sst s1  }
0xa: {  	[smem:$0x3FAC] =	sst s2  }
0xb: {  	[smem:$0x3FAD] =	sst s3  }
0xc: {  	[smem:$0x3FAE] =	sst s4  }
0xd: {  	[smem:$0x3FAF] =	sst s5  }
0xe: {  	[smem:$0x3FB0] =	sst s6  }
0xf: {  	[smem:$0x3FB1] =	sst s7  }
0x10: {  	[smem:$0x3FB2] =	sst s8  }
0x11: {  	[smem:$0x3FB3] =	sst s9;
	s0 =	simm.s32 @!p0 $0x0  }
0x12: {  	s1 =	sld [smem:$0x3F99];
	s0 =	simm.s32 @p0 $0x1  }
0x13: {  	[smem:$0x3FB4] =	sst s0;
	s0 =	simm.s32 @!p1 $0x0  }
0x14: {  	s2 =	sld [smem:$0x3F98];
	s0 =	simm.s32 @p1 $0x1  }
0x15: {  	[smem:$0x3FB5] =	sst s0;
	s0 =	simm.s32 @!p2 $0x0  }
0x16: {  	s3 =	sld [smem:$0x3FDB];
	s0 =	simm.s32 @p2 $0x1  }
0x17: {  	s4 =	simm.s32 $0x1BF5;
	[smem:$0x3FB7] =	sst s0  }
0x18: {  	s0 =	sld [smem:$0x3F9A];
	_ =	swait.ge [sflag:s4], $0x0  }
0x19: {  	s7 =	sld [smem:$0x3F9B]  }
0x1a: {  	s8 =	sadd.s32 $0xFFFFE003, lr  }
0x1b: {  	s9 =	sadd.s32 $0xFFFFFEF7, lr;
	s5 =	simm.s32 $0xFFFFFFFF;
	p2 =	slt.u32 s8, $0xFFFFF086  }
0x1c: {  	p1 =	slt.u32 s9, $0xF7A;
	s5 =	simm.s32 @!p2 $0x0  }
0x1d: {  	s5 =	simm.s32 @p1 $0x1;
	p0 =	seq.s32 s7, s2  }
0x1e: {  	s7 =	smul.u32 @!p0 $0xF7A, s2;
	p2 =	seq.s32 @!p0 s5, $0x0  }
0x1f: {  	s9 =	smul.u32 $0xF7A, s1;
	s8 =	simm.s32 @!p0 $0x1BF5;
	p2 =	por !p2, p0  }
0x20: {  	[sflag:s8] =	ssyncset.s32 @!p0 $0xFFFFF086;
	s6 =	sadd.s32 @!p0 s3, s7;
	s7 =	simm.s32 @!p0 $0x108  }
0x21: {  	s3 =	sadd.s32 s3, s9;
	s6 =	sadd.s32 @!p0 $0x88, s6;
	s7 =	simm.s32 @p2 $0x1082  }
0x22: {  	[simem:s7], [sflag:s8] =	dma.local @!p0 [hbm:s6], $0xF7A  }
0x23: {  	s9 =	sor.u32 $0xD0000000, s2;
	s6 =	simm.s32 $0x108;
	_ =	swait.ge @!p0 [sflag:s8], $0x0  }
0x24: {  	s3 =	sadd.s32 $0x88, s3;
	s6 =	simm.s32 @!p1 $0x1082;
	[sflag:s4] =	ssyncset.s32 $0xFFFFF086  }
0x25: {  	[simem:s6], [sflag:s4] =	dma.local [hbm:s3], $0xF7A  }
0x26: {  	[smem:$0x3F9B] =	sst s1;
	(tag) =	ssettag s2;
	_ =	strace s9  }
0x27: {  	s1 =	sld [smem:$0x3FAB]  }
0x28: {  	s2 =	sld [smem:$0x3FAC]  }
0x29: {  	s4 =	sld [smem:$0x3FAE]  }
0x2a: {  	p0 =	seq.s32 s5, $0x0;
	s5 =	sld [smem:$0x3FAF]  }
0x2b: {  	s6 =	sld [smem:$0x3FB0]  }
0x2c: {  	s7 =	sld [smem:$0x3FB1]  }
0x2d: {  	s3 =	simm.s32 $0x108;
	s8 =	sld [smem:$0x3FB2]  }
0x2e: {  	s3 =	simm.s32 @!p0 $0x1082;
	s9 =	sld [smem:$0x3FB3]  }
0x2f: {  	lr =	sadd.s32 s0, s3;
	s0 =	sld [smem:$0x3FAA]  }
0x30: {  	s3 =	sld [smem:$0x3FAD]  }
0x31: {  	[smem:$0x3FB6] =	sst s10  }
0x32: {  	s10 =	sld [smem:$0x3FB4];
	_ =	sdelay $0x3  }
0x33: {  	p0 =	seq.s32 s10, $0x1;
	s10 =	sld [smem:$0x3FB6];
	_ =	sdelay $0x3  }
0x34: {  	[smem:$0x3FB6] =	sst s10  }
0x35: {  	s10 =	sld [smem:$0x3FB5];
	_ =	sdelay $0x3  }
0x36: {  	p1 =	seq.s32 s10, $0x1;
	s10 =	sld [smem:$0x3FB6];
	_ =	sdelay $0x3  }
0x37: {  	[smem:$0x3FB6] =	sst s10  }
0x38: {  	s10 =	sld [smem:$0x3FB7]  }
0x39: {  	_ = 	snop;
	(pc) =	sbr.ind lr, $3  }
0x3a: {  	_ = 	snop  }
0x3b: {  	_ = 	snop  }
0x3c: {  	p2 =	seq.s32 s10, $0x1;
	s10 =	sld [smem:$0x3FB6]  }
0x3d: {  	_ =	shalt  }
0x3e: {  	_ =	shalt  }
0x3f: {  	_ =	shalt  }
0x40: {  	_ =	shalt  }
0x41: {  	_ =	shalt  }
0x42: {  	_ =	shalt  }
0x43: {  	_ =	shalt  }
0x44: {  	_ =	shalt  }
0x45: {  	_ =	shalt  }
0x46: {  	_ =	shalt  }
0x47: {  	_ =	shalt  }
0x48: {  	_ =	shalt  }
0x49: {  	_ =	shalt  }
0x4a: {  	_ =	shalt  }
0x4b: {  	_ =	shalt  }
0x4c: {  	_ =	shalt  }
0x4d: {  	_ =	shalt  }
0x4e: {  	_ =	shalt  }
0x4f: {  	_ =	shalt  }
0x50: {  	_ =	shalt  }
0x51: {  	_ =	shalt  }
0x52: {  	_ =	shalt  }
0x53: {  	_ =	shalt  }
0x54: {  	_ =	shalt  }
0x55: {  	_ =	shalt  }
0x56: {  	_ =	shalt  }
0x57: {  	_ =	shalt  }
0x58: {  	_ =	shalt  }
0x59: {  	_ =	shalt  }
0x5a: {  	_ =	shalt  }
0x5b: {  	_ =	shalt  }
0x5c: {  	_ =	shalt  }
0x5d: {  	_ =	shalt  }
0x5e: {  	_ =	shalt  }
0x5f: {  	_ =	shalt  }
0x60: {  	_ =	shalt  }
0x61: {  	_ =	shalt  }
0x62: {  	_ =	shalt  }
0x63: {  	_ =	shalt  }
0x64: {  	_ =	shalt  }
0x65: {  	_ =	shalt  }
0x66: {  	_ =	shalt  }
0x67: {  	_ =	shalt  }
0x68: {  	_ =	shalt  }
0x69: {  	_ =	shalt  }
0x6a: {  	_ =	shalt  }
0x6b: {  	_ =	shalt  }
0x6c: {  	_ =	shalt  }
0x6d: {  	_ =	shalt  }
0x6e: {  	_ =	shalt  }
0x6f: {  	_ =	shalt  }
0x70: {  	_ =	shalt  }
0x71: {  	_ =	shalt  }
0x72: {  	_ =	shalt  }
0x73: {  	_ =	shalt  }
0x74: {  	_ =	shalt  }
0x75: {  	_ =	shalt  }
0x76: {  	_ =	shalt  }
0x77: {  	_ =	shalt  }
0x78: {  	_ =	shalt  }
0x79: {  	_ =	shalt  }
0x7a: {  	_ =	shalt  }
0x7b: {  	_ =	shalt  }
0x7c: {  	_ =	shalt  }
0x7d: {  	_ =	shalt  }
0x7e: {  	_ =	shalt  }
0x7f: {  	_ =	shalt  }
0x80: {  	_ =	shalt  }
0x81: {  	_ =	shalt  }
0x82: {  	_ =	shalt  }
0x83: {  	_ =	shalt  }
0x84: {  	_ =	shalt  }
0x85: {  	_ =	shalt  }
0x86: {  	_ =	shalt  }
0x87: {  	_ =	shalt  }
.Lfunc_end0:
.L_simem_size_0:
called_computation_lowered:
.L_overlay_start_0:
0x88: {  	s2 =	sld [smem:$0x3FD9]  }
0x89: {  	s3 =	sld [smem:$0x3FFE];
	_ =	sdelay $0x1  }
0x8a: {  	s1 =	srdreg.scid  }
0x8b: {  	s0 =	sand.u32 $0x1, s1  }
0x8c: {  	s17 =	sshll.u32 s0, $0xA;
	s2 =	sadd.s32 s3, s2  }
0x8d: {  	s2 =	sadd.s32 s2, s17  }
0x8e: {  	[smem:$0x3FC2] =	sst s2  }
0x8f: {  	_ = 	snop  }
0x90: {  	s2 =	sld [smem:$0x3FD0];
	(tm) =	ssettm $0x1  }
0x91: {  	s18 =	sld [smem:$0x3FFB];
	_ =	sdelay $0x3  }
0x92: {  	_ =	strace s18  }
0x93: {  	s3 =	sld [smem:$0x3FFC];
	_ =	sdelay $0x3  }
0x94: {  	_ =	strace s3  }
0x95: {  	s3 =	sld [smem:$0x3FFD];
	_ =	sdelay $0x3  }
0x96: {  	_ =	strace s3  }
0x97: {  	_ =	strace $0x8FFFFFFF  }
0x98: {  	s19 =	sld [smem:$0x3FDB];
	_ =	sdelay $0x1  }
0x99: {  	s4 =	simm.s32 $_scs_section_size  }
0x9a: {  	s5 =	simm.s32 $_size__tile_overlayer_lowered;
	s6 =	simm.s32 $_tile_overlayer_lowered  }
0x9b: {  	s22 =	simm.s32 $0x1BFF;
	s21 =	sshll.u32 s6, $0x1;
	s3 =	sadd.s32 s4, s19  }
0x9c: {  	s7 =	simm.s32 $0x0;
	s20 =	sshll.u32 s5, $0x1;
	s5 =	sadd.s32 s21, s3  }
0x9d: {  	[timem:s7], [sflag:s22] =	dma.local [hbm:s5], s20  }
0x9e: {  	_ =	swait.ge [sflag:s22], s20  }
0x9f: {  	s4 =	ssub.s32 $0x0, s20;
	[sflag:s22] =	ssyncset.done $0x0  }
0xa0: {  	[sflag:s22] =	ssyncadd.s32 s4;
	_ =	sdelay $0x1  }
0xa1: {  	s23 =	simm.s32 $0x1B8B  }
0xa2: {  	_ =	swait.ge [sflag:s23], $0x1  }
0xa3: {  	[sflag:s23] =	ssyncset.done $0x0  }
0xa4: {  	s25 =	simm.s32 $0x1B8E;
	s24 =	sld [smem:$0x3FFE];
	[sflag:s23] =	ssyncadd.s32 $0xFFFFFFFF  }
0xa5: {  	s26 =	simm.s32 $execute0_lowered;
	[smem:$0x3FD2] =	sst s25  }
0xa6: {  	s5 =	sshll.u32 s26, $0x1;
	_ =	strace $0x80000046;
	[dreg:$0x1] =	wrdreg $0xFFFFFFFF  }
0xa7: {  	s28 =	simm.s32 $_size_execute0_lowered;
	s3 =	sadd.s32 s3, s5;
	[dreg:$0x0] =	wrdreg $0x0  }
0xa8: {  	s5 =	sshll.u32 s28, $0x1;
	[dreg:$0x2] =	wrdreg s3  }
0xa9: {  	[dreg:$0x3] =	wrdreg s5  }
0xaa: {  	[dreg:$0x4] =	wrdreg $0xC0  }
0xab: {  	_ =	task [dreg:s7], $0x5FFFF  }
0xac: {  	[dreg:$0x1] =	wrdreg $0xFFFFFFFF  }
0xad: {  	[dreg:$0x0] =	wrdreg $0x60  }
0xae: {  	[dreg:$0x2] =	wrdreg s24  }
0xaf: {  	[dreg:$0x3] =	wrdreg s2  }
0xb0: {  	[dreg:$0x4] =	wrdreg $0xC6E80  }
0xb1: {  	[dreg:$0x5] =	wrdreg $0xBF800  }
0xb2: {  	[dreg:$0x6] =	wrdreg $0xC1F80  }
0xb3: {  	[dreg:$0x7] =	wrdreg $0xC4700  }
0xb4: {  	[dreg:$0x8] =	wrdreg $0x9  }
0xb5: {  	_ =	task.clear_ibuf [dreg:s7], $0x9FFFF;
	_ =	strace $0x90000046  }
0xb6: {  	s29 =	simm.s32 $0x9;
	_ =	strace $0x80000048  }
0xb7: {  	_ =	swait.ge [sflag:s29], $0x1  }
0xb8: {  	[sflag:s29] =	ssyncadd.s32 $0xFFFFFFFF  }
0xb9: {  	_ =	strace $0x90000048  }
0xba: {  	_ =	sfence  }
0xbb: {  	s30 =	sld [smem:$0x0];
	_ =	sdelay $0x2  }
0xbc: {  	s31 =	sshll.u32 s1, $0xD;
	s1 =	sshrl.u32 s1, $0x2  }
0xbd: {  	s3 =	sand.u32 $0x4000, s31;
	s1 =	sadd.s32 s1, s30  }
0xbe: {  	s0 =	sor.u32 s3, s0;
	s1 =	sshll.u32 s1, $0x11  }
0xbf: {  	s0 =	sor.u32 s1, s0  }
0xc0: {  	s0 =	sadd.s32 $0x8F2B, s0  }
0xc1: {  	[sflag:s0] =	ssyncadd.remote.s32 $0x1  }
0xc2: {  	_ =	sfence.sel $0xFFFF  }
0xc3: {  	[dreg:$0x0] =	wrdreg $0xFFFFFFFF;
	(pc) =	sbr.abs _section_cstart, $3  }
0xc4: {  	[dreg:$0x1] =	wrdreg $0xFFFFFFFF  }
0xc5: {  	_ =	task.clear_ibuf [dreg:s7], $0x2FFFF;
	_ =	strace $0x9FFFFFFF  }
0xc6: {  	(tm) =	ssettm $0x7FFFFFFF  }
0xc7: {  	_ =	shalt  }
tec
execute0_lowered:
.L_overlay_start_1:
0x0: {  	(tag) =	ssettag $0x1  }
0x1: {  	s4 =	rddreg [dreg:$0x0]  }
0x2: {  	s0 =	rddreg [dreg:$0x1]  }
0x3: {  	s1 =	rddreg [dreg:$0x2]  }
0x4: {  	s2 =	rddreg [dreg:$0x3]  }
0x5: {  	s3 =	rddreg [dreg:$0x4]  }
0x6: {  	s5 =	srdreg.scid;
	s13 =	stileid.u32  }
0x7: {  	s6 =	rddreg [dreg:$0x5];
	s16 =	simm.s32 $0x0;
	s30 =	simm.s32 $0x19  }
0x8: {  	s31 =	simm.s32 $0x1D00;
	s28 =	simm.s32 $0x18;
	s29 =	simm.s32 $0xD  }
0x9: {  	s5 =	sand.u32 $0x1, s5;
	s7 =	smul.u32 $0x270, s13;
	[smem:$0x7FF] =	sst s16  }
0xa: {  	s9 =	sadd.s32 $0xA200, s4;
	s21 =	sadd.s32 $0x400, s4;
	s22 =	sadd.s32 $0x14000, s4  }
0xb: {  	s10 =	sadd.s32 $0x14600, s4;
	_ =	strace $0x80000047;
	[dreg:$0x7] =	wrdreg s9  }
0xc: {  	s24 =	sadd.s32 $0x14C00, s4;
	s11 =	smul.u32 $0x1F40, s13;
	[dreg:$0x8] =	wrdreg s21  }
0xd: {  	s12 =	smul.u32 $0x4E000, s13;
	p0 =	sne.s32 s13, $0x0;
	[dreg:$0x9] =	wrdreg s22  }
0xe: {  	p1 =	sgt.u32 s13, $0x4;
	s8 =	smul.u32 $0x2710, s5;
	[dreg:$0xa] =	wrdreg s10  }
0xf: {  	[dreg:$0xb] =	wrdreg s24;
	s25 =	ssub.s32 $0x2, s5;
	s5 =	sshll.u32 s5, $0x4  }
0x10: {  	s10 =	simm.s32 $0x50;
	s26 =	sshrl.u32 s25, $0x1;
	s11 =	sshrl.u32 s11, $0x2  }
0x11: {  	s5 =	sor.u32 s13, s5;
	s14 =	sshrl.u32 s12, $0x2;
	s17 =	sadd.s32 s7, s6  }
0x12: {  	s8 =	sadd.s32 s7, s8;
	s18 =	sadd.s32 s11, s6;
	[dreg:$0x10] =	wrdreg s17  }
0x13: {  	s5 =	smul.u32 $0x2710, s5;
	s12 =	sadd.s32 s14, s1;
	[dreg:$0xc] =	wrdreg s18  }
0x14: {  	s17 =	simm.s32 $0x1700;
	s14 =	simm.s32 $0x9;
	[dreg:$0xe] =	wrdreg s12  }
0x15: {  	s23 =	sshll.u32 s8, $0x4;
	s20 =	sadd.s32 $0x2800, s12;
	[dreg:$0xd] =	wrdreg s5  }
0x16: {  	s8 =	sshrl.u32 s8, $0x3;
	s21 =	sadd.s32 $0x5000, s12;
	[dreg:$0x13] =	wrdreg s20  }
0x17: {  	s22 =	sadd.s32 $0x7800, s12;
	s24 =	sadd.s32 $0xC800, s12;
	[dreg:$0x14] =	wrdreg s21  }
0x18: {  	s9 =	sadd.s32 s23, s4;
	s4 =	sadd.s32 s8, s4;
	[dreg:$0x15] =	wrdreg s22  }
0x19: {  	s8 =	ssub.s32 s25, s26;
	s23 =	sadd.s32 $0xA000, s12;
	[dreg:$0x17] =	wrdreg s24  }
0x1a: {  	s25 =	sadd.s32 $0xF000, s12;
	s26 =	sadd.s32 $0x11800, s12;
	s24 =	simm.s32 $0x1580  }
0x1b: {  	s5 =	simm.s32 $0x1680;
	s22 =	simm.s32 $0x6;
	[dreg:$0x16] =	wrdreg s23  }
0x1c: {  	s21 =	simm.s32 $0xA;
	s20 =	simm.s32 $0xE;
	[dreg:$0x18] =	wrdreg s25  }
0x1d: {  	s15 =	sadd.s32 $0x15800, s9;
	s4 =	sadd.s32 $0x14E00, s4;
	[dreg:$0x19] =	wrdreg s26  }
0x1e: {  	s19 =	smax.u32 s8, $0x1;
	s26 =	simm.s32 $0x1;
	[dreg:$0xf] =	wrdreg s15  }
0x1f: {  	s9 =	simm.s32 $0x1600;
	s25 =	simm.s32 $0x7;
	[dreg:$0x11] =	wrdreg s4  }
0x20: {  	s23 =	simm.s32 $0xB;
	s8 =	simm.s32 $0x0;
	[dreg:$0x12] =	wrdreg s19  }
0x21: {  	v0 =	vimm.f32 $0.0e+00;
	s19 =	simm.s32 $0x1780;
	s4 =	simm.s32 $0x8;
	s15 =	simm.s32 $0xC  }
.LBB2_1:
.Ltmp0:
0x22: {  	s7 =	rddreg [dreg:$0xb];
	(pc) =	sbr.rel @!p0 .LBB2_2-.Ltmp0, $4  }
0x23: {  	[tilespmem:s16], [sflag:$0x19] =	stream.linear.gather [hbm4b:s7+s16], $0x80, $0x38;
	[tilespmem:$0x1FF68] =	vst v63  }
0x24: {  	_ =	swait.ge [sflag:s30], $0x80  }
0x25: {  	[sflag:s30] =	ssyncset.done $0x0  }
0x26: {  	[sflag:s30] =	ssyncadd.s32 $0xFFFFFF80  }
.Ltmp1:
0x27: {  	[tilespmem:$0x1800] =	vst v0;
	(pc) =	sbr.rel @p1 .LBB2_7-.Ltmp1, $4  }
.Ltmp2:
0x28: {  	[tilespmem:$0x1810] =	vst v0;
	(pc) =	sbr.rel @!p1 .LBB2_4-.Ltmp2, $4  }
0x29: {  	[tilespmem:$0x1820] =	vst v0  }
0x2a: {  	[tilespmem:$0x1830] =	vst v0  }
0x2b: {  	[tilespmem:$0x1840] =	vst v0;
	s16 =	simm.s32 $0x1800  }
0x2c: {  	_ = 	snop  }
.LBB2_2:
0x2d: {  	s7 =	sshrl.u32 s2, $0x3;
	s11 =	rddreg [dreg:$0x9];
	s13 =	simm.s32 $0x1C19  }
0x2e: {  	[spmem:s7], [sflag:s13] =	dma.local [hbm:s11], $0x4F0  }
0x2f: {  	_ =	swait.ge [sflag:s30], $0x4F0  }
0x30: {  	[sflag:s30] =	ssyncset.done $0x0  }
0x31: {  	s11 =	sshrl.u32 s3, $0x3;
	s16 =	rddreg [dreg:$0xa];
	[sflag:s30] =	ssyncadd.s32 $0xFFFFFB10  }
0x32: {  	[spmem:s11], [sflag:s13] =	dma.local [hbm:s16], $0x4F0  }
0x33: {  	_ =	swait.ge [sflag:s30], $0x4F0  }
0x34: {  	[sflag:s30] =	ssyncset.done $0x0  }
0x35: {  	[sflag:s30] =	ssyncadd.s32 $0xFFFFFB10  }
0x36: {  	[tilespmem:$0x1800] =	vst v0  }
0x37: {  	[tilespmem:$0x1810] =	vst v0  }
0x38: {  	[tilespmem:$0x1820] =	vst v0  }
0x39: {  	[tilespmem:$0x1830] =	vst v0  }
0x3a: {  	s16 =	simm.s32 $0x1800;
	[tilespmem:$0x1840] =	vst v0  }
.LBB2_4:
0x3b: {  	s7 =	sadd.s32 $0x0, s18  }
0x3c: {  	[spmem:s7] =	stream.linear.scatter [tilespmem:s16], [sflag:$0x19], $0x50, $0x38;
	[tilespmem:$0x1FF68] =	vst v63  }
0x3d: {  	s7 =	simm.s32 $0x140;
	_ =	swait.ge [sflag:s30], $0x50  }
.LBB2_5:
0x3e: {  	s11 =	sshra.s32 s7, $0x2;
	[sflag:s30] =	ssyncset.done $0x0;
	p2 =	sne.s32 s7, $0x1E00  }
.Ltmp3:
0x3f: {  	s11 =	sadd.s32 s11, s18;
	[sflag:s30] =	ssyncadd.s32 $0xFFFFFFB0;
	(pc) =	sbr.rel @p2 .LBB2_5-.Ltmp3, $3  }
0x40: {  	[spmem:s11] =	stream.linear.scatter [tilespmem:s16], [sflag:$0x19], $0x50, $0x38;
	[tilespmem:$0x1FF68] =	vst v63  }
0x41: {  	s7 =	sadd.s32 $0x140, s7;
	_ =	sdelay $0x1  }
0x42: {  	_ =	swait.ge [sflag:s30], $0x50  }
0x43: {  	[sflag:s30] =	ssyncset.done $0x0  }
0x44: {  	[sflag:s30] =	ssyncadd.s32 $0xFFFFFFB0  }
.LBB2_7:
0x45: {  	s7 =	simm.s32 $0x0;
	s11 =	simm.s32 $0x200  }
.LBB2_8:
0x46: {  	p2 =	sne.s32 s11, $0x9E00;
	[tilespmem:s7+$0x1D70] =	vst v0  }
0x47: {  	[tilespmem:s7+$0x1D00] =	vst v0  }
0x48: {  	[tilespmem:s7+$0x1D10] =	vst v0  }
.Ltmp4:
0x49: {  	[tilespmem:s7+$0x1D20] =	vst v0;
	(pc) =	sbr.rel @p2 .LBB2_8-.Ltmp4, $4  }
0x4a: {  	[tilespmem:s7+$0x1D30] =	vst v0  }
0x4b: {  	[tilespmem:s7+$0x1D40] =	vst v0  }
0x4c: {  	[tilespmem:s7+$0x1D50] =	vst v0  }
0x4d: {  	[tilespmem:s7+$0x1D60] =	vst v0;
	s7 =	sshra.s32 s11, $0x2;
	s11 =	sadd.s32 $0x200, s11  }
0x4e: {  	[tilespmem:s7+$0x1D70] =	vst v0  }
0x4f: {  	[tilespmem:s7+$0x1D00] =	vst v0  }
0x50: {  	[tilespmem:s7+$0x1D10] =	vst v0  }
0x51: {  	[tilespmem:s7+$0x1D20] =	vst v0  }
0x52: {  	[tilespmem:s7+$0x1D30] =	vst v0  }
0x53: {  	[tilespmem:s7+$0x1D40] =	vst v0  }
0x54: {  	[tilespmem:s7+$0x1D50] =	vst v0  }
0x55: {  	[dreg:$0x1a] =	wrdreg s8;
	[tilespmem:s7+$0x1D60] =	vst v0  }
0x56: {  	[spmem:s12] =	stream.linear.scatter [tilespmem:s31], [sflag:$0x19], $0x2800, $0x38;
	[tilespmem:$0x1FF68] =	vst v63  }
0x57: {  	_ =	swait.ge [sflag:s30], $0x2800  }
0x58: {  	[sflag:s30] =	ssyncset.done $0x0  }
0x59: {  	s13 =	rddreg [dreg:$0x13];
	[sflag:s30] =	ssyncadd.s32 $0xFFFFD800  }
0x5a: {  	[spmem:s13] =	stream.linear.scatter [tilespmem:s31], [sflag:$0x19], $0x2800, $0x38;
	[tilespmem:$0x1FF68] =	vst v63  }
0x5b: {  	_ =	swait.ge [sflag:s30], $0x2800  }
0x5c: {  	[sflag:s30] =	ssyncset.done $0x0  }
0x5d: {  	s18 =	rddreg [dreg:$0x14];
	[sflag:s30] =	ssyncadd.s32 $0xFFFFD800  }
0x5e: {  	[spmem:s18] =	stream.linear.scatter [tilespmem:s31], [sflag:$0x19], $0x2800, $0x38;
	[tilespmem:$0x1FF68] =	vst v63  }
0x5f: {  	_ =	swait.ge [sflag:s30], $0x2800  }
0x60: {  	[sflag:s30] =	ssyncset.done $0x0  }
0x61: {  	s8 =	rddreg [dreg:$0x15];
	[sflag:s30] =	ssyncadd.s32 $0xFFFFD800  }
0x62: {  	[spmem:s8] =	stream.linear.scatter [tilespmem:s31], [sflag:$0x19], $0x2800, $0x38;
	[tilespmem:$0x1FF68] =	vst v63  }
0x63: {  	_ =	swait.ge [sflag:s30], $0x2800  }
0x64: {  	[sflag:s30] =	ssyncset.done $0x0  }
0x65: {  	s11 =	rddreg [dreg:$0x16];
	[sflag:s30] =	ssyncadd.s32 $0xFFFFD800  }
0x66: {  	[spmem:s11] =	stream.linear.scatter [tilespmem:s31], [sflag:$0x19], $0x2800, $0x38;
	[tilespmem:$0x1FF68] =	vst v63  }
0x67: {  	_ =	swait.ge [sflag:s30], $0x2800  }
0x68: {  	[sflag:s30] =	ssyncset.done $0x0  }
0x69: {  	s12 =	rddreg [dreg:$0x17];
	[sflag:s30] =	ssyncadd.s32 $0xFFFFD800  }
0x6a: {  	[spmem:s12] =	stream.linear.scatter [tilespmem:s31], [sflag:$0x19], $0x2800, $0x38;
	[tilespmem:$0x1FF68] =	vst v63  }
0x6b: {  	_ =	swait.ge [sflag:s30], $0x2800  }
0x6c: {  	[sflag:s30] =	ssyncset.done $0x0  }
0x6d: {  	s13 =	rddreg [dreg:$0x18];
	[sflag:s30] =	ssyncadd.s32 $0xFFFFD800  }
0x6e: {  	[spmem:s13] =	stream.linear.scatter [tilespmem:s31], [sflag:$0x19], $0x2800, $0x38;
	[tilespmem:$0x1FF68] =	vst v63  }
0x6f: {  	_ =	swait.ge [sflag:s30], $0x2800  }
0x70: {  	[sflag:s30] =	ssyncset.done $0x0  }
0x71: {  	s18 =	rddreg [dreg:$0x19];
	[sflag:s30] =	ssyncadd.s32 $0xFFFFD800  }
0x72: {  	[spmem:s18] =	stream.linear.scatter [tilespmem:s31], [sflag:$0x19], $0x2800, $0x38;
	[tilespmem:$0x1FF68] =	vst v63  }
0x73: {  	_ =	swait.ge [sflag:s30], $0x2800  }
0x74: {  	[sflag:s30] =	ssyncset.done $0x0  }
0x75: {  	[sflag:s30] =	ssyncadd.s32 $0xFFFFD800  }
0x76: {  	s7 =	simm.s32 $0x0;
	v1 =	vld [tilespmem:$0x0];
	[bflag:$0x0] =	sbarrier.arrive $0xFFFF  }
.LBB2_10:
0x77: {  	s8 =	smul.u32 $0x7D0, s7  }
0x78: {  	s11 =	rddreg [dreg:$0xd]  }
0x79: {  	[dreg:$0x1b] =	wrdreg s7;
	s7 =	sadd.s32 s11, s8  }
0x7a: {  	s12 =	rddreg [dreg:$0x7];
	s7 =	sshrl.u32 s7, $0x3  }
0x7b: {  	s8 =	simm.s32 $0x0;
	s11 =	sadd.s32 s12, s7;
	s12 =	simm.s32 $0x80  }
0x7c: {  	[tilespmem:s12], [sflag:$0x19] =	stream.linear.gather [hbm4b:s11+s8], $0x7D0, $0x38;
	[tilespmem:$0x1FF68] =	vst v63  }
0x7d: {  	_ =	swait.ge [sflag:s30], $0x7D0  }
0x7e: {  	[sflag:s30] =	ssyncset.done $0x0;
	s13 =	rddreg [dreg:$0x8]  }
0x7f: {  	s18 =	simm.s32 $0x880;
	[sflag:s30] =	ssyncadd.s32 $0xFFFFF830;
	s7 =	sadd.s32 s13, s7  }
0x80: {  	[tilespmem:s18], [sflag:$0x19] =	stream.linear.gather [hbm4b:s7+s8], $0x7D0, $0x38;
	[tilespmem:$0x1FF68] =	vst v63  }
0x81: {  	_ =	swait.ge [sflag:s30], $0x7D0  }
0x82: {  	[sflag:s30] =	ssyncset.done $0x0  }
0x83: {  	s13 =	simm.s32 $0x0;
	[sflag:s30] =	ssyncadd.s32 $0xFFFFF830  }
.LBB2_11:
0x84: {  	s7 =	smul.u32 $0x190, s13;
	_ =	sdelay $0x1  }
0x85: {  	v2 =	vld [tilespmem:s7+$0x80];
	_ =	sdelay $0x4  }
0x86: {  	[tilespmem:$0x1080] =	vst v2  }
0x87: {  	v2 =	vld [tilespmem:s7+$0x880];
	_ =	sdelay $0x4  }
0x88: {  	[tilespmem:$0x1300] =	vst v2  }
0x89: {  	v2 =	vld [tilespmem:s7+$0x90];
	_ =	sdelay $0x4  }
0x8a: {  	[tilespmem:$0x1090] =	vst v2  }
0x8b: {  	v2 =	vld [tilespmem:s7+$0x890];
	_ =	sdelay $0x4  }
0x8c: {  	[tilespmem:$0x1310] =	vst v2  }
0x8d: {  	v2 =	vld [tilespmem:s7+$0xA0];
	_ =	sdelay $0x4  }
0x8e: {  	[tilespmem:$0x10A0] =	vst v2  }
0x8f: {  	v2 =	vld [tilespmem:s7+$0x8A0];
	_ =	sdelay $0x4  }
0x90: {  	[tilespmem:$0x1320] =	vst v2  }
0x91: {  	v2 =	vld [tilespmem:s7+$0xB0];
	_ =	sdelay $0x4  }
0x92: {  	[tilespmem:$0x10B0] =	vst v2  }
0x93: {  	v2 =	vld [tilespmem:s7+$0x8B0];
	_ =	sdelay $0x4  }
0x94: {  	[tilespmem:$0x1330] =	vst v2  }
0x95: {  	v2 =	vld [tilespmem:s7+$0xC0];
	_ =	sdelay $0x4  }
0x96: {  	[tilespmem:$0x10C0] =	vst v2  }
0x97: {  	v2 =	vld [tilespmem:s7+$0x8C0];
	_ =	sdelay $0x4  }
0x98: {  	[tilespmem:$0x1340] =	vst v2  }
0x99: {  	v2 =	vld [tilespmem:s7+$0xD0];
	_ =	sdelay $0x4  }
0x9a: {  	[tilespmem:$0x1100] =	vst v2  }
0x9b: {  	v2 =	vld [tilespmem:s7+$0x8D0];
	_ =	sdelay $0x4  }
0x9c: {  	[tilespmem:$0x1380] =	vst v2  }
0x9d: {  	v2 =	vld [tilespmem:s7+$0xE0];
	_ =	sdelay $0x4  }
0x9e: {  	[tilespmem:$0x1110] =	vst v2  }
0x9f: {  	v2 =	vld [tilespmem:s7+$0x8E0];
	_ =	sdelay $0x4  }
0xa0: {  	[tilespmem:$0x1390] =	vst v2  }
0xa1: {  	v2 =	vld [tilespmem:s7+$0xF0];
	_ =	sdelay $0x4  }
0xa2: {  	[tilespmem:$0x1120] =	vst v2  }
0xa3: {  	v2 =	vld [tilespmem:s7+$0x8F0];
	_ =	sdelay $0x4  }
0xa4: {  	s11 =	sand.u32 $0xFF0, s7;
	[tilespmem:$0x13A0] =	vst v2  }
0xa5: {  	v2 =	vld [tilespmem:s11+$0x100];
	_ =	sdelay $0x4  }
0xa6: {  	[tilespmem:$0x1130] =	vst v2  }
0xa7: {  	v2 =	vld [tilespmem:s11+$0x900];
	_ =	sdelay $0x4  }
0xa8: {  	[tilespmem:$0x13B0] =	vst v2  }
0xa9: {  	v2 =	vld [tilespmem:s7+$0x110];
	_ =	sdelay $0x4  }
0xaa: {  	[tilespmem:$0x1140] =	vst v2  }
0xab: {  	v2 =	vld [tilespmem:s7+$0x910];
	_ =	sdelay $0x4  }
0xac: {  	[tilespmem:$0x13C0] =	vst v2  }
0xad: {  	v2 =	vld [tilespmem:s7+$0x120];
	_ =	sdelay $0x4  }
0xae: {  	[tilespmem:$0x1180] =	vst v2  }
0xaf: {  	v2 =	vld [tilespmem:s7+$0x920];
	_ =	sdelay $0x4  }
0xb0: {  	[tilespmem:$0x1400] =	vst v2  }
0xb1: {  	v2 =	vld [tilespmem:s7+$0x130];
	_ =	sdelay $0x4  }
0xb2: {  	[tilespmem:$0x1190] =	vst v2  }
0xb3: {  	v2 =	vld [tilespmem:s7+$0x930];
	_ =	sdelay $0x4  }
0xb4: {  	[tilespmem:$0x1410] =	vst v2  }
0xb5: {  	v2 =	vld [tilespmem:s7+$0x140];
	_ =	sdelay $0x4  }
0xb6: {  	[tilespmem:$0x11A0] =	vst v2  }
0xb7: {  	v2 =	vld [tilespmem:s7+$0x940];
	_ =	sdelay $0x4  }
0xb8: {  	[tilespmem:$0x1420] =	vst v2  }
0xb9: {  	v2 =	vld [tilespmem:s7+$0x150];
	_ =	sdelay $0x4  }
0xba: {  	[tilespmem:$0x11B0] =	vst v2  }
0xbb: {  	v2 =	vld [tilespmem:s7+$0x950];
	_ =	sdelay $0x4  }
0xbc: {  	[tilespmem:$0x1430] =	vst v2  }
0xbd: {  	v2 =	vld [tilespmem:s7+$0x160];
	_ =	sdelay $0x4  }
0xbe: {  	[tilespmem:$0x11C0] =	vst v2  }
0xbf: {  	v2 =	vld [tilespmem:s7+$0x960];
	_ =	sdelay $0x4  }
0xc0: {  	[tilespmem:$0x1440] =	vst v2  }
0xc1: {  	v2 =	vld [tilespmem:s7+$0x170];
	_ =	sdelay $0x4  }
0xc2: {  	[tilespmem:$0x1200] =	vst v2  }
0xc3: {  	v2 =	vld [tilespmem:s7+$0x970];
	_ =	sdelay $0x4  }
0xc4: {  	[tilespmem:$0x1480] =	vst v2  }
0xc5: {  	v2 =	vld [tilespmem:s11+$0x180];
	_ =	sdelay $0x4  }
0xc6: {  	[tilespmem:$0x1210] =	vst v2  }
0xc7: {  	v2 =	vld [tilespmem:s11+$0x980];
	_ =	sdelay $0x4  }
0xc8: {  	[tilespmem:$0x1490] =	vst v2  }
0xc9: {  	v2 =	vld [tilespmem:s7+$0x190];
	_ =	sdelay $0x4  }
0xca: {  	[tilespmem:$0x1220] =	vst v2  }
0xcb: {  	v2 =	vld [tilespmem:s7+$0x990];
	_ =	sdelay $0x4  }
0xcc: {  	[tilespmem:$0x14A0] =	vst v2  }
0xcd: {  	v2 =	vld [tilespmem:s7+$0x1A0];
	_ =	sdelay $0x4  }
0xce: {  	[tilespmem:$0x1230] =	vst v2  }
0xcf: {  	v2 =	vld [tilespmem:s7+$0x9A0];
	_ =	sdelay $0x4  }
0xd0: {  	[tilespmem:$0x14B0] =	vst v2  }
0xd1: {  	v2 =	vld [tilespmem:s7+$0x1B0];
	_ =	sdelay $0x4  }
0xd2: {  	[tilespmem:$0x1240] =	vst v2  }
0xd3: {  	v2 =	vld [tilespmem:s7+$0x9B0];
	_ =	sdelay $0x4  }
0xd4: {  	[tilespmem:$0x14C0] =	vst v2  }
0xd5: {  	v2 =	vld [tilespmem:s7+$0x1C0];
	_ =	sdelay $0x4  }
0xd6: {  	[tilespmem:$0x1280] =	vst v2  }
0xd7: {  	v2 =	vld [tilespmem:s7+$0x9C0];
	_ =	sdelay $0x4  }
0xd8: {  	[tilespmem:$0x1500] =	vst v2  }
0xd9: {  	v2 =	vld [tilespmem:s7+$0x1D0];
	_ =	sdelay $0x4  }
0xda: {  	[tilespmem:$0x1290] =	vst v2  }
0xdb: {  	v2 =	vld [tilespmem:s7+$0x9D0];
	_ =	sdelay $0x4  }
0xdc: {  	[tilespmem:$0x1510] =	vst v2  }
0xdd: {  	v2 =	vld [tilespmem:s7+$0x1E0];
	_ =	sdelay $0x4  }
0xde: {  	[tilespmem:$0x12A0] =	vst v2  }
0xdf: {  	v2 =	vld [tilespmem:s7+$0x9E0];
	_ =	sdelay $0x4  }
0xe0: {  	[tilespmem:$0x1520] =	vst v2  }
0xe1: {  	v2 =	vld [tilespmem:s7+$0x1F0];
	_ =	sdelay $0x4  }
0xe2: {  	[tilespmem:$0x12B0] =	vst v2  }
0xe3: {  	v2 =	vld [tilespmem:s7+$0x9F0];
	_ =	sdelay $0x4  }
0xe4: {  	[tilespmem:$0x1530] =	vst v2  }
0xe5: {  	v2 =	vld [tilespmem:s11+$0x200];
	_ =	sdelay $0x4  }
0xe6: {  	[tilespmem:$0x12C0] =	vst v2  }
0xe7: {  	v2 =	vld [tilespmem:s11+$0xA00];
	_ =	sdelay $0x4  }
0xe8: {  	s8 =	simm.s32 $0x1080;
	[tilespmem:$0x1540] =	vst v2  }
0xe9: {  	[tilespmem:s31], [sflag:$0x1] =	stream.indirect.gather [hbm4b:s0+s10], $0x80, s8, s10, $0xb8;
	[tilespmem:$0x1FF68] =	vst v63  }
0xea: {  	s12 =	simm.s32 $0x4500;
	s11 =	simm.s32 $0x1100  }
0xeb: {  	[tilespmem:s12], [sflag:$0x2] =	stream.indirect.gather [hbm4b:s0+s10], $0x80, s11, s10, $0xb8;
	[tilespmem:$0x1FF68] =	vst v63  }
0xec: {  	s18 =	simm.s32 $0x6D00;
	s12 =	simm.s32 $0x1180  }
0xed: {  	[tilespmem:s18], [sflag:$0x3] =	stream.indirect.gather [hbm4b:s0+s10], $0x80, s12, s10, $0xb8;
	[tilespmem:$0x1FF68] =	vst v63  }
0xee: {  	s30 =	simm.s32 $0x9500;
	s18 =	simm.s32 $0x1200  }
0xef: {  	[tilespmem:s30], [sflag:$0x4] =	stream.indirect.gather [hbm4b:s0+s10], $0x80, s18, s10, $0xb8;
	[tilespmem:$0x1FF68] =	vst v63  }
0xf0: {  	_ = 	snop  }
0xf1: {  	[tilespmem:s16], [sflag:$0xF] =	stream.indirect.gather [spmem:s2], $0x1, s8, s10, $0xb8;
	[tilespmem:$0x1FF68] =	vst v63  }
0xf2: {  	s7 =	simm.s32 $0x1300;
	s8 =	simm.s32 $0x1A80  }
0xf3: {  	[tilespmem:s8], [sflag:$0x10] =	stream.indirect.gather [spmem:s3], $0x1, s7, s10, $0xb8;
	[tilespmem:$0x1FF68] =	vst v63  }
0xf4: {  	s8 =	simm.s32 $0x1880  }
0xf5: {  	[tilespmem:s8], [sflag:$0x11] =	stream.indirect.gather [spmem:s2], $0x1, s11, s10, $0xb8;
	[tilespmem:$0x1FF68] =	vst v63  }
0xf6: {  	s8 =	simm.s32 $0x1380;
	s11 =	simm.s32 $0x1B00  }
0xf7: {  	[tilespmem:s11], [sflag:$0x12] =	stream.indirect.gather [spmem:s3], $0x1, s8, s10, $0xb8;
	[tilespmem:$0x1FF68] =	vst v63  }
0xf8: {  	s11 =	simm.s32 $0x1900  }
0xf9: {  	[tilespmem:s11], [sflag:$0x13] =	stream.indirect.gather [spmem:s2], $0x1, s12, s10, $0xb8;
	[tilespmem:$0x1FF68] =	vst v63  }
0xfa: {  	s11 =	simm.s32 $0x1400;
	s12 =	simm.s32 $0x1B80  }
0xfb: {  	[tilespmem:s12], [sflag:$0x14] =	stream.indirect.gather [spmem:s3], $0x1, s11, s10, $0xb8;
	[tilespmem:$0x1FF68] =	vst v63  }
0xfc: {  	s11 =	simm.s32 $0x1980  }
0xfd: {  	[tilespmem:s11], [sflag:$0x15] =	stream.indirect.gather [spmem:s2], $0x1, s18, s10, $0xb8;
	[tilespmem:$0x1FF68] =	vst v63  }
0xfe: {  	s12 =	simm.s32 $0x1480;
	s18 =	simm.s32 $0x1C00  }
0xff: {  	[tilespmem:s18], [sflag:$0x16] =	stream.indirect.gather [spmem:s3], $0x1, s12, s10, $0xb8;
	[tilespmem:$0x1FF68] =	vst v63  }
0x100: {  	s11 =	simm.s32 $0x1280;
	s12 =	simm.s32 $0x1A00  }
0x101: {  	[tilespmem:s12], [sflag:$0x17] =	stream.indirect.gather [spmem:s2], $0x1, s11, s10, $0xb8;
	[tilespmem:$0x1FF68] =	vst v63  }
0x102: {  	s16 =	simm.s32 $0x1500;
	s18 =	simm.s32 $0x1C80;
	s11 =	simm.s32 $0xF  }
0x103: {  	[tilespmem:s18], [sflag:$0x18] =	stream.indirect.gather [spmem:s3], $0x1, s16, s10, $0xb8;
	[tilespmem:$0x1FF68] =	vst v63  }
0x104: {  	_ =	swait.ge [sflag:s11], $0x50  }
0x105: {  	[sflag:s11] =	ssyncset.done $0x0  }
0x106: {  	s12 =	simm.s32 $0x10;
	[sflag:s11] =	ssyncadd.s32 $0xFFFFFFB0  }
0x107: {  	_ =	swait.ge [sflag:s12], $0x50  }
0x108: {  	[sflag:s12] =	ssyncset.done $0x0  }
0x109: {  	[sflag:s12] =	ssyncadd.s32 $0xFFFFFFB0  }
0x10a: {  	v2 =	vld [tilespmem:$0x1800]  }
0x10b: {  	v3 =	vld [tilespmem:$0x1A80]  }
0x10c: {  	v4 =	vld [tilespmem:$0x1810]  }
0x10d: {  	v5 =	vld [tilespmem:$0x1A90];
	_ =	sdelay $0x2  }
0x10e: {  	v6 =	vld [tilespmem:$0x1820];
	v2 =	vadd.f32 v3, v2;
	v3 =	vadd.f32 v3, v1  }
0x10f: {  	v7 =	vld [tilespmem:$0x1AA0]  }
0x110: {  	v4 =	vadd.f32 v5, v4;
	v8 =	vmul.f32 $2.000000030e-01, v2;
	v9 =	vmul.f32 $2.000000030e-01, v3  }
0x111: {  	v10 =	vld [tilespmem:$0x1830];
	v5 =	vadd.f32 v5, v1;
	vm0 =	vgt.f32 v2, $0.0e+00;
	vm1 =	vgt.f32 v3, $0.0e+00  }
0x112: {  	v2 =	vsel vm0, v2, v8;
	v3 =	vsel vm1, v3, v9;
	v8 =	vld [tilespmem:$0x1AB0]  }
0x113: {  	v11 =	vld [tilespmem:$0x1840];
	v9 =	vmul.f32 $2.000000030e-01, v5;
	v2 =	vsub.f32 v2, v3;
	v3 =	vmul.f32 $2.000000030e-01, v4  }
0x114: {  	v12 =	vld [tilespmem:$0x1AC0];
	v6 =	vadd.f32 v7, v6;
	vm8 =	vgt.f32 v4, $0.0e+00;
	vm9 =	vgt.f32 v5, $0.0e+00  }
0x115: {  	v3 =	vsel vm8, v4, v3;
	v4 =	vsel vm9, v5, v9;
	v5 =	vadd.f32 v7, v1  }
0x116: {  	vm10 =	vgt.f32 v6, $0.0e+00;
	v3 =	vsub.f32 v3, v4;
	v4 =	vmul.f32 $2.000000030e-01, v6  }
0x117: {  	v2 =	vmul.f32 $1.442695020e+00, v2;
	v7 =	vmul.f32 $2.000000030e-01, v5;
	v9 =	vadd.f32 v8, v10  }
0x118: {  	vm11 =	vgt.f32 v5, $0.0e+00;
	v4 =	vsel vm10, v6, v4;
	v6 =	vadd.f32 v8, v1  }
0x119: {  	v8 =	vadd.f32 v12, v11;
	v5 =	vsel vm11, v5, v7;
	v7 =	vmul.f32 $2.000000030e-01, v9  }
0x11a: {  	v11 =	vadd.f32 v12, v1;
	vm12 =	vgt.f32 v9, $0.0e+00;
	v10 =	vmul.f32 $2.000000030e-01, v6  }
0x11b: {  	v3 =	vmul.f32 $1.442695020e+00, v3;
	vm13 =	vgt.f32 v6, $0.0e+00;
	v7 =	vsel vm12, v9, v7  }
0x11c: {  	v9 =	vmul.f32 $2.000000030e-01, v8;
	v6 =	vsel vm13, v6, v10;
	v10 =	vmul.f32 $2.000000030e-01, v11  }
0x11d: {  	vm14 =	vgt.f32 v8, $0.0e+00;
	v4 =	vsub.f32 v4, v5;
	vm15 =	vgt.f32 v11, $0.0e+00  }
0x11e: {  	v5 =	vsel vm14, v8, v9;
	v6 =	vsub.f32 v7, v6;
	v7 =	vsel vm15, v11, v10  }
0x11f: {  	(erf) = vpow2.f32 v2;
	v2 =	vmul.f32 $1.442695020e+00, v4;
	v4 =	vsub.f32 v5, v7  }
0x120: {  	(erf) = vpow2.f32 v3;
	v3 =	vmul.f32 $1.442695020e+00, v6  }
0x121: {  	(erf) = vpow2.f32 v2;
	v2 =	vmul.f32 $1.442695020e+00, v4  }
0x122: {  	(erf) = vpow2.f32 v3  }
0x123: {  	(erf) = vpow2.f32 v2;
	_ =	sdelay $0x4  }
0x124: {  	v2 =	vpop (erf)  }
0x125: {  	v3 =	vpop (erf);
	[tilespmem:$0x1580] =	vst v2  }
0x126: {  	s11 =	simm.s32 $0x0;
	v2 =	vpop (erf);
	[tilespmem:$0x1590] =	vst v3  }
0x127: {  	[tilespmem:$0x15A0] =	vst v2;
	v2 =	vmov s11;
	v3 =	vpop (erf)  }
0x128: {  	v2 =	vand.u32 $0xFFFFFFFC, v2;
	[tilespmem:$0x15B0] =	vst v3;
	v3 =	vpop (erf)  }
0x129: {  	v2 =	vbroadcast v2, $0x0;
	[tilespmem:$0x15C0] =	vst v3  }
0x12a: {  	[spmem:s6] =	stream.indirect.scatter.add.f32 [tilespmem:s24], [sflag:$0xA], $0x1, s7, s10, $0xb8;
	[tilespmem:$0x1FF68] =	vst v63  }
0x12b: {  	_ =	swait.ge [sflag:s26], $0x2800  }
0x12c: {  	[sflag:s26] =	ssyncset.done $0x0  }
0x12d: {  	s30 =	simm.s32 $0x1E00;
	[sflag:s26] =	ssyncadd.s32 $0xFFFFD800  }
0x12e: {  	v3 =	vld [tilespmem:s30+$0xFFFFFF70]  }
0x12f: {  	v2 =	vld.idx.msk [tilespmem:v2+s24+$0x0], $0xffff  }
0x130: {  	v4 =	vld [tilespmem:s30+$0xFFFFFF00]  }
0x131: {  	v5 =	vld [tilespmem:s30+$0xFFFFFF20]  }
0x132: {  	v6 =	vld [tilespmem:s30+$0xFFFFFF50]  }
0x133: {  	v7 =	vld [tilespmem:s30+$0xFFFFFF40]  }
0x134: {  	v8 =	vld [tilespmem:s30+$0xFFFFFF60];
	v3 =	vmul.f32 v3, v2  }
0x135: {  	s16 =	simm.s32 $0x1;
	v9 =	vld [tilespmem:s30+$0xFFFFFF30];
	v4 =	vmul.f32 v4, v2  }
0x136: {  	v10 =	vld [tilespmem:s30+$0xFFFFFF10];
	v5 =	vmul.f32 v5, v2;
	[tilespmem:s30+$0xFFFFFF70] =	vst v3;
	v3 =	vmov s16  }
0x137: {  	v6 =	vmul.f32 v6, v2;
	[tilespmem:s30+$0xFFFFFF00] =	vst v4;
	v3 =	vand.u32 $0xFFFFFFFD, v3  }
0x138: {  	v4 =	vmul.f32 v7, v2;
	[tilespmem:s30+$0xFFFFFF20] =	vst v5;
	v3 =	vbroadcast v3, $0x0  }
0x139: {  	v5 =	vmul.f32 v8, v2;
	[tilespmem:s30+$0xFFFFFF50] =	vst v6  }
0x13a: {  	v6 =	vmul.f32 v9, v2;
	[tilespmem:s30+$0xFFFFFF40] =	vst v4  }
0x13b: {  	v2 =	vmul.f32 v10, v2;
	[tilespmem:s30+$0xFFFFFF60] =	vst v5  }
0x13c: {  	[tilespmem:s30+$0xFFFFFF30] =	vst v6  }
0x13d: {  	[tilespmem:s30+$0xFFFFFF10] =	vst v2;
	v2 =	vld [tilespmem:s30+$0xFFFFFF90]  }
0x13e: {  	v4 =	vld.idx.msk [tilespmem:v3+s24+$0x0], $0xffff  }
0x13f: {  	v3 =	vld [tilespmem:s30+$0xFFFFFFA0]  }
0x140: {  	v5 =	vld [tilespmem:s30+$0xFFFFFF80]  }
0x141: {  	v6 =	vld [tilespmem:s30+$0xFFFFFFB0]  }
0x142: {  	v7 =	vld [tilespmem:s30+$0xFFFFFFC0]  }
0x143: {  	v8 =	vld [tilespmem:s30+$0xFFFFFFD0];
	v2 =	vmul.f32 v2, v4  }
0x144: {  	s18 =	simm.s32 $0x2;
	v9 =	vld [tilespmem:s30+$0xFFFFFFF0];
	v3 =	vmul.f32 v3, v4  }
0x145: {  	v10 =	vld [tilespmem:s30+$0xFFFFFFE0];
	v5 =	vmul.f32 v5, v4;
	[tilespmem:s30+$0xFFFFFF90] =	vst v2;
	v2 =	vmov s18  }
0x146: {  	v6 =	vmul.f32 v6, v4;
	[tilespmem:s30+$0xFFFFFFA0] =	vst v3;
	v2 =	vand.u32 $0xFFFFFFFE, v2  }
0x147: {  	v3 =	vmul.f32 v7, v4;
	[tilespmem:s30+$0xFFFFFF80] =	vst v5;
	v7 =	vld [tilespmem:s30+$0x60];
	v11 =	vbroadcast v2, $0x0  }
0x148: {  	v5 =	vmul.f32 v8, v4;
	[tilespmem:s30+$0xFFFFFFB0] =	vst v6;
	v8 =	vld [tilespmem:s30+$0x0]  }
0x149: {  	v6 =	vmul.f32 v9, v4;
	v2 =	vld [tilespmem:s30+$0x20];
	[tilespmem:s30+$0xFFFFFFC0] =	vst v3  }
0x14a: {  	v4 =	vmul.f32 v10, v4;
	v3 =	vld [tilespmem:s30+$0x30];
	[tilespmem:s30+$0xFFFFFFD0] =	vst v5  }
0x14b: {  	[tilespmem:s30+$0xFFFFFFF0] =	vst v6;
	v5 =	vld [tilespmem:s30+$0x40]  }
0x14c: {  	[tilespmem:s30+$0xFFFFFFE0] =	vst v4;
	v6 =	vld [tilespmem:s30+$0x10]  }
0x14d: {  	s8 =	simm.s32 $0x1300;
	s12 =	simm.s32 $0x1E00;
	s7 =	simm.s32 $0x4;
	v4 =	vld.idx.msk [tilespmem:v11+s24+$0x0], $0xffff  }
.LBB2_12:
0x14e: {  	p2 =	slt.u32 s7, $0x4C  }
0x14f: {  	v9 =	vld [tilespmem:s30+$0x50];
	s12 =	sadd.s32 $0x200, s12;
	s16 =	smov.u32 s7;
	s7 =	sadd.s32 $0x4, s7  }
0x150: {  	v10 =	vld [tilespmem:s30+$0x70];
	_ =	sdelay $0x1  }
0x151: {  	v7 =	vmul.f32 v7, v4;
	v8 =	vmul.f32 v8, v4  }
0x152: {  	v5 =	vmul.f32 v5, v4;
	v6 =	vmul.f32 v6, v4  }
0x153: {  	v2 =	vmul.f32 v2, v4;
	v3 =	vmul.f32 v3, v4;
	[tilespmem:s30+$0x60] =	vst v7  }
0x154: {  	[tilespmem:s30+$0x40] =	vst v5;
	v5 =	vmul.f32 v9, v4;
	v4 =	vmul.f32 v10, v4  }
0x155: {  	s18 =	sadd.s32 $0x3, s11;
	s11 =	smov.u32 s16;
	[tilespmem:s30+$0x20] =	vst v2;
	v7 =	vld [tilespmem:s30+$0x80]  }
0x156: {  	v2 =	vld [tilespmem:s12+$0x20];
	[tilespmem:s30+$0x0] =	vst v8;
	v8 =	vmov s18  }
0x157: {  	[tilespmem:s30+$0x50] =	vst v5;
	v5 =	vld [tilespmem:s30+$0xE0]  }
0x158: {  	[tilespmem:s30+$0x30] =	vst v3;
	v9 =	vld [tilespmem:s30+$0xC0]  }
0x159: {  	v3 =	vld [tilespmem:s12+$0x30];
	[tilespmem:s30+$0x10] =	vst v6  }
0x15a: {  	[tilespmem:s30+$0x70] =	vst v4;
	v4 =	vld [tilespmem:s30+$0xA0]  }
0x15b: {  	v6 =	vld.idx.msk [tilespmem:v8+s24+$0x0], $0xffff  }
0x15c: {  	v8 =	vld [tilespmem:s30+$0x90]  }
0x15d: {  	v10 =	vld [tilespmem:s30+$0xB0]  }
0x15e: {  	v11 =	vld [tilespmem:s30+$0xD0]  }
0x15f: {  	v12 =	vld [tilespmem:s30+$0xF0];
	_ =	sdelay $0x1  }
0x160: {  	v7 =	vmul.f32 v7, v6;
	v8 =	vmul.f32 v8, v6  }
0x161: {  	v4 =	vmul.f32 v4, v6;
	v10 =	vmul.f32 v10, v6  }
0x162: {  	v13 =	vmov s11;
	[tilespmem:s30+$0x80] =	vst v7;
	v7 =	vmul.f32 v9, v6;
	v9 =	vmul.f32 v11, v6  }
0x163: {  	v11 =	vand.u32 $0xFFFFFFFC, v13;
	[tilespmem:s30+$0xA0] =	vst v4;
	v4 =	vmul.f32 v5, v6;
	v5 =	vmul.f32 v12, v6  }
0x164: {  	v6 =	vbroadcast v11, $0x0;
	[tilespmem:s30+$0xC0] =	vst v7  }
0x165: {  	[tilespmem:s30+$0xF0] =	vst v5  }
0x166: {  	v5 =	vld [tilespmem:s12+$0xFFFFFF40];
	[tilespmem:s30+$0xE0] =	vst v4  }
0x167: {  	v4 =	vld [tilespmem:s12+$0xFFFFFF50];
	[tilespmem:s30+$0x90] =	vst v8  }
0x168: {  	v7 =	vld [tilespmem:s12+$0xFFFFFF60];
	[tilespmem:s30+$0xB0] =	vst v10  }
0x169: {  	v8 =	vld [tilespmem:s12+$0xFFFFFF70];
	[tilespmem:s30+$0xD0] =	vst v9;
	s30 =	smov.u32 s12  }
0x16a: {  	v6 =	vld.idx.msk [tilespmem:v6+s24+$0x0], $0xffff  }
0x16b: {  	v9 =	vld [tilespmem:s12+$0xFFFFFF00]  }
0x16c: {  	v10 =	vld [tilespmem:s12+$0xFFFFFF20]  }
0x16d: {  	v11 =	vld [tilespmem:s12+$0xFFFFFF10]  }
0x16e: {  	v12 =	vld [tilespmem:s12+$0xFFFFFF30];
	_ =	sdelay $0x1  }
0x16f: {  	v8 =	vmul.f32 v8, v6;
	v9 =	vmul.f32 v9, v6  }
0x170: {  	s16 =	sadd.s32 $0x1, s11;
	v7 =	vmul.f32 v7, v6;
	v10 =	vmul.f32 v10, v6  }
0x171: {  	v4 =	vmul.f32 v4, v6;
	v11 =	vmul.f32 v11, v6;
	[tilespmem:s12+$0xFFFFFF70] =	vst v8;
	v8 =	vmov s16  }
0x172: {  	v5 =	vmul.f32 v5, v6;
	[tilespmem:s12+$0xFFFFFF00] =	vst v9;
	v9 =	vmul.f32 v12, v6;
	v6 =	vand.u32 $0xFFFFFFFD, v8  }
0x173: {  	[tilespmem:s12+$0xFFFFFF20] =	vst v10;
	v6 =	vbroadcast v6, $0x0  }
0x174: {  	[tilespmem:s12+$0xFFFFFF50] =	vst v4  }
0x175: {  	[tilespmem:s12+$0xFFFFFF40] =	vst v5;
	v4 =	vld [tilespmem:s12+$0xFFFFFFF0]  }
0x176: {  	[tilespmem:s12+$0xFFFFFF60] =	vst v7;
	v5 =	vld [tilespmem:s12+$0xFFFFFFC0]  }
0x177: {  	[tilespmem:s12+$0xFFFFFF30] =	vst v9;
	v7 =	vld [tilespmem:s12+$0xFFFFFFD0]  }
0x178: {  	[tilespmem:s12+$0xFFFFFF10] =	vst v11;
	v8 =	vld [tilespmem:s12+$0xFFFFFF90]  }
0x179: {  	v6 =	vld.idx.msk [tilespmem:v6+s24+$0x0], $0xffff  }
0x17a: {  	v9 =	vld [tilespmem:s12+$0xFFFFFF80]  }
0x17b: {  	v10 =	vld [tilespmem:s12+$0xFFFFFFA0]  }
0x17c: {  	v11 =	vld [tilespmem:s12+$0xFFFFFFB0]  }
0x17d: {  	v12 =	vld [tilespmem:s12+$0xFFFFFFE0];
	_ =	sdelay $0x1  }
0x17e: {  	v8 =	vmul.f32 v8, v6;
	v9 =	vmul.f32 v9, v6  }
0x17f: {  	s16 =	sadd.s32 $0x2, s11;
	v7 =	vmul.f32 v7, v6;
	v10 =	vmul.f32 v10, v6  }
0x180: {  	v5 =	vmul.f32 v5, v6;
	[tilespmem:s12+$0xFFFFFF90] =	vst v8;
	v8 =	vmul.f32 v11, v6;
	v11 =	vmov s16  }
0x181: {  	v4 =	vmul.f32 v4, v6;
	[tilespmem:s12+$0xFFFFFFA0] =	vst v10;
	v10 =	vmul.f32 v12, v6;
	v6 =	vand.u32 $0xFFFFFFFE, v11  }
0x182: {  	[tilespmem:s12+$0xFFFFFF80] =	vst v9;
	v6 =	vbroadcast v6, $0x0  }
0x183: {  	[tilespmem:s12+$0xFFFFFFB0] =	vst v8  }
0x184: {  	[tilespmem:s12+$0xFFFFFFC0] =	vst v5  }
0x185: {  	[tilespmem:s12+$0xFFFFFFD0] =	vst v7  }
.Ltmp5:
0x186: {  	[tilespmem:s12+$0xFFFFFFF0] =	vst v4;
	v5 =	vld [tilespmem:s12+$0x40];
	(pc) =	sbr.rel @p2 .LBB2_12-.Ltmp5, $4  }
0x187: {  	[tilespmem:s12+$0xFFFFFFE0] =	vst v10;
	v7 =	vld [tilespmem:s12+$0x60]  }
0x188: {  	v4 =	vld.idx.msk [tilespmem:v6+s24+$0x0], $0xffff  }
0x189: {  	v8 =	vld [tilespmem:s12+$0x0]  }
0x18a: {  	v6 =	vld [tilespmem:s12+$0x10]  }
0x18b: {  	_ =	sdelay $0x1  }
0x18c: {  	v7 =	vmul.f32 v7, v4  }
0x18d: {  	v9 =	vld [tilespmem:s30+$0x50];
	v5 =	vmul.f32 v5, v4  }
0x18e: {  	v10 =	vld [tilespmem:s30+$0x70];
	v2 =	vmul.f32 v2, v4;
	[tilespmem:s30+$0x60] =	vst v7  }
0x18f: {  	v7 =	vmul.f32 v8, v4;
	[tilespmem:s30+$0x40] =	vst v5  }
0x190: {  	s7 =	sadd.s32 $0x3, s11;
	[tilespmem:s30+$0x20] =	vst v2;
	v2 =	vmul.f32 v3, v4  }
0x191: {  	v6 =	vmul.f32 v6, v4;
	[tilespmem:s30+$0x0] =	vst v7;
	v7 =	vmov s7  }
0x192: {  	v5 =	vmul.f32 v9, v4;
	[tilespmem:s30+$0x30] =	vst v2  }
0x193: {  	v4 =	vmul.f32 v10, v4;
	[tilespmem:s30+$0x10] =	vst v6  }
0x194: {  	[tilespmem:s30+$0x50] =	vst v5  }
0x195: {  	v3 =	vld [tilespmem:s30+$0x80];
	[tilespmem:s30+$0x70] =	vst v4  }
0x196: {  	v2 =	vld.idx.msk [tilespmem:v7+s24+$0x0], $0xffff  }
0x197: {  	v4 =	vld [tilespmem:s30+$0xA0]  }
0x198: {  	v5 =	vld [tilespmem:s30+$0xC0]  }
0x199: {  	v6 =	vld [tilespmem:s30+$0xF0]  }
0x19a: {  	v7 =	vld [tilespmem:s30+$0xE0]  }
0x19b: {  	v8 =	vld [tilespmem:s30+$0x90];
	v3 =	vmul.f32 v3, v2  }
0x19c: {  	v9 =	vld [tilespmem:s30+$0xB0];
	v4 =	vmul.f32 v4, v2  }
0x19d: {  	v10 =	vld [tilespmem:s30+$0xD0];
	[tilespmem:s30+$0x80] =	vst v3;
	v3 =	vmul.f32 v5, v2  }
0x19e: {  	[tilespmem:s30+$0xA0] =	vst v4;
	v4 =	vmul.f32 v6, v2  }
0x19f: {  	v5 =	vmul.f32 v7, v2;
	[tilespmem:s30+$0xC0] =	vst v3  }
0x1a0: {  	v3 =	vmul.f32 v8, v2;
	[tilespmem:s30+$0xF0] =	vst v4  }
0x1a1: {  	v4 =	vmul.f32 v9, v2;
	[tilespmem:s30+$0xE0] =	vst v5  }
0x1a2: {  	v2 =	vmul.f32 v10, v2;
	[tilespmem:s30+$0x90] =	vst v3  }
0x1a3: {  	[tilespmem:s30+$0xB0] =	vst v4  }
0x1a4: {  	s16 =	simm.s32 $0x11;
	[tilespmem:s30+$0xD0] =	vst v2  }
0x1a5: {  	[spmem:s1] =	stream.indirect.scatter.add.f32 [tilespmem:s31], [sflag:$0x5], $0x80, s8, s10, $0xb8;
	[tilespmem:$0x1FF68] =	vst v63  }
0x1a6: {  	_ =	swait.ge [sflag:s16], $0x50  }
0x1a7: {  	[sflag:s16] =	ssyncset.done $0x0  }
0x1a8: {  	s18 =	simm.s32 $0x12;
	[sflag:s16] =	ssyncadd.s32 $0xFFFFFFB0  }
0x1a9: {  	_ =	swait.ge [sflag:s18], $0x50  }
0x1aa: {  	[sflag:s18] =	ssyncset.done $0x0  }
0x1ab: {  	[sflag:s18] =	ssyncadd.s32 $0xFFFFFFB0  }
0x1ac: {  	v2 =	vld [tilespmem:$0x1880]  }
0x1ad: {  	v3 =	vld [tilespmem:$0x1B00]  }
0x1ae: {  	v4 =	vld [tilespmem:$0x1890]  }
0x1af: {  	v5 =	vld [tilespmem:$0x1B10];
	_ =	sdelay $0x2  }
0x1b0: {  	v6 =	vld [tilespmem:$0x18A0];
	v2 =	vadd.f32 v3, v2;
	v3 =	vadd.f32 v3, v1  }
0x1b1: {  	v7 =	vld [tilespmem:$0x1B20]  }
0x1b2: {  	v4 =	vadd.f32 v5, v4;
	v8 =	vmul.f32 $2.000000030e-01, v2;
	v9 =	vmul.f32 $2.000000030e-01, v3  }
0x1b3: {  	v10 =	vld [tilespmem:$0x18B0];
	v5 =	vadd.f32 v5, v1;
	vm0 =	vgt.f32 v2, $0.0e+00;
	vm1 =	vgt.f32 v3, $0.0e+00  }
0x1b4: {  	v2 =	vsel vm0, v2, v8;
	v3 =	vsel vm1, v3, v9;
	v8 =	vld [tilespmem:$0x1B30]  }
0x1b5: {  	v11 =	vld [tilespmem:$0x18C0];
	v9 =	vmul.f32 $2.000000030e-01, v5;
	v2 =	vsub.f32 v2, v3;
	v3 =	vmul.f32 $2.000000030e-01, v4  }
0x1b6: {  	v12 =	vld [tilespmem:$0x1B40];
	v6 =	vadd.f32 v7, v6;
	vm8 =	vgt.f32 v4, $0.0e+00;
	vm9 =	vgt.f32 v5, $0.0e+00  }
0x1b7: {  	v3 =	vsel vm8, v4, v3;
	v4 =	vsel vm9, v5, v9;
	v5 =	vadd.f32 v7, v1  }
0x1b8: {  	vm10 =	vgt.f32 v6, $0.0e+00;
	v3 =	vsub.f32 v3, v4;
	v4 =	vmul.f32 $2.000000030e-01, v6  }
0x1b9: {  	v2 =	vmul.f32 $1.442695020e+00, v2;
	v7 =	vmul.f32 $2.000000030e-01, v5;
	v9 =	vadd.f32 v8, v10  }
0x1ba: {  	vm11 =	vgt.f32 v5, $0.0e+00;
	v4 =	vsel vm10, v6, v4;
	v6 =	vadd.f32 v8, v1  }
0x1bb: {  	v8 =	vadd.f32 v12, v11;
	v5 =	vsel vm11, v5, v7;
	v7 =	vmul.f32 $2.000000030e-01, v9  }
0x1bc: {  	v11 =	vadd.f32 v12, v1;
	vm12 =	vgt.f32 v9, $0.0e+00;
	v10 =	vmul.f32 $2.000000030e-01, v6  }
0x1bd: {  	v3 =	vmul.f32 $1.442695020e+00, v3;
	vm13 =	vgt.f32 v6, $0.0e+00;
	v7 =	vsel vm12, v9, v7  }
0x1be: {  	v9 =	vmul.f32 $2.000000030e-01, v8;
	v6 =	vsel vm13, v6, v10;
	v10 =	vmul.f32 $2.000000030e-01, v11  }
0x1bf: {  	vm14 =	vgt.f32 v8, $0.0e+00;
	v4 =	vsub.f32 v4, v5;
	vm15 =	vgt.f32 v11, $0.0e+00  }
0x1c0: {  	v5 =	vsel vm14, v8, v9;
	v6 =	vsub.f32 v7, v6;
	v7 =	vsel vm15, v11, v10  }
0x1c1: {  	(erf) = vpow2.f32 v2;
	v2 =	vmul.f32 $1.442695020e+00, v4;
	v4 =	vsub.f32 v5, v7  }
0x1c2: {  	(erf) = vpow2.f32 v3;
	v3 =	vmul.f32 $1.442695020e+00, v6  }
0x1c3: {  	(erf) = vpow2.f32 v2;
	v2 =	vmul.f32 $1.442695020e+00, v4  }
0x1c4: {  	(erf) = vpow2.f32 v3  }
0x1c5: {  	(erf) = vpow2.f32 v2;
	_ =	sdelay $0x4  }
0x1c6: {  	v2 =	vpop (erf)  }
0x1c7: {  	v3 =	vpop (erf);
	[tilespmem:$0x1600] =	vst v2  }
0x1c8: {  	s11 =	simm.s32 $0x0;
	v2 =	vpop (erf);
	[tilespmem:$0x1610] =	vst v3  }
0x1c9: {  	[tilespmem:$0x1620] =	vst v2;
	v2 =	vmov s11;
	v3 =	vpop (erf)  }
0x1ca: {  	v2 =	vand.u32 $0xFFFFFFFC, v2;
	[tilespmem:$0x1630] =	vst v3;
	v3 =	vpop (erf)  }
0x1cb: {  	s12 =	simm.s32 $0x2;
	s8 =	simm.s32 $0x1380;
	v2 =	vbroadcast v2, $0x0;
	[tilespmem:$0x1640] =	vst v3  }
0x1cc: {  	[spmem:s6] =	stream.indirect.scatter.add.f32 [tilespmem:s9], [sflag:$0xB], $0x1, s8, s10, $0xb8;
	[tilespmem:$0x1FF68] =	vst v63  }
0x1cd: {  	_ =	swait.ge [sflag:s12], $0x2800  }
0x1ce: {  	[sflag:s12] =	ssyncset.done $0x0  }
0x1cf: {  	s30 =	simm.s32 $0x4600;
	[sflag:s12] =	ssyncadd.s32 $0xFFFFD800  }
0x1d0: {  	v3 =	vld [tilespmem:s30+$0xFFFFFF70]  }
0x1d1: {  	v2 =	vld.idx.msk [tilespmem:v2+s9+$0x0], $0xffff  }
0x1d2: {  	v4 =	vld [tilespmem:s30+$0xFFFFFF00]  }
0x1d3: {  	v5 =	vld [tilespmem:s30+$0xFFFFFF20]  }
0x1d4: {  	v6 =	vld [tilespmem:s30+$0xFFFFFF50]  }
0x1d5: {  	v7 =	vld [tilespmem:s30+$0xFFFFFF40]  }
0x1d6: {  	v8 =	vld [tilespmem:s30+$0xFFFFFF60];
	v3 =	vmul.f32 v3, v2  }
0x1d7: {  	s16 =	simm.s32 $0x1;
	v9 =	vld [tilespmem:s30+$0xFFFFFF30];
	v4 =	vmul.f32 v4, v2  }
0x1d8: {  	v10 =	vld [tilespmem:s30+$0xFFFFFF10];
	v5 =	vmul.f32 v5, v2;
	[tilespmem:s30+$0xFFFFFF70] =	vst v3;
	v3 =	vmov s16  }
0x1d9: {  	v6 =	vmul.f32 v6, v2;
	[tilespmem:s30+$0xFFFFFF00] =	vst v4;
	v3 =	vand.u32 $0xFFFFFFFD, v3  }
0x1da: {  	v4 =	vmul.f32 v7, v2;
	[tilespmem:s30+$0xFFFFFF20] =	vst v5;
	v3 =	vbroadcast v3, $0x0  }
0x1db: {  	v5 =	vmul.f32 v8, v2;
	[tilespmem:s30+$0xFFFFFF50] =	vst v6  }
0x1dc: {  	v6 =	vmul.f32 v9, v2;
	[tilespmem:s30+$0xFFFFFF40] =	vst v4  }
0x1dd: {  	v2 =	vmul.f32 v10, v2;
	[tilespmem:s30+$0xFFFFFF60] =	vst v5  }
0x1de: {  	[tilespmem:s30+$0xFFFFFF30] =	vst v6  }
0x1df: {  	[tilespmem:s30+$0xFFFFFF10] =	vst v2;
	v2 =	vld [tilespmem:s30+$0xFFFFFF90]  }
0x1e0: {  	v4 =	vld.idx.msk [tilespmem:v3+s9+$0x0], $0xffff  }
0x1e1: {  	v3 =	vld [tilespmem:s30+$0xFFFFFFA0]  }
0x1e2: {  	v5 =	vld [tilespmem:s30+$0xFFFFFF80]  }
0x1e3: {  	v6 =	vld [tilespmem:s30+$0xFFFFFFB0]  }
0x1e4: {  	v7 =	vld [tilespmem:s30+$0xFFFFFFC0]  }
0x1e5: {  	v8 =	vld [tilespmem:s30+$0xFFFFFFD0];
	v2 =	vmul.f32 v2, v4  }
0x1e6: {  	s18 =	simm.s32 $0x2;
	v9 =	vld [tilespmem:s30+$0xFFFFFFF0];
	v3 =	vmul.f32 v3, v4  }
0x1e7: {  	v10 =	vld [tilespmem:s30+$0xFFFFFFE0];
	v5 =	vmul.f32 v5, v4;
	[tilespmem:s30+$0xFFFFFF90] =	vst v2;
	v2 =	vmov s18  }
0x1e8: {  	v6 =	vmul.f32 v6, v4;
	[tilespmem:s30+$0xFFFFFFA0] =	vst v3;
	v2 =	vand.u32 $0xFFFFFFFE, v2  }
0x1e9: {  	v3 =	vmul.f32 v7, v4;
	[tilespmem:s30+$0xFFFFFF80] =	vst v5;
	v7 =	vld [tilespmem:s30+$0x60];
	v11 =	vbroadcast v2, $0x0  }
0x1ea: {  	v5 =	vmul.f32 v8, v4;
	[tilespmem:s30+$0xFFFFFFB0] =	vst v6;
	v8 =	vld [tilespmem:s30+$0x0]  }
0x1eb: {  	v6 =	vmul.f32 v9, v4;
	v2 =	vld [tilespmem:s30+$0x20];
	[tilespmem:s30+$0xFFFFFFC0] =	vst v3  }
0x1ec: {  	v4 =	vmul.f32 v10, v4;
	v3 =	vld [tilespmem:s30+$0x30];
	[tilespmem:s30+$0xFFFFFFD0] =	vst v5  }
0x1ed: {  	[tilespmem:s30+$0xFFFFFFF0] =	vst v6;
	v5 =	vld [tilespmem:s30+$0x40]  }
0x1ee: {  	[tilespmem:s30+$0xFFFFFFE0] =	vst v4;
	v6 =	vld [tilespmem:s30+$0x10]  }
0x1ef: {  	s7 =	simm.s32 $0x4;
	s12 =	simm.s32 $0x4600;
	v4 =	vld.idx.msk [tilespmem:v11+s9+$0x0], $0xffff  }
.LBB2_14:
0x1f0: {  	p2 =	slt.u32 s7, $0x4C  }
0x1f1: {  	v9 =	vld [tilespmem:s30+$0x50];
	s12 =	sadd.s32 $0x200, s12;
	s16 =	smov.u32 s7;
	s7 =	sadd.s32 $0x4, s7  }
0x1f2: {  	v10 =	vld [tilespmem:s30+$0x70];
	_ =	sdelay $0x1  }
0x1f3: {  	v7 =	vmul.f32 v7, v4;
	v8 =	vmul.f32 v8, v4  }
0x1f4: {  	v5 =	vmul.f32 v5, v4;
	v6 =	vmul.f32 v6, v4  }
0x1f5: {  	v2 =	vmul.f32 v2, v4;
	v3 =	vmul.f32 v3, v4;
	[tilespmem:s30+$0x60] =	vst v7  }
0x1f6: {  	[tilespmem:s30+$0x40] =	vst v5;
	v5 =	vmul.f32 v9, v4;
	v4 =	vmul.f32 v10, v4  }
0x1f7: {  	s18 =	sadd.s32 $0x3, s11;
	s11 =	smov.u32 s16;
	[tilespmem:s30+$0x20] =	vst v2;
	v7 =	vld [tilespmem:s30+$0x80]  }
0x1f8: {  	v2 =	vld [tilespmem:s12+$0x20];
	[tilespmem:s30+$0x0] =	vst v8;
	v8 =	vmov s18  }
0x1f9: {  	[tilespmem:s30+$0x50] =	vst v5;
	v5 =	vld [tilespmem:s30+$0xE0]  }
0x1fa: {  	[tilespmem:s30+$0x30] =	vst v3;
	v9 =	vld [tilespmem:s30+$0xC0]  }
0x1fb: {  	v3 =	vld [tilespmem:s12+$0x30];
	[tilespmem:s30+$0x10] =	vst v6  }
0x1fc: {  	[tilespmem:s30+$0x70] =	vst v4;
	v4 =	vld [tilespmem:s30+$0xA0]  }
0x1fd: {  	v6 =	vld.idx.msk [tilespmem:v8+s9+$0x0], $0xffff  }
0x1fe: {  	v8 =	vld [tilespmem:s30+$0x90]  }
0x1ff: {  	v10 =	vld [tilespmem:s30+$0xB0]  }
0x200: {  	v11 =	vld [tilespmem:s30+$0xD0]  }
0x201: {  	v12 =	vld [tilespmem:s30+$0xF0];
	_ =	sdelay $0x1  }
0x202: {  	v7 =	vmul.f32 v7, v6;
	v8 =	vmul.f32 v8, v6  }
0x203: {  	v4 =	vmul.f32 v4, v6;
	v10 =	vmul.f32 v10, v6  }
0x204: {  	v13 =	vmov s11;
	[tilespmem:s30+$0x80] =	vst v7;
	v7 =	vmul.f32 v9, v6;
	v9 =	vmul.f32 v11, v6  }
0x205: {  	v11 =	vand.u32 $0xFFFFFFFC, v13;
	[tilespmem:s30+$0xA0] =	vst v4;
	v4 =	vmul.f32 v5, v6;
	v5 =	vmul.f32 v12, v6  }
0x206: {  	v6 =	vbroadcast v11, $0x0;
	[tilespmem:s30+$0xC0] =	vst v7  }
0x207: {  	[tilespmem:s30+$0xF0] =	vst v5  }
0x208: {  	v5 =	vld [tilespmem:s12+$0xFFFFFF40];
	[tilespmem:s30+$0xE0] =	vst v4  }
0x209: {  	v4 =	vld [tilespmem:s12+$0xFFFFFF50];
	[tilespmem:s30+$0x90] =	vst v8  }
0x20a: {  	v7 =	vld [tilespmem:s12+$0xFFFFFF60];
	[tilespmem:s30+$0xB0] =	vst v10  }
0x20b: {  	v8 =	vld [tilespmem:s12+$0xFFFFFF70];
	[tilespmem:s30+$0xD0] =	vst v9;
	s30 =	smov.u32 s12  }
0x20c: {  	v6 =	vld.idx.msk [tilespmem:v6+s9+$0x0], $0xffff  }
0x20d: {  	v9 =	vld [tilespmem:s12+$0xFFFFFF00]  }
0x20e: {  	v10 =	vld [tilespmem:s12+$0xFFFFFF20]  }
0x20f: {  	v11 =	vld [tilespmem:s12+$0xFFFFFF10]  }
0x210: {  	v12 =	vld [tilespmem:s12+$0xFFFFFF30];
	_ =	sdelay $0x1  }
0x211: {  	v8 =	vmul.f32 v8, v6;
	v9 =	vmul.f32 v9, v6  }
0x212: {  	s16 =	sadd.s32 $0x1, s11;
	v7 =	vmul.f32 v7, v6;
	v10 =	vmul.f32 v10, v6  }
0x213: {  	v4 =	vmul.f32 v4, v6;
	v11 =	vmul.f32 v11, v6;
	[tilespmem:s12+$0xFFFFFF70] =	vst v8;
	v8 =	vmov s16  }
0x214: {  	v5 =	vmul.f32 v5, v6;
	[tilespmem:s12+$0xFFFFFF00] =	vst v9;
	v9 =	vmul.f32 v12, v6;
	v6 =	vand.u32 $0xFFFFFFFD, v8  }
0x215: {  	[tilespmem:s12+$0xFFFFFF20] =	vst v10;
	v6 =	vbroadcast v6, $0x0  }
0x216: {  	[tilespmem:s12+$0xFFFFFF50] =	vst v4  }
0x217: {  	[tilespmem:s12+$0xFFFFFF40] =	vst v5;
	v4 =	vld [tilespmem:s12+$0xFFFFFFF0]  }
0x218: {  	[tilespmem:s12+$0xFFFFFF60] =	vst v7;
	v5 =	vld [tilespmem:s12+$0xFFFFFFC0]  }
0x219: {  	[tilespmem:s12+$0xFFFFFF30] =	vst v9;
	v7 =	vld [tilespmem:s12+$0xFFFFFFD0]  }
0x21a: {  	[tilespmem:s12+$0xFFFFFF10] =	vst v11;
	v8 =	vld [tilespmem:s12+$0xFFFFFF90]  }
0x21b: {  	v6 =	vld.idx.msk [tilespmem:v6+s9+$0x0], $0xffff  }
0x21c: {  	v9 =	vld [tilespmem:s12+$0xFFFFFF80]  }
0x21d: {  	v10 =	vld [tilespmem:s12+$0xFFFFFFA0]  }
0x21e: {  	v11 =	vld [tilespmem:s12+$0xFFFFFFB0]  }
0x21f: {  	v12 =	vld [tilespmem:s12+$0xFFFFFFE0];
	_ =	sdelay $0x1  }
0x220: {  	v8 =	vmul.f32 v8, v6;
	v9 =	vmul.f32 v9, v6  }
0x221: {  	s16 =	sadd.s32 $0x2, s11;
	v7 =	vmul.f32 v7, v6;
	v10 =	vmul.f32 v10, v6  }
0x222: {  	v5 =	vmul.f32 v5, v6;
	[tilespmem:s12+$0xFFFFFF90] =	vst v8;
	v8 =	vmul.f32 v11, v6;
	v11 =	vmov s16  }
0x223: {  	v4 =	vmul.f32 v4, v6;
	[tilespmem:s12+$0xFFFFFFA0] =	vst v10;
	v10 =	vmul.f32 v12, v6;
	v6 =	vand.u32 $0xFFFFFFFE, v11  }
0x224: {  	[tilespmem:s12+$0xFFFFFF80] =	vst v9;
	v6 =	vbroadcast v6, $0x0  }
0x225: {  	[tilespmem:s12+$0xFFFFFFB0] =	vst v8  }
0x226: {  	[tilespmem:s12+$0xFFFFFFC0] =	vst v5  }
0x227: {  	[tilespmem:s12+$0xFFFFFFD0] =	vst v7  }
.Ltmp6:
0x228: {  	[tilespmem:s12+$0xFFFFFFF0] =	vst v4;
	v5 =	vld [tilespmem:s12+$0x40];
	(pc) =	sbr.rel @p2 .LBB2_14-.Ltmp6, $4  }
0x229: {  	[tilespmem:s12+$0xFFFFFFE0] =	vst v10;
	v7 =	vld [tilespmem:s12+$0x60]  }
0x22a: {  	v4 =	vld.idx.msk [tilespmem:v6+s9+$0x0], $0xffff  }
0x22b: {  	v8 =	vld [tilespmem:s12+$0x0]  }
0x22c: {  	v6 =	vld [tilespmem:s12+$0x10]  }
0x22d: {  	_ =	sdelay $0x1  }
0x22e: {  	v7 =	vmul.f32 v7, v4  }
0x22f: {  	v9 =	vld [tilespmem:s30+$0x50];
	v5 =	vmul.f32 v5, v4  }
0x230: {  	v10 =	vld [tilespmem:s30+$0x70];
	v2 =	vmul.f32 v2, v4;
	[tilespmem:s30+$0x60] =	vst v7  }
0x231: {  	v7 =	vmul.f32 v8, v4;
	[tilespmem:s30+$0x40] =	vst v5  }
0x232: {  	s7 =	sadd.s32 $0x3, s11;
	[tilespmem:s30+$0x20] =	vst v2;
	v2 =	vmul.f32 v3, v4  }
0x233: {  	v6 =	vmul.f32 v6, v4;
	[tilespmem:s30+$0x0] =	vst v7;
	v7 =	vmov s7  }
0x234: {  	v5 =	vmul.f32 v9, v4;
	[tilespmem:s30+$0x30] =	vst v2  }
0x235: {  	v4 =	vmul.f32 v10, v4;
	[tilespmem:s30+$0x10] =	vst v6  }
0x236: {  	[tilespmem:s30+$0x50] =	vst v5  }
0x237: {  	v3 =	vld [tilespmem:s30+$0x80];
	[tilespmem:s30+$0x70] =	vst v4  }
0x238: {  	v2 =	vld.idx.msk [tilespmem:v7+s9+$0x0], $0xffff  }
0x239: {  	v4 =	vld [tilespmem:s30+$0xA0]  }
0x23a: {  	v5 =	vld [tilespmem:s30+$0xC0]  }
0x23b: {  	v6 =	vld [tilespmem:s30+$0xF0]  }
0x23c: {  	v7 =	vld [tilespmem:s30+$0xE0]  }
0x23d: {  	v8 =	vld [tilespmem:s30+$0x90];
	v3 =	vmul.f32 v3, v2  }
0x23e: {  	v9 =	vld [tilespmem:s30+$0xB0];
	v4 =	vmul.f32 v4, v2  }
0x23f: {  	v10 =	vld [tilespmem:s30+$0xD0];
	[tilespmem:s30+$0x80] =	vst v3;
	v3 =	vmul.f32 v5, v2  }
0x240: {  	[tilespmem:s30+$0xA0] =	vst v4;
	v4 =	vmul.f32 v6, v2  }
0x241: {  	v5 =	vmul.f32 v7, v2;
	[tilespmem:s30+$0xC0] =	vst v3  }
0x242: {  	v3 =	vmul.f32 v8, v2;
	[tilespmem:s30+$0xF0] =	vst v4  }
0x243: {  	v4 =	vmul.f32 v9, v2;
	[tilespmem:s30+$0xE0] =	vst v5  }
0x244: {  	v2 =	vmul.f32 v10, v2;
	[tilespmem:s30+$0x90] =	vst v3  }
0x245: {  	[tilespmem:s30+$0xB0] =	vst v4  }
0x246: {  	s18 =	simm.s32 $0x4500;
	s8 =	simm.s32 $0x1380;
	s11 =	simm.s32 $0x5;
	[tilespmem:s30+$0xD0] =	vst v2  }
0x247: {  	[spmem:s1] =	stream.indirect.scatter.add.f32 [tilespmem:s18], [sflag:$0x6], $0x80, s8, s10, $0xb8;
	[tilespmem:$0x1FF68] =	vst v63  }
0x248: {  	_ =	swait.ge [sflag:s11], $0x2800  }
0x249: {  	[sflag:s11] =	ssyncset.done $0x0  }
0x24a: {  	s12 =	simm.s32 $0x1280;
	s16 =	simm.s32 $0x13;
	[sflag:s11] =	ssyncadd.s32 $0xFFFFD800  }
0x24b: {  	[tilespmem:s31], [sflag:$0x1] =	stream.indirect.gather [hbm4b:s0+s10], $0x80, s12, s10, $0xb8;
	[tilespmem:$0x1FF68] =	vst v63  }
0x24c: {  	_ =	swait.ge [sflag:s16], $0x50  }
0x24d: {  	[sflag:s16] =	ssyncset.done $0x0  }
0x24e: {  	s18 =	simm.s32 $0x14;
	[sflag:s16] =	ssyncadd.s32 $0xFFFFFFB0  }
0x24f: {  	_ =	swait.ge [sflag:s18], $0x50  }
0x250: {  	[sflag:s18] =	ssyncset.done $0x0  }
0x251: {  	[sflag:s18] =	ssyncadd.s32 $0xFFFFFFB0  }
0x252: {  	v2 =	vld [tilespmem:$0x1900]  }
0x253: {  	v3 =	vld [tilespmem:$0x1B80]  }
0x254: {  	v4 =	vld [tilespmem:$0x1910]  }
0x255: {  	v5 =	vld [tilespmem:$0x1B90];
	_ =	sdelay $0x2  }
0x256: {  	v6 =	vld [tilespmem:$0x1920];
	v2 =	vadd.f32 v3, v2;
	v3 =	vadd.f32 v3, v1  }
0x257: {  	v7 =	vld [tilespmem:$0x1BA0]  }
0x258: {  	v4 =	vadd.f32 v5, v4;
	v8 =	vmul.f32 $2.000000030e-01, v2;
	v9 =	vmul.f32 $2.000000030e-01, v3  }
0x259: {  	v10 =	vld [tilespmem:$0x1930];
	v5 =	vadd.f32 v5, v1;
	vm0 =	vgt.f32 v2, $0.0e+00;
	vm1 =	vgt.f32 v3, $0.0e+00  }
0x25a: {  	v2 =	vsel vm0, v2, v8;
	v3 =	vsel vm1, v3, v9;
	v8 =	vld [tilespmem:$0x1BB0]  }
0x25b: {  	v11 =	vld [tilespmem:$0x1940];
	v9 =	vmul.f32 $2.000000030e-01, v5;
	v2 =	vsub.f32 v2, v3;
	v3 =	vmul.f32 $2.000000030e-01, v4  }
0x25c: {  	v12 =	vld [tilespmem:$0x1BC0];
	v6 =	vadd.f32 v7, v6;
	vm8 =	vgt.f32 v4, $0.0e+00;
	vm9 =	vgt.f32 v5, $0.0e+00  }
0x25d: {  	v3 =	vsel vm8, v4, v3;
	v4 =	vsel vm9, v5, v9;
	v5 =	vadd.f32 v7, v1  }
0x25e: {  	vm10 =	vgt.f32 v6, $0.0e+00;
	v3 =	vsub.f32 v3, v4;
	v4 =	vmul.f32 $2.000000030e-01, v6  }
0x25f: {  	v2 =	vmul.f32 $1.442695020e+00, v2;
	v7 =	vmul.f32 $2.000000030e-01, v5;
	v9 =	vadd.f32 v8, v10  }
0x260: {  	vm11 =	vgt.f32 v5, $0.0e+00;
	v4 =	vsel vm10, v6, v4;
	v6 =	vadd.f32 v8, v1  }
0x261: {  	v8 =	vadd.f32 v12, v11;
	v5 =	vsel vm11, v5, v7;
	v7 =	vmul.f32 $2.000000030e-01, v9  }
0x262: {  	v11 =	vadd.f32 v12, v1;
	vm12 =	vgt.f32 v9, $0.0e+00;
	v10 =	vmul.f32 $2.000000030e-01, v6  }
0x263: {  	v3 =	vmul.f32 $1.442695020e+00, v3;
	vm13 =	vgt.f32 v6, $0.0e+00;
	v7 =	vsel vm12, v9, v7  }
0x264: {  	v9 =	vmul.f32 $2.000000030e-01, v8;
	v6 =	vsel vm13, v6, v10;
	v10 =	vmul.f32 $2.000000030e-01, v11  }
0x265: {  	vm14 =	vgt.f32 v8, $0.0e+00;
	v4 =	vsub.f32 v4, v5;
	vm15 =	vgt.f32 v11, $0.0e+00  }
0x266: {  	v5 =	vsel vm14, v8, v9;
	v6 =	vsub.f32 v7, v6;
	v7 =	vsel vm15, v11, v10  }
0x267: {  	(erf) = vpow2.f32 v2;
	v2 =	vmul.f32 $1.442695020e+00, v4;
	v4 =	vsub.f32 v5, v7  }
0x268: {  	(erf) = vpow2.f32 v3;
	v3 =	vmul.f32 $1.442695020e+00, v6  }
0x269: {  	(erf) = vpow2.f32 v2;
	v2 =	vmul.f32 $1.442695020e+00, v4  }
0x26a: {  	(erf) = vpow2.f32 v3  }
0x26b: {  	(erf) = vpow2.f32 v2;
	_ =	sdelay $0x4  }
0x26c: {  	v2 =	vpop (erf)  }
0x26d: {  	v3 =	vpop (erf);
	[tilespmem:$0x1680] =	vst v2  }
0x26e: {  	s11 =	simm.s32 $0x0;
	v2 =	vpop (erf);
	[tilespmem:$0x1690] =	vst v3  }
0x26f: {  	[tilespmem:$0x16A0] =	vst v2;
	v2 =	vmov s11;
	v3 =	vpop (erf)  }
0x270: {  	v2 =	vand.u32 $0xFFFFFFFC, v2;
	[tilespmem:$0x16B0] =	vst v3;
	v3 =	vpop (erf)  }
0x271: {  	s8 =	simm.s32 $0x1400;
	s12 =	simm.s32 $0x3;
	v2 =	vbroadcast v2, $0x0;
	[tilespmem:$0x16C0] =	vst v3  }
0x272: {  	[spmem:s6] =	stream.indirect.scatter.add.f32 [tilespmem:s5], [sflag:$0xC], $0x1, s8, s10, $0xb8;
	[tilespmem:$0x1FF68] =	vst v63  }
0x273: {  	_ =	swait.ge [sflag:s12], $0x2800  }
0x274: {  	[sflag:s12] =	ssyncset.done $0x0  }
0x275: {  	s30 =	simm.s32 $0x6E00;
	[sflag:s12] =	ssyncadd.s32 $0xFFFFD800  }
0x276: {  	v3 =	vld [tilespmem:s30+$0xFFFFFF70]  }
0x277: {  	v2 =	vld.idx.msk [tilespmem:v2+s5+$0x0], $0xffff  }
0x278: {  	v4 =	vld [tilespmem:s30+$0xFFFFFF00]  }
0x279: {  	v5 =	vld [tilespmem:s30+$0xFFFFFF20]  }
0x27a: {  	v6 =	vld [tilespmem:s30+$0xFFFFFF50]  }
0x27b: {  	v7 =	vld [tilespmem:s30+$0xFFFFFF40]  }
0x27c: {  	v8 =	vld [tilespmem:s30+$0xFFFFFF60];
	v3 =	vmul.f32 v3, v2  }
0x27d: {  	s16 =	simm.s32 $0x1;
	v9 =	vld [tilespmem:s30+$0xFFFFFF30];
	v4 =	vmul.f32 v4, v2  }
0x27e: {  	v10 =	vld [tilespmem:s30+$0xFFFFFF10];
	v5 =	vmul.f32 v5, v2;
	[tilespmem:s30+$0xFFFFFF70] =	vst v3;
	v3 =	vmov s16  }
0x27f: {  	v6 =	vmul.f32 v6, v2;
	[tilespmem:s30+$0xFFFFFF00] =	vst v4;
	v3 =	vand.u32 $0xFFFFFFFD, v3  }
0x280: {  	v4 =	vmul.f32 v7, v2;
	[tilespmem:s30+$0xFFFFFF20] =	vst v5;
	v3 =	vbroadcast v3, $0x0  }
0x281: {  	v5 =	vmul.f32 v8, v2;
	[tilespmem:s30+$0xFFFFFF50] =	vst v6  }
0x282: {  	v6 =	vmul.f32 v9, v2;
	[tilespmem:s30+$0xFFFFFF40] =	vst v4  }
0x283: {  	v2 =	vmul.f32 v10, v2;
	[tilespmem:s30+$0xFFFFFF60] =	vst v5  }
0x284: {  	[tilespmem:s30+$0xFFFFFF30] =	vst v6  }
0x285: {  	[tilespmem:s30+$0xFFFFFF10] =	vst v2;
	v2 =	vld [tilespmem:s30+$0xFFFFFF90]  }
0x286: {  	v4 =	vld.idx.msk [tilespmem:v3+s5+$0x0], $0xffff  }
0x287: {  	v3 =	vld [tilespmem:s30+$0xFFFFFFA0]  }
0x288: {  	v5 =	vld [tilespmem:s30+$0xFFFFFF80]  }
0x289: {  	v6 =	vld [tilespmem:s30+$0xFFFFFFB0]  }
0x28a: {  	v7 =	vld [tilespmem:s30+$0xFFFFFFC0]  }
0x28b: {  	v8 =	vld [tilespmem:s30+$0xFFFFFFD0];
	v2 =	vmul.f32 v2, v4  }
0x28c: {  	s18 =	simm.s32 $0x2;
	v9 =	vld [tilespmem:s30+$0xFFFFFFF0];
	v3 =	vmul.f32 v3, v4  }
0x28d: {  	v10 =	vld [tilespmem:s30+$0xFFFFFFE0];
	v5 =	vmul.f32 v5, v4;
	[tilespmem:s30+$0xFFFFFF90] =	vst v2;
	v2 =	vmov s18  }
0x28e: {  	v6 =	vmul.f32 v6, v4;
	[tilespmem:s30+$0xFFFFFFA0] =	vst v3;
	v2 =	vand.u32 $0xFFFFFFFE, v2  }
0x28f: {  	v3 =	vmul.f32 v7, v4;
	[tilespmem:s30+$0xFFFFFF80] =	vst v5;
	v7 =	vld [tilespmem:s30+$0x60];
	v11 =	vbroadcast v2, $0x0  }
0x290: {  	v5 =	vmul.f32 v8, v4;
	[tilespmem:s30+$0xFFFFFFB0] =	vst v6;
	v8 =	vld [tilespmem:s30+$0x0]  }
0x291: {  	v6 =	vmul.f32 v9, v4;
	v2 =	vld [tilespmem:s30+$0x20];
	[tilespmem:s30+$0xFFFFFFC0] =	vst v3  }
0x292: {  	v4 =	vmul.f32 v10, v4;
	v3 =	vld [tilespmem:s30+$0x30];
	[tilespmem:s30+$0xFFFFFFD0] =	vst v5  }
0x293: {  	[tilespmem:s30+$0xFFFFFFF0] =	vst v6;
	v5 =	vld [tilespmem:s30+$0x40]  }
0x294: {  	[tilespmem:s30+$0xFFFFFFE0] =	vst v4;
	v6 =	vld [tilespmem:s30+$0x10]  }
0x295: {  	s7 =	simm.s32 $0x4;
	s12 =	simm.s32 $0x6E00;
	v4 =	vld.idx.msk [tilespmem:v11+s5+$0x0], $0xffff  }
.LBB2_16:
0x296: {  	p2 =	slt.u32 s7, $0x4C  }
0x297: {  	v9 =	vld [tilespmem:s30+$0x50];
	s12 =	sadd.s32 $0x200, s12;
	s16 =	smov.u32 s7;
	s7 =	sadd.s32 $0x4, s7  }
0x298: {  	v10 =	vld [tilespmem:s30+$0x70];
	_ =	sdelay $0x1  }
0x299: {  	v7 =	vmul.f32 v7, v4;
	v8 =	vmul.f32 v8, v4  }
0x29a: {  	v5 =	vmul.f32 v5, v4;
	v6 =	vmul.f32 v6, v4  }
0x29b: {  	v2 =	vmul.f32 v2, v4;
	v3 =	vmul.f32 v3, v4;
	[tilespmem:s30+$0x60] =	vst v7  }
0x29c: {  	[tilespmem:s30+$0x40] =	vst v5;
	v5 =	vmul.f32 v9, v4;
	v4 =	vmul.f32 v10, v4  }
0x29d: {  	s18 =	sadd.s32 $0x3, s11;
	s11 =	smov.u32 s16;
	[tilespmem:s30+$0x20] =	vst v2;
	v7 =	vld [tilespmem:s30+$0x80]  }
0x29e: {  	v2 =	vld [tilespmem:s12+$0x20];
	[tilespmem:s30+$0x0] =	vst v8;
	v8 =	vmov s18  }
0x29f: {  	[tilespmem:s30+$0x50] =	vst v5;
	v5 =	vld [tilespmem:s30+$0xE0]  }
0x2a0: {  	[tilespmem:s30+$0x30] =	vst v3;
	v9 =	vld [tilespmem:s30+$0xC0]  }
0x2a1: {  	v3 =	vld [tilespmem:s12+$0x30];
	[tilespmem:s30+$0x10] =	vst v6  }
0x2a2: {  	[tilespmem:s30+$0x70] =	vst v4;
	v4 =	vld [tilespmem:s30+$0xA0]  }
0x2a3: {  	v6 =	vld.idx.msk [tilespmem:v8+s5+$0x0], $0xffff  }
0x2a4: {  	v8 =	vld [tilespmem:s30+$0x90]  }
0x2a5: {  	v10 =	vld [tilespmem:s30+$0xB0]  }
0x2a6: {  	v11 =	vld [tilespmem:s30+$0xD0]  }
0x2a7: {  	v12 =	vld [tilespmem:s30+$0xF0];
	_ =	sdelay $0x1  }
0x2a8: {  	v7 =	vmul.f32 v7, v6;
	v8 =	vmul.f32 v8, v6  }
0x2a9: {  	v4 =	vmul.f32 v4, v6;
	v10 =	vmul.f32 v10, v6  }
0x2aa: {  	v13 =	vmov s11;
	[tilespmem:s30+$0x80] =	vst v7;
	v7 =	vmul.f32 v9, v6;
	v9 =	vmul.f32 v11, v6  }
0x2ab: {  	v11 =	vand.u32 $0xFFFFFFFC, v13;
	[tilespmem:s30+$0xA0] =	vst v4;
	v4 =	vmul.f32 v5, v6;
	v5 =	vmul.f32 v12, v6  }
0x2ac: {  	v6 =	vbroadcast v11, $0x0;
	[tilespmem:s30+$0xC0] =	vst v7  }
0x2ad: {  	[tilespmem:s30+$0xF0] =	vst v5  }
0x2ae: {  	v5 =	vld [tilespmem:s12+$0xFFFFFF40];
	[tilespmem:s30+$0xE0] =	vst v4  }
0x2af: {  	v4 =	vld [tilespmem:s12+$0xFFFFFF50];
	[tilespmem:s30+$0x90] =	vst v8  }
0x2b0: {  	v7 =	vld [tilespmem:s12+$0xFFFFFF60];
	[tilespmem:s30+$0xB0] =	vst v10  }
0x2b1: {  	v8 =	vld [tilespmem:s12+$0xFFFFFF70];
	[tilespmem:s30+$0xD0] =	vst v9;
	s30 =	smov.u32 s12  }
0x2b2: {  	v6 =	vld.idx.msk [tilespmem:v6+s5+$0x0], $0xffff  }
0x2b3: {  	v9 =	vld [tilespmem:s12+$0xFFFFFF00]  }
0x2b4: {  	v10 =	vld [tilespmem:s12+$0xFFFFFF20]  }
0x2b5: {  	v11 =	vld [tilespmem:s12+$0xFFFFFF10]  }
0x2b6: {  	v12 =	vld [tilespmem:s12+$0xFFFFFF30];
	_ =	sdelay $0x1  }
0x2b7: {  	v8 =	vmul.f32 v8, v6;
	v9 =	vmul.f32 v9, v6  }
0x2b8: {  	s16 =	sadd.s32 $0x1, s11;
	v7 =	vmul.f32 v7, v6;
	v10 =	vmul.f32 v10, v6  }
0x2b9: {  	v4 =	vmul.f32 v4, v6;
	v11 =	vmul.f32 v11, v6;
	[tilespmem:s12+$0xFFFFFF70] =	vst v8;
	v8 =	vmov s16  }
0x2ba: {  	v5 =	vmul.f32 v5, v6;
	[tilespmem:s12+$0xFFFFFF00] =	vst v9;
	v9 =	vmul.f32 v12, v6;
	v6 =	vand.u32 $0xFFFFFFFD, v8  }
0x2bb: {  	[tilespmem:s12+$0xFFFFFF20] =	vst v10;
	v6 =	vbroadcast v6, $0x0  }
0x2bc: {  	[tilespmem:s12+$0xFFFFFF50] =	vst v4  }
0x2bd: {  	[tilespmem:s12+$0xFFFFFF40] =	vst v5;
	v4 =	vld [tilespmem:s12+$0xFFFFFFF0]  }
0x2be: {  	[tilespmem:s12+$0xFFFFFF60] =	vst v7;
	v5 =	vld [tilespmem:s12+$0xFFFFFFC0]  }
0x2bf: {  	[tilespmem:s12+$0xFFFFFF30] =	vst v9;
	v7 =	vld [tilespmem:s12+$0xFFFFFFD0]  }
0x2c0: {  	[tilespmem:s12+$0xFFFFFF10] =	vst v11;
	v8 =	vld [tilespmem:s12+$0xFFFFFF90]  }
0x2c1: {  	v6 =	vld.idx.msk [tilespmem:v6+s5+$0x0], $0xffff  }
0x2c2: {  	v9 =	vld [tilespmem:s12+$0xFFFFFF80]  }
0x2c3: {  	v10 =	vld [tilespmem:s12+$0xFFFFFFA0]  }
0x2c4: {  	v11 =	vld [tilespmem:s12+$0xFFFFFFB0]  }
0x2c5: {  	v12 =	vld [tilespmem:s12+$0xFFFFFFE0];
	_ =	sdelay $0x1  }
0x2c6: {  	v8 =	vmul.f32 v8, v6;
	v9 =	vmul.f32 v9, v6  }
0x2c7: {  	s16 =	sadd.s32 $0x2, s11;
	v7 =	vmul.f32 v7, v6;
	v10 =	vmul.f32 v10, v6  }
0x2c8: {  	v5 =	vmul.f32 v5, v6;
	[tilespmem:s12+$0xFFFFFF90] =	vst v8;
	v8 =	vmul.f32 v11, v6;
	v11 =	vmov s16  }
0x2c9: {  	v4 =	vmul.f32 v4, v6;
	[tilespmem:s12+$0xFFFFFFA0] =	vst v10;
	v10 =	vmul.f32 v12, v6;
	v6 =	vand.u32 $0xFFFFFFFE, v11  }
0x2ca: {  	[tilespmem:s12+$0xFFFFFF80] =	vst v9;
	v6 =	vbroadcast v6, $0x0  }
0x2cb: {  	[tilespmem:s12+$0xFFFFFFB0] =	vst v8  }
0x2cc: {  	[tilespmem:s12+$0xFFFFFFC0] =	vst v5  }
0x2cd: {  	[tilespmem:s12+$0xFFFFFFD0] =	vst v7  }
.Ltmp7:
0x2ce: {  	[tilespmem:s12+$0xFFFFFFF0] =	vst v4;
	v5 =	vld [tilespmem:s12+$0x40];
	(pc) =	sbr.rel @p2 .LBB2_16-.Ltmp7, $4  }
0x2cf: {  	[tilespmem:s12+$0xFFFFFFE0] =	vst v10;
	v7 =	vld [tilespmem:s12+$0x60]  }
0x2d0: {  	v4 =	vld.idx.msk [tilespmem:v6+s5+$0x0], $0xffff  }
0x2d1: {  	v8 =	vld [tilespmem:s12+$0x0]  }
0x2d2: {  	v6 =	vld [tilespmem:s12+$0x10]  }
0x2d3: {  	_ =	sdelay $0x1  }
0x2d4: {  	v7 =	vmul.f32 v7, v4  }
0x2d5: {  	v9 =	vld [tilespmem:s30+$0x50];
	v5 =	vmul.f32 v5, v4  }
0x2d6: {  	v10 =	vld [tilespmem:s30+$0x70];
	v2 =	vmul.f32 v2, v4;
	[tilespmem:s30+$0x60] =	vst v7  }
0x2d7: {  	v7 =	vmul.f32 v8, v4;
	[tilespmem:s30+$0x40] =	vst v5  }
0x2d8: {  	s7 =	sadd.s32 $0x3, s11;
	[tilespmem:s30+$0x20] =	vst v2;
	v2 =	vmul.f32 v3, v4  }
0x2d9: {  	v6 =	vmul.f32 v6, v4;
	[tilespmem:s30+$0x0] =	vst v7;
	v7 =	vmov s7  }
0x2da: {  	v5 =	vmul.f32 v9, v4;
	[tilespmem:s30+$0x30] =	vst v2  }
0x2db: {  	v4 =	vmul.f32 v10, v4;
	[tilespmem:s30+$0x10] =	vst v6  }
0x2dc: {  	[tilespmem:s30+$0x50] =	vst v5  }
0x2dd: {  	v3 =	vld [tilespmem:s30+$0x80];
	[tilespmem:s30+$0x70] =	vst v4  }
0x2de: {  	v2 =	vld.idx.msk [tilespmem:v7+s5+$0x0], $0xffff  }
0x2df: {  	v4 =	vld [tilespmem:s30+$0xA0]  }
0x2e0: {  	v5 =	vld [tilespmem:s30+$0xC0]  }
0x2e1: {  	v6 =	vld [tilespmem:s30+$0xF0]  }
0x2e2: {  	v7 =	vld [tilespmem:s30+$0xE0]  }
0x2e3: {  	v8 =	vld [tilespmem:s30+$0x90];
	v3 =	vmul.f32 v3, v2  }
0x2e4: {  	v9 =	vld [tilespmem:s30+$0xB0];
	v4 =	vmul.f32 v4, v2  }
0x2e5: {  	v10 =	vld [tilespmem:s30+$0xD0];
	[tilespmem:s30+$0x80] =	vst v3;
	v3 =	vmul.f32 v5, v2  }
0x2e6: {  	[tilespmem:s30+$0xA0] =	vst v4;
	v4 =	vmul.f32 v6, v2  }
0x2e7: {  	v5 =	vmul.f32 v7, v2;
	[tilespmem:s30+$0xC0] =	vst v3  }
0x2e8: {  	v3 =	vmul.f32 v8, v2;
	[tilespmem:s30+$0xF0] =	vst v4  }
0x2e9: {  	v4 =	vmul.f32 v9, v2;
	[tilespmem:s30+$0xE0] =	vst v5  }
0x2ea: {  	v2 =	vmul.f32 v10, v2;
	[tilespmem:s30+$0x90] =	vst v3  }
0x2eb: {  	[tilespmem:s30+$0xB0] =	vst v4  }
0x2ec: {  	s12 =	simm.s32 $0x6D00;
	s8 =	simm.s32 $0x1400;
	s16 =	simm.s32 $0x15;
	[tilespmem:s30+$0xD0] =	vst v2  }
0x2ed: {  	[spmem:s1] =	stream.indirect.scatter.add.f32 [tilespmem:s12], [sflag:$0x7], $0x80, s8, s10, $0xb8;
	[tilespmem:$0x1FF68] =	vst v63  }
0x2ee: {  	_ =	swait.ge [sflag:s16], $0x50  }
0x2ef: {  	[sflag:s16] =	ssyncset.done $0x0  }
0x2f0: {  	s18 =	simm.s32 $0x16;
	[sflag:s16] =	ssyncadd.s32 $0xFFFFFFB0  }
0x2f1: {  	_ =	swait.ge [sflag:s18], $0x50  }
0x2f2: {  	[sflag:s18] =	ssyncset.done $0x0  }
0x2f3: {  	[sflag:s18] =	ssyncadd.s32 $0xFFFFFFB0  }
0x2f4: {  	v2 =	vld [tilespmem:$0x1980]  }
0x2f5: {  	v3 =	vld [tilespmem:$0x1C00]  }
0x2f6: {  	v4 =	vld [tilespmem:$0x1990]  }
0x2f7: {  	v5 =	vld [tilespmem:$0x1C10];
	_ =	sdelay $0x2  }
0x2f8: {  	v6 =	vld [tilespmem:$0x19A0];
	v2 =	vadd.f32 v3, v2;
	v3 =	vadd.f32 v3, v1  }
0x2f9: {  	v7 =	vld [tilespmem:$0x1C20]  }
0x2fa: {  	v4 =	vadd.f32 v5, v4;
	v8 =	vmul.f32 $2.000000030e-01, v2;
	v9 =	vmul.f32 $2.000000030e-01, v3  }
0x2fb: {  	v10 =	vld [tilespmem:$0x19B0];
	v5 =	vadd.f32 v5, v1;
	vm0 =	vgt.f32 v2, $0.0e+00;
	vm1 =	vgt.f32 v3, $0.0e+00  }
0x2fc: {  	v2 =	vsel vm0, v2, v8;
	v3 =	vsel vm1, v3, v9;
	v8 =	vld [tilespmem:$0x1C30]  }
0x2fd: {  	v11 =	vld [tilespmem:$0x19C0];
	v9 =	vmul.f32 $2.000000030e-01, v5;
	v2 =	vsub.f32 v2, v3;
	v3 =	vmul.f32 $2.000000030e-01, v4  }
0x2fe: {  	v12 =	vld [tilespmem:$0x1C40];
	v6 =	vadd.f32 v7, v6;
	vm8 =	vgt.f32 v4, $0.0e+00;
	vm9 =	vgt.f32 v5, $0.0e+00  }
0x2ff: {  	v3 =	vsel vm8, v4, v3;
	v4 =	vsel vm9, v5, v9;
	v5 =	vadd.f32 v7, v1  }
0x300: {  	vm10 =	vgt.f32 v6, $0.0e+00;
	v3 =	vsub.f32 v3, v4;
	v4 =	vmul.f32 $2.000000030e-01, v6  }
0x301: {  	v2 =	vmul.f32 $1.442695020e+00, v2;
	v7 =	vmul.f32 $2.000000030e-01, v5;
	v9 =	vadd.f32 v8, v10  }
0x302: {  	vm11 =	vgt.f32 v5, $0.0e+00;
	v4 =	vsel vm10, v6, v4;
	v6 =	vadd.f32 v8, v1  }
0x303: {  	v8 =	vadd.f32 v12, v11;
	v5 =	vsel vm11, v5, v7;
	v7 =	vmul.f32 $2.000000030e-01, v9  }
0x304: {  	v11 =	vadd.f32 v12, v1;
	vm12 =	vgt.f32 v9, $0.0e+00;
	v10 =	vmul.f32 $2.000000030e-01, v6  }
0x305: {  	v3 =	vmul.f32 $1.442695020e+00, v3;
	vm13 =	vgt.f32 v6, $0.0e+00;
	v7 =	vsel vm12, v9, v7  }
0x306: {  	v9 =	vmul.f32 $2.000000030e-01, v8;
	v6 =	vsel vm13, v6, v10;
	v10 =	vmul.f32 $2.000000030e-01, v11  }
0x307: {  	vm14 =	vgt.f32 v8, $0.0e+00;
	v4 =	vsub.f32 v4, v5;
	vm15 =	vgt.f32 v11, $0.0e+00  }
0x308: {  	v5 =	vsel vm14, v8, v9;
	v6 =	vsub.f32 v7, v6;
	v7 =	vsel vm15, v11, v10  }
0x309: {  	(erf) = vpow2.f32 v2;
	v2 =	vmul.f32 $1.442695020e+00, v4;
	v4 =	vsub.f32 v5, v7  }
0x30a: {  	(erf) = vpow2.f32 v3;
	v3 =	vmul.f32 $1.442695020e+00, v6  }
0x30b: {  	(erf) = vpow2.f32 v2;
	v2 =	vmul.f32 $1.442695020e+00, v4  }
0x30c: {  	(erf) = vpow2.f32 v3  }
0x30d: {  	(erf) = vpow2.f32 v2;
	_ =	sdelay $0x4  }
0x30e: {  	v2 =	vpop (erf)  }
0x30f: {  	v3 =	vpop (erf);
	[tilespmem:$0x1700] =	vst v2  }
0x310: {  	s11 =	simm.s32 $0x0;
	v2 =	vpop (erf);
	[tilespmem:$0x1710] =	vst v3  }
0x311: {  	[tilespmem:$0x1720] =	vst v2;
	v2 =	vmov s11;
	v3 =	vpop (erf)  }
0x312: {  	v2 =	vand.u32 $0xFFFFFFFC, v2;
	[tilespmem:$0x1730] =	vst v3;
	v3 =	vpop (erf)  }
0x313: {  	s8 =	simm.s32 $0x1480;
	s12 =	simm.s32 $0x4;
	v2 =	vbroadcast v2, $0x0;
	[tilespmem:$0x1740] =	vst v3  }
0x314: {  	[spmem:s6] =	stream.indirect.scatter.add.f32 [tilespmem:s17], [sflag:$0xD], $0x1, s8, s10, $0xb8;
	[tilespmem:$0x1FF68] =	vst v63  }
0x315: {  	_ =	swait.ge [sflag:s12], $0x2800  }
0x316: {  	[sflag:s12] =	ssyncset.done $0x0  }
0x317: {  	s30 =	simm.s32 $0x9600;
	[sflag:s12] =	ssyncadd.s32 $0xFFFFD800  }
0x318: {  	v3 =	vld [tilespmem:s30+$0xFFFFFF70]  }
0x319: {  	v2 =	vld.idx.msk [tilespmem:v2+s17+$0x0], $0xffff  }
0x31a: {  	v4 =	vld [tilespmem:s30+$0xFFFFFF00]  }
0x31b: {  	v5 =	vld [tilespmem:s30+$0xFFFFFF20]  }
0x31c: {  	v6 =	vld [tilespmem:s30+$0xFFFFFF50]  }
0x31d: {  	v7 =	vld [tilespmem:s30+$0xFFFFFF40]  }
0x31e: {  	v8 =	vld [tilespmem:s30+$0xFFFFFF60];
	v3 =	vmul.f32 v3, v2  }
0x31f: {  	s16 =	simm.s32 $0x1;
	v9 =	vld [tilespmem:s30+$0xFFFFFF30];
	v4 =	vmul.f32 v4, v2  }
0x320: {  	v10 =	vld [tilespmem:s30+$0xFFFFFF10];
	v5 =	vmul.f32 v5, v2;
	[tilespmem:s30+$0xFFFFFF70] =	vst v3;
	v3 =	vmov s16  }
0x321: {  	v6 =	vmul.f32 v6, v2;
	[tilespmem:s30+$0xFFFFFF00] =	vst v4;
	v3 =	vand.u32 $0xFFFFFFFD, v3  }
0x322: {  	v4 =	vmul.f32 v7, v2;
	[tilespmem:s30+$0xFFFFFF20] =	vst v5;
	v3 =	vbroadcast v3, $0x0  }
0x323: {  	v5 =	vmul.f32 v8, v2;
	[tilespmem:s30+$0xFFFFFF50] =	vst v6  }
0x324: {  	v6 =	vmul.f32 v9, v2;
	[tilespmem:s30+$0xFFFFFF40] =	vst v4  }
0x325: {  	v2 =	vmul.f32 v10, v2;
	[tilespmem:s30+$0xFFFFFF60] =	vst v5  }
0x326: {  	[tilespmem:s30+$0xFFFFFF30] =	vst v6  }
0x327: {  	[tilespmem:s30+$0xFFFFFF10] =	vst v2;
	v2 =	vld [tilespmem:s30+$0xFFFFFF90]  }
0x328: {  	v4 =	vld.idx.msk [tilespmem:v3+s17+$0x0], $0xffff  }
0x329: {  	v3 =	vld [tilespmem:s30+$0xFFFFFFA0]  }
0x32a: {  	v5 =	vld [tilespmem:s30+$0xFFFFFF80]  }
0x32b: {  	v6 =	vld [tilespmem:s30+$0xFFFFFFB0]  }
0x32c: {  	v7 =	vld [tilespmem:s30+$0xFFFFFFC0]  }
0x32d: {  	v8 =	vld [tilespmem:s30+$0xFFFFFFD0];
	v2 =	vmul.f32 v2, v4  }
0x32e: {  	s18 =	simm.s32 $0x2;
	v9 =	vld [tilespmem:s30+$0xFFFFFFF0];
	v3 =	vmul.f32 v3, v4  }
0x32f: {  	v10 =	vld [tilespmem:s30+$0xFFFFFFE0];
	v5 =	vmul.f32 v5, v4;
	[tilespmem:s30+$0xFFFFFF90] =	vst v2;
	v2 =	vmov s18  }
0x330: {  	v6 =	vmul.f32 v6, v4;
	[tilespmem:s30+$0xFFFFFFA0] =	vst v3;
	v2 =	vand.u32 $0xFFFFFFFE, v2  }
0x331: {  	v3 =	vmul.f32 v7, v4;
	[tilespmem:s30+$0xFFFFFF80] =	vst v5;
	v7 =	vld [tilespmem:s30+$0x60];
	v11 =	vbroadcast v2, $0x0  }
0x332: {  	v5 =	vmul.f32 v8, v4;
	[tilespmem:s30+$0xFFFFFFB0] =	vst v6;
	v8 =	vld [tilespmem:s30+$0x0]  }
0x333: {  	v6 =	vmul.f32 v9, v4;
	v2 =	vld [tilespmem:s30+$0x20];
	[tilespmem:s30+$0xFFFFFFC0] =	vst v3  }
0x334: {  	v4 =	vmul.f32 v10, v4;
	v3 =	vld [tilespmem:s30+$0x30];
	[tilespmem:s30+$0xFFFFFFD0] =	vst v5  }
0x335: {  	[tilespmem:s30+$0xFFFFFFF0] =	vst v6;
	v5 =	vld [tilespmem:s30+$0x40]  }
0x336: {  	[tilespmem:s30+$0xFFFFFFE0] =	vst v4;
	v6 =	vld [tilespmem:s30+$0x10]  }
0x337: {  	s7 =	simm.s32 $0x4;
	s12 =	simm.s32 $0x9600;
	v4 =	vld.idx.msk [tilespmem:v11+s17+$0x0], $0xffff  }
.LBB2_18:
0x338: {  	p2 =	slt.u32 s7, $0x4C  }
0x339: {  	v9 =	vld [tilespmem:s30+$0x50];
	s12 =	sadd.s32 $0x200, s12;
	s16 =	smov.u32 s7;
	s7 =	sadd.s32 $0x4, s7  }
0x33a: {  	v10 =	vld [tilespmem:s30+$0x70];
	_ =	sdelay $0x1  }
0x33b: {  	v7 =	vmul.f32 v7, v4;
	v8 =	vmul.f32 v8, v4  }
0x33c: {  	v5 =	vmul.f32 v5, v4;
	v6 =	vmul.f32 v6, v4  }
0x33d: {  	v2 =	vmul.f32 v2, v4;
	v3 =	vmul.f32 v3, v4;
	[tilespmem:s30+$0x60] =	vst v7  }
0x33e: {  	[tilespmem:s30+$0x40] =	vst v5;
	v5 =	vmul.f32 v9, v4;
	v4 =	vmul.f32 v10, v4  }
0x33f: {  	s18 =	sadd.s32 $0x3, s11;
	s11 =	smov.u32 s16;
	[tilespmem:s30+$0x20] =	vst v2;
	v7 =	vld [tilespmem:s30+$0x80]  }
0x340: {  	v2 =	vld [tilespmem:s12+$0x20];
	[tilespmem:s30+$0x0] =	vst v8;
	v8 =	vmov s18  }
0x341: {  	[tilespmem:s30+$0x50] =	vst v5;
	v5 =	vld [tilespmem:s30+$0xE0]  }
0x342: {  	[tilespmem:s30+$0x30] =	vst v3;
	v9 =	vld [tilespmem:s30+$0xC0]  }
0x343: {  	v3 =	vld [tilespmem:s12+$0x30];
	[tilespmem:s30+$0x10] =	vst v6  }
0x344: {  	[tilespmem:s30+$0x70] =	vst v4;
	v4 =	vld [tilespmem:s30+$0xA0]  }
0x345: {  	v6 =	vld.idx.msk [tilespmem:v8+s17+$0x0], $0xffff  }
0x346: {  	v8 =	vld [tilespmem:s30+$0x90]  }
0x347: {  	v10 =	vld [tilespmem:s30+$0xB0]  }
0x348: {  	v11 =	vld [tilespmem:s30+$0xD0]  }
0x349: {  	v12 =	vld [tilespmem:s30+$0xF0];
	_ =	sdelay $0x1  }
0x34a: {  	v7 =	vmul.f32 v7, v6;
	v8 =	vmul.f32 v8, v6  }
0x34b: {  	v4 =	vmul.f32 v4, v6;
	v10 =	vmul.f32 v10, v6  }
0x34c: {  	v13 =	vmov s11;
	[tilespmem:s30+$0x80] =	vst v7;
	v7 =	vmul.f32 v9, v6;
	v9 =	vmul.f32 v11, v6  }
0x34d: {  	v11 =	vand.u32 $0xFFFFFFFC, v13;
	[tilespmem:s30+$0xA0] =	vst v4;
	v4 =	vmul.f32 v5, v6;
	v5 =	vmul.f32 v12, v6  }
0x34e: {  	v6 =	vbroadcast v11, $0x0;
	[tilespmem:s30+$0xC0] =	vst v7  }
0x34f: {  	[tilespmem:s30+$0xF0] =	vst v5  }
0x350: {  	v5 =	vld [tilespmem:s12+$0xFFFFFF40];
	[tilespmem:s30+$0xE0] =	vst v4  }
0x351: {  	v4 =	vld [tilespmem:s12+$0xFFFFFF50];
	[tilespmem:s30+$0x90] =	vst v8  }
0x352: {  	v7 =	vld [tilespmem:s12+$0xFFFFFF60];
	[tilespmem:s30+$0xB0] =	vst v10  }
0x353: {  	v8 =	vld [tilespmem:s12+$0xFFFFFF70];
	[tilespmem:s30+$0xD0] =	vst v9;
	s30 =	smov.u32 s12  }
0x354: {  	v6 =	vld.idx.msk [tilespmem:v6+s17+$0x0], $0xffff  }
0x355: {  	v9 =	vld [tilespmem:s12+$0xFFFFFF00]  }
0x356: {  	v10 =	vld [tilespmem:s12+$0xFFFFFF20]  }
0x357: {  	v11 =	vld [tilespmem:s12+$0xFFFFFF10]  }
0x358: {  	v12 =	vld [tilespmem:s12+$0xFFFFFF30];
	_ =	sdelay $0x1  }
0x359: {  	v8 =	vmul.f32 v8, v6;
	v9 =	vmul.f32 v9, v6  }
0x35a: {  	s16 =	sadd.s32 $0x1, s11;
	v7 =	vmul.f32 v7, v6;
	v10 =	vmul.f32 v10, v6  }
0x35b: {  	v4 =	vmul.f32 v4, v6;
	v11 =	vmul.f32 v11, v6;
	[tilespmem:s12+$0xFFFFFF70] =	vst v8;
	v8 =	vmov s16  }
0x35c: {  	v5 =	vmul.f32 v5, v6;
	[tilespmem:s12+$0xFFFFFF00] =	vst v9;
	v9 =	vmul.f32 v12, v6;
	v6 =	vand.u32 $0xFFFFFFFD, v8  }
0x35d: {  	[tilespmem:s12+$0xFFFFFF20] =	vst v10;
	v6 =	vbroadcast v6, $0x0  }
0x35e: {  	[tilespmem:s12+$0xFFFFFF50] =	vst v4  }
0x35f: {  	[tilespmem:s12+$0xFFFFFF40] =	vst v5;
	v4 =	vld [tilespmem:s12+$0xFFFFFFF0]  }
0x360: {  	[tilespmem:s12+$0xFFFFFF60] =	vst v7;
	v5 =	vld [tilespmem:s12+$0xFFFFFFC0]  }
0x361: {  	[tilespmem:s12+$0xFFFFFF30] =	vst v9;
	v7 =	vld [tilespmem:s12+$0xFFFFFFD0]  }
0x362: {  	[tilespmem:s12+$0xFFFFFF10] =	vst v11;
	v8 =	vld [tilespmem:s12+$0xFFFFFF90]  }
0x363: {  	v6 =	vld.idx.msk [tilespmem:v6+s17+$0x0], $0xffff  }
0x364: {  	v9 =	vld [tilespmem:s12+$0xFFFFFF80]  }
0x365: {  	v10 =	vld [tilespmem:s12+$0xFFFFFFA0]  }
0x366: {  	v11 =	vld [tilespmem:s12+$0xFFFFFFB0]  }
0x367: {  	v12 =	vld [tilespmem:s12+$0xFFFFFFE0];
	_ =	sdelay $0x1  }
0x368: {  	v8 =	vmul.f32 v8, v6;
	v9 =	vmul.f32 v9, v6  }
0x369: {  	s16 =	sadd.s32 $0x2, s11;
	v7 =	vmul.f32 v7, v6;
	v10 =	vmul.f32 v10, v6  }
0x36a: {  	v5 =	vmul.f32 v5, v6;
	[tilespmem:s12+$0xFFFFFF90] =	vst v8;
	v8 =	vmul.f32 v11, v6;
	v11 =	vmov s16  }
0x36b: {  	v4 =	vmul.f32 v4, v6;
	[tilespmem:s12+$0xFFFFFFA0] =	vst v10;
	v10 =	vmul.f32 v12, v6;
	v6 =	vand.u32 $0xFFFFFFFE, v11  }
0x36c: {  	[tilespmem:s12+$0xFFFFFF80] =	vst v9;
	v6 =	vbroadcast v6, $0x0  }
0x36d: {  	[tilespmem:s12+$0xFFFFFFB0] =	vst v8  }
0x36e: {  	[tilespmem:s12+$0xFFFFFFC0] =	vst v5  }
0x36f: {  	[tilespmem:s12+$0xFFFFFFD0] =	vst v7  }
.Ltmp8:
0x370: {  	[tilespmem:s12+$0xFFFFFFF0] =	vst v4;
	v5 =	vld [tilespmem:s12+$0x40];
	(pc) =	sbr.rel @p2 .LBB2_18-.Ltmp8, $4  }
0x371: {  	[tilespmem:s12+$0xFFFFFFE0] =	vst v10;
	v7 =	vld [tilespmem:s12+$0x60]  }
0x372: {  	v4 =	vld.idx.msk [tilespmem:v6+s17+$0x0], $0xffff  }
0x373: {  	v8 =	vld [tilespmem:s12+$0x0]  }
0x374: {  	v6 =	vld [tilespmem:s12+$0x10]  }
0x375: {  	_ =	sdelay $0x1  }
0x376: {  	v7 =	vmul.f32 v7, v4  }
0x377: {  	v9 =	vld [tilespmem:s30+$0x50];
	v5 =	vmul.f32 v5, v4  }
0x378: {  	v10 =	vld [tilespmem:s30+$0x70];
	v2 =	vmul.f32 v2, v4;
	[tilespmem:s30+$0x60] =	vst v7  }
0x379: {  	v7 =	vmul.f32 v8, v4;
	[tilespmem:s30+$0x40] =	vst v5  }
0x37a: {  	s7 =	sadd.s32 $0x3, s11;
	[tilespmem:s30+$0x20] =	vst v2;
	v2 =	vmul.f32 v3, v4  }
0x37b: {  	v6 =	vmul.f32 v6, v4;
	[tilespmem:s30+$0x0] =	vst v7;
	v7 =	vmov s7  }
0x37c: {  	v5 =	vmul.f32 v9, v4;
	[tilespmem:s30+$0x30] =	vst v2  }
0x37d: {  	v4 =	vmul.f32 v10, v4;
	[tilespmem:s30+$0x10] =	vst v6  }
0x37e: {  	[tilespmem:s30+$0x50] =	vst v5  }
0x37f: {  	v3 =	vld [tilespmem:s30+$0x80];
	[tilespmem:s30+$0x70] =	vst v4  }
0x380: {  	v2 =	vld.idx.msk [tilespmem:v7+s17+$0x0], $0xffff  }
0x381: {  	v4 =	vld [tilespmem:s30+$0xA0]  }
0x382: {  	v5 =	vld [tilespmem:s30+$0xC0]  }
0x383: {  	v6 =	vld [tilespmem:s30+$0xF0]  }
0x384: {  	v7 =	vld [tilespmem:s30+$0xE0]  }
0x385: {  	v8 =	vld [tilespmem:s30+$0x90];
	v3 =	vmul.f32 v3, v2  }
0x386: {  	v9 =	vld [tilespmem:s30+$0xB0];
	v4 =	vmul.f32 v4, v2  }
0x387: {  	v10 =	vld [tilespmem:s30+$0xD0];
	[tilespmem:s30+$0x80] =	vst v3;
	v3 =	vmul.f32 v5, v2  }
0x388: {  	[tilespmem:s30+$0xA0] =	vst v4;
	v4 =	vmul.f32 v6, v2  }
0x389: {  	v5 =	vmul.f32 v7, v2;
	[tilespmem:s30+$0xC0] =	vst v3  }
0x38a: {  	v3 =	vmul.f32 v8, v2;
	[tilespmem:s30+$0xF0] =	vst v4  }
0x38b: {  	v4 =	vmul.f32 v9, v2;
	[tilespmem:s30+$0xE0] =	vst v5  }
0x38c: {  	v2 =	vmul.f32 v10, v2;
	[tilespmem:s30+$0x90] =	vst v3  }
0x38d: {  	[tilespmem:s30+$0xB0] =	vst v4  }
0x38e: {  	s11 =	simm.s32 $0x9500;
	s8 =	simm.s32 $0x1480;
	s12 =	simm.s32 $0x17;
	[tilespmem:s30+$0xD0] =	vst v2  }
0x38f: {  	[spmem:s1] =	stream.indirect.scatter.add.f32 [tilespmem:s11], [sflag:$0x8], $0x80, s8, s10, $0xb8;
	[tilespmem:$0x1FF68] =	vst v63  }
0x390: {  	_ =	swait.ge [sflag:s12], $0x50  }
0x391: {  	[sflag:s12] =	ssyncset.done $0x0  }
0x392: {  	[sflag:s12] =	ssyncadd.s32 $0xFFFFFFB0  }
0x393: {  	_ =	swait.ge [sflag:s28], $0x50  }
0x394: {  	[sflag:s28] =	ssyncset.done $0x0  }
0x395: {  	[sflag:s28] =	ssyncadd.s32 $0xFFFFFFB0  }
0x396: {  	v2 =	vld [tilespmem:$0x1A00]  }
0x397: {  	v3 =	vld [tilespmem:$0x1C80]  }
0x398: {  	v4 =	vld [tilespmem:$0x1A10]  }
0x399: {  	v5 =	vld [tilespmem:$0x1C90];
	_ =	sdelay $0x2  }
0x39a: {  	v6 =	vld [tilespmem:$0x1A20];
	v2 =	vadd.f32 v3, v2;
	v3 =	vadd.f32 v3, v1  }
0x39b: {  	v7 =	vld [tilespmem:$0x1CA0]  }
0x39c: {  	v4 =	vadd.f32 v5, v4;
	v8 =	vmul.f32 $2.000000030e-01, v2;
	v9 =	vmul.f32 $2.000000030e-01, v3  }
0x39d: {  	v10 =	vld [tilespmem:$0x1A30];
	v5 =	vadd.f32 v5, v1;
	vm0 =	vgt.f32 v2, $0.0e+00;
	vm1 =	vgt.f32 v3, $0.0e+00  }
0x39e: {  	v2 =	vsel vm0, v2, v8;
	v3 =	vsel vm1, v3, v9;
	v8 =	vld [tilespmem:$0x1CB0]  }
0x39f: {  	v11 =	vld [tilespmem:$0x1A40];
	v9 =	vmul.f32 $2.000000030e-01, v5;
	v2 =	vsub.f32 v2, v3;
	v3 =	vmul.f32 $2.000000030e-01, v4  }
0x3a0: {  	v12 =	vld [tilespmem:$0x1CC0];
	v6 =	vadd.f32 v7, v6;
	vm8 =	vgt.f32 v4, $0.0e+00;
	vm9 =	vgt.f32 v5, $0.0e+00  }
0x3a1: {  	v3 =	vsel vm8, v4, v3;
	v4 =	vsel vm9, v5, v9;
	v5 =	vadd.f32 v7, v1  }
0x3a2: {  	vm10 =	vgt.f32 v6, $0.0e+00;
	v3 =	vsub.f32 v3, v4;
	v4 =	vmul.f32 $2.000000030e-01, v6  }
0x3a3: {  	v2 =	vmul.f32 $1.442695020e+00, v2;
	v7 =	vmul.f32 $2.000000030e-01, v5;
	v9 =	vadd.f32 v8, v10  }
0x3a4: {  	vm11 =	vgt.f32 v5, $0.0e+00;
	v4 =	vsel vm10, v6, v4;
	v6 =	vadd.f32 v8, v1  }
0x3a5: {  	v8 =	vadd.f32 v12, v11;
	v5 =	vsel vm11, v5, v7;
	v7 =	vmul.f32 $2.000000030e-01, v9  }
0x3a6: {  	v11 =	vadd.f32 v12, v1;
	vm12 =	vgt.f32 v9, $0.0e+00;
	v10 =	vmul.f32 $2.000000030e-01, v6  }
0x3a7: {  	v3 =	vmul.f32 $1.442695020e+00, v3;
	vm13 =	vgt.f32 v6, $0.0e+00;
	v7 =	vsel vm12, v9, v7  }
0x3a8: {  	v9 =	vmul.f32 $2.000000030e-01, v8;
	v6 =	vsel vm13, v6, v10;
	v10 =	vmul.f32 $2.000000030e-01, v11  }
0x3a9: {  	vm14 =	vgt.f32 v8, $0.0e+00;
	v4 =	vsub.f32 v4, v5;
	vm15 =	vgt.f32 v11, $0.0e+00  }
0x3aa: {  	v5 =	vsel vm14, v8, v9;
	v6 =	vsub.f32 v7, v6;
	v7 =	vsel vm15, v11, v10  }
0x3ab: {  	(erf) = vpow2.f32 v2;
	v2 =	vmul.f32 $1.442695020e+00, v4;
	v4 =	vsub.f32 v5, v7  }
0x3ac: {  	(erf) = vpow2.f32 v3;
	v3 =	vmul.f32 $1.442695020e+00, v6  }
0x3ad: {  	(erf) = vpow2.f32 v2;
	v2 =	vmul.f32 $1.442695020e+00, v4  }
0x3ae: {  	(erf) = vpow2.f32 v3  }
0x3af: {  	(erf) = vpow2.f32 v2;
	_ =	sdelay $0x4  }
0x3b0: {  	v2 =	vpop (erf)  }
0x3b1: {  	v3 =	vpop (erf);
	[tilespmem:$0x1780] =	vst v2  }
0x3b2: {  	s11 =	simm.s32 $0x0;
	v2 =	vpop (erf);
	[tilespmem:$0x1790] =	vst v3  }
0x3b3: {  	[tilespmem:$0x17A0] =	vst v2;
	v2 =	vmov s11;
	v3 =	vpop (erf)  }
0x3b4: {  	v2 =	vand.u32 $0xFFFFFFFC, v2;
	[tilespmem:$0x17B0] =	vst v3;
	v3 =	vpop (erf)  }
0x3b5: {  	s8 =	simm.s32 $0x1500;
	v2 =	vbroadcast v2, $0x0;
	[tilespmem:$0x17C0] =	vst v3  }
0x3b6: {  	[spmem:s6] =	stream.indirect.scatter.add.f32 [tilespmem:s19], [sflag:$0xE], $0x1, s8, s10, $0xb8;
	[tilespmem:$0x1FF68] =	vst v63  }
0x3b7: {  	_ =	swait.ge [sflag:s26], $0x2800  }
0x3b8: {  	[sflag:s26] =	ssyncset.done $0x0  }
0x3b9: {  	s30 =	simm.s32 $0x1E00;
	[sflag:s26] =	ssyncadd.s32 $0xFFFFD800  }
0x3ba: {  	v3 =	vld [tilespmem:s30+$0xFFFFFF70]  }
0x3bb: {  	v2 =	vld.idx.msk [tilespmem:v2+s19+$0x0], $0xffff  }
0x3bc: {  	v4 =	vld [tilespmem:s30+$0xFFFFFF00]  }
0x3bd: {  	v5 =	vld [tilespmem:s30+$0xFFFFFF20]  }
0x3be: {  	v6 =	vld [tilespmem:s30+$0xFFFFFF50]  }
0x3bf: {  	v7 =	vld [tilespmem:s30+$0xFFFFFF40]  }
0x3c0: {  	v8 =	vld [tilespmem:s30+$0xFFFFFF60];
	v3 =	vmul.f32 v3, v2  }
0x3c1: {  	s16 =	simm.s32 $0x1;
	v9 =	vld [tilespmem:s30+$0xFFFFFF30];
	v4 =	vmul.f32 v4, v2  }
0x3c2: {  	v10 =	vld [tilespmem:s30+$0xFFFFFF10];
	v5 =	vmul.f32 v5, v2;
	[tilespmem:s30+$0xFFFFFF70] =	vst v3;
	v3 =	vmov s16  }
0x3c3: {  	v6 =	vmul.f32 v6, v2;
	[tilespmem:s30+$0xFFFFFF00] =	vst v4;
	v3 =	vand.u32 $0xFFFFFFFD, v3  }
0x3c4: {  	v4 =	vmul.f32 v7, v2;
	[tilespmem:s30+$0xFFFFFF20] =	vst v5;
	v3 =	vbroadcast v3, $0x0  }
0x3c5: {  	v5 =	vmul.f32 v8, v2;
	[tilespmem:s30+$0xFFFFFF50] =	vst v6  }
0x3c6: {  	v6 =	vmul.f32 v9, v2;
	[tilespmem:s30+$0xFFFFFF40] =	vst v4  }
0x3c7: {  	v2 =	vmul.f32 v10, v2;
	[tilespmem:s30+$0xFFFFFF60] =	vst v5  }
0x3c8: {  	[tilespmem:s30+$0xFFFFFF30] =	vst v6  }
0x3c9: {  	[tilespmem:s30+$0xFFFFFF10] =	vst v2;
	v2 =	vld [tilespmem:s30+$0xFFFFFF90]  }
0x3ca: {  	v4 =	vld.idx.msk [tilespmem:v3+s19+$0x0], $0xffff  }
0x3cb: {  	v3 =	vld [tilespmem:s30+$0xFFFFFFA0]  }
0x3cc: {  	v5 =	vld [tilespmem:s30+$0xFFFFFF80]  }
0x3cd: {  	v6 =	vld [tilespmem:s30+$0xFFFFFFB0]  }
0x3ce: {  	v7 =	vld [tilespmem:s30+$0xFFFFFFC0]  }
0x3cf: {  	v8 =	vld [tilespmem:s30+$0xFFFFFFD0];
	v2 =	vmul.f32 v2, v4  }
0x3d0: {  	s18 =	simm.s32 $0x2;
	v9 =	vld [tilespmem:s30+$0xFFFFFFF0];
	v3 =	vmul.f32 v3, v4  }
0x3d1: {  	v10 =	vld [tilespmem:s30+$0xFFFFFFE0];
	v5 =	vmul.f32 v5, v4;
	[tilespmem:s30+$0xFFFFFF90] =	vst v2;
	v2 =	vmov s18  }
0x3d2: {  	v6 =	vmul.f32 v6, v4;
	[tilespmem:s30+$0xFFFFFFA0] =	vst v3;
	v2 =	vand.u32 $0xFFFFFFFE, v2  }
0x3d3: {  	v3 =	vmul.f32 v7, v4;
	[tilespmem:s30+$0xFFFFFF80] =	vst v5;
	v7 =	vld [tilespmem:s30+$0x60];
	v11 =	vbroadcast v2, $0x0  }
0x3d4: {  	v5 =	vmul.f32 v8, v4;
	[tilespmem:s30+$0xFFFFFFB0] =	vst v6;
	v8 =	vld [tilespmem:s30+$0x0]  }
0x3d5: {  	v6 =	vmul.f32 v9, v4;
	v2 =	vld [tilespmem:s30+$0x20];
	[tilespmem:s30+$0xFFFFFFC0] =	vst v3  }
0x3d6: {  	v4 =	vmul.f32 v10, v4;
	v3 =	vld [tilespmem:s30+$0x30];
	[tilespmem:s30+$0xFFFFFFD0] =	vst v5  }
0x3d7: {  	[tilespmem:s30+$0xFFFFFFF0] =	vst v6;
	v5 =	vld [tilespmem:s30+$0x40]  }
0x3d8: {  	[tilespmem:s30+$0xFFFFFFE0] =	vst v4;
	v6 =	vld [tilespmem:s30+$0x10]  }
0x3d9: {  	s7 =	simm.s32 $0x4;
	s12 =	simm.s32 $0x1E00;
	v4 =	vld.idx.msk [tilespmem:v11+s19+$0x0], $0xffff  }
.LBB2_20:
0x3da: {  	p2 =	slt.u32 s7, $0x4C  }
0x3db: {  	v9 =	vld [tilespmem:s30+$0x50];
	s12 =	sadd.s32 $0x200, s12;
	s16 =	smov.u32 s7;
	s7 =	sadd.s32 $0x4, s7  }
0x3dc: {  	v10 =	vld [tilespmem:s30+$0x70];
	_ =	sdelay $0x1  }
0x3dd: {  	v7 =	vmul.f32 v7, v4;
	v8 =	vmul.f32 v8, v4  }
0x3de: {  	v5 =	vmul.f32 v5, v4;
	v6 =	vmul.f32 v6, v4  }
0x3df: {  	v2 =	vmul.f32 v2, v4;
	v3 =	vmul.f32 v3, v4;
	[tilespmem:s30+$0x60] =	vst v7  }
0x3e0: {  	[tilespmem:s30+$0x40] =	vst v5;
	v5 =	vmul.f32 v9, v4;
	v4 =	vmul.f32 v10, v4  }
0x3e1: {  	s18 =	sadd.s32 $0x3, s11;
	s11 =	smov.u32 s16;
	[tilespmem:s30+$0x20] =	vst v2;
	v7 =	vld [tilespmem:s30+$0x80]  }
0x3e2: {  	v2 =	vld [tilespmem:s12+$0x20];
	[tilespmem:s30+$0x0] =	vst v8;
	v8 =	vmov s18  }
0x3e3: {  	[tilespmem:s30+$0x50] =	vst v5;
	v5 =	vld [tilespmem:s30+$0xE0]  }
0x3e4: {  	[tilespmem:s30+$0x30] =	vst v3;
	v9 =	vld [tilespmem:s30+$0xC0]  }
0x3e5: {  	v3 =	vld [tilespmem:s12+$0x30];
	[tilespmem:s30+$0x10] =	vst v6  }
0x3e6: {  	[tilespmem:s30+$0x70] =	vst v4;
	v4 =	vld [tilespmem:s30+$0xA0]  }
0x3e7: {  	v6 =	vld.idx.msk [tilespmem:v8+s19+$0x0], $0xffff  }
0x3e8: {  	v8 =	vld [tilespmem:s30+$0x90]  }
0x3e9: {  	v10 =	vld [tilespmem:s30+$0xB0]  }
0x3ea: {  	v11 =	vld [tilespmem:s30+$0xD0]  }
0x3eb: {  	v12 =	vld [tilespmem:s30+$0xF0];
	_ =	sdelay $0x1  }
0x3ec: {  	v7 =	vmul.f32 v7, v6;
	v8 =	vmul.f32 v8, v6  }
0x3ed: {  	v4 =	vmul.f32 v4, v6;
	v10 =	vmul.f32 v10, v6  }
0x3ee: {  	v13 =	vmov s11;
	[tilespmem:s30+$0x80] =	vst v7;
	v7 =	vmul.f32 v9, v6;
	v9 =	vmul.f32 v11, v6  }
0x3ef: {  	v11 =	vand.u32 $0xFFFFFFFC, v13;
	[tilespmem:s30+$0xA0] =	vst v4;
	v4 =	vmul.f32 v5, v6;
	v5 =	vmul.f32 v12, v6  }
0x3f0: {  	v6 =	vbroadcast v11, $0x0;
	[tilespmem:s30+$0xC0] =	vst v7  }
0x3f1: {  	[tilespmem:s30+$0xF0] =	vst v5  }
0x3f2: {  	v5 =	vld [tilespmem:s12+$0xFFFFFF40];
	[tilespmem:s30+$0xE0] =	vst v4  }
0x3f3: {  	v4 =	vld [tilespmem:s12+$0xFFFFFF50];
	[tilespmem:s30+$0x90] =	vst v8  }
0x3f4: {  	v7 =	vld [tilespmem:s12+$0xFFFFFF60];
	[tilespmem:s30+$0xB0] =	vst v10  }
0x3f5: {  	v8 =	vld [tilespmem:s12+$0xFFFFFF70];
	[tilespmem:s30+$0xD0] =	vst v9;
	s30 =	smov.u32 s12  }
0x3f6: {  	v6 =	vld.idx.msk [tilespmem:v6+s19+$0x0], $0xffff  }
0x3f7: {  	v9 =	vld [tilespmem:s12+$0xFFFFFF00]  }
0x3f8: {  	v10 =	vld [tilespmem:s12+$0xFFFFFF20]  }
0x3f9: {  	v11 =	vld [tilespmem:s12+$0xFFFFFF10]  }
0x3fa: {  	v12 =	vld [tilespmem:s12+$0xFFFFFF30];
	_ =	sdelay $0x1  }
0x3fb: {  	v8 =	vmul.f32 v8, v6;
	v9 =	vmul.f32 v9, v6  }
0x3fc: {  	s16 =	sadd.s32 $0x1, s11;
	v7 =	vmul.f32 v7, v6;
	v10 =	vmul.f32 v10, v6  }
0x3fd: {  	v4 =	vmul.f32 v4, v6;
	v11 =	vmul.f32 v11, v6;
	[tilespmem:s12+$0xFFFFFF70] =	vst v8;
	v8 =	vmov s16  }
0x3fe: {  	v5 =	vmul.f32 v5, v6;
	[tilespmem:s12+$0xFFFFFF00] =	vst v9;
	v9 =	vmul.f32 v12, v6;
	v6 =	vand.u32 $0xFFFFFFFD, v8  }
0x3ff: {  	[tilespmem:s12+$0xFFFFFF20] =	vst v10;
	v6 =	vbroadcast v6, $0x0  }
0x400: {  	[tilespmem:s12+$0xFFFFFF50] =	vst v4  }
0x401: {  	[tilespmem:s12+$0xFFFFFF40] =	vst v5;
	v4 =	vld [tilespmem:s12+$0xFFFFFFF0]  }
0x402: {  	[tilespmem:s12+$0xFFFFFF60] =	vst v7;
	v5 =	vld [tilespmem:s12+$0xFFFFFFC0]  }
0x403: {  	[tilespmem:s12+$0xFFFFFF30] =	vst v9;
	v7 =	vld [tilespmem:s12+$0xFFFFFFD0]  }
0x404: {  	[tilespmem:s12+$0xFFFFFF10] =	vst v11;
	v8 =	vld [tilespmem:s12+$0xFFFFFF90]  }
0x405: {  	v6 =	vld.idx.msk [tilespmem:v6+s19+$0x0], $0xffff  }
0x406: {  	v9 =	vld [tilespmem:s12+$0xFFFFFF80]  }
0x407: {  	v10 =	vld [tilespmem:s12+$0xFFFFFFA0]  }
0x408: {  	v11 =	vld [tilespmem:s12+$0xFFFFFFB0]  }
0x409: {  	v12 =	vld [tilespmem:s12+$0xFFFFFFE0];
	_ =	sdelay $0x1  }
0x40a: {  	v8 =	vmul.f32 v8, v6;
	v9 =	vmul.f32 v9, v6  }
0x40b: {  	s16 =	sadd.s32 $0x2, s11;
	v7 =	vmul.f32 v7, v6;
	v10 =	vmul.f32 v10, v6  }
0x40c: {  	v5 =	vmul.f32 v5, v6;
	[tilespmem:s12+$0xFFFFFF90] =	vst v8;
	v8 =	vmul.f32 v11, v6;
	v11 =	vmov s16  }
0x40d: {  	v4 =	vmul.f32 v4, v6;
	[tilespmem:s12+$0xFFFFFFA0] =	vst v10;
	v10 =	vmul.f32 v12, v6;
	v6 =	vand.u32 $0xFFFFFFFE, v11  }
0x40e: {  	[tilespmem:s12+$0xFFFFFF80] =	vst v9;
	v6 =	vbroadcast v6, $0x0  }
0x40f: {  	[tilespmem:s12+$0xFFFFFFB0] =	vst v8  }
0x410: {  	[tilespmem:s12+$0xFFFFFFC0] =	vst v5  }
0x411: {  	[tilespmem:s12+$0xFFFFFFD0] =	vst v7  }
.Ltmp9:
0x412: {  	[tilespmem:s12+$0xFFFFFFF0] =	vst v4;
	v5 =	vld [tilespmem:s12+$0x40];
	(pc) =	sbr.rel @p2 .LBB2_20-.Ltmp9, $4  }
0x413: {  	[tilespmem:s12+$0xFFFFFFE0] =	vst v10;
	v7 =	vld [tilespmem:s12+$0x60]  }
0x414: {  	v4 =	vld.idx.msk [tilespmem:v6+s19+$0x0], $0xffff  }
0x415: {  	v8 =	vld [tilespmem:s12+$0x0]  }
0x416: {  	v6 =	vld [tilespmem:s12+$0x10]  }
0x417: {  	_ =	sdelay $0x1  }
0x418: {  	v7 =	vmul.f32 v7, v4  }
0x419: {  	v9 =	vld [tilespmem:s30+$0x50];
	v5 =	vmul.f32 v5, v4  }
0x41a: {  	v10 =	vld [tilespmem:s30+$0x70];
	v2 =	vmul.f32 v2, v4;
	[tilespmem:s30+$0x60] =	vst v7  }
0x41b: {  	v50 =	vmul.f32 v8, v4;
	[tilespmem:s30+$0x40] =	vst v5  }
0x41c: {  	s7 =	sadd.s32 $0x3, s11;
	[tilespmem:s30+$0x20] =	vst v2;
	v2 =	vmul.f32 v3, v4  }
0x41d: {  	v52 =	vmov s7;
	v6 =	vmul.f32 v6, v4;
	[tilespmem:s30+$0x0] =	vst v50  }
0x41e: {  	v51 =	vmul.f32 v9, v4;
	[tilespmem:s30+$0x30] =	vst v2  }
0x41f: {  	v53 =	vmul.f32 v10, v4;
	[tilespmem:s30+$0x10] =	vst v6  }
0x420: {  	[tilespmem:s30+$0x50] =	vst v51  }
0x421: {  	v3 =	vld [tilespmem:s30+$0x80];
	[tilespmem:s30+$0x70] =	vst v53  }
0x422: {  	v2 =	vld.idx.msk [tilespmem:v52+s19+$0x0], $0xffff  }
0x423: {  	v54 =	vld [tilespmem:s30+$0xA0]  }
0x424: {  	v56 =	vld [tilespmem:s30+$0xF0]  }
0x425: {  	v57 =	vld [tilespmem:s30+$0xE0]  }
0x426: {  	v55 =	vld [tilespmem:s30+$0xC0]  }
0x427: {  	v59 =	vld [tilespmem:s30+$0xB0];
	v3 =	vmul.f32 v3, v2  }
0x428: {  	v58 =	vld [tilespmem:s30+$0x90];
	v4 =	vmul.f32 v54, v2  }
0x429: {  	v60 =	vld [tilespmem:s30+$0xD0];
	v61 =	vmul.f32 v56, v2;
	[tilespmem:s30+$0x80] =	vst v3  }
0x42a: {  	v62 =	vmul.f32 v57, v2;
	[tilespmem:s30+$0xA0] =	vst v4  }
0x42b: {  	v3 =	vmul.f32 v55, v2;
	[tilespmem:s30+$0xF0] =	vst v61  }
0x42c: {  	v63 =	vmul.f32 v59, v2;
	[tilespmem:s30+$0xE0] =	vst v62  }
0x42d: {  	[tilespmem:s30+$0xC0] =	vst v3;
	v3 =	vmul.f32 v58, v2  }
0x42e: {  	[tilespmem:s30+$0xB0] =	vst v63;
	v2 =	vmul.f32 v60, v2  }
0x42f: {  	[tilespmem:s30+$0x90] =	vst v3  }
0x430: {  	[tilespmem:s30+$0xD0] =	vst v2  }
0x431: {  	[spmem:s1] =	stream.indirect.scatter.add.f32 [tilespmem:s31], [sflag:$0x9], $0x80, s8, s10, $0xb8;
	[tilespmem:$0x1FF68] =	vst v63  }
0x432: {  	_ =	swait.ge [sflag:s22], $0x2800  }
0x433: {  	[sflag:s22] =	ssyncset.done $0x0  }
0x434: {  	[sflag:s22] =	ssyncadd.s32 $0xFFFFD800  }
0x435: {  	_ =	swait.ge [sflag:s25], $0x2800  }
0x436: {  	[sflag:s25] =	ssyncset.done $0x0  }
0x437: {  	[sflag:s25] =	ssyncadd.s32 $0xFFFFD800  }
0x438: {  	_ =	swait.ge [sflag:s4], $0x2800  }
0x439: {  	[sflag:s4] =	ssyncset.done $0x0  }
0x43a: {  	[sflag:s4] =	ssyncadd.s32 $0xFFFFD800  }
0x43b: {  	_ =	swait.ge [sflag:s14], $0x2800  }
0x43c: {  	[sflag:s14] =	ssyncset.done $0x0  }
0x43d: {  	[sflag:s14] =	ssyncadd.s32 $0xFFFFD800  }
0x43e: {  	_ =	swait.ge [sflag:s21], $0x50  }
0x43f: {  	[sflag:s21] =	ssyncset.done $0x0  }
0x440: {  	[sflag:s21] =	ssyncadd.s32 $0xFFFFFFB0  }
0x441: {  	_ =	swait.ge [sflag:s23], $0x50  }
0x442: {  	[sflag:s23] =	ssyncset.done $0x0  }
0x443: {  	[sflag:s23] =	ssyncadd.s32 $0xFFFFFFB0  }
0x444: {  	_ =	swait.ge [sflag:s15], $0x50  }
0x445: {  	[sflag:s15] =	ssyncset.done $0x0  }
0x446: {  	s13 =	sadd.s32 $0x1, s13;
	[sflag:s15] =	ssyncadd.s32 $0xFFFFFFB0  }
0x447: {  	p2 =	sne.s32 s13, $0x5;
	_ =	swait.ge [sflag:s29], $0x50  }
.Ltmp10:
0x448: {  	[sflag:s29] =	ssyncset.done $0x0;
	(pc) =	sbr.rel @p2 .LBB2_11-.Ltmp10, $4  }
0x449: {  	[sflag:s29] =	ssyncadd.s32 $0xFFFFFFB0  }
0x44a: {  	_ =	swait.ge [sflag:s20], $0x50  }
0x44b: {  	[sflag:s20] =	ssyncset.done $0x0  }
0x44c: {  	s16 =	simm.s32 $0x1800;
	[sflag:s20] =	ssyncadd.s32 $0xFFFFFFB0  }
0x44d: {  	s7 =	rddreg [dreg:$0x1b]  }
0x44e: {  	s7 =	sadd.s32 $0x1, s7  }
0x44f: {  	p2 =	sne.s32 s7, $0x5  }
.Ltmp11:
0x450: {  	_ = 	snop;
	(pc) =	sbr.rel @p2 .LBB2_10-.Ltmp11, $2  }
0x451: {  	_ =	sdelay $0x2  }
0x452: {  	s30 =	simm.s32 $0x19  }
0x453: {  	s7 =	stileid.u32;
	[bflag:$0x0] =	sbarrier.arrive $0xFFFF  }
0x454: {  	s7 =	sshll.u32 s7, $0x6;
	s12 =	rddreg [dreg:$0xe]  }
0x455: {  	s13 =	rddreg [dreg:$0xf];
	s7 =	sor.u32 $0x1C19, s7;
	s11 =	sshrl.u32 s12, $0x3  }
0x456: {  	[hbm:s13], [sflag:s7] =	dma.local [spmem:s11], $0x2800  }
0x457: {  	_ =	swait.ge [sflag:s30], $0x2800  }
0x458: {  	[sflag:s30] =	ssyncset.done $0x0  }
0x459: {  	s8 =	simm.s32 $0xBD00;
	s18 =	rddreg [dreg:$0x10];
	[sflag:s30] =	ssyncadd.s32 $0xFFFFD800  }
0x45a: {  	[tilespmem:s8], [sflag:$0x19] =	stream.linear.gather [spmem:s18], $0x280, $0x38;
	[tilespmem:$0x1FF68] =	vst v63  }
0x45b: {  	_ =	swait.ge [sflag:s30], $0x280  }
0x45c: {  	[sflag:s30] =	ssyncset.done $0x0  }
0x45d: {  	s16 =	simm.s32 $0x0;
	s11 =	rddreg [dreg:$0x11];
	[sflag:s30] =	ssyncadd.s32 $0xFFFFFD80  }
0x45e: {  	[hbm4b:s11+s16] =	stream.linear.scatter [tilespmem:s8], [sflag:$0x19], $0x280, $0x38;
	[tilespmem:$0x1FF68] =	vst v63  }
0x45f: {  	_ =	swait.ge [sflag:s30], $0x280  }
0x460: {  	s13 =	rddreg [dreg:$0x1a]  }
0x461: {  	s18 =	rddreg [dreg:$0x12];
	s8 =	sadd.s32 $0x1, s13  }
0x462: {  	p2 =	sne.s32 s8, s18  }
.Ltmp12:
0x463: {  	_ = 	snop;
	(pc) =	sbr.rel @p2 .LBB2_1-.Ltmp12, $3  }
0x464: {  	_ =	sdelay $0x1  }
0x465: {  	[sflag:s30] =	ssyncset.done $0x0  }
0x466: {  	[sflag:s30] =	ssyncadd.s32 $0xFFFFFD80;
	s18 =	rddreg [dreg:$0xc]  }
0x467: {  	_ =	sfence.sel $0x180000  }
0x468: {  	[bflag:$0x0] =	sbarrier.arrive $0xFFFF  }
0x469: {  	_ =	strace $0x90000047  }
0x46a: {  	[bflag:$0x2] =	sbarrier.arrive $0xFFFF  }
0x46b: {  	s0 =	rddreg [dreg:$0x6]  }
0x46c: {  	s0 =	sadd.s32 @!p0 $0x100000, s0  }
0x46d: {  	[sflag:s0] =	ssyncadd.tile.s32 @!p0 $0x1;
	_ =	shalt  }
.Lfunc_end2:
_tile_overlayer_lowered:
.L_overlay_start_2:
0x46e: {  	(tag) =	ssettag $0x2  }
0x46f: {  	s0 =	rddreg [dreg:$0x0];
	s2 =	stileid.u32  }
0x470: {  	s1 =	rddreg [dreg:$0x1];
	p0 =	sne.s32 s2, $0x0  }
0x471: {  	s3 =	rddreg [dreg:$0x2];
	[bflag:$0x3] =	sbarrier.arrive $0xFFFF;
	s2 =	simm.s32 @!p0 $0x1C19  }
0x472: {  	[timem:s3], [sflag:s2] =	dma.local @!p0 [hbm:s0], s1  }
0x473: {  	s0 =	simm.s32 @!p0 $0x19  }
0x474: {  	_ =	swait.ge @!p0 [sflag:s0], s1  }
0x475: {  	s1 =	ssub.s32 @!p0 $0x0, s1;
	[sflag:s0] =	ssyncset.done @!p0 $0x0  }
0x476: {  	[sflag:s0] =	ssyncadd.s32 @!p0 s1  }
0x477: {  	[bflag:$0x3] =	sbarrier.arrive $0xFFFF  }
0x478: {  	_ =	shalt  }

</sc_bundles>
